<compile_context>
chip_gen: v7x
topology: tpu7x:2x2x1
jax: 0.10.2.dev20260603
libtpu: 0.0.44.dev20260713+nightly
codegen_flags: <defaults>
</compile_context>

<pallas_src>
import functools

import jax
import jax.numpy as jnp
from jax import lax
from jax.experimental import pallas as pl
from jax.experimental.pallas import tpu as pltpu
from jax.experimental.pallas import tpu_sc as plsc

D_MODEL = 1024
SCALE = 32.0

NUM_CORES = 2
NUM_SUBCORES = 16
LANES = 16
NW = NUM_CORES * NUM_SUBCORES

CHUNK = 16
NBUF = 4
NSLOT = 2


@functools.partial(jax.jit, static_argnames=("total_b",))
def _embed(x_flat, table, total_b):
    b_per_w = total_b // NW
    n_chunks = b_per_w // CHUNK
    n_groups = n_chunks // NBUF
    mesh = plsc.VectorSubcoreMesh(core_axis_name="c", subcore_axis_name="s")

    @functools.partial(
        pl.kernel,
        out_type=jax.ShapeDtypeStruct((total_b, D_MODEL), jnp.float32),
        mesh=mesh,
        scratch_types=[
            pltpu.VMEM((b_per_w,), jnp.int32),
            [pltpu.VMEM((CHUNK, D_MODEL), jnp.float32) for _ in range(NBUF)],
            pltpu.VMEM_SHARED((NUM_SUBCORES, NSLOT, CHUNK, D_MODEL), jnp.float32),
            [pltpu.SemaphoreType.DMA for _ in range(NBUF)],
            [pltpu.SemaphoreType.DMA for _ in range(NSLOT)],
        ],
    )
    def k(x_hbm, table_hbm, out_hbm, idx_v, rows, stage, gsems, wsems):
        sid = lax.axis_index("s")
        wid = sid * NUM_CORES + lax.axis_index("c")
        base = wid * b_per_w
        pltpu.sync_copy(x_hbm.at[pl.ds(base, b_per_w)], idx_v)

        def gather_desc(c, b):
            return pltpu.make_async_copy(
                table_hbm.at[idx_v.at[pl.ds(c * CHUNK, CHUNK)]], rows[b], gsems[b]
            )

        def write_desc(c, slot):
            return pltpu.make_async_copy(
                stage.at[sid, slot],
                out_hbm.at[pl.ds(base + c * CHUNK, CHUNK)],
                wsems[slot],
            )

        gather_desc(0, 0).start()
        gather_desc(1, 1).start()
        gather_desc(2, 2).start()

        def group_body(g, _):
            for b in range(NBUF):
                c = g * NBUF + b
                slot = b % NSLOT
                bp = (b + 3) % NBUF

                @pl.when(c + 3 < n_chunks)
                def _prefetch():
                    gather_desc(c + 3, bp).start()

                gather_desc(c, b).wait()

                @plsc.parallel_loop(0, CHUNK)
                def scale_row(r):
                    for j in range(D_MODEL // LANES):
                        v = rows[b][r, pl.ds(j * LANES, LANES)]
                        rows[b][r, pl.ds(j * LANES, LANES)] = v * SCALE

                @pl.when(c >= NSLOT)
                def _drain_write():
                    write_desc(c - NSLOT, slot).wait()

                pltpu.sync_copy(rows[b], stage.at[sid, slot])
                write_desc(c, slot).start()
            return 0

        lax.fori_loop(0, n_groups, group_body, 0)

        write_desc(n_chunks - 2, (n_chunks - 2) % NSLOT).wait()
        write_desc(n_chunks - 1, (n_chunks - 1) % NSLOT).wait()

    return k(x_flat, table)


def kernel(x, table):
    b, s = x.shape
    total_b = b * s
    x_flat = x.reshape(total_b).astype(jnp.int32)
    out = _embed(x_flat, table, total_b)
    return out.reshape(b, s, D_MODEL)

# --- scband reference (transcript-rebuilt; emitter-appended) ---
"""Pipeline reference for scband-input-embeddings-10307921510967 (READ-ONLY COPY).

The authoritative reference and input builder live on the scoring server;
editing this copy changes nothing except your own understanding.
"""

import jax, jax.numpy as jnp
import numpy as np

D_MODEL = 1024
VOCAB = 100000

def setup_inputs(seed: int = 0) -> dict:
    key = jax.random.key(seed)
    k1, k2 = jax.random.split(key)
    x = jax.random.randint(k1, (4, 8192), 0, VOCAB, dtype=jnp.int64 if jax.config.jax_enable_x64 else jnp.int32)
    table = jax.random.normal(k2, (VOCAB, D_MODEL), dtype=jnp.float32)
    return {"x": x, "table": table}

def reference(x, table):
    # embedding lookup scaled by sqrt(d_model), matching nn.Embedding(vocab, d_model)(x) * sqrt(d_model)
    emb = jnp.take(table, x, axis=0)
    return emb * jnp.sqrt(jnp.asarray(D_MODEL, dtype=jnp.float32))

if __name__ == "__main__":
    import jax
    _d = setup_inputs()
    print(jax.jit(kernel)(*tuple(_d.values())))

</pallas_src>

<mosaic_0001>
#map = affine_map<(d0, d1) -> (0)>
#map1 = affine_map<(d0, d1) -> (0, 0)>
module attributes {stable_mosaic.version = 14 : i64} {
  func.func @k(%arg0: i32, %arg1: i32, %arg2: memref<32768xi32, #tpu.memory_space<hbm>>, %arg3: memref<100000x1024xf32, #tpu.memory_space<hbm>>, %arg4: memref<32768x1024xf32, #tpu.memory_space<hbm>>, %arg5: memref<1024xi32, #tpu.memory_space<vmem>>, %arg6: memref<16x1024xf32, #tpu.memory_space<vmem>>, %arg7: memref<16x1024xf32, #tpu.memory_space<vmem>>, %arg8: memref<16x1024xf32, #tpu.memory_space<vmem>>, %arg9: memref<16x1024xf32, #tpu.memory_space<vmem>>, %arg10: memref<16x2x16x1024xf32, #tpu.memory_space<vmem_shared>>, %arg11: memref<!tpu.dma_semaphore, #tpu.memory_space<semaphore_mem>>, %arg12: memref<!tpu.dma_semaphore, #tpu.memory_space<semaphore_mem>>, %arg13: memref<!tpu.dma_semaphore, #tpu.memory_space<semaphore_mem>>, %arg14: memref<!tpu.dma_semaphore, #tpu.memory_space<semaphore_mem>>, %arg15: memref<!tpu.dma_semaphore, #tpu.memory_space<semaphore_mem>>, %arg16: memref<!tpu.dma_semaphore, #tpu.memory_space<semaphore_mem>>) attributes {dimension_semantics = [#tpu.dimension_semantics<core_parallel>, #tpu.dimension_semantics<subcore_parallel>], iteration_bounds = array<i64: 2, 16>, scalar_prefetch = 0 : i64, scratch_operands = 12 : i64, tpu.core_type = #tpu.core_type<sc_vector_subcore>, window_params = [{transform_indices = #map}, {transform_indices = #map1}, {transform_indices = #map1}]} {
    %mul3A = arith.constant 2 : i32
    %mul3A_0 = arith.muli %arg1, %mul3A : i32
    %add3A = arith.addi %mul3A_0, %arg0 : i32
    %mul3A_1 = arith.constant 1024 : i32
    %mul3A_2 = arith.muli %add3A, %mul3A_1 : i32
    "tpu.region"() ({
      %run_scoped3A = tpu.sem_alloc : memref<!tpu.dma_semaphore, #tpu.memory_space<semaphore_mem>>
      %dma_start3A_40 = tpu.memref_slice %arg2[%mul3A_2] : memref<32768xi32, #tpu.memory_space<hbm>> -> memref<1024xi32, #tpu.memory_space<hbm>>
      %dma_start3A_41 = tpu.memref_slice %arg2[%mul3A_2] : memref<32768xi32, #tpu.memory_space<hbm>> -> memref<1024xi32, #tpu.memory_space<hbm>>
      tpu.enqueue_dma source(%dma_start3A_41 : memref<1024xi32, #tpu.memory_space<hbm>>) target(%arg5 : memref<1024xi32, #tpu.memory_space<vmem>>) target_semaphore(%run_scoped3A : memref<!tpu.dma_semaphore, #tpu.memory_space<semaphore_mem>>)
      %dma_wait3A_42 = tpu.memref_slice %arg2[%mul3A_2] : memref<32768xi32, #tpu.memory_space<hbm>> -> memref<1024xi32, #tpu.memory_space<hbm>>
      %dma_wait3A_43 = tpu.memref_slice %arg2[%mul3A_2] : memref<32768xi32, #tpu.memory_space<hbm>> -> memref<1024xi32, #tpu.memory_space<hbm>>
      tpu.wait_dma2 semaphore(%run_scoped3A : memref<!tpu.dma_semaphore, #tpu.memory_space<semaphore_mem>>) src(%dma_wait3A_43 : memref<1024xi32, #tpu.memory_space<hbm>>) dst(%arg5 : memref<1024xi32, #tpu.memory_space<vmem>>)
      tpu.yield
    }) : () -> ()
    %dma_start3A = arith.constant 0 : i32
    %dma_start3A_3 = tpu.memref_slice %arg5[%dma_start3A] : memref<1024xi32, #tpu.memory_space<vmem>> -> memref<16xi32, #tpu.memory_space<vmem>>
    %dma_start3A_4 = arith.constant 0 : i32
    %dma_start3A_5 = arith.constant 0 : i32
    %dma_start3A_6 = tpu.memref_slice %arg3[%dma_start3A_4, %dma_start3A_5] : memref<100000x1024xf32, #tpu.memory_space<hbm>> -> memref<100000x1024xf32, #tpu.memory_space<hbm>>
    tpu.enqueue_indirect_dma source(%dma_start3A_6 : memref<100000x1024xf32, #tpu.memory_space<hbm>>) target(%arg6 : memref<16x1024xf32, #tpu.memory_space<vmem>>) offsets(%dma_start3A_3 : memref<16xi32, #tpu.memory_space<vmem>>) semaphore(%arg11 : memref<!tpu.dma_semaphore, #tpu.memory_space<semaphore_mem>>)
    %dma_start3A_7 = arith.constant 16 : i32
    %dma_start3A_8 = tpu.memref_slice %arg5[%dma_start3A_7] : memref<1024xi32, #tpu.memory_space<vmem>> -> memref<16xi32, #tpu.memory_space<vmem>>
    %dma_start3A_9 = arith.constant 0 : i32
    %dma_start3A_10 = arith.constant 0 : i32
    %dma_start3A_11 = tpu.memref_slice %arg3[%dma_start3A_9, %dma_start3A_10] : memref<100000x1024xf32, #tpu.memory_space<hbm>> -> memref<100000x1024xf32, #tpu.memory_space<hbm>>
    tpu.enqueue_indirect_dma source(%dma_start3A_11 : memref<100000x1024xf32, #tpu.memory_space<hbm>>) target(%arg7 : memref<16x1024xf32, #tpu.memory_space<vmem>>) offsets(%dma_start3A_8 : memref<16xi32, #tpu.memory_space<vmem>>) semaphore(%arg12 : memref<!tpu.dma_semaphore, #tpu.memory_space<semaphore_mem>>)
    %dma_start3A_12 = arith.constant 32 : i32
    %dma_start3A_13 = tpu.memref_slice %arg5[%dma_start3A_12] : memref<1024xi32, #tpu.memory_space<vmem>> -> memref<16xi32, #tpu.memory_space<vmem>>
    %dma_start3A_14 = arith.constant 0 : i32
    %dma_start3A_15 = arith.constant 0 : i32
    %dma_start3A_16 = tpu.memref_slice %arg3[%dma_start3A_14, %dma_start3A_15] : memref<100000x1024xf32, #tpu.memory_space<hbm>> -> memref<100000x1024xf32, #tpu.memory_space<hbm>>
    tpu.enqueue_indirect_dma source(%dma_start3A_16 : memref<100000x1024xf32, #tpu.memory_space<hbm>>) target(%arg8 : memref<16x1024xf32, #tpu.memory_space<vmem>>) offsets(%dma_start3A_13 : memref<16xi32, #tpu.memory_space<vmem>>) semaphore(%arg13 : memref<!tpu.dma_semaphore, #tpu.memory_space<semaphore_mem>>)
    %scan3A = arith.constant 0 : i32
    %scan3A_17 = arith.constant 0 : i32
    %scan3A_18 = arith.constant 16 : i32
    %scan3A_19 = arith.addi %scan3A_17, %scan3A_18 : i32
    %scan3A_20 = arith.constant 1 : i32
    %scan3A_21 = scf.for %scan3A_40 = %scan3A_17 to %scan3A_19 step %scan3A_20 iter_args(%scan3A_41 = %scan3A) -> (i32)  : i32 {
      %mul3A_42 = arith.constant 4 : i32
      %mul3A_43 = arith.muli %scan3A_40, %mul3A_42 : i32
      %add3A_44 = arith.constant 0 : i32
      %add3A_45 = arith.addi %mul3A_43, %add3A_44 : i32
      %add3A_46 = arith.constant 3 : i32
      %add3A_47 = arith.addi %add3A_45, %add3A_46 : i32
      %lt3A = arith.constant 64 : i32
      %lt3A_48 = arith.cmpi slt, %add3A_47, %lt3A : i32
      %convert_element_type3A = arith.extui %lt3A_48 : i1 to i32
      %cond3A = arith.constant 0 : i32
      %cond3A_49 = arith.cmpi ne, %convert_element_type3A, %cond3A : i32
      scf.if %cond3A_49 {
        %add3A_181 = arith.constant 3 : i32
        %add3A_182 = arith.addi %add3A_45, %add3A_181 : i32
        %mul3A_183 = arith.constant 16 : i32
        %mul3A_184 = arith.muli %add3A_182, %mul3A_183 : i32
        %dma_start3A_185 = tpu.memref_slice %arg5[%mul3A_184] : memref<1024xi32, #tpu.memory_space<vmem>> -> memref<16xi32, #tpu.memory_space<vmem>>
        %dma_start3A_186 = arith.constant 0 : i32
        %dma_start3A_187 = arith.constant 0 : i32
        %dma_start3A_188 = tpu.memref_slice %arg3[%dma_start3A_186, %dma_start3A_187] : memref<100000x1024xf32, #tpu.memory_space<hbm>> -> memref<100000x1024xf32, #tpu.memory_space<hbm>>
        tpu.enqueue_indirect_dma source(%dma_start3A_188 : memref<100000x1024xf32, #tpu.memory_space<hbm>>) target(%arg9 : memref<16x1024xf32, #tpu.memory_space<vmem>>) offsets(%dma_start3A_185 : memref<16xi32, #tpu.memory_space<vmem>>) semaphore(%arg14 : memref<!tpu.dma_semaphore, #tpu.memory_space<semaphore_mem>>)
      } else {
      }
      %mul3A_50 = arith.constant 16 : i32
      %mul3A_51 = arith.muli %add3A_45, %mul3A_50 : i32
      %dma_wait3A_52 = tpu.memref_slice %arg5[%mul3A_51] : memref<1024xi32, #tpu.memory_space<vmem>> -> memref<16xi32, #tpu.memory_space<vmem>>
      %dma_wait3A_53 = arith.constant 0 : i32
      %dma_wait3A_54 = arith.constant 0 : i32
      %dma_wait3A_55 = tpu.memref_slice %arg3[%dma_wait3A_53, %dma_wait3A_54] : memref<100000x1024xf32, #tpu.memory_space<hbm>> -> memref<100000x1024xf32, #tpu.memory_space<hbm>>
      tpu.wait_indirect_dma semaphore(%arg11 : memref<!tpu.dma_semaphore, #tpu.memory_space<semaphore_mem>>) src(%dma_wait3A_55 : memref<100000x1024xf32, #tpu.memory_space<hbm>>) dst(%arg6 : memref<16x1024xf32, #tpu.memory_space<vmem>>)
      %parallel_loop3A = arith.constant 0 : i32
      %parallel_loop3A_56 = arith.constant 16 : i32
      %parallel_loop3A_57 = arith.constant 1 : i32
      scf.for %parallel_loop3A_181 = %parallel_loop3A to %parallel_loop3A_56 step %parallel_loop3A_57  : i32 {
        %parallel_loop3A_182 = arith.index_cast %parallel_loop3A_181 : i32 to index
        %parallel_loop3A_183 = arith.constant 0 : index
        %parallel_loop3A_184 = tpu.vector_load %arg6[%parallel_loop3A_182, %parallel_loop3A_183] {strides = array<i32>} : memref<16x1024xf32, #tpu.memory_space<vmem>>, vector<1x16xf32>,
        %parallel_loop3A_185 = vector.shape_cast %parallel_loop3A_184 : vector<1x16xf32> to vector<16xf32>
        %parallel_loop3A_186 = arith.constant 3.200000e+01 : f32
        %parallel_loop3A_187 = vector.broadcast %parallel_loop3A_186 : f32 to vector<16xf32>
        %parallel_loop3A_188 = arith.mulf %parallel_loop3A_185, %parallel_loop3A_187 : vector<16xf32>
        %parallel_loop3A_189 = arith.index_cast %parallel_loop3A_181 : i32 to index
        %parallel_loop3A_190 = arith.constant 0 : index
        %parallel_loop3A_191 = tpu.vector_load %arg6[%parallel_loop3A_189, %parallel_loop3A_190] {strides = array<i32>} : memref<16x1024xf32, #tpu.memory_space<vmem>>, vector<1x16xf32>,
        %parallel_loop3A_192 = vector.shape_cast %parallel_loop3A_191 : vector<1x16xf32> to vector<16xf32>
        %parallel_loop3A_193 = vector.shape_cast %parallel_loop3A_188 : vector<16xf32> to vector<1x16xf32>
        tpu.vector_store %arg6[%parallel_loop3A_189, %parallel_loop3A_190], %parallel_loop3A_193 {strides = array<i32>} : memref<16x1024xf32, #tpu.memory_space<vmem>>, vector<1x16xf32>,
        %parallel_loop3A_194 = arith.index_cast %parallel_loop3A_181 : i32 to index
        %parallel_loop3A_195 = arith.constant 16 : index
        %parallel_loop3A_196 = tpu.vector_load %arg6[%parallel_loop3A_194, %parallel_loop3A_195] {strides = array<i32>} : memref<16x1024xf32, #tpu.memory_space<vmem>>, vector<1x16xf32>,
        %parallel_loop3A_197 = vector.shape_cast %parallel_loop3A_196 : vector<1x16xf32> to vector<16xf32>
        %parallel_loop3A_198 = arith.constant 3.200000e+01 : f32
        %parallel_loop3A_199 = vector.broadcast %parallel_loop3A_198 : f32 to vector<16xf32>
        %parallel_loop3A_200 = arith.mulf %parallel_loop3A_197, %parallel_loop3A_199 : vector<16xf32>
        %parallel_loop3A_201 = arith.index_cast %parallel_loop3A_181 : i32 to index
        %parallel_loop3A_202 = arith.constant 16 : index
        %parallel_loop3A_203 = tpu.vector_load %arg6[%parallel_loop3A_201, %parallel_loop3A_202] {strides = array<i32>} : memref<16x1024xf32, #tpu.memory_space<vmem>>, vector<1x16xf32>,
        %parallel_loop3A_204 = vector.shape_cast %parallel_loop3A_203 : vector<1x16xf32> to vector<16xf32>
        %parallel_loop3A_205 = vector.shape_cast %parallel_loop3A_200 : vector<16xf32> to vector<1x16xf32>
        tpu.vector_store %arg6[%parallel_loop3A_201, %parallel_loop3A_202], %parallel_loop3A_205 {strides = array<i32>} : memref<16x1024xf32, #tpu.memory_space<vmem>>, vector<1x16xf32>,
        %parallel_loop3A_206 = arith.index_cast %parallel_loop3A_181 : i32 to index
        %parallel_loop3A_207 = arith.constant 32 : index
        %parallel_loop3A_208 = tpu.vector_load %arg6[%parallel_loop3A_206, %parallel_loop3A_207] {strides = array<i32>} : memref<16x1024xf32, #tpu.memory_space<vmem>>, vector<1x16xf32>,
        %parallel_loop3A_209 = vector.shape_cast %parallel_loop3A_208 : vector<1x16xf32> to vector<16xf32>
        %parallel_loop3A_210 = arith.constant 3.200000e+01 : f32
        %parallel_loop3A_211 = vector.broadcast %parallel_loop3A_210 : f32 to vector<16xf32>
        %parallel_loop3A_212 = arith.mulf %parallel_loop3A_209, %parallel_loop3A_211 : vector<16xf32>
        %parallel_loop3A_213 = arith.index_cast %parallel_loop3A_181 : i32 to index
        %parallel_loop3A_214 = arith.constant 32 : index
        %parallel_loop3A_215 = tpu.vector_load %arg6[%parallel_loop3A_213, %parallel_loop3A_214] {strides = array<i32>} : memref<16x1024xf32, #tpu.memory_space<vmem>>, vector<1x16xf32>,
        %parallel_loop3A_216 = vector.shape_cast %parallel_loop3A_215 : vector<1x16xf32> to vector<16xf32>
        %parallel_loop3A_217 = vector.shape_cast %parallel_loop3A_212 : vector<16xf32> to vector<1x16xf32>
        tpu.vector_store %arg6[%parallel_loop3A_213, %parallel_loop3A_214], %parallel_loop3A_217 {strides = array<i32>} : memref<16x1024xf32, #tpu.memory_space<vmem>>, vector<1x16xf32>,
        %parallel_loop3A_218 = arith.index_cast %parallel_loop3A_181 : i32 to index
        %parallel_loop3A_219 = arith.constant 48 : index
        %parallel_loop3A_220 = tpu.vector_load %arg6[%parallel_loop3A_218, %parallel_loop3A_219] {strides = array<i32>} : memref<16x1024xf32, #tpu.memory_space<vmem>>, vector<1x16xf32>,
        %parallel_loop3A_221 = vector.shape_cast %parallel_loop3A_220 : vector<1x16xf32> to vector<16xf32>
        %parallel_loop3A_222 = arith.constant 3.200000e+01 : f32
        %parallel_loop3A_223 = vector.broadcast %parallel_loop3A_222 : f32 to vector<16xf32>
        %parallel_loop3A_224 = arith.mulf %parallel_loop3A_221, %parallel_loop3A_223 : vector<16xf32>
        %parallel_loop3A_225 = arith.index_cast %parallel_loop3A_181 : i32 to index
        %parallel_loop3A_226 = arith.constant 48 : index
        %parallel_loop3A_227 = tpu.vector_load %arg6[%parallel_loop3A_225, %parallel_loop3A_226] {strides = array<i32>} : memref<16x1024xf32, #tpu.memory_space<vmem>>, vector<1x16xf32>,
        %parallel_loop3A_228 = vector.shape_cast %parallel_loop3A_227 : vector<1x16xf32> to vector<16xf32>
        %parallel_loop3A_229 = vector.shape_cast %parallel_loop3A_224 : vector<16xf32> to vector<1x16xf32>
        tpu.vector_store %arg6[%parallel_loop3A_225, %parallel_loop3A_226], %parallel_loop3A_229 {strides = array<i32>} : memref<16x1024xf32, #tpu.memory_space<vmem>>, vector<1x16xf32>,
        %parallel_loop3A_230 = arith.index_cast %parallel_loop3A_181 : i32 to index
        %parallel_loop3A_231 = arith.constant 64 : index
        %parallel_loop3A_232 = tpu.vector_load %arg6[%parallel_loop3A_230, %parallel_loop3A_231] {strides = array<i32>} : memref<16x1024xf32, #tpu.memory_space<vmem>>, vector<1x16xf32>,
        %parallel_loop3A_233 = vector.shape_cast %parallel_loop3A_232 : vector<1x16xf32> to vector<16xf32>
        %parallel_loop3A_234 = arith.constant 3.200000e+01 : f32
        %parallel_loop3A_235 = vector.broadcast %parallel_loop3A_234 : f32 to vector<16xf32>
        %parallel_loop3A_236 = arith.mulf %parallel_loop3A_233, %parallel_loop3A_235 : vector<16xf32>
        %parallel_loop3A_237 = arith.index_cast %parallel_loop3A_181 : i32 to index
        %parallel_loop3A_238 = arith.constant 64 : index
        %parallel_loop3A_239 = tpu.vector_load %arg6[%parallel_loop3A_237, %parallel_loop3A_238] {strides = array<i32>} : memref<16x1024xf32, #tpu.memory_space<vmem>>, vector<1x16xf32>,
        %parallel_loop3A_240 = vector.shape_cast %parallel_loop3A_239 : vector<1x16xf32> to vector<16xf32>
        %parallel_loop3A_241 = vector.shape_cast %parallel_loop3A_236 : vector<16xf32> to vector<1x16xf32>
        tpu.vector_store %arg6[%parallel_loop3A_237, %parallel_loop3A_238], %parallel_loop3A_241 {strides = array<i32>} : memref<16x1024xf32, #tpu.memory_space<vmem>>, vector<1x16xf32>,
        %parallel_loop3A_242 = arith.index_cast %parallel_loop3A_181 : i32 to index
        %parallel_loop3A_243 = arith.constant 80 : index
        %parallel_loop3A_244 = tpu.vector_load %arg6[%parallel_loop3A_242, %parallel_loop3A_243] {strides = array<i32>} : memref<16x1024xf32, #tpu.memory_space<vmem>>, vector<1x16xf32>,
        %parallel_loop3A_245 = vector.shape_cast %parallel_loop3A_244 : vector<1x16xf32> to vector<16xf32>
        %parallel_loop3A_246 = arith.constant 3.200000e+01 : f32
        %parallel_loop3A_247 = vector.broadcast %parallel_loop3A_246 : f32 to vector<16xf32>
        %parallel_loop3A_248 = arith.mulf %parallel_loop3A_245, %parallel_loop3A_247 : vector<16xf32>
        %parallel_loop3A_249 = arith.index_cast %parallel_loop3A_181 : i32 to index
        %parallel_loop3A_250 = arith.constant 80 : index
        %parallel_loop3A_251 = tpu.vector_load %arg6[%parallel_loop3A_249, %parallel_loop3A_250] {strides = array<i32>} : memref<16x1024xf32, #tpu.memory_space<vmem>>, vector<1x16xf32>,
        %parallel_loop3A_252 = vector.shape_cast %parallel_loop3A_251 : vector<1x16xf32> to vector<16xf32>
        %parallel_loop3A_253 = vector.shape_cast %parallel_loop3A_248 : vector<16xf32> to vector<1x16xf32>
        tpu.vector_store %arg6[%parallel_loop3A_249, %parallel_loop3A_250], %parallel_loop3A_253 {strides = array<i32>} : memref<16x1024xf32, #tpu.memory_space<vmem>>, vector<1x16xf32>,
        %parallel_loop3A_254 = arith.index_cast %parallel_loop3A_181 : i32 to index
        %parallel_loop3A_255 = arith.constant 96 : index
        %parallel_loop3A_256 = tpu.vector_load %arg6[%parallel_loop3A_254, %parallel_loop3A_255] {strides = array<i32>} : memref<16x1024xf32, #tpu.memory_space<vmem>>, vector<1x16xf32>,
        %parallel_loop3A_257 = vector.shape_cast %parallel_loop3A_256 : vector<1x16xf32> to vector<16xf32>
        %parallel_loop3A_258 = arith.constant 3.200000e+01 : f32
        %parallel_loop3A_259 = vector.broadcast %parallel_loop3A_258 : f32 to vector<16xf32>
        %parallel_loop3A_260 = arith.mulf %parallel_loop3A_257, %parallel_loop3A_259 : vector<16xf32>
        %parallel_loop3A_261 = arith.index_cast %parallel_loop3A_181 : i32 to index
        %parallel_loop3A_262 = arith.constant 96 : index
        %parallel_loop3A_263 = tpu.vector_load %arg6[%parallel_loop3A_261, %parallel_loop3A_262] {strides = array<i32>} : memref<16x1024xf32, #tpu.memory_space<vmem>>, vector<1x16xf32>,
        %parallel_loop3A_264 = vector.shape_cast %parallel_loop3A_263 : vector<1x16xf32> to vector<16xf32>
        %parallel_loop3A_265 = vector.shape_cast %parallel_loop3A_260 : vector<16xf32> to vector<1x16xf32>
        tpu.vector_store %arg6[%parallel_loop3A_261, %parallel_loop3A_262], %parallel_loop3A_265 {strides = array<i32>} : memref<16x1024xf32, #tpu.memory_space<vmem>>, vector<1x16xf32>,
        %parallel_loop3A_266 = arith.index_cast %parallel_loop3A_181 : i32 to index
        %parallel_loop3A_267 = arith.constant 112 : index
        %parallel_loop3A_268 = tpu.vector_load %arg6[%parallel_loop3A_266, %parallel_loop3A_267] {strides = array<i32>} : memref<16x1024xf32, #tpu.memory_space<vmem>>, vector<1x16xf32>,
        %parallel_loop3A_269 = vector.shape_cast %parallel_loop3A_268 : vector<1x16xf32> to vector<16xf32>
        %parallel_loop3A_270 = arith.constant 3.200000e+01 : f32
        %parallel_loop3A_271 = vector.broadcast %parallel_loop3A_270 : f32 to vector<16xf32>
        %parallel_loop3A_272 = arith.mulf %parallel_loop3A_269, %parallel_loop3A_271 : vector<16xf32>
        %parallel_loop3A_273 = arith.index_cast %parallel_loop3A_181 : i32 to index
        %parallel_loop3A_274 = arith.constant 112 : index
        %parallel_loop3A_275 = tpu.vector_load %arg6[%parallel_loop3A_273, %parallel_loop3A_274] {strides = array<i32>} : memref<16x1024xf32, #tpu.memory_space<vmem>>, vector<1x16xf32>,
        %parallel_loop3A_276 = vector.shape_cast %parallel_loop3A_275 : vector<1x16xf32> to vector<16xf32>
        %parallel_loop3A_277 = vector.shape_cast %parallel_loop3A_272 : vector<16xf32> to vector<1x16xf32>
        tpu.vector_store %arg6[%parallel_loop3A_273, %parallel_loop3A_274], %parallel_loop3A_277 {strides = array<i32>} : memref<16x1024xf32, #tpu.memory_space<vmem>>, vector<1x16xf32>,
        %parallel_loop3A_278 = arith.index_cast %parallel_loop3A_181 : i32 to index
        %parallel_loop3A_279 = arith.constant 128 : index
        %parallel_loop3A_280 = tpu.vector_load %arg6[%parallel_loop3A_278, %parallel_loop3A_279] {strides = array<i32>} : memref<16x1024xf32, #tpu.memory_space<vmem>>, vector<1x16xf32>,
        %parallel_loop3A_281 = vector.shape_cast %parallel_loop3A_280 : vector<1x16xf32> to vector<16xf32>
        %parallel_loop3A_282 = arith.constant 3.200000e+01 : f32
        %parallel_loop3A_283 = vector.broadcast %parallel_loop3A_282 : f32 to vector<16xf32>
        %parallel_loop3A_284 = arith.mulf %parallel_loop3A_281, %parallel_loop3A_283 : vector<16xf32>
        %parallel_loop3A_285 = arith.index_cast %parallel_loop3A_181 : i32 to index
        %parallel_loop3A_286 = arith.constant 128 : index
        %parallel_loop3A_287 = tpu.vector_load %arg6[%parallel_loop3A_285, %parallel_loop3A_286] {strides = array<i32>} : memref<16x1024xf32, #tpu.memory_space<vmem>>, vector<1x16xf32>,
        %parallel_loop3A_288 = vector.shape_cast %parallel_loop3A_287 : vector<1x16xf32> to vector<16xf32>
        %parallel_loop3A_289 = vector.shape_cast %parallel_loop3A_284 : vector<16xf32> to vector<1x16xf32>
        tpu.vector_store %arg6[%parallel_loop3A_285, %parallel_loop3A_286], %parallel_loop3A_289 {strides = array<i32>} : memref<16x1024xf32, #tpu.memory_space<vmem>>, vector<1x16xf32>,
        %parallel_loop3A_290 = arith.index_cast %parallel_loop3A_181 : i32 to index
        %parallel_loop3A_291 = arith.constant 144 : index
        %parallel_loop3A_292 = tpu.vector_load %arg6[%parallel_loop3A_290, %parallel_loop3A_291] {strides = array<i32>} : memref<16x1024xf32, #tpu.memory_space<vmem>>, vector<1x16xf32>,
        %parallel_loop3A_293 = vector.shape_cast %parallel_loop3A_292 : vector<1x16xf32> to vector<16xf32>
        %parallel_loop3A_294 = arith.constant 3.200000e+01 : f32
        %parallel_loop3A_295 = vector.broadcast %parallel_loop3A_294 : f32 to vector<16xf32>
        %parallel_loop3A_296 = arith.mulf %parallel_loop3A_293, %parallel_loop3A_295 : vector<16xf32>
        %parallel_loop3A_297 = arith.index_cast %parallel_loop3A_181 : i32 to index
        %parallel_loop3A_298 = arith.constant 144 : index
        %parallel_loop3A_299 = tpu.vector_load %arg6[%parallel_loop3A_297, %parallel_loop3A_298] {strides = array<i32>} : memref<16x1024xf32, #tpu.memory_space<vmem>>, vector<1x16xf32>,
        %parallel_loop3A_300 = vector.shape_cast %parallel_loop3A_299 : vector<1x16xf32> to vector<16xf32>
        %parallel_loop3A_301 = vector.shape_cast %parallel_loop3A_296 : vector<16xf32> to vector<1x16xf32>
        tpu.vector_store %arg6[%parallel_loop3A_297, %parallel_loop3A_298], %parallel_loop3A_301 {strides = array<i32>} : memref<16x1024xf32, #tpu.memory_space<vmem>>, vector<1x16xf32>,
        %parallel_loop3A_302 = arith.index_cast %parallel_loop3A_181 : i32 to index
        %parallel_loop3A_303 = arith.constant 160 : index
        %parallel_loop3A_304 = tpu.vector_load %arg6[%parallel_loop3A_302, %parallel_loop3A_303] {strides = array<i32>} : memref<16x1024xf32, #tpu.memory_space<vmem>>, vector<1x16xf32>,
        %parallel_loop3A_305 = vector.shape_cast %parallel_loop3A_304 : vector<1x16xf32> to vector<16xf32>
        %parallel_loop3A_306 = arith.constant 3.200000e+01 : f32
        %parallel_loop3A_307 = vector.broadcast %parallel_loop3A_306 : f32 to vector<16xf32>
        %parallel_loop3A_308 = arith.mulf %parallel_loop3A_305, %parallel_loop3A_307 : vector<16xf32>
        %parallel_loop3A_309 = arith.index_cast %parallel_loop3A_181 : i32 to index
        %parallel_loop3A_310 = arith.constant 160 : index
        %parallel_loop3A_311 = tpu.vector_load %arg6[%parallel_loop3A_309, %parallel_loop3A_310] {strides = array<i32>} : memref<16x1024xf32, #tpu.memory_space<vmem>>, vector<1x16xf32>,
        %parallel_loop3A_312 = vector.shape_cast %parallel_loop3A_311 : vector<1x16xf32> to vector<16xf32>
        %parallel_loop3A_313 = vector.shape_cast %parallel_loop3A_308 : vector<16xf32> to vector<1x16xf32>
        tpu.vector_store %arg6[%parallel_loop3A_309, %parallel_loop3A_310], %parallel_loop3A_313 {strides = array<i32>} : memref<16x1024xf32, #tpu.memory_space<vmem>>, vector<1x16xf32>,
        %parallel_loop3A_314 = arith.index_cast %parallel_loop3A_181 : i32 to index
        %parallel_loop3A_315 = arith.constant 176 : index
        %parallel_loop3A_316 = tpu.vector_load %arg6[%parallel_loop3A_314, %parallel_loop3A_315] {strides = array<i32>} : memref<16x1024xf32, #tpu.memory_space<vmem>>, vector<1x16xf32>,
        %parallel_loop3A_317 = vector.shape_cast %parallel_loop3A_316 : vector<1x16xf32> to vector<16xf32>
        %parallel_loop3A_318 = arith.constant 3.200000e+01 : f32
        %parallel_loop3A_319 = vector.broadcast %parallel_loop3A_318 : f32 to vector<16xf32>
        %parallel_loop3A_320 = arith.mulf %parallel_loop3A_317, %parallel_loop3A_319 : vector<16xf32>
        %parallel_loop3A_321 = arith.index_cast %parallel_loop3A_181 : i32 to index
        %parallel_loop3A_322 = arith.constant 176 : index
        %parallel_loop3A_323 = tpu.vector_load %arg6[%parallel_loop3A_321, %parallel_loop3A_322] {strides = array<i32>} : memref<16x1024xf32, #tpu.memory_space<vmem>>, vector<1x16xf32>,
        %parallel_loop3A_324 = vector.shape_cast %parallel_loop3A_323 : vector<1x16xf32> to vector<16xf32>
        %parallel_loop3A_325 = vector.shape_cast %parallel_loop3A_320 : vector<16xf32> to vector<1x16xf32>
        tpu.vector_store %arg6[%parallel_loop3A_321, %parallel_loop3A_322], %parallel_loop3A_325 {strides = array<i32>} : memref<16x1024xf32, #tpu.memory_space<vmem>>, vector<1x16xf32>,
        %parallel_loop3A_326 = arith.index_cast %parallel_loop3A_181 : i32 to index
        %parallel_loop3A_327 = arith.constant 192 : index
        %parallel_loop3A_328 = tpu.vector_load %arg6[%parallel_loop3A_326, %parallel_loop3A_327] {strides = array<i32>} : memref<16x1024xf32, #tpu.memory_space<vmem>>, vector<1x16xf32>,
        %parallel_loop3A_329 = vector.shape_cast %parallel_loop3A_328 : vector<1x16xf32> to vector<16xf32>
        %parallel_loop3A_330 = arith.constant 3.200000e+01 : f32
        %parallel_loop3A_331 = vector.broadcast %parallel_loop3A_330 : f32 to vector<16xf32>
        %parallel_loop3A_332 = arith.mulf %parallel_loop3A_329, %parallel_loop3A_331 : vector<16xf32>
        %parallel_loop3A_333 = arith.index_cast %parallel_loop3A_181 : i32 to index
        %parallel_loop3A_334 = arith.constant 192 : index
        %parallel_loop3A_335 = tpu.vector_load %arg6[%parallel_loop3A_333, %parallel_loop3A_334] {strides = array<i32>} : memref<16x1024xf32, #tpu.memory_space<vmem>>, vector<1x16xf32>,
        %parallel_loop3A_336 = vector.shape_cast %parallel_loop3A_335 : vector<1x16xf32> to vector<16xf32>
        %parallel_loop3A_337 = vector.shape_cast %parallel_loop3A_332 : vector<16xf32> to vector<1x16xf32>
        tpu.vector_store %arg6[%parallel_loop3A_333, %parallel_loop3A_334], %parallel_loop3A_337 {strides = array<i32>} : memref<16x1024xf32, #tpu.memory_space<vmem>>, vector<1x16xf32>,
        %parallel_loop3A_338 = arith.index_cast %parallel_loop3A_181 : i32 to index
        %parallel_loop3A_339 = arith.constant 208 : index
        %parallel_loop3A_340 = tpu.vector_load %arg6[%parallel_loop3A_338, %parallel_loop3A_339] {strides = array<i32>} : memref<16x1024xf32, #tpu.memory_space<vmem>>, vector<1x16xf32>,
        %parallel_loop3A_341 = vector.shape_cast %parallel_loop3A_340 : vector<1x16xf32> to vector<16xf32>
        %parallel_loop3A_342 = arith.constant 3.200000e+01 : f32
        %parallel_loop3A_343 = vector.broadcast %parallel_loop3A_342 : f32 to vector<16xf32>
        %parallel_loop3A_344 = arith.mulf %parallel_loop3A_341, %parallel_loop3A_343 : vector<16xf32>
        %parallel_loop3A_345 = arith.index_cast %parallel_loop3A_181 : i32 to index
        %parallel_loop3A_346 = arith.constant 208 : index
        %parallel_loop3A_347 = tpu.vector_load %arg6[%parallel_loop3A_345, %parallel_loop3A_346] {strides = array<i32>} : memref<16x1024xf32, #tpu.memory_space<vmem>>, vector<1x16xf32>,
        %parallel_loop3A_348 = vector.shape_cast %parallel_loop3A_347 : vector<1x16xf32> to vector<16xf32>
        %parallel_loop3A_349 = vector.shape_cast %parallel_loop3A_344 : vector<16xf32> to vector<1x16xf32>
        tpu.vector_store %arg6[%parallel_loop3A_345, %parallel_loop3A_346], %parallel_loop3A_349 {strides = array<i32>} : memref<16x1024xf32, #tpu.memory_space<vmem>>, vector<1x16xf32>,
        %parallel_loop3A_350 = arith.index_cast %parallel_loop3A_181 : i32 to index
        %parallel_loop3A_351 = arith.constant 224 : index
        %parallel_loop3A_352 = tpu.vector_load %arg6[%parallel_loop3A_350, %parallel_loop3A_351] {strides = array<i32>} : memref<16x1024xf32, #tpu.memory_space<vmem>>, vector<1x16xf32>,
        %parallel_loop3A_353 = vector.shape_cast %parallel_loop3A_352 : vector<1x16xf32> to vector<16xf32>
        %parallel_loop3A_354 = arith.constant 3.200000e+01 : f32
        %parallel_loop3A_355 = vector.broadcast %parallel_loop3A_354 : f32 to vector<16xf32>
        %parallel_loop3A_356 = arith.mulf %parallel_loop3A_353, %parallel_loop3A_355 : vector<16xf32>
        %parallel_loop3A_357 = arith.index_cast %parallel_loop3A_181 : i32 to index
        %parallel_loop3A_358 = arith.constant 224 : index
        %parallel_loop3A_359 = tpu.vector_load %arg6[%parallel_loop3A_357, %parallel_loop3A_358] {strides = array<i32>} : memref<16x1024xf32, #tpu.memory_space<vmem>>, vector<1x16xf32>,
        %parallel_loop3A_360 = vector.shape_cast %parallel_loop3A_359 : vector<1x16xf32> to vector<16xf32>
        %parallel_loop3A_361 = vector.shape_cast %parallel_loop3A_356 : vector<16xf32> to vector<1x16xf32>
        tpu.vector_store %arg6[%parallel_loop3A_357, %parallel_loop3A_358], %parallel_loop3A_361 {strides = array<i32>} : memref<16x1024xf32, #tpu.memory_space<vmem>>, vector<1x16xf32>,
        %parallel_loop3A_362 = arith.index_cast %parallel_loop3A_181 : i32 to index
        %parallel_loop3A_363 = arith.constant 240 : index
        %parallel_loop3A_364 = tpu.vector_load %arg6[%parallel_loop3A_362, %parallel_loop3A_363] {strides = array<i32>} : memref<16x1024xf32, #tpu.memory_space<vmem>>, vector<1x16xf32>,
        %parallel_loop3A_365 = vector.shape_cast %parallel_loop3A_364 : vector<1x16xf32> to vector<16xf32>
        %parallel_loop3A_366 = arith.constant 3.200000e+01 : f32
        %parallel_loop3A_367 = vector.broadcast %parallel_loop3A_366 : f32 to vector<16xf32>
        %parallel_loop3A_368 = arith.mulf %parallel_loop3A_365, %parallel_loop3A_367 : vector<16xf32>
        %parallel_loop3A_369 = arith.index_cast %parallel_loop3A_181 : i32 to index
        %parallel_loop3A_370 = arith.constant 240 : index
        %parallel_loop3A_371 = tpu.vector_load %arg6[%parallel_loop3A_369, %parallel_loop3A_370] {strides = array<i32>} : memref<16x1024xf32, #tpu.memory_space<vmem>>, vector<1x16xf32>,
        %parallel_loop3A_372 = vector.shape_cast %parallel_loop3A_371 : vector<1x16xf32> to vector<16xf32>
        %parallel_loop3A_373 = vector.shape_cast %parallel_loop3A_368 : vector<16xf32> to vector<1x16xf32>
        tpu.vector_store %arg6[%parallel_loop3A_369, %parallel_loop3A_370], %parallel_loop3A_373 {strides = array<i32>} : memref<16x1024xf32, #tpu.memory_space<vmem>>, vector<1x16xf32>,
        %parallel_loop3A_374 = arith.index_cast %parallel_loop3A_181 : i32 to index
        %parallel_loop3A_375 = arith.constant 256 : index
        %parallel_loop3A_376 = tpu.vector_load %arg6[%parallel_loop3A_374, %parallel_loop3A_375] {strides = array<i32>} : memref<16x1024xf32, #tpu.memory_space<vmem>>, vector<1x16xf32>,
        %parallel_loop3A_377 = vector.shape_cast %parallel_loop3A_376 : vector<1x16xf32> to vector<16xf32>
        %parallel_loop3A_378 = arith.constant 3.200000e+01 : f32
        %parallel_loop3A_379 = vector.broadcast %parallel_loop3A_378 : f32 to vector<16xf32>
        %parallel_loop3A_380 = arith.mulf %parallel_loop3A_377, %parallel_loop3A_379 : vector<16xf32>
        %parallel_loop3A_381 = arith.index_cast %parallel_loop3A_181 : i32 to index
        %parallel_loop3A_382 = arith.constant 256 : index
        %parallel_loop3A_383 = tpu.vector_load %arg6[%parallel_loop3A_381, %parallel_loop3A_382] {strides = array<i32>} : memref<16x1024xf32, #tpu.memory_space<vmem>>, vector<1x16xf32>,
        %parallel_loop3A_384 = vector.shape_cast %parallel_loop3A_383 : vector<1x16xf32> to vector<16xf32>
        %parallel_loop3A_385 = vector.shape_cast %parallel_loop3A_380 : vector<16xf32> to vector<1x16xf32>
        tpu.vector_store %arg6[%parallel_loop3A_381, %parallel_loop3A_382], %parallel_loop3A_385 {strides = array<i32>} : memref<16x1024xf32, #tpu.memory_space<vmem>>, vector<1x16xf32>,
        %parallel_loop3A_386 = arith.index_cast %parallel_loop3A_181 : i32 to index
        %parallel_loop3A_387 = arith.constant 272 : index
        %parallel_loop3A_388 = tpu.vector_load %arg6[%parallel_loop3A_386, %parallel_loop3A_387] {strides = array<i32>} : memref<16x1024xf32, #tpu.memory_space<vmem>>, vector<1x16xf32>,
        %parallel_loop3A_389 = vector.shape_cast %parallel_loop3A_388 : vector<1x16xf32> to vector<16xf32>
        %parallel_loop3A_390 = arith.constant 3.200000e+01 : f32
        %parallel_loop3A_391 = vector.broadcast %parallel_loop3A_390 : f32 to vector<16xf32>
        %parallel_loop3A_392 = arith.mulf %parallel_loop3A_389, %parallel_loop3A_391 : vector<16xf32>
        %parallel_loop3A_393 = arith.index_cast %parallel_loop3A_181 : i32 to index
        %parallel_loop3A_394 = arith.constant 272 : index
        %parallel_loop3A_395 = tpu.vector_load %arg6[%parallel_loop3A_393, %parallel_loop3A_394] {strides = array<i32>} : memref<16x1024xf32, #tpu.memory_space<vmem>>, vector<1x16xf32>,
        %parallel_loop3A_396 = vector.shape_cast %parallel_loop3A_395 : vector<1x16xf32> to vector<16xf32>
        %parallel_loop3A_397 = vector.shape_cast %parallel_loop3A_392 : vector<16xf32> to vector<1x16xf32>
        tpu.vector_store %arg6[%parallel_loop3A_393, %parallel_loop3A_394], %parallel_loop3A_397 {strides = array<i32>} : memref<16x1024xf32, #tpu.memory_space<vmem>>, vector<1x16xf32>,
        %parallel_loop3A_398 = arith.index_cast %parallel_loop3A_181 : i32 to index
        %parallel_loop3A_399 = arith.constant 288 : index
        %parallel_loop3A_400 = tpu.vector_load %arg6[%parallel_loop3A_398, %parallel_loop3A_399] {strides = array<i32>} : memref<16x1024xf32, #tpu.memory_space<vmem>>, vector<1x16xf32>,
        %parallel_loop3A_401 = vector.shape_cast %parallel_loop3A_400 : vector<1x16xf32> to vector<16xf32>
        %parallel_loop3A_402 = arith.constant 3.200000e+01 : f32
        %parallel_loop3A_403 = vector.broadcast %parallel_loop3A_402 : f32 to vector<16xf32>
        %parallel_loop3A_404 = arith.mulf %parallel_loop3A_401, %parallel_loop3A_403 : vector<16xf32>
        %parallel_loop3A_405 = arith.index_cast %parallel_loop3A_181 : i32 to index
        %parallel_loop3A_406 = arith.constant 288 : index
        %parallel_loop3A_407 = tpu.vector_load %arg6[%parallel_loop3A_405, %parallel_loop3A_406] {strides = array<i32>} : memref<16x1024xf32, #tpu.memory_space<vmem>>, vector<1x16xf32>,
        %parallel_loop3A_408 = vector.shape_cast %parallel_loop3A_407 : vector<1x16xf32> to vector<16xf32>
        %parallel_loop3A_409 = vector.shape_cast %parallel_loop3A_404 : vector<16xf32> to vector<1x16xf32>
        tpu.vector_store %arg6[%parallel_loop3A_405, %parallel_loop3A_406], %parallel_loop3A_409 {strides = array<i32>} : memref<16x1024xf32, #tpu.memory_space<vmem>>, vector<1x16xf32>,
        %parallel_loop3A_410 = arith.index_cast %parallel_loop3A_181 : i32 to index
        %parallel_loop3A_411 = arith.constant 304 : index
        %parallel_loop3A_412 = tpu.vector_load %arg6[%parallel_loop3A_410, %parallel_loop3A_411] {strides = array<i32>} : memref<16x1024xf32, #tpu.memory_space<vmem>>, vector<1x16xf32>,
        %parallel_loop3A_413 = vector.shape_cast %parallel_loop3A_412 : vector<1x16xf32> to vector<16xf32>
        %parallel_loop3A_414 = arith.constant 3.200000e+01 : f32
        %parallel_loop3A_415 = vector.broadcast %parallel_loop3A_414 : f32 to vector<16xf32>
        %parallel_loop3A_416 = arith.mulf %parallel_loop3A_413, %parallel_loop3A_415 : vector<16xf32>
        %parallel_loop3A_417 = arith.index_cast %parallel_loop3A_181 : i32 to index
        %parallel_loop3A_418 = arith.constant 304 : index
        %parallel_loop3A_419 = tpu.vector_load %arg6[%parallel_loop3A_417, %parallel_loop3A_418] {strides = array<i32>} : memref<16x1024xf32, #tpu.memory_space<vmem>>, vector<1x16xf32>,
        %parallel_loop3A_420 = vector.shape_cast %parallel_loop3A_419 : vector<1x16xf32> to vector<16xf32>
        %parallel_loop3A_421 = vector.shape_cast %parallel_loop3A_416 : vector<16xf32> to vector<1x16xf32>
        tpu.vector_store %arg6[%parallel_loop3A_417, %parallel_loop3A_418], %parallel_loop3A_421 {strides = array<i32>} : memref<16x1024xf32, #tpu.memory_space<vmem>>, vector<1x16xf32>,
        %parallel_loop3A_422 = arith.index_cast %parallel_loop3A_181 : i32 to index
        %parallel_loop3A_423 = arith.constant 320 : index
        %parallel_loop3A_424 = tpu.vector_load %arg6[%parallel_loop3A_422, %parallel_loop3A_423] {strides = array<i32>} : memref<16x1024xf32, #tpu.memory_space<vmem>>, vector<1x16xf32>,
        %parallel_loop3A_425 = vector.shape_cast %parallel_loop3A_424 : vector<1x16xf32> to vector<16xf32>
        %parallel_loop3A_426 = arith.constant 3.200000e+01 : f32
        %parallel_loop3A_427 = vector.broadcast %parallel_loop3A_426 : f32 to vector<16xf32>
        %parallel_loop3A_428 = arith.mulf %parallel_loop3A_425, %parallel_loop3A_427 : vector<16xf32>
        %parallel_loop3A_429 = arith.index_cast %parallel_loop3A_181 : i32 to index
        %parallel_loop3A_430 = arith.constant 320 : index
        %parallel_loop3A_431 = tpu.vector_load %arg6[%parallel_loop3A_429, %parallel_loop3A_430] {strides = array<i32>} : memref<16x1024xf32, #tpu.memory_space<vmem>>, vector<1x16xf32>,
        %parallel_loop3A_432 = vector.shape_cast %parallel_loop3A_431 : vector<1x16xf32> to vector<16xf32>
        %parallel_loop3A_433 = vector.shape_cast %parallel_loop3A_428 : vector<16xf32> to vector<1x16xf32>
        tpu.vector_store %arg6[%parallel_loop3A_429, %parallel_loop3A_430], %parallel_loop3A_433 {strides = array<i32>} : memref<16x1024xf32, #tpu.memory_space<vmem>>, vector<1x16xf32>,
        %parallel_loop3A_434 = arith.index_cast %parallel_loop3A_181 : i32 to index
        %parallel_loop3A_435 = arith.constant 336 : index
        %parallel_loop3A_436 = tpu.vector_load %arg6[%parallel_loop3A_434, %parallel_loop3A_435] {strides = array<i32>} : memref<16x1024xf32, #tpu.memory_space<vmem>>, vector<1x16xf32>,
        %parallel_loop3A_437 = vector.shape_cast %parallel_loop3A_436 : vector<1x16xf32> to vector<16xf32>
        %parallel_loop3A_438 = arith.constant 3.200000e+01 : f32
        %parallel_loop3A_439 = vector.broadcast %parallel_loop3A_438 : f32 to vector<16xf32>
        %parallel_loop3A_440 = arith.mulf %parallel_loop3A_437, %parallel_loop3A_439 : vector<16xf32>
        %parallel_loop3A_441 = arith.index_cast %parallel_loop3A_181 : i32 to index
        %parallel_loop3A_442 = arith.constant 336 : index
        %parallel_loop3A_443 = tpu.vector_load %arg6[%parallel_loop3A_441, %parallel_loop3A_442] {strides = array<i32>} : memref<16x1024xf32, #tpu.memory_space<vmem>>, vector<1x16xf32>,
        %parallel_loop3A_444 = vector.shape_cast %parallel_loop3A_443 : vector<1x16xf32> to vector<16xf32>
        %parallel_loop3A_445 = vector.shape_cast %parallel_loop3A_440 : vector<16xf32> to vector<1x16xf32>
        tpu.vector_store %arg6[%parallel_loop3A_441, %parallel_loop3A_442], %parallel_loop3A_445 {strides = array<i32>} : memref<16x1024xf32, #tpu.memory_space<vmem>>, vector<1x16xf32>,
        %parallel_loop3A_446 = arith.index_cast %parallel_loop3A_181 : i32 to index
        %parallel_loop3A_447 = arith.constant 352 : index
        %parallel_loop3A_448 = tpu.vector_load %arg6[%parallel_loop3A_446, %parallel_loop3A_447] {strides = array<i32>} : memref<16x1024xf32, #tpu.memory_space<vmem>>, vector<1x16xf32>,
        %parallel_loop3A_449 = vector.shape_cast %parallel_loop3A_448 : vector<1x16xf32> to vector<16xf32>
        %parallel_loop3A_450 = arith.constant 3.200000e+01 : f32
        %parallel_loop3A_451 = vector.broadcast %parallel_loop3A_450 : f32 to vector<16xf32>
        %parallel_loop3A_452 = arith.mulf %parallel_loop3A_449, %parallel_loop3A_451 : vector<16xf32>
        %parallel_loop3A_453 = arith.index_cast %parallel_loop3A_181 : i32 to index
        %parallel_loop3A_454 = arith.constant 352 : index
        %parallel_loop3A_455 = tpu.vector_load %arg6[%parallel_loop3A_453, %parallel_loop3A_454] {strides = array<i32>} : memref<16x1024xf32, #tpu.memory_space<vmem>>, vector<1x16xf32>,
        %parallel_loop3A_456 = vector.shape_cast %parallel_loop3A_455 : vector<1x16xf32> to vector<16xf32>
        %parallel_loop3A_457 = vector.shape_cast %parallel_loop3A_452 : vector<16xf32> to vector<1x16xf32>
        tpu.vector_store %arg6[%parallel_loop3A_453, %parallel_loop3A_454], %parallel_loop3A_457 {strides = array<i32>} : memref<16x1024xf32, #tpu.memory_space<vmem>>, vector<1x16xf32>,
        %parallel_loop3A_458 = arith.index_cast %parallel_loop3A_181 : i32 to index
        %parallel_loop3A_459 = arith.constant 368 : index
        %parallel_loop3A_460 = tpu.vector_load %arg6[%parallel_loop3A_458, %parallel_loop3A_459] {strides = array<i32>} : memref<16x1024xf32, #tpu.memory_space<vmem>>, vector<1x16xf32>,
        %parallel_loop3A_461 = vector.shape_cast %parallel_loop3A_460 : vector<1x16xf32> to vector<16xf32>
        %parallel_loop3A_462 = arith.constant 3.200000e+01 : f32
        %parallel_loop3A_463 = vector.broadcast %parallel_loop3A_462 : f32 to vector<16xf32>
        %parallel_loop3A_464 = arith.mulf %parallel_loop3A_461, %parallel_loop3A_463 : vector<16xf32>
        %parallel_loop3A_465 = arith.index_cast %parallel_loop3A_181 : i32 to index
        %parallel_loop3A_466 = arith.constant 368 : index
        %parallel_loop3A_467 = tpu.vector_load %arg6[%parallel_loop3A_465, %parallel_loop3A_466] {strides = array<i32>} : memref<16x1024xf32, #tpu.memory_space<vmem>>, vector<1x16xf32>,
        %parallel_loop3A_468 = vector.shape_cast %parallel_loop3A_467 : vector<1x16xf32> to vector<16xf32>
        %parallel_loop3A_469 = vector.shape_cast %parallel_loop3A_464 : vector<16xf32> to vector<1x16xf32>
        tpu.vector_store %arg6[%parallel_loop3A_465, %parallel_loop3A_466], %parallel_loop3A_469 {strides = array<i32>} : memref<16x1024xf32, #tpu.memory_space<vmem>>, vector<1x16xf32>,
        %parallel_loop3A_470 = arith.index_cast %parallel_loop3A_181 : i32 to index
        %parallel_loop3A_471 = arith.constant 384 : index
        %parallel_loop3A_472 = tpu.vector_load %arg6[%parallel_loop3A_470, %parallel_loop3A_471] {strides = array<i32>} : memref<16x1024xf32, #tpu.memory_space<vmem>>, vector<1x16xf32>,
        %parallel_loop3A_473 = vector.shape_cast %parallel_loop3A_472 : vector<1x16xf32> to vector<16xf32>
        %parallel_loop3A_474 = arith.constant 3.200000e+01 : f32
        %parallel_loop3A_475 = vector.broadcast %parallel_loop3A_474 : f32 to vector<16xf32>
        %parallel_loop3A_476 = arith.mulf %parallel_loop3A_473, %parallel_loop3A_475 : vector<16xf32>
        %parallel_loop3A_477 = arith.index_cast %parallel_loop3A_181 : i32 to index
        %parallel_loop3A_478 = arith.constant 384 : index
        %parallel_loop3A_479 = tpu.vector_load %arg6[%parallel_loop3A_477, %parallel_loop3A_478] {strides = array<i32>} : memref<16x1024xf32, #tpu.memory_space<vmem>>, vector<1x16xf32>,
        %parallel_loop3A_480 = vector.shape_cast %parallel_loop3A_479 : vector<1x16xf32> to vector<16xf32>
        %parallel_loop3A_481 = vector.shape_cast %parallel_loop3A_476 : vector<16xf32> to vector<1x16xf32>
        tpu.vector_store %arg6[%parallel_loop3A_477, %parallel_loop3A_478], %parallel_loop3A_481 {strides = array<i32>} : memref<16x1024xf32, #tpu.memory_space<vmem>>, vector<1x16xf32>,
        %parallel_loop3A_482 = arith.index_cast %parallel_loop3A_181 : i32 to index
        %parallel_loop3A_483 = arith.constant 400 : index
        %parallel_loop3A_484 = tpu.vector_load %arg6[%parallel_loop3A_482, %parallel_loop3A_483] {strides = array<i32>} : memref<16x1024xf32, #tpu.memory_space<vmem>>, vector<1x16xf32>,
        %parallel_loop3A_485 = vector.shape_cast %parallel_loop3A_484 : vector<1x16xf32> to vector<16xf32>
        %parallel_loop3A_486 = arith.constant 3.200000e+01 : f32
        %parallel_loop3A_487 = vector.broadcast %parallel_loop3A_486 : f32 to vector<16xf32>
        %parallel_loop3A_488 = arith.mulf %parallel_loop3A_485, %parallel_loop3A_487 : vector<16xf32>
        %parallel_loop3A_489 = arith.index_cast %parallel_loop3A_181 : i32 to index
        %parallel_loop3A_490 = arith.constant 400 : index
        %parallel_loop3A_491 = tpu.vector_load %arg6[%parallel_loop3A_489, %parallel_loop3A_490] {strides = array<i32>} : memref<16x1024xf32, #tpu.memory_space<vmem>>, vector<1x16xf32>,
        %parallel_loop3A_492 = vector.shape_cast %parallel_loop3A_491 : vector<1x16xf32> to vector<16xf32>
        %parallel_loop3A_493 = vector.shape_cast %parallel_loop3A_488 : vector<16xf32> to vector<1x16xf32>
        tpu.vector_store %arg6[%parallel_loop3A_489, %parallel_loop3A_490], %parallel_loop3A_493 {strides = array<i32>} : memref<16x1024xf32, #tpu.memory_space<vmem>>, vector<1x16xf32>,
        %parallel_loop3A_494 = arith.index_cast %parallel_loop3A_181 : i32 to index
        %parallel_loop3A_495 = arith.constant 416 : index
        %parallel_loop3A_496 = tpu.vector_load %arg6[%parallel_loop3A_494, %parallel_loop3A_495] {strides = array<i32>} : memref<16x1024xf32, #tpu.memory_space<vmem>>, vector<1x16xf32>,
        %parallel_loop3A_497 = vector.shape_cast %parallel_loop3A_496 : vector<1x16xf32> to vector<16xf32>
        %parallel_loop3A_498 = arith.constant 3.200000e+01 : f32
        %parallel_loop3A_499 = vector.broadcast %parallel_loop3A_498 : f32 to vector<16xf32>
        %parallel_loop3A_500 = arith.mulf %parallel_loop3A_497, %parallel_loop3A_499 : vector<16xf32>
        %parallel_loop3A_501 = arith.index_cast %parallel_loop3A_181 : i32 to index
        %parallel_loop3A_502 = arith.constant 416 : index
        %parallel_loop3A_503 = tpu.vector_load %arg6[%parallel_loop3A_501, %parallel_loop3A_502] {strides = array<i32>} : memref<16x1024xf32, #tpu.memory_space<vmem>>, vector<1x16xf32>,
        %parallel_loop3A_504 = vector.shape_cast %parallel_loop3A_503 : vector<1x16xf32> to vector<16xf32>
        %parallel_loop3A_505 = vector.shape_cast %parallel_loop3A_500 : vector<16xf32> to vector<1x16xf32>
        tpu.vector_store %arg6[%parallel_loop3A_501, %parallel_loop3A_502], %parallel_loop3A_505 {strides = array<i32>} : memref<16x1024xf32, #tpu.memory_space<vmem>>, vector<1x16xf32>,
        %parallel_loop3A_506 = arith.index_cast %parallel_loop3A_181 : i32 to index
        %parallel_loop3A_507 = arith.constant 432 : index
        %parallel_loop3A_508 = tpu.vector_load %arg6[%parallel_loop3A_506, %parallel_loop3A_507] {strides = array<i32>} : memref<16x1024xf32, #tpu.memory_space<vmem>>, vector<1x16xf32>,
        %parallel_loop3A_509 = vector.shape_cast %parallel_loop3A_508 : vector<1x16xf32> to vector<16xf32>
        %parallel_loop3A_510 = arith.constant 3.200000e+01 : f32
        %parallel_loop3A_511 = vector.broadcast %parallel_loop3A_510 : f32 to vector<16xf32>
        %parallel_loop3A_512 = arith.mulf %parallel_loop3A_509, %parallel_loop3A_511 : vector<16xf32>
        %parallel_loop3A_513 = arith.index_cast %parallel_loop3A_181 : i32 to index
        %parallel_loop3A_514 = arith.constant 432 : index
        %parallel_loop3A_515 = tpu.vector_load %arg6[%parallel_loop3A_513, %parallel_loop3A_514] {strides = array<i32>} : memref<16x1024xf32, #tpu.memory_space<vmem>>, vector<1x16xf32>,
        %parallel_loop3A_516 = vector.shape_cast %parallel_loop3A_515 : vector<1x16xf32> to vector<16xf32>
        %parallel_loop3A_517 = vector.shape_cast %parallel_loop3A_512 : vector<16xf32> to vector<1x16xf32>
        tpu.vector_store %arg6[%parallel_loop3A_513, %parallel_loop3A_514], %parallel_loop3A_517 {strides = array<i32>} : memref<16x1024xf32, #tpu.memory_space<vmem>>, vector<1x16xf32>,
        %parallel_loop3A_518 = arith.index_cast %parallel_loop3A_181 : i32 to index
        %parallel_loop3A_519 = arith.constant 448 : index
        %parallel_loop3A_520 = tpu.vector_load %arg6[%parallel_loop3A_518, %parallel_loop3A_519] {strides = array<i32>} : memref<16x1024xf32, #tpu.memory_space<vmem>>, vector<1x16xf32>,
        %parallel_loop3A_521 = vector.shape_cast %parallel_loop3A_520 : vector<1x16xf32> to vector<16xf32>
        %parallel_loop3A_522 = arith.constant 3.200000e+01 : f32
        %parallel_loop3A_523 = vector.broadcast %parallel_loop3A_522 : f32 to vector<16xf32>
        %parallel_loop3A_524 = arith.mulf %parallel_loop3A_521, %parallel_loop3A_523 : vector<16xf32>
        %parallel_loop3A_525 = arith.index_cast %parallel_loop3A_181 : i32 to index
        %parallel_loop3A_526 = arith.constant 448 : index
        %parallel_loop3A_527 = tpu.vector_load %arg6[%parallel_loop3A_525, %parallel_loop3A_526] {strides = array<i32>} : memref<16x1024xf32, #tpu.memory_space<vmem>>, vector<1x16xf32>,
        %parallel_loop3A_528 = vector.shape_cast %parallel_loop3A_527 : vector<1x16xf32> to vector<16xf32>
        %parallel_loop3A_529 = vector.shape_cast %parallel_loop3A_524 : vector<16xf32> to vector<1x16xf32>
        tpu.vector_store %arg6[%parallel_loop3A_525, %parallel_loop3A_526], %parallel_loop3A_529 {strides = array<i32>} : memref<16x1024xf32, #tpu.memory_space<vmem>>, vector<1x16xf32>,
        %parallel_loop3A_530 = arith.index_cast %parallel_loop3A_181 : i32 to index
        %parallel_loop3A_531 = arith.constant 464 : index
        %parallel_loop3A_532 = tpu.vector_load %arg6[%parallel_loop3A_530, %parallel_loop3A_531] {strides = array<i32>} : memref<16x1024xf32, #tpu.memory_space<vmem>>, vector<1x16xf32>,
        %parallel_loop3A_533 = vector.shape_cast %parallel_loop3A_532 : vector<1x16xf32> to vector<16xf32>
        %parallel_loop3A_534 = arith.constant 3.200000e+01 : f32
        %parallel_loop3A_535 = vector.broadcast %parallel_loop3A_534 : f32 to vector<16xf32>
        %parallel_loop3A_536 = arith.mulf %parallel_loop3A_533, %parallel_loop3A_535 : vector<16xf32>
        %parallel_loop3A_537 = arith.index_cast %parallel_loop3A_181 : i32 to index
        %parallel_loop3A_538 = arith.constant 464 : index
        %parallel_loop3A_539 = tpu.vector_load %arg6[%parallel_loop3A_537, %parallel_loop3A_538] {strides = array<i32>} : memref<16x1024xf32, #tpu.memory_space<vmem>>, vector<1x16xf32>,
        %parallel_loop3A_540 = vector.shape_cast %parallel_loop3A_539 : vector<1x16xf32> to vector<16xf32>
        %parallel_loop3A_541 = vector.shape_cast %parallel_loop3A_536 : vector<16xf32> to vector<1x16xf32>
        tpu.vector_store %arg6[%parallel_loop3A_537, %parallel_loop3A_538], %parallel_loop3A_541 {strides = array<i32>} : memref<16x1024xf32, #tpu.memory_space<vmem>>, vector<1x16xf32>,
        %parallel_loop3A_542 = arith.index_cast %parallel_loop3A_181 : i32 to index
        %parallel_loop3A_543 = arith.constant 480 : index
        %parallel_loop3A_544 = tpu.vector_load %arg6[%parallel_loop3A_542, %parallel_loop3A_543] {strides = array<i32>} : memref<16x1024xf32, #tpu.memory_space<vmem>>, vector<1x16xf32>,
        %parallel_loop3A_545 = vector.shape_cast %parallel_loop3A_544 : vector<1x16xf32> to vector<16xf32>
        %parallel_loop3A_546 = arith.constant 3.200000e+01 : f32
        %parallel_loop3A_547 = vector.broadcast %parallel_loop3A_546 : f32 to vector<16xf32>
        %parallel_loop3A_548 = arith.mulf %parallel_loop3A_545, %parallel_loop3A_547 : vector<16xf32>
        %parallel_loop3A_549 = arith.index_cast %parallel_loop3A_181 : i32 to index
        %parallel_loop3A_550 = arith.constant 480 : index
        %parallel_loop3A_551 = tpu.vector_load %arg6[%parallel_loop3A_549, %parallel_loop3A_550] {strides = array<i32>} : memref<16x1024xf32, #tpu.memory_space<vmem>>, vector<1x16xf32>,
        %parallel_loop3A_552 = vector.shape_cast %parallel_loop3A_551 : vector<1x16xf32> to vector<16xf32>
        %parallel_loop3A_553 = vector.shape_cast %parallel_loop3A_548 : vector<16xf32> to vector<1x16xf32>
        tpu.vector_store %arg6[%parallel_loop3A_549, %parallel_loop3A_550], %parallel_loop3A_553 {strides = array<i32>} : memref<16x1024xf32, #tpu.memory_space<vmem>>, vector<1x16xf32>,
        %parallel_loop3A_554 = arith.index_cast %parallel_loop3A_181 : i32 to index
        %parallel_loop3A_555 = arith.constant 496 : index
        %parallel_loop3A_556 = tpu.vector_load %arg6[%parallel_loop3A_554, %parallel_loop3A_555] {strides = array<i32>} : memref<16x1024xf32, #tpu.memory_space<vmem>>, vector<1x16xf32>,
        %parallel_loop3A_557 = vector.shape_cast %parallel_loop3A_556 : vector<1x16xf32> to vector<16xf32>
        %parallel_loop3A_558 = arith.constant 3.200000e+01 : f32
        %parallel_loop3A_559 = vector.broadcast %parallel_loop3A_558 : f32 to vector<16xf32>
        %parallel_loop3A_560 = arith.mulf %parallel_loop3A_557, %parallel_loop3A_559 : vector<16xf32>
        %parallel_loop3A_561 = arith.index_cast %parallel_loop3A_181 : i32 to index
        %parallel_loop3A_562 = arith.constant 496 : index
        %parallel_loop3A_563 = tpu.vector_load %arg6[%parallel_loop3A_561, %parallel_loop3A_562] {strides = array<i32>} : memref<16x1024xf32, #tpu.memory_space<vmem>>, vector<1x16xf32>,
        %parallel_loop3A_564 = vector.shape_cast %parallel_loop3A_563 : vector<1x16xf32> to vector<16xf32>
        %parallel_loop3A_565 = vector.shape_cast %parallel_loop3A_560 : vector<16xf32> to vector<1x16xf32>
        tpu.vector_store %arg6[%parallel_loop3A_561, %parallel_loop3A_562], %parallel_loop3A_565 {strides = array<i32>} : memref<16x1024xf32, #tpu.memory_space<vmem>>, vector<1x16xf32>,
        %parallel_loop3A_566 = arith.index_cast %parallel_loop3A_181 : i32 to index
        %parallel_loop3A_567 = arith.constant 512 : index
        %parallel_loop3A_568 = tpu.vector_load %arg6[%parallel_loop3A_566, %parallel_loop3A_567] {strides = array<i32>} : memref<16x1024xf32, #tpu.memory_space<vmem>>, vector<1x16xf32>,
        %parallel_loop3A_569 = vector.shape_cast %parallel_loop3A_568 : vector<1x16xf32> to vector<16xf32>
        %parallel_loop3A_570 = arith.constant 3.200000e+01 : f32
        %parallel_loop3A_571 = vector.broadcast %parallel_loop3A_570 : f32 to vector<16xf32>
        %parallel_loop3A_572 = arith.mulf %parallel_loop3A_569, %parallel_loop3A_571 : vector<16xf32>
        %parallel_loop3A_573 = arith.index_cast %parallel_loop3A_181 : i32 to index
        %parallel_loop3A_574 = arith.constant 512 : index
        %parallel_loop3A_575 = tpu.vector_load %arg6[%parallel_loop3A_573, %parallel_loop3A_574] {strides = array<i32>} : memref<16x1024xf32, #tpu.memory_space<vmem>>, vector<1x16xf32>,
        %parallel_loop3A_576 = vector.shape_cast %parallel_loop3A_575 : vector<1x16xf32> to vector<16xf32>
        %parallel_loop3A_577 = vector.shape_cast %parallel_loop3A_572 : vector<16xf32> to vector<1x16xf32>
        tpu.vector_store %arg6[%parallel_loop3A_573, %parallel_loop3A_574], %parallel_loop3A_577 {strides = array<i32>} : memref<16x1024xf32, #tpu.memory_space<vmem>>, vector<1x16xf32>,
        %parallel_loop3A_578 = arith.index_cast %parallel_loop3A_181 : i32 to index
        %parallel_loop3A_579 = arith.constant 528 : index
        %parallel_loop3A_580 = tpu.vector_load %arg6[%parallel_loop3A_578, %parallel_loop3A_579] {strides = array<i32>} : memref<16x1024xf32, #tpu.memory_space<vmem>>, vector<1x16xf32>,
        %parallel_loop3A_581 = vector.shape_cast %parallel_loop3A_580 : vector<1x16xf32> to vector<16xf32>
        %parallel_loop3A_582 = arith.constant 3.200000e+01 : f32
        %parallel_loop3A_583 = vector.broadcast %parallel_loop3A_582 : f32 to vector<16xf32>
        %parallel_loop3A_584 = arith.mulf %parallel_loop3A_581, %parallel_loop3A_583 : vector<16xf32>
        %parallel_loop3A_585 = arith.index_cast %parallel_loop3A_181 : i32 to index
        %parallel_loop3A_586 = arith.constant 528 : index
        %parallel_loop3A_587 = tpu.vector_load %arg6[%parallel_loop3A_585, %parallel_loop3A_586] {strides = array<i32>} : memref<16x1024xf32, #tpu.memory_space<vmem>>, vector<1x16xf32>,
        %parallel_loop3A_588 = vector.shape_cast %parallel_loop3A_587 : vector<1x16xf32> to vector<16xf32>
        %parallel_loop3A_589 = vector.shape_cast %parallel_loop3A_584 : vector<16xf32> to vector<1x16xf32>
        tpu.vector_store %arg6[%parallel_loop3A_585, %parallel_loop3A_586], %parallel_loop3A_589 {strides = array<i32>} : memref<16x1024xf32, #tpu.memory_space<vmem>>, vector<1x16xf32>,
        %parallel_loop3A_590 = arith.index_cast %parallel_loop3A_181 : i32 to index
        %parallel_loop3A_591 = arith.constant 544 : index
        %parallel_loop3A_592 = tpu.vector_load %arg6[%parallel_loop3A_590, %parallel_loop3A_591] {strides = array<i32>} : memref<16x1024xf32, #tpu.memory_space<vmem>>, vector<1x16xf32>,
        %parallel_loop3A_593 = vector.shape_cast %parallel_loop3A_592 : vector<1x16xf32> to vector<16xf32>
        %parallel_loop3A_594 = arith.constant 3.200000e+01 : f32
        %parallel_loop3A_595 = vector.broadcast %parallel_loop3A_594 : f32 to vector<16xf32>
        %parallel_loop3A_596 = arith.mulf %parallel_loop3A_593, %parallel_loop3A_595 : vector<16xf32>
        %parallel_loop3A_597 = arith.index_cast %parallel_loop3A_181 : i32 to index
        %parallel_loop3A_598 = arith.constant 544 : index
        %parallel_loop3A_599 = tpu.vector_load %arg6[%parallel_loop3A_597, %parallel_loop3A_598] {strides = array<i32>} : memref<16x1024xf32, #tpu.memory_space<vmem>>, vector<1x16xf32>,
        %parallel_loop3A_600 = vector.shape_cast %parallel_loop3A_599 : vector<1x16xf32> to vector<16xf32>
        %parallel_loop3A_601 = vector.shape_cast %parallel_loop3A_596 : vector<16xf32> to vector<1x16xf32>
        tpu.vector_store %arg6[%parallel_loop3A_597, %parallel_loop3A_598], %parallel_loop3A_601 {strides = array<i32>} : memref<16x1024xf32, #tpu.memory_space<vmem>>, vector<1x16xf32>,
        %parallel_loop3A_602 = arith.index_cast %parallel_loop3A_181 : i32 to index
        %parallel_loop3A_603 = arith.constant 560 : index
        %parallel_loop3A_604 = tpu.vector_load %arg6[%parallel_loop3A_602, %parallel_loop3A_603] {strides = array<i32>} : memref<16x1024xf32, #tpu.memory_space<vmem>>, vector<1x16xf32>,
        %parallel_loop3A_605 = vector.shape_cast %parallel_loop3A_604 : vector<1x16xf32> to vector<16xf32>
        %parallel_loop3A_606 = arith.constant 3.200000e+01 : f32
        %parallel_loop3A_607 = vector.broadcast %parallel_loop3A_606 : f32 to vector<16xf32>
        %parallel_loop3A_608 = arith.mulf %parallel_loop3A_605, %parallel_loop3A_607 : vector<16xf32>
        %parallel_loop3A_609 = arith.index_cast %parallel_loop3A_181 : i32 to index
        %parallel_loop3A_610 = arith.constant 560 : index
        %parallel_loop3A_611 = tpu.vector_load %arg6[%parallel_loop3A_609, %parallel_loop3A_610] {strides = array<i32>} : memref<16x1024xf32, #tpu.memory_space<vmem>>, vector<1x16xf32>,
        %parallel_loop3A_612 = vector.shape_cast %parallel_loop3A_611 : vector<1x16xf32> to vector<16xf32>
        %parallel_loop3A_613 = vector.shape_cast %parallel_loop3A_608 : vector<16xf32> to vector<1x16xf32>
        tpu.vector_store %arg6[%parallel_loop3A_609, %parallel_loop3A_610], %parallel_loop3A_613 {strides = array<i32>} : memref<16x1024xf32, #tpu.memory_space<vmem>>, vector<1x16xf32>,
        %parallel_loop3A_614 = arith.index_cast %parallel_loop3A_181 : i32 to index
        %parallel_loop3A_615 = arith.constant 576 : index
        %parallel_loop3A_616 = tpu.vector_load %arg6[%parallel_loop3A_614, %parallel_loop3A_615] {strides = array<i32>} : memref<16x1024xf32, #tpu.memory_space<vmem>>, vector<1x16xf32>,
        %parallel_loop3A_617 = vector.shape_cast %parallel_loop3A_616 : vector<1x16xf32> to vector<16xf32>
        %parallel_loop3A_618 = arith.constant 3.200000e+01 : f32
        %parallel_loop3A_619 = vector.broadcast %parallel_loop3A_618 : f32 to vector<16xf32>
        %parallel_loop3A_620 = arith.mulf %parallel_loop3A_617, %parallel_loop3A_619 : vector<16xf32>
        %parallel_loop3A_621 = arith.index_cast %parallel_loop3A_181 : i32 to index
        %parallel_loop3A_622 = arith.constant 576 : index
        %parallel_loop3A_623 = tpu.vector_load %arg6[%parallel_loop3A_621, %parallel_loop3A_622] {strides = array<i32>} : memref<16x1024xf32, #tpu.memory_space<vmem>>, vector<1x16xf32>,
        %parallel_loop3A_624 = vector.shape_cast %parallel_loop3A_623 : vector<1x16xf32> to vector<16xf32>
        %parallel_loop3A_625 = vector.shape_cast %parallel_loop3A_620 : vector<16xf32> to vector<1x16xf32>
        tpu.vector_store %arg6[%parallel_loop3A_621, %parallel_loop3A_622], %parallel_loop3A_625 {strides = array<i32>} : memref<16x1024xf32, #tpu.memory_space<vmem>>, vector<1x16xf32>,
        %parallel_loop3A_626 = arith.index_cast %parallel_loop3A_181 : i32 to index
        %parallel_loop3A_627 = arith.constant 592 : index
        %parallel_loop3A_628 = tpu.vector_load %arg6[%parallel_loop3A_626, %parallel_loop3A_627] {strides = array<i32>} : memref<16x1024xf32, #tpu.memory_space<vmem>>, vector<1x16xf32>,
        %parallel_loop3A_629 = vector.shape_cast %parallel_loop3A_628 : vector<1x16xf32> to vector<16xf32>
        %parallel_loop3A_630 = arith.constant 3.200000e+01 : f32
        %parallel_loop3A_631 = vector.broadcast %parallel_loop3A_630 : f32 to vector<16xf32>
        %parallel_loop3A_632 = arith.mulf %parallel_loop3A_629, %parallel_loop3A_631 : vector<16xf32>
        %parallel_loop3A_633 = arith.index_cast %parallel_loop3A_181 : i32 to index
        %parallel_loop3A_634 = arith.constant 592 : index
        %parallel_loop3A_635 = tpu.vector_load %arg6[%parallel_loop3A_633, %parallel_loop3A_634] {strides = array<i32>} : memref<16x1024xf32, #tpu.memory_space<vmem>>, vector<1x16xf32>,
        %parallel_loop3A_636 = vector.shape_cast %parallel_loop3A_635 : vector<1x16xf32> to vector<16xf32>
        %parallel_loop3A_637 = vector.shape_cast %parallel_loop3A_632 : vector<16xf32> to vector<1x16xf32>
        tpu.vector_store %arg6[%parallel_loop3A_633, %parallel_loop3A_634], %parallel_loop3A_637 {strides = array<i32>} : memref<16x1024xf32, #tpu.memory_space<vmem>>, vector<1x16xf32>,
        %parallel_loop3A_638 = arith.index_cast %parallel_loop3A_181 : i32 to index
        %parallel_loop3A_639 = arith.constant 608 : index
        %parallel_loop3A_640 = tpu.vector_load %arg6[%parallel_loop3A_638, %parallel_loop3A_639] {strides = array<i32>} : memref<16x1024xf32, #tpu.memory_space<vmem>>, vector<1x16xf32>,
        %parallel_loop3A_641 = vector.shape_cast %parallel_loop3A_640 : vector<1x16xf32> to vector<16xf32>
        %parallel_loop3A_642 = arith.constant 3.200000e+01 : f32
        %parallel_loop3A_643 = vector.broadcast %parallel_loop3A_642 : f32 to vector<16xf32>
        %parallel_loop3A_644 = arith.mulf %parallel_loop3A_641, %parallel_loop3A_643 : vector<16xf32>
        %parallel_loop3A_645 = arith.index_cast %parallel_loop3A_181 : i32 to index
        %parallel_loop3A_646 = arith.constant 608 : index
        %parallel_loop3A_647 = tpu.vector_load %arg6[%parallel_loop3A_645, %parallel_loop3A_646] {strides = array<i32>} : memref<16x1024xf32, #tpu.memory_space<vmem>>, vector<1x16xf32>,
        %parallel_loop3A_648 = vector.shape_cast %parallel_loop3A_647 : vector<1x16xf32> to vector<16xf32>
        %parallel_loop3A_649 = vector.shape_cast %parallel_loop3A_644 : vector<16xf32> to vector<1x16xf32>
        tpu.vector_store %arg6[%parallel_loop3A_645, %parallel_loop3A_646], %parallel_loop3A_649 {strides = array<i32>} : memref<16x1024xf32, #tpu.memory_space<vmem>>, vector<1x16xf32>,
        %parallel_loop3A_650 = arith.index_cast %parallel_loop3A_181 : i32 to index
        %parallel_loop3A_651 = arith.constant 624 : index
        %parallel_loop3A_652 = tpu.vector_load %arg6[%parallel_loop3A_650, %parallel_loop3A_651] {strides = array<i32>} : memref<16x1024xf32, #tpu.memory_space<vmem>>, vector<1x16xf32>,
        %parallel_loop3A_653 = vector.shape_cast %parallel_loop3A_652 : vector<1x16xf32> to vector<16xf32>
        %parallel_loop3A_654 = arith.constant 3.200000e+01 : f32
        %parallel_loop3A_655 = vector.broadcast %parallel_loop3A_654 : f32 to vector<16xf32>
        %parallel_loop3A_656 = arith.mulf %parallel_loop3A_653, %parallel_loop3A_655 : vector<16xf32>
        %parallel_loop3A_657 = arith.index_cast %parallel_loop3A_181 : i32 to index
        %parallel_loop3A_658 = arith.constant 624 : index
        %parallel_loop3A_659 = tpu.vector_load %arg6[%parallel_loop3A_657, %parallel_loop3A_658] {strides = array<i32>} : memref<16x1024xf32, #tpu.memory_space<vmem>>, vector<1x16xf32>,
        %parallel_loop3A_660 = vector.shape_cast %parallel_loop3A_659 : vector<1x16xf32> to vector<16xf32>
        %parallel_loop3A_661 = vector.shape_cast %parallel_loop3A_656 : vector<16xf32> to vector<1x16xf32>
        tpu.vector_store %arg6[%parallel_loop3A_657, %parallel_loop3A_658], %parallel_loop3A_661 {strides = array<i32>} : memref<16x1024xf32, #tpu.memory_space<vmem>>, vector<1x16xf32>,
        %parallel_loop3A_662 = arith.index_cast %parallel_loop3A_181 : i32 to index
        %parallel_loop3A_663 = arith.constant 640 : index
        %parallel_loop3A_664 = tpu.vector_load %arg6[%parallel_loop3A_662, %parallel_loop3A_663] {strides = array<i32>} : memref<16x1024xf32, #tpu.memory_space<vmem>>, vector<1x16xf32>,
        %parallel_loop3A_665 = vector.shape_cast %parallel_loop3A_664 : vector<1x16xf32> to vector<16xf32>
        %parallel_loop3A_666 = arith.constant 3.200000e+01 : f32
        %parallel_loop3A_667 = vector.broadcast %parallel_loop3A_666 : f32 to vector<16xf32>
        %parallel_loop3A_668 = arith.mulf %parallel_loop3A_665, %parallel_loop3A_667 : vector<16xf32>
        %parallel_loop3A_669 = arith.index_cast %parallel_loop3A_181 : i32 to index
        %parallel_loop3A_670 = arith.constant 640 : index
        %parallel_loop3A_671 = tpu.vector_load %arg6[%parallel_loop3A_669, %parallel_loop3A_670] {strides = array<i32>} : memref<16x1024xf32, #tpu.memory_space<vmem>>, vector<1x16xf32>,
        %parallel_loop3A_672 = vector.shape_cast %parallel_loop3A_671 : vector<1x16xf32> to vector<16xf32>
        %parallel_loop3A_673 = vector.shape_cast %parallel_loop3A_668 : vector<16xf32> to vector<1x16xf32>
        tpu.vector_store %arg6[%parallel_loop3A_669, %parallel_loop3A_670], %parallel_loop3A_673 {strides = array<i32>} : memref<16x1024xf32, #tpu.memory_space<vmem>>, vector<1x16xf32>,
        %parallel_loop3A_674 = arith.index_cast %parallel_loop3A_181 : i32 to index
        %parallel_loop3A_675 = arith.constant 656 : index
        %parallel_loop3A_676 = tpu.vector_load %arg6[%parallel_loop3A_674, %parallel_loop3A_675] {strides = array<i32>} : memref<16x1024xf32, #tpu.memory_space<vmem>>, vector<1x16xf32>,
        %parallel_loop3A_677 = vector.shape_cast %parallel_loop3A_676 : vector<1x16xf32> to vector<16xf32>
        %parallel_loop3A_678 = arith.constant 3.200000e+01 : f32
        %parallel_loop3A_679 = vector.broadcast %parallel_loop3A_678 : f32 to vector<16xf32>
        %parallel_loop3A_680 = arith.mulf %parallel_loop3A_677, %parallel_loop3A_679 : vector<16xf32>
        %parallel_loop3A_681 = arith.index_cast %parallel_loop3A_181 : i32 to index
        %parallel_loop3A_682 = arith.constant 656 : index
        %parallel_loop3A_683 = tpu.vector_load %arg6[%parallel_loop3A_681, %parallel_loop3A_682] {strides = array<i32>} : memref<16x1024xf32, #tpu.memory_space<vmem>>, vector<1x16xf32>,
        %parallel_loop3A_684 = vector.shape_cast %parallel_loop3A_683 : vector<1x16xf32> to vector<16xf32>
        %parallel_loop3A_685 = vector.shape_cast %parallel_loop3A_680 : vector<16xf32> to vector<1x16xf32>
        tpu.vector_store %arg6[%parallel_loop3A_681, %parallel_loop3A_682], %parallel_loop3A_685 {strides = array<i32>} : memref<16x1024xf32, #tpu.memory_space<vmem>>, vector<1x16xf32>,
        %parallel_loop3A_686 = arith.index_cast %parallel_loop3A_181 : i32 to index
        %parallel_loop3A_687 = arith.constant 672 : index
        %parallel_loop3A_688 = tpu.vector_load %arg6[%parallel_loop3A_686, %parallel_loop3A_687] {strides = array<i32>} : memref<16x1024xf32, #tpu.memory_space<vmem>>, vector<1x16xf32>,
        %parallel_loop3A_689 = vector.shape_cast %parallel_loop3A_688 : vector<1x16xf32> to vector<16xf32>
        %parallel_loop3A_690 = arith.constant 3.200000e+01 : f32
        %parallel_loop3A_691 = vector.broadcast %parallel_loop3A_690 : f32 to vector<16xf32>
        %parallel_loop3A_692 = arith.mulf %parallel_loop3A_689, %parallel_loop3A_691 : vector<16xf32>
        %parallel_loop3A_693 = arith.index_cast %parallel_loop3A_181 : i32 to index
        %parallel_loop3A_694 = arith.constant 672 : index
        %parallel_loop3A_695 = tpu.vector_load %arg6[%parallel_loop3A_693, %parallel_loop3A_694] {strides = array<i32>} : memref<16x1024xf32, #tpu.memory_space<vmem>>, vector<1x16xf32>,
        %parallel_loop3A_696 = vector.shape_cast %parallel_loop3A_695 : vector<1x16xf32> to vector<16xf32>
        %parallel_loop3A_697 = vector.shape_cast %parallel_loop3A_692 : vector<16xf32> to vector<1x16xf32>
        tpu.vector_store %arg6[%parallel_loop3A_693, %parallel_loop3A_694], %parallel_loop3A_697 {strides = array<i32>} : memref<16x1024xf32, #tpu.memory_space<vmem>>, vector<1x16xf32>,
        %parallel_loop3A_698 = arith.index_cast %parallel_loop3A_181 : i32 to index
        %parallel_loop3A_699 = arith.constant 688 : index
        %parallel_loop3A_700 = tpu.vector_load %arg6[%parallel_loop3A_698, %parallel_loop3A_699] {strides = array<i32>} : memref<16x1024xf32, #tpu.memory_space<vmem>>, vector<1x16xf32>,
        %parallel_loop3A_701 = vector.shape_cast %parallel_loop3A_700 : vector<1x16xf32> to vector<16xf32>
        %parallel_loop3A_702 = arith.constant 3.200000e+01 : f32
        %parallel_loop3A_703 = vector.broadcast %parallel_loop3A_702 : f32 to vector<16xf32>
        %parallel_loop3A_704 = arith.mulf %parallel_loop3A_701, %parallel_loop3A_703 : vector<16xf32>
        %parallel_loop3A_705 = arith.index_cast %parallel_loop3A_181 : i32 to index
        %parallel_loop3A_706 = arith.constant 688 : index
        %parallel_loop3A_707 = tpu.vector_load %arg6[%parallel_loop3A_705, %parallel_loop3A_706] {strides = array<i32>} : memref<16x1024xf32, #tpu.memory_space<vmem>>, vector<1x16xf32>,
        %parallel_loop3A_708 = vector.shape_cast %parallel_loop3A_707 : vector<1x16xf32> to vector<16xf32>
        %parallel_loop3A_709 = vector.shape_cast %parallel_loop3A_704 : vector<16xf32> to vector<1x16xf32>
        tpu.vector_store %arg6[%parallel_loop3A_705, %parallel_loop3A_706], %parallel_loop3A_709 {strides = array<i32>} : memref<16x1024xf32, #tpu.memory_space<vmem>>, vector<1x16xf32>,
        %parallel_loop3A_710 = arith.index_cast %parallel_loop3A_181 : i32 to index
        %parallel_loop3A_711 = arith.constant 704 : index
        %parallel_loop3A_712 = tpu.vector_load %arg6[%parallel_loop3A_710, %parallel_loop3A_711] {strides = array<i32>} : memref<16x1024xf32, #tpu.memory_space<vmem>>, vector<1x16xf32>,
        %parallel_loop3A_713 = vector.shape_cast %parallel_loop3A_712 : vector<1x16xf32> to vector<16xf32>
        %parallel_loop3A_714 = arith.constant 3.200000e+01 : f32
        %parallel_loop3A_715 = vector.broadcast %parallel_loop3A_714 : f32 to vector<16xf32>
        %parallel_loop3A_716 = arith.mulf %parallel_loop3A_713, %parallel_loop3A_715 : vector<16xf32>
        %parallel_loop3A_717 = arith.index_cast %parallel_loop3A_181 : i32 to index
        %parallel_loop3A_718 = arith.constant 704 : index
        %parallel_loop3A_719 = tpu.vector_load %arg6[%parallel_loop3A_717, %parallel_loop3A_718] {strides = array<i32>} : memref<16x1024xf32, #tpu.memory_space<vmem>>, vector<1x16xf32>,
        %parallel_loop3A_720 = vector.shape_cast %parallel_loop3A_719 : vector<1x16xf32> to vector<16xf32>
        %parallel_loop3A_721 = vector.shape_cast %parallel_loop3A_716 : vector<16xf32> to vector<1x16xf32>
        tpu.vector_store %arg6[%parallel_loop3A_717, %parallel_loop3A_718], %parallel_loop3A_721 {strides = array<i32>} : memref<16x1024xf32, #tpu.memory_space<vmem>>, vector<1x16xf32>,
        %parallel_loop3A_722 = arith.index_cast %parallel_loop3A_181 : i32 to index
        %parallel_loop3A_723 = arith.constant 720 : index
        %parallel_loop3A_724 = tpu.vector_load %arg6[%parallel_loop3A_722, %parallel_loop3A_723] {strides = array<i32>} : memref<16x1024xf32, #tpu.memory_space<vmem>>, vector<1x16xf32>,
        %parallel_loop3A_725 = vector.shape_cast %parallel_loop3A_724 : vector<1x16xf32> to vector<16xf32>
        %parallel_loop3A_726 = arith.constant 3.200000e+01 : f32
        %parallel_loop3A_727 = vector.broadcast %parallel_loop3A_726 : f32 to vector<16xf32>
        %parallel_loop3A_728 = arith.mulf %parallel_loop3A_725, %parallel_loop3A_727 : vector<16xf32>
        %parallel_loop3A_729 = arith.index_cast %parallel_loop3A_181 : i32 to index
        %parallel_loop3A_730 = arith.constant 720 : index
        %parallel_loop3A_731 = tpu.vector_load %arg6[%parallel_loop3A_729, %parallel_loop3A_730] {strides = array<i32>} : memref<16x1024xf32, #tpu.memory_space<vmem>>, vector<1x16xf32>,
        %parallel_loop3A_732 = vector.shape_cast %parallel_loop3A_731 : vector<1x16xf32> to vector<16xf32>
        %parallel_loop3A_733 = vector.shape_cast %parallel_loop3A_728 : vector<16xf32> to vector<1x16xf32>
        tpu.vector_store %arg6[%parallel_loop3A_729, %parallel_loop3A_730], %parallel_loop3A_733 {strides = array<i32>} : memref<16x1024xf32, #tpu.memory_space<vmem>>, vector<1x16xf32>,
        %parallel_loop3A_734 = arith.index_cast %parallel_loop3A_181 : i32 to index
        %parallel_loop3A_735 = arith.constant 736 : index
        %parallel_loop3A_736 = tpu.vector_load %arg6[%parallel_loop3A_734, %parallel_loop3A_735] {strides = array<i32>} : memref<16x1024xf32, #tpu.memory_space<vmem>>, vector<1x16xf32>,
        %parallel_loop3A_737 = vector.shape_cast %parallel_loop3A_736 : vector<1x16xf32> to vector<16xf32>
        %parallel_loop3A_738 = arith.constant 3.200000e+01 : f32
        %parallel_loop3A_739 = vector.broadcast %parallel_loop3A_738 : f32 to vector<16xf32>
        %parallel_loop3A_740 = arith.mulf %parallel_loop3A_737, %parallel_loop3A_739 : vector<16xf32>
        %parallel_loop3A_741 = arith.index_cast %parallel_loop3A_181 : i32 to index
        %parallel_loop3A_742 = arith.constant 736 : index
        %parallel_loop3A_743 = tpu.vector_load %arg6[%parallel_loop3A_741, %parallel_loop3A_742] {strides = array<i32>} : memref<16x1024xf32, #tpu.memory_space<vmem>>, vector<1x16xf32>,
        %parallel_loop3A_744 = vector.shape_cast %parallel_loop3A_743 : vector<1x16xf32> to vector<16xf32>
        %parallel_loop3A_745 = vector.shape_cast %parallel_loop3A_740 : vector<16xf32> to vector<1x16xf32>
        tpu.vector_store %arg6[%parallel_loop3A_741, %parallel_loop3A_742], %parallel_loop3A_745 {strides = array<i32>} : memref<16x1024xf32, #tpu.memory_space<vmem>>, vector<1x16xf32>,
        %parallel_loop3A_746 = arith.index_cast %parallel_loop3A_181 : i32 to index
        %parallel_loop3A_747 = arith.constant 752 : index
        %parallel_loop3A_748 = tpu.vector_load %arg6[%parallel_loop3A_746, %parallel_loop3A_747] {strides = array<i32>} : memref<16x1024xf32, #tpu.memory_space<vmem>>, vector<1x16xf32>,
        %parallel_loop3A_749 = vector.shape_cast %parallel_loop3A_748 : vector<1x16xf32> to vector<16xf32>
        %parallel_loop3A_750 = arith.constant 3.200000e+01 : f32
        %parallel_loop3A_751 = vector.broadcast %parallel_loop3A_750 : f32 to vector<16xf32>
        %parallel_loop3A_752 = arith.mulf %parallel_loop3A_749, %parallel_loop3A_751 : vector<16xf32>
        %parallel_loop3A_753 = arith.index_cast %parallel_loop3A_181 : i32 to index
        %parallel_loop3A_754 = arith.constant 752 : index
        %parallel_loop3A_755 = tpu.vector_load %arg6[%parallel_loop3A_753, %parallel_loop3A_754] {strides = array<i32>} : memref<16x1024xf32, #tpu.memory_space<vmem>>, vector<1x16xf32>,
        %parallel_loop3A_756 = vector.shape_cast %parallel_loop3A_755 : vector<1x16xf32> to vector<16xf32>
        %parallel_loop3A_757 = vector.shape_cast %parallel_loop3A_752 : vector<16xf32> to vector<1x16xf32>
        tpu.vector_store %arg6[%parallel_loop3A_753, %parallel_loop3A_754], %parallel_loop3A_757 {strides = array<i32>} : memref<16x1024xf32, #tpu.memory_space<vmem>>, vector<1x16xf32>,
        %parallel_loop3A_758 = arith.index_cast %parallel_loop3A_181 : i32 to index
        %parallel_loop3A_759 = arith.constant 768 : index
        %parallel_loop3A_760 = tpu.vector_load %arg6[%parallel_loop3A_758, %parallel_loop3A_759] {strides = array<i32>} : memref<16x1024xf32, #tpu.memory_space<vmem>>, vector<1x16xf32>,
        %parallel_loop3A_761 = vector.shape_cast %parallel_loop3A_760 : vector<1x16xf32> to vector<16xf32>
        %parallel_loop3A_762 = arith.constant 3.200000e+01 : f32
        %parallel_loop3A_763 = vector.broadcast %parallel_loop3A_762 : f32 to vector<16xf32>
        %parallel_loop3A_764 = arith.mulf %parallel_loop3A_761, %parallel_loop3A_763 : vector<16xf32>
        %parallel_loop3A_765 = arith.index_cast %parallel_loop3A_181 : i32 to index
        %parallel_loop3A_766 = arith.constant 768 : index
        %parallel_loop3A_767 = tpu.vector_load %arg6[%parallel_loop3A_765, %parallel_loop3A_766] {strides = array<i32>} : memref<16x1024xf32, #tpu.memory_space<vmem>>, vector<1x16xf32>,
        %parallel_loop3A_768 = vector.shape_cast %parallel_loop3A_767 : vector<1x16xf32> to vector<16xf32>
        %parallel_loop3A_769 = vector.shape_cast %parallel_loop3A_764 : vector<16xf32> to vector<1x16xf32>
        tpu.vector_store %arg6[%parallel_loop3A_765, %parallel_loop3A_766], %parallel_loop3A_769 {strides = array<i32>} : memref<16x1024xf32, #tpu.memory_space<vmem>>, vector<1x16xf32>,
        %parallel_loop3A_770 = arith.index_cast %parallel_loop3A_181 : i32 to index
        %parallel_loop3A_771 = arith.constant 784 : index
        %parallel_loop3A_772 = tpu.vector_load %arg6[%parallel_loop3A_770, %parallel_loop3A_771] {strides = array<i32>} : memref<16x1024xf32, #tpu.memory_space<vmem>>, vector<1x16xf32>,
        %parallel_loop3A_773 = vector.shape_cast %parallel_loop3A_772 : vector<1x16xf32> to vector<16xf32>
        %parallel_loop3A_774 = arith.constant 3.200000e+01 : f32
        %parallel_loop3A_775 = vector.broadcast %parallel_loop3A_774 : f32 to vector<16xf32>
        %parallel_loop3A_776 = arith.mulf %parallel_loop3A_773, %parallel_loop3A_775 : vector<16xf32>
        %parallel_loop3A_777 = arith.index_cast %parallel_loop3A_181 : i32 to index
        %parallel_loop3A_778 = arith.constant 784 : index
        %parallel_loop3A_779 = tpu.vector_load %arg6[%parallel_loop3A_777, %parallel_loop3A_778] {strides = array<i32>} : memref<16x1024xf32, #tpu.memory_space<vmem>>, vector<1x16xf32>,
        %parallel_loop3A_780 = vector.shape_cast %parallel_loop3A_779 : vector<1x16xf32> to vector<16xf32>
        %parallel_loop3A_781 = vector.shape_cast %parallel_loop3A_776 : vector<16xf32> to vector<1x16xf32>
        tpu.vector_store %arg6[%parallel_loop3A_777, %parallel_loop3A_778], %parallel_loop3A_781 {strides = array<i32>} : memref<16x1024xf32, #tpu.memory_space<vmem>>, vector<1x16xf32>,
        %parallel_loop3A_782 = arith.index_cast %parallel_loop3A_181 : i32 to index
        %parallel_loop3A_783 = arith.constant 800 : index
        %parallel_loop3A_784 = tpu.vector_load %arg6[%parallel_loop3A_782, %parallel_loop3A_783] {strides = array<i32>} : memref<16x1024xf32, #tpu.memory_space<vmem>>, vector<1x16xf32>,
        %parallel_loop3A_785 = vector.shape_cast %parallel_loop3A_784 : vector<1x16xf32> to vector<16xf32>
        %parallel_loop3A_786 = arith.constant 3.200000e+01 : f32
        %parallel_loop3A_787 = vector.broadcast %parallel_loop3A_786 : f32 to vector<16xf32>
        %parallel_loop3A_788 = arith.mulf %parallel_loop3A_785, %parallel_loop3A_787 : vector<16xf32>
        %parallel_loop3A_789 = arith.index_cast %parallel_loop3A_181 : i32 to index
        %parallel_loop3A_790 = arith.constant 800 : index
        %parallel_loop3A_791 = tpu.vector_load %arg6[%parallel_loop3A_789, %parallel_loop3A_790] {strides = array<i32>} : memref<16x1024xf32, #tpu.memory_space<vmem>>, vector<1x16xf32>,
        %parallel_loop3A_792 = vector.shape_cast %parallel_loop3A_791 : vector<1x16xf32> to vector<16xf32>
        %parallel_loop3A_793 = vector.shape_cast %parallel_loop3A_788 : vector<16xf32> to vector<1x16xf32>
        tpu.vector_store %arg6[%parallel_loop3A_789, %parallel_loop3A_790], %parallel_loop3A_793 {strides = array<i32>} : memref<16x1024xf32, #tpu.memory_space<vmem>>, vector<1x16xf32>,
        %parallel_loop3A_794 = arith.index_cast %parallel_loop3A_181 : i32 to index
        %parallel_loop3A_795 = arith.constant 816 : index
        %parallel_loop3A_796 = tpu.vector_load %arg6[%parallel_loop3A_794, %parallel_loop3A_795] {strides = array<i32>} : memref<16x1024xf32, #tpu.memory_space<vmem>>, vector<1x16xf32>,
        %parallel_loop3A_797 = vector.shape_cast %parallel_loop3A_796 : vector<1x16xf32> to vector<16xf32>
        %parallel_loop3A_798 = arith.constant 3.200000e+01 : f32
        %parallel_loop3A_799 = vector.broadcast %parallel_loop3A_798 : f32 to vector<16xf32>
        %parallel_loop3A_800 = arith.mulf %parallel_loop3A_797, %parallel_loop3A_799 : vector<16xf32>
        %parallel_loop3A_801 = arith.index_cast %parallel_loop3A_181 : i32 to index
        %parallel_loop3A_802 = arith.constant 816 : index
        %parallel_loop3A_803 = tpu.vector_load %arg6[%parallel_loop3A_801, %parallel_loop3A_802] {strides = array<i32>} : memref<16x1024xf32, #tpu.memory_space<vmem>>, vector<1x16xf32>,
        %parallel_loop3A_804 = vector.shape_cast %parallel_loop3A_803 : vector<1x16xf32> to vector<16xf32>
        %parallel_loop3A_805 = vector.shape_cast %parallel_loop3A_800 : vector<16xf32> to vector<1x16xf32>
        tpu.vector_store %arg6[%parallel_loop3A_801, %parallel_loop3A_802], %parallel_loop3A_805 {strides = array<i32>} : memref<16x1024xf32, #tpu.memory_space<vmem>>, vector<1x16xf32>,
        %parallel_loop3A_806 = arith.index_cast %parallel_loop3A_181 : i32 to index
        %parallel_loop3A_807 = arith.constant 832 : index
        %parallel_loop3A_808 = tpu.vector_load %arg6[%parallel_loop3A_806, %parallel_loop3A_807] {strides = array<i32>} : memref<16x1024xf32, #tpu.memory_space<vmem>>, vector<1x16xf32>,
        %parallel_loop3A_809 = vector.shape_cast %parallel_loop3A_808 : vector<1x16xf32> to vector<16xf32>
        %parallel_loop3A_810 = arith.constant 3.200000e+01 : f32
        %parallel_loop3A_811 = vector.broadcast %parallel_loop3A_810 : f32 to vector<16xf32>
        %parallel_loop3A_812 = arith.mulf %parallel_loop3A_809, %parallel_loop3A_811 : vector<16xf32>
        %parallel_loop3A_813 = arith.index_cast %parallel_loop3A_181 : i32 to index
        %parallel_loop3A_814 = arith.constant 832 : index
        %parallel_loop3A_815 = tpu.vector_load %arg6[%parallel_loop3A_813, %parallel_loop3A_814] {strides = array<i32>} : memref<16x1024xf32, #tpu.memory_space<vmem>>, vector<1x16xf32>,
        %parallel_loop3A_816 = vector.shape_cast %parallel_loop3A_815 : vector<1x16xf32> to vector<16xf32>
        %parallel_loop3A_817 = vector.shape_cast %parallel_loop3A_812 : vector<16xf32> to vector<1x16xf32>
        tpu.vector_store %arg6[%parallel_loop3A_813, %parallel_loop3A_814], %parallel_loop3A_817 {strides = array<i32>} : memref<16x1024xf32, #tpu.memory_space<vmem>>, vector<1x16xf32>,
        %parallel_loop3A_818 = arith.index_cast %parallel_loop3A_181 : i32 to index
        %parallel_loop3A_819 = arith.constant 848 : index
        %parallel_loop3A_820 = tpu.vector_load %arg6[%parallel_loop3A_818, %parallel_loop3A_819] {strides = array<i32>} : memref<16x1024xf32, #tpu.memory_space<vmem>>, vector<1x16xf32>,
        %parallel_loop3A_821 = vector.shape_cast %parallel_loop3A_820 : vector<1x16xf32> to vector<16xf32>
        %parallel_loop3A_822 = arith.constant 3.200000e+01 : f32
        %parallel_loop3A_823 = vector.broadcast %parallel_loop3A_822 : f32 to vector<16xf32>
        %parallel_loop3A_824 = arith.mulf %parallel_loop3A_821, %parallel_loop3A_823 : vector<16xf32>
        %parallel_loop3A_825 = arith.index_cast %parallel_loop3A_181 : i32 to index
        %parallel_loop3A_826 = arith.constant 848 : index
        %parallel_loop3A_827 = tpu.vector_load %arg6[%parallel_loop3A_825, %parallel_loop3A_826] {strides = array<i32>} : memref<16x1024xf32, #tpu.memory_space<vmem>>, vector<1x16xf32>,
        %parallel_loop3A_828 = vector.shape_cast %parallel_loop3A_827 : vector<1x16xf32> to vector<16xf32>
        %parallel_loop3A_829 = vector.shape_cast %parallel_loop3A_824 : vector<16xf32> to vector<1x16xf32>
        tpu.vector_store %arg6[%parallel_loop3A_825, %parallel_loop3A_826], %parallel_loop3A_829 {strides = array<i32>} : memref<16x1024xf32, #tpu.memory_space<vmem>>, vector<1x16xf32>,
        %parallel_loop3A_830 = arith.index_cast %parallel_loop3A_181 : i32 to index
        %parallel_loop3A_831 = arith.constant 864 : index
        %parallel_loop3A_832 = tpu.vector_load %arg6[%parallel_loop3A_830, %parallel_loop3A_831] {strides = array<i32>} : memref<16x1024xf32, #tpu.memory_space<vmem>>, vector<1x16xf32>,
        %parallel_loop3A_833 = vector.shape_cast %parallel_loop3A_832 : vector<1x16xf32> to vector<16xf32>
        %parallel_loop3A_834 = arith.constant 3.200000e+01 : f32
        %parallel_loop3A_835 = vector.broadcast %parallel_loop3A_834 : f32 to vector<16xf32>
        %parallel_loop3A_836 = arith.mulf %parallel_loop3A_833, %parallel_loop3A_835 : vector<16xf32>
        %parallel_loop3A_837 = arith.index_cast %parallel_loop3A_181 : i32 to index
        %parallel_loop3A_838 = arith.constant 864 : index
        %parallel_loop3A_839 = tpu.vector_load %arg6[%parallel_loop3A_837, %parallel_loop3A_838] {strides = array<i32>} : memref<16x1024xf32, #tpu.memory_space<vmem>>, vector<1x16xf32>,
        %parallel_loop3A_840 = vector.shape_cast %parallel_loop3A_839 : vector<1x16xf32> to vector<16xf32>
        %parallel_loop3A_841 = vector.shape_cast %parallel_loop3A_836 : vector<16xf32> to vector<1x16xf32>
        tpu.vector_store %arg6[%parallel_loop3A_837, %parallel_loop3A_838], %parallel_loop3A_841 {strides = array<i32>} : memref<16x1024xf32, #tpu.memory_space<vmem>>, vector<1x16xf32>,
        %parallel_loop3A_842 = arith.index_cast %parallel_loop3A_181 : i32 to index
        %parallel_loop3A_843 = arith.constant 880 : index
        %parallel_loop3A_844 = tpu.vector_load %arg6[%parallel_loop3A_842, %parallel_loop3A_843] {strides = array<i32>} : memref<16x1024xf32, #tpu.memory_space<vmem>>, vector<1x16xf32>,
        %parallel_loop3A_845 = vector.shape_cast %parallel_loop3A_844 : vector<1x16xf32> to vector<16xf32>
        %parallel_loop3A_846 = arith.constant 3.200000e+01 : f32
        %parallel_loop3A_847 = vector.broadcast %parallel_loop3A_846 : f32 to vector<16xf32>
        %parallel_loop3A_848 = arith.mulf %parallel_loop3A_845, %parallel_loop3A_847 : vector<16xf32>
        %parallel_loop3A_849 = arith.index_cast %parallel_loop3A_181 : i32 to index
        %parallel_loop3A_850 = arith.constant 880 : index
        %parallel_loop3A_851 = tpu.vector_load %arg6[%parallel_loop3A_849, %parallel_loop3A_850] {strides = array<i32>} : memref<16x1024xf32, #tpu.memory_space<vmem>>, vector<1x16xf32>,
        %parallel_loop3A_852 = vector.shape_cast %parallel_loop3A_851 : vector<1x16xf32> to vector<16xf32>
        %parallel_loop3A_853 = vector.shape_cast %parallel_loop3A_848 : vector<16xf32> to vector<1x16xf32>
        tpu.vector_store %arg6[%parallel_loop3A_849, %parallel_loop3A_850], %parallel_loop3A_853 {strides = array<i32>} : memref<16x1024xf32, #tpu.memory_space<vmem>>, vector<1x16xf32>,
        %parallel_loop3A_854 = arith.index_cast %parallel_loop3A_181 : i32 to index
        %parallel_loop3A_855 = arith.constant 896 : index
        %parallel_loop3A_856 = tpu.vector_load %arg6[%parallel_loop3A_854, %parallel_loop3A_855] {strides = array<i32>} : memref<16x1024xf32, #tpu.memory_space<vmem>>, vector<1x16xf32>,
        %parallel_loop3A_857 = vector.shape_cast %parallel_loop3A_856 : vector<1x16xf32> to vector<16xf32>
        %parallel_loop3A_858 = arith.constant 3.200000e+01 : f32
        %parallel_loop3A_859 = vector.broadcast %parallel_loop3A_858 : f32 to vector<16xf32>
        %parallel_loop3A_860 = arith.mulf %parallel_loop3A_857, %parallel_loop3A_859 : vector<16xf32>
        %parallel_loop3A_861 = arith.index_cast %parallel_loop3A_181 : i32 to index
        %parallel_loop3A_862 = arith.constant 896 : index
        %parallel_loop3A_863 = tpu.vector_load %arg6[%parallel_loop3A_861, %parallel_loop3A_862] {strides = array<i32>} : memref<16x1024xf32, #tpu.memory_space<vmem>>, vector<1x16xf32>,
        %parallel_loop3A_864 = vector.shape_cast %parallel_loop3A_863 : vector<1x16xf32> to vector<16xf32>
        %parallel_loop3A_865 = vector.shape_cast %parallel_loop3A_860 : vector<16xf32> to vector<1x16xf32>
        tpu.vector_store %arg6[%parallel_loop3A_861, %parallel_loop3A_862], %parallel_loop3A_865 {strides = array<i32>} : memref<16x1024xf32, #tpu.memory_space<vmem>>, vector<1x16xf32>,
        %parallel_loop3A_866 = arith.index_cast %parallel_loop3A_181 : i32 to index
        %parallel_loop3A_867 = arith.constant 912 : index
        %parallel_loop3A_868 = tpu.vector_load %arg6[%parallel_loop3A_866, %parallel_loop3A_867] {strides = array<i32>} : memref<16x1024xf32, #tpu.memory_space<vmem>>, vector<1x16xf32>,
        %parallel_loop3A_869 = vector.shape_cast %parallel_loop3A_868 : vector<1x16xf32> to vector<16xf32>
        %parallel_loop3A_870 = arith.constant 3.200000e+01 : f32
        %parallel_loop3A_871 = vector.broadcast %parallel_loop3A_870 : f32 to vector<16xf32>
        %parallel_loop3A_872 = arith.mulf %parallel_loop3A_869, %parallel_loop3A_871 : vector<16xf32>
        %parallel_loop3A_873 = arith.index_cast %parallel_loop3A_181 : i32 to index
        %parallel_loop3A_874 = arith.constant 912 : index
        %parallel_loop3A_875 = tpu.vector_load %arg6[%parallel_loop3A_873, %parallel_loop3A_874] {strides = array<i32>} : memref<16x1024xf32, #tpu.memory_space<vmem>>, vector<1x16xf32>,
        %parallel_loop3A_876 = vector.shape_cast %parallel_loop3A_875 : vector<1x16xf32> to vector<16xf32>
        %parallel_loop3A_877 = vector.shape_cast %parallel_loop3A_872 : vector<16xf32> to vector<1x16xf32>
        tpu.vector_store %arg6[%parallel_loop3A_873, %parallel_loop3A_874], %parallel_loop3A_877 {strides = array<i32>} : memref<16x1024xf32, #tpu.memory_space<vmem>>, vector<1x16xf32>,
        %parallel_loop3A_878 = arith.index_cast %parallel_loop3A_181 : i32 to index
        %parallel_loop3A_879 = arith.constant 928 : index
        %parallel_loop3A_880 = tpu.vector_load %arg6[%parallel_loop3A_878, %parallel_loop3A_879] {strides = array<i32>} : memref<16x1024xf32, #tpu.memory_space<vmem>>, vector<1x16xf32>,
        %parallel_loop3A_881 = vector.shape_cast %parallel_loop3A_880 : vector<1x16xf32> to vector<16xf32>
        %parallel_loop3A_882 = arith.constant 3.200000e+01 : f32
        %parallel_loop3A_883 = vector.broadcast %parallel_loop3A_882 : f32 to vector<16xf32>
        %parallel_loop3A_884 = arith.mulf %parallel_loop3A_881, %parallel_loop3A_883 : vector<16xf32>
        %parallel_loop3A_885 = arith.index_cast %parallel_loop3A_181 : i32 to index
        %parallel_loop3A_886 = arith.constant 928 : index
        %parallel_loop3A_887 = tpu.vector_load %arg6[%parallel_loop3A_885, %parallel_loop3A_886] {strides = array<i32>} : memref<16x1024xf32, #tpu.memory_space<vmem>>, vector<1x16xf32>,
        %parallel_loop3A_888 = vector.shape_cast %parallel_loop3A_887 : vector<1x16xf32> to vector<16xf32>
        %parallel_loop3A_889 = vector.shape_cast %parallel_loop3A_884 : vector<16xf32> to vector<1x16xf32>
        tpu.vector_store %arg6[%parallel_loop3A_885, %parallel_loop3A_886], %parallel_loop3A_889 {strides = array<i32>} : memref<16x1024xf32, #tpu.memory_space<vmem>>, vector<1x16xf32>,
        %parallel_loop3A_890 = arith.index_cast %parallel_loop3A_181 : i32 to index
        %parallel_loop3A_891 = arith.constant 944 : index
        %parallel_loop3A_892 = tpu.vector_load %arg6[%parallel_loop3A_890, %parallel_loop3A_891] {strides = array<i32>} : memref<16x1024xf32, #tpu.memory_space<vmem>>, vector<1x16xf32>,
        %parallel_loop3A_893 = vector.shape_cast %parallel_loop3A_892 : vector<1x16xf32> to vector<16xf32>
        %parallel_loop3A_894 = arith.constant 3.200000e+01 : f32
        %parallel_loop3A_895 = vector.broadcast %parallel_loop3A_894 : f32 to vector<16xf32>
        %parallel_loop3A_896 = arith.mulf %parallel_loop3A_893, %parallel_loop3A_895 : vector<16xf32>
        %parallel_loop3A_897 = arith.index_cast %parallel_loop3A_181 : i32 to index
        %parallel_loop3A_898 = arith.constant 944 : index
        %parallel_loop3A_899 = tpu.vector_load %arg6[%parallel_loop3A_897, %parallel_loop3A_898] {strides = array<i32>} : memref<16x1024xf32, #tpu.memory_space<vmem>>, vector<1x16xf32>,
        %parallel_loop3A_900 = vector.shape_cast %parallel_loop3A_899 : vector<1x16xf32> to vector<16xf32>
        %parallel_loop3A_901 = vector.shape_cast %parallel_loop3A_896 : vector<16xf32> to vector<1x16xf32>
        tpu.vector_store %arg6[%parallel_loop3A_897, %parallel_loop3A_898], %parallel_loop3A_901 {strides = array<i32>} : memref<16x1024xf32, #tpu.memory_space<vmem>>, vector<1x16xf32>,
        %parallel_loop3A_902 = arith.index_cast %parallel_loop3A_181 : i32 to index
        %parallel_loop3A_903 = arith.constant 960 : index
        %parallel_loop3A_904 = tpu.vector_load %arg6[%parallel_loop3A_902, %parallel_loop3A_903] {strides = array<i32>} : memref<16x1024xf32, #tpu.memory_space<vmem>>, vector<1x16xf32>,
        %parallel_loop3A_905 = vector.shape_cast %parallel_loop3A_904 : vector<1x16xf32> to vector<16xf32>
        %parallel_loop3A_906 = arith.constant 3.200000e+01 : f32
        %parallel_loop3A_907 = vector.broadcast %parallel_loop3A_906 : f32 to vector<16xf32>
        %parallel_loop3A_908 = arith.mulf %parallel_loop3A_905, %parallel_loop3A_907 : vector<16xf32>
        %parallel_loop3A_909 = arith.index_cast %parallel_loop3A_181 : i32 to index
        %parallel_loop3A_910 = arith.constant 960 : index
        %parallel_loop3A_911 = tpu.vector_load %arg6[%parallel_loop3A_909, %parallel_loop3A_910] {strides = array<i32>} : memref<16x1024xf32, #tpu.memory_space<vmem>>, vector<1x16xf32>,
        %parallel_loop3A_912 = vector.shape_cast %parallel_loop3A_911 : vector<1x16xf32> to vector<16xf32>
        %parallel_loop3A_913 = vector.shape_cast %parallel_loop3A_908 : vector<16xf32> to vector<1x16xf32>
        tpu.vector_store %arg6[%parallel_loop3A_909, %parallel_loop3A_910], %parallel_loop3A_913 {strides = array<i32>} : memref<16x1024xf32, #tpu.memory_space<vmem>>, vector<1x16xf32>,
        %parallel_loop3A_914 = arith.index_cast %parallel_loop3A_181 : i32 to index
        %parallel_loop3A_915 = arith.constant 976 : index
        %parallel_loop3A_916 = tpu.vector_load %arg6[%parallel_loop3A_914, %parallel_loop3A_915] {strides = array<i32>} : memref<16x1024xf32, #tpu.memory_space<vmem>>, vector<1x16xf32>,
        %parallel_loop3A_917 = vector.shape_cast %parallel_loop3A_916 : vector<1x16xf32> to vector<16xf32>
        %parallel_loop3A_918 = arith.constant 3.200000e+01 : f32
        %parallel_loop3A_919 = vector.broadcast %parallel_loop3A_918 : f32 to vector<16xf32>
        %parallel_loop3A_920 = arith.mulf %parallel_loop3A_917, %parallel_loop3A_919 : vector<16xf32>
        %parallel_loop3A_921 = arith.index_cast %parallel_loop3A_181 : i32 to index
        %parallel_loop3A_922 = arith.constant 976 : index
        %parallel_loop3A_923 = tpu.vector_load %arg6[%parallel_loop3A_921, %parallel_loop3A_922] {strides = array<i32>} : memref<16x1024xf32, #tpu.memory_space<vmem>>, vector<1x16xf32>,
        %parallel_loop3A_924 = vector.shape_cast %parallel_loop3A_923 : vector<1x16xf32> to vector<16xf32>
        %parallel_loop3A_925 = vector.shape_cast %parallel_loop3A_920 : vector<16xf32> to vector<1x16xf32>
        tpu.vector_store %arg6[%parallel_loop3A_921, %parallel_loop3A_922], %parallel_loop3A_925 {strides = array<i32>} : memref<16x1024xf32, #tpu.memory_space<vmem>>, vector<1x16xf32>,
        %parallel_loop3A_926 = arith.index_cast %parallel_loop3A_181 : i32 to index
        %parallel_loop3A_927 = arith.constant 992 : index
        %parallel_loop3A_928 = tpu.vector_load %arg6[%parallel_loop3A_926, %parallel_loop3A_927] {strides = array<i32>} : memref<16x1024xf32, #tpu.memory_space<vmem>>, vector<1x16xf32>,
        %parallel_loop3A_929 = vector.shape_cast %parallel_loop3A_928 : vector<1x16xf32> to vector<16xf32>
        %parallel_loop3A_930 = arith.constant 3.200000e+01 : f32
        %parallel_loop3A_931 = vector.broadcast %parallel_loop3A_930 : f32 to vector<16xf32>
        %parallel_loop3A_932 = arith.mulf %parallel_loop3A_929, %parallel_loop3A_931 : vector<16xf32>
        %parallel_loop3A_933 = arith.index_cast %parallel_loop3A_181 : i32 to index
        %parallel_loop3A_934 = arith.constant 992 : index
        %parallel_loop3A_935 = tpu.vector_load %arg6[%parallel_loop3A_933, %parallel_loop3A_934] {strides = array<i32>} : memref<16x1024xf32, #tpu.memory_space<vmem>>, vector<1x16xf32>,
        %parallel_loop3A_936 = vector.shape_cast %parallel_loop3A_935 : vector<1x16xf32> to vector<16xf32>
        %parallel_loop3A_937 = vector.shape_cast %parallel_loop3A_932 : vector<16xf32> to vector<1x16xf32>
        tpu.vector_store %arg6[%parallel_loop3A_933, %parallel_loop3A_934], %parallel_loop3A_937 {strides = array<i32>} : memref<16x1024xf32, #tpu.memory_space<vmem>>, vector<1x16xf32>,
        %parallel_loop3A_938 = arith.index_cast %parallel_loop3A_181 : i32 to index
        %parallel_loop3A_939 = arith.constant 1008 : index
        %parallel_loop3A_940 = tpu.vector_load %arg6[%parallel_loop3A_938, %parallel_loop3A_939] {strides = array<i32>} : memref<16x1024xf32, #tpu.memory_space<vmem>>, vector<1x16xf32>,
        %parallel_loop3A_941 = vector.shape_cast %parallel_loop3A_940 : vector<1x16xf32> to vector<16xf32>
        %parallel_loop3A_942 = arith.constant 3.200000e+01 : f32
        %parallel_loop3A_943 = vector.broadcast %parallel_loop3A_942 : f32 to vector<16xf32>
        %parallel_loop3A_944 = arith.mulf %parallel_loop3A_941, %parallel_loop3A_943 : vector<16xf32>
        %parallel_loop3A_945 = arith.index_cast %parallel_loop3A_181 : i32 to index
        %parallel_loop3A_946 = arith.constant 1008 : index
        %parallel_loop3A_947 = tpu.vector_load %arg6[%parallel_loop3A_945, %parallel_loop3A_946] {strides = array<i32>} : memref<16x1024xf32, #tpu.memory_space<vmem>>, vector<1x16xf32>,
        %parallel_loop3A_948 = vector.shape_cast %parallel_loop3A_947 : vector<1x16xf32> to vector<16xf32>
        %parallel_loop3A_949 = vector.shape_cast %parallel_loop3A_944 : vector<16xf32> to vector<1x16xf32>
        tpu.vector_store %arg6[%parallel_loop3A_945, %parallel_loop3A_946], %parallel_loop3A_949 {strides = array<i32>} : memref<16x1024xf32, #tpu.memory_space<vmem>>, vector<1x16xf32>,
      } {sc.loop_unroll_factor = 1 : i64, sc.parallel_access}
      %ge3A = arith.constant 2 : i32
      %ge3A_58 = arith.cmpi sge, %add3A_45, %ge3A : i32
      %convert_element_type3A_59 = arith.extui %ge3A_58 : i1 to i32
      %cond3A_60 = arith.constant 0 : i32
      %cond3A_61 = arith.cmpi ne, %convert_element_type3A_59, %cond3A_60 : i32
      scf.if %cond3A_61 {
        %sub3A = arith.constant 2 : i32
        %sub3A_181 = arith.subi %add3A_45, %sub3A : i32
        %mul3A_182 = arith.constant 16 : i32
        %mul3A_183 = arith.muli %sub3A_181, %mul3A_182 : i32
        %add3A_184 = arith.addi %mul3A_2, %mul3A_183 : i32
        %dma_wait3A_185 = arith.constant 0 : i32
        %dma_wait3A_186 = arith.constant 0 : i32
        %dma_wait3A_187 = tpu.memref_slice %arg4[%add3A_184, %dma_wait3A_186] : memref<32768x1024xf32, #tpu.memory_space<hbm>> -> memref<16x1024xf32, #tpu.memory_space<hbm>>
        %dma_wait3A_188 = arith.constant 0 : i32
        %dma_wait3A_189 = arith.constant 0 : i32
        %dma_wait3A_190 = tpu.memref_slice %arg10[%arg1, %dma_wait3A_185, %dma_wait3A_188, %dma_wait3A_189] : memref<16x2x16x1024xf32, #tpu.memory_space<vmem_shared>> -> memref<1x1x16x1024xf32, #tpu.memory_space<vmem_shared>>
        %dma_wait3A_191 = tpu.memref_squeeze %dma_wait3A_190 : memref<1x1x16x1024xf32, #tpu.memory_space<vmem_shared>> -> memref<16x1024xf32, #tpu.memory_space<vmem_shared>>
        tpu.wait_dma2 semaphore(%arg15 : memref<!tpu.dma_semaphore, #tpu.memory_space<semaphore_mem>>) src(%dma_wait3A_191 : memref<16x1024xf32, #tpu.memory_space<vmem_shared>>) dst(%dma_wait3A_187 : memref<16x1024xf32, #tpu.memory_space<hbm>>)
      } else {
      }
      %run_scoped3A = arith.constant 0 : i32
      "tpu.region"() ({
        %run_scoped3A_181 = tpu.sem_alloc : memref<!tpu.dma_semaphore, #tpu.memory_space<semaphore_mem>>
        %dma_start3A_182 = arith.constant 0 : i32
        %dma_start3A_183 = arith.constant 0 : i32
        %dma_start3A_184 = tpu.memref_slice %arg10[%arg1, %run_scoped3A, %dma_start3A_182, %dma_start3A_183] : memref<16x2x16x1024xf32, #tpu.memory_space<vmem_shared>> -> memref<1x1x16x1024xf32, #tpu.memory_space<vmem_shared>>
        %dma_start3A_185 = tpu.memref_squeeze %dma_start3A_184 : memref<1x1x16x1024xf32, #tpu.memory_space<vmem_shared>> -> memref<16x1024xf32, #tpu.memory_space<vmem_shared>>
        %dma_start3A_186 = arith.constant 0 : i32
        %dma_start3A_187 = arith.constant 0 : i32
        %dma_start3A_188 = tpu.memref_slice %arg10[%arg1, %run_scoped3A, %dma_start3A_186, %dma_start3A_187] : memref<16x2x16x1024xf32, #tpu.memory_space<vmem_shared>> -> memref<1x1x16x1024xf32, #tpu.memory_space<vmem_shared>>
        %dma_start3A_189 = tpu.memref_squeeze %dma_start3A_188 : memref<1x1x16x1024xf32, #tpu.memory_space<vmem_shared>> -> memref<16x1024xf32, #tpu.memory_space<vmem_shared>>
        tpu.enqueue_dma source(%arg6 : memref<16x1024xf32, #tpu.memory_space<vmem>>) target(%dma_start3A_189 : memref<16x1024xf32, #tpu.memory_space<vmem_shared>>) target_semaphore(%run_scoped3A_181 : memref<!tpu.dma_semaphore, #tpu.memory_space<semaphore_mem>>)
        %dma_wait3A_190 = arith.constant 0 : i32
        %dma_wait3A_191 = arith.constant 0 : i32
        %dma_wait3A_192 = tpu.memref_slice %arg10[%arg1, %run_scoped3A, %dma_wait3A_190, %dma_wait3A_191] : memref<16x2x16x1024xf32, #tpu.memory_space<vmem_shared>> -> memref<1x1x16x1024xf32, #tpu.memory_space<vmem_shared>>
        %dma_wait3A_193 = tpu.memref_squeeze %dma_wait3A_192 : memref<1x1x16x1024xf32, #tpu.memory_space<vmem_shared>> -> memref<16x1024xf32, #tpu.memory_space<vmem_shared>>
        %dma_wait3A_194 = arith.constant 0 : i32
        %dma_wait3A_195 = arith.constant 0 : i32
        %dma_wait3A_196 = tpu.memref_slice %arg10[%arg1, %run_scoped3A, %dma_wait3A_194, %dma_wait3A_195] : memref<16x2x16x1024xf32, #tpu.memory_space<vmem_shared>> -> memref<1x1x16x1024xf32, #tpu.memory_space<vmem_shared>>
        %dma_wait3A_197 = tpu.memref_squeeze %dma_wait3A_196 : memref<1x1x16x1024xf32, #tpu.memory_space<vmem_shared>> -> memref<16x1024xf32, #tpu.memory_space<vmem_shared>>
        tpu.wait_dma2 semaphore(%run_scoped3A_181 : memref<!tpu.dma_semaphore, #tpu.memory_space<semaphore_mem>>) src(%arg6 : memref<16x1024xf32, #tpu.memory_space<vmem>>) dst(%dma_wait3A_197 : memref<16x1024xf32, #tpu.memory_space<vmem_shared>>)
        tpu.yield
      }) : () -> ()
      %mul3A_62 = arith.constant 16 : i32
      %mul3A_63 = arith.muli %add3A_45, %mul3A_62 : i32
      %add3A_64 = arith.addi %mul3A_2, %mul3A_63 : i32
      %dma_start3A_65 = arith.constant 0 : i32
      %dma_start3A_66 = arith.constant 0 : i32
      %dma_start3A_67 = tpu.memref_slice %arg4[%add3A_64, %dma_start3A_66] : memref<32768x1024xf32, #tpu.memory_space<hbm>> -> memref<16x1024xf32, #tpu.memory_space<hbm>>
      %dma_start3A_68 = arith.constant 0 : i32
      %dma_start3A_69 = arith.constant 0 : i32
      %dma_start3A_70 = tpu.memref_slice %arg10[%arg1, %dma_start3A_65, %dma_start3A_68, %dma_start3A_69] : memref<16x2x16x1024xf32, #tpu.memory_space<vmem_shared>> -> memref<1x1x16x1024xf32, #tpu.memory_space<vmem_shared>>
      %dma_start3A_71 = tpu.memref_squeeze %dma_start3A_70 : memref<1x1x16x1024xf32, #tpu.memory_space<vmem_shared>> -> memref<16x1024xf32, #tpu.memory_space<vmem_shared>>
      tpu.enqueue_dma source(%dma_start3A_71 : memref<16x1024xf32, #tpu.memory_space<vmem_shared>>) target(%dma_start3A_67 : memref<16x1024xf32, #tpu.memory_space<hbm>>) target_semaphore(%arg15 : memref<!tpu.dma_semaphore, #tpu.memory_space<semaphore_mem>>)
      %mul3A_72 = arith.constant 4 : i32
      %mul3A_73 = arith.muli %scan3A_40, %mul3A_72 : i32
      %add3A_74 = arith.constant 1 : i32
      %add3A_75 = arith.addi %mul3A_73, %add3A_74 : i32
      %add3A_76 = arith.constant 3 : i32
      %add3A_77 = arith.addi %add3A_75, %add3A_76 : i32
      %lt3A_78 = arith.constant 64 : i32
      %lt3A_79 = arith.cmpi slt, %add3A_77, %lt3A_78 : i32
      %convert_element_type3A_80 = arith.extui %lt3A_79 : i1 to i32
      %cond3A_81 = arith.constant 0 : i32
      %cond3A_82 = arith.cmpi ne, %convert_element_type3A_80, %cond3A_81 : i32
      scf.if %cond3A_82 {
        %add3A_181 = arith.constant 3 : i32
        %add3A_182 = arith.addi %add3A_75, %add3A_181 : i32
        %mul3A_183 = arith.constant 16 : i32
        %mul3A_184 = arith.muli %add3A_182, %mul3A_183 : i32
        %dma_start3A_185 = tpu.memref_slice %arg5[%mul3A_184] : memref<1024xi32, #tpu.memory_space<vmem>> -> memref<16xi32, #tpu.memory_space<vmem>>
        %dma_start3A_186 = arith.constant 0 : i32
        %dma_start3A_187 = arith.constant 0 : i32
        %dma_start3A_188 = tpu.memref_slice %arg3[%dma_start3A_186, %dma_start3A_187] : memref<100000x1024xf32, #tpu.memory_space<hbm>> -> memref<100000x1024xf32, #tpu.memory_space<hbm>>
        tpu.enqueue_indirect_dma source(%dma_start3A_188 : memref<100000x1024xf32, #tpu.memory_space<hbm>>) target(%arg6 : memref<16x1024xf32, #tpu.memory_space<vmem>>) offsets(%dma_start3A_185 : memref<16xi32, #tpu.memory_space<vmem>>) semaphore(%arg11 : memref<!tpu.dma_semaphore, #tpu.memory_space<semaphore_mem>>)
      } else {
      }
      %mul3A_83 = arith.constant 16 : i32
      %mul3A_84 = arith.muli %add3A_75, %mul3A_83 : i32
      %dma_wait3A_85 = tpu.memref_slice %arg5[%mul3A_84] : memref<1024xi32, #tpu.memory_space<vmem>> -> memref<16xi32, #tpu.memory_space<vmem>>
      %dma_wait3A_86 = arith.constant 0 : i32
      %dma_wait3A_87 = arith.constant 0 : i32
      %dma_wait3A_88 = tpu.memref_slice %arg3[%dma_wait3A_86, %dma_wait3A_87] : memref<100000x1024xf32, #tpu.memory_space<hbm>> -> memref<100000x1024xf32, #tpu.memory_space<hbm>>
      tpu.wait_indirect_dma semaphore(%arg12 : memref<!tpu.dma_semaphore, #tpu.memory_space<semaphore_mem>>) src(%dma_wait3A_88 : memref<100000x1024xf32, #tpu.memory_space<hbm>>) dst(%arg7 : memref<16x1024xf32, #tpu.memory_space<vmem>>)
      %parallel_loop3A_89 = arith.constant 0 : i32
      %parallel_loop3A_90 = arith.constant 16 : i32
      %parallel_loop3A_91 = arith.constant 1 : i32
      scf.for %parallel_loop3A_181 = %parallel_loop3A_89 to %parallel_loop3A_90 step %parallel_loop3A_91  : i32 {
        %parallel_loop3A_182 = arith.index_cast %parallel_loop3A_181 : i32 to index
        %parallel_loop3A_183 = arith.constant 0 : index
        %parallel_loop3A_184 = tpu.vector_load %arg7[%parallel_loop3A_182, %parallel_loop3A_183] {strides = array<i32>} : memref<16x1024xf32, #tpu.memory_space<vmem>>, vector<1x16xf32>,
        %parallel_loop3A_185 = vector.shape_cast %parallel_loop3A_184 : vector<1x16xf32> to vector<16xf32>
        %parallel_loop3A_186 = arith.constant 3.200000e+01 : f32
        %parallel_loop3A_187 = vector.broadcast %parallel_loop3A_186 : f32 to vector<16xf32>
        %parallel_loop3A_188 = arith.mulf %parallel_loop3A_185, %parallel_loop3A_187 : vector<16xf32>
        %parallel_loop3A_189 = arith.index_cast %parallel_loop3A_181 : i32 to index
        %parallel_loop3A_190 = arith.constant 0 : index
        %parallel_loop3A_191 = tpu.vector_load %arg7[%parallel_loop3A_189, %parallel_loop3A_190] {strides = array<i32>} : memref<16x1024xf32, #tpu.memory_space<vmem>>, vector<1x16xf32>,
        %parallel_loop3A_192 = vector.shape_cast %parallel_loop3A_191 : vector<1x16xf32> to vector<16xf32>
        %parallel_loop3A_193 = vector.shape_cast %parallel_loop3A_188 : vector<16xf32> to vector<1x16xf32>
        tpu.vector_store %arg7[%parallel_loop3A_189, %parallel_loop3A_190], %parallel_loop3A_193 {strides = array<i32>} : memref<16x1024xf32, #tpu.memory_space<vmem>>, vector<1x16xf32>,
        %parallel_loop3A_194 = arith.index_cast %parallel_loop3A_181 : i32 to index
        %parallel_loop3A_195 = arith.constant 16 : index
        %parallel_loop3A_196 = tpu.vector_load %arg7[%parallel_loop3A_194, %parallel_loop3A_195] {strides = array<i32>} : memref<16x1024xf32, #tpu.memory_space<vmem>>, vector<1x16xf32>,
        %parallel_loop3A_197 = vector.shape_cast %parallel_loop3A_196 : vector<1x16xf32> to vector<16xf32>
        %parallel_loop3A_198 = arith.constant 3.200000e+01 : f32
        %parallel_loop3A_199 = vector.broadcast %parallel_loop3A_198 : f32 to vector<16xf32>
        %parallel_loop3A_200 = arith.mulf %parallel_loop3A_197, %parallel_loop3A_199 : vector<16xf32>
        %parallel_loop3A_201 = arith.index_cast %parallel_loop3A_181 : i32 to index
        %parallel_loop3A_202 = arith.constant 16 : index
        %parallel_loop3A_203 = tpu.vector_load %arg7[%parallel_loop3A_201, %parallel_loop3A_202] {strides = array<i32>} : memref<16x1024xf32, #tpu.memory_space<vmem>>, vector<1x16xf32>,
        %parallel_loop3A_204 = vector.shape_cast %parallel_loop3A_203 : vector<1x16xf32> to vector<16xf32>
        %parallel_loop3A_205 = vector.shape_cast %parallel_loop3A_200 : vector<16xf32> to vector<1x16xf32>
        tpu.vector_store %arg7[%parallel_loop3A_201, %parallel_loop3A_202], %parallel_loop3A_205 {strides = array<i32>} : memref<16x1024xf32, #tpu.memory_space<vmem>>, vector<1x16xf32>,
        %parallel_loop3A_206 = arith.index_cast %parallel_loop3A_181 : i32 to index
        %parallel_loop3A_207 = arith.constant 32 : index
        %parallel_loop3A_208 = tpu.vector_load %arg7[%parallel_loop3A_206, %parallel_loop3A_207] {strides = array<i32>} : memref<16x1024xf32, #tpu.memory_space<vmem>>, vector<1x16xf32>,
        %parallel_loop3A_209 = vector.shape_cast %parallel_loop3A_208 : vector<1x16xf32> to vector<16xf32>
        %parallel_loop3A_210 = arith.constant 3.200000e+01 : f32
        %parallel_loop3A_211 = vector.broadcast %parallel_loop3A_210 : f32 to vector<16xf32>
        %parallel_loop3A_212 = arith.mulf %parallel_loop3A_209, %parallel_loop3A_211 : vector<16xf32>
        %parallel_loop3A_213 = arith.index_cast %parallel_loop3A_181 : i32 to index
        %parallel_loop3A_214 = arith.constant 32 : index
        %parallel_loop3A_215 = tpu.vector_load %arg7[%parallel_loop3A_213, %parallel_loop3A_214] {strides = array<i32>} : memref<16x1024xf32, #tpu.memory_space<vmem>>, vector<1x16xf32>,
        %parallel_loop3A_216 = vector.shape_cast %parallel_loop3A_215 : vector<1x16xf32> to vector<16xf32>
        %parallel_loop3A_217 = vector.shape_cast %parallel_loop3A_212 : vector<16xf32> to vector<1x16xf32>
        tpu.vector_store %arg7[%parallel_loop3A_213, %parallel_loop3A_214], %parallel_loop3A_217 {strides = array<i32>} : memref<16x1024xf32, #tpu.memory_space<vmem>>, vector<1x16xf32>,
        %parallel_loop3A_218 = arith.index_cast %parallel_loop3A_181 : i32 to index
        %parallel_loop3A_219 = arith.constant 48 : index
        %parallel_loop3A_220 = tpu.vector_load %arg7[%parallel_loop3A_218, %parallel_loop3A_219] {strides = array<i32>} : memref<16x1024xf32, #tpu.memory_space<vmem>>, vector<1x16xf32>,
        %parallel_loop3A_221 = vector.shape_cast %parallel_loop3A_220 : vector<1x16xf32> to vector<16xf32>
        %parallel_loop3A_222 = arith.constant 3.200000e+01 : f32
        %parallel_loop3A_223 = vector.broadcast %parallel_loop3A_222 : f32 to vector<16xf32>
        %parallel_loop3A_224 = arith.mulf %parallel_loop3A_221, %parallel_loop3A_223 : vector<16xf32>
        %parallel_loop3A_225 = arith.index_cast %parallel_loop3A_181 : i32 to index
        %parallel_loop3A_226 = arith.constant 48 : index
        %parallel_loop3A_227 = tpu.vector_load %arg7[%parallel_loop3A_225, %parallel_loop3A_226] {strides = array<i32>} : memref<16x1024xf32, #tpu.memory_space<vmem>>, vector<1x16xf32>,
        %parallel_loop3A_228 = vector.shape_cast %parallel_loop3A_227 : vector<1x16xf32> to vector<16xf32>
        %parallel_loop3A_229 = vector.shape_cast %parallel_loop3A_224 : vector<16xf32> to vector<1x16xf32>
        tpu.vector_store %arg7[%parallel_loop3A_225, %parallel_loop3A_226], %parallel_loop3A_229 {strides = array<i32>} : memref<16x1024xf32, #tpu.memory_space<vmem>>, vector<1x16xf32>,
        %parallel_loop3A_230 = arith.index_cast %parallel_loop3A_181 : i32 to index
        %parallel_loop3A_231 = arith.constant 64 : index
        %parallel_loop3A_232 = tpu.vector_load %arg7[%parallel_loop3A_230, %parallel_loop3A_231] {strides = array<i32>} : memref<16x1024xf32, #tpu.memory_space<vmem>>, vector<1x16xf32>,
        %parallel_loop3A_233 = vector.shape_cast %parallel_loop3A_232 : vector<1x16xf32> to vector<16xf32>
        %parallel_loop3A_234 = arith.constant 3.200000e+01 : f32
        %parallel_loop3A_235 = vector.broadcast %parallel_loop3A_234 : f32 to vector<16xf32>
        %parallel_loop3A_236 = arith.mulf %parallel_loop3A_233, %parallel_loop3A_235 : vector<16xf32>
        %parallel_loop3A_237 = arith.index_cast %parallel_loop3A_181 : i32 to index
        %parallel_loop3A_238 = arith.constant 64 : index
        %parallel_loop3A_239 = tpu.vector_load %arg7[%parallel_loop3A_237, %parallel_loop3A_238] {strides = array<i32>} : memref<16x1024xf32, #tpu.memory_space<vmem>>, vector<1x16xf32>,
        %parallel_loop3A_240 = vector.shape_cast %parallel_loop3A_239 : vector<1x16xf32> to vector<16xf32>
        %parallel_loop3A_241 = vector.shape_cast %parallel_loop3A_236 : vector<16xf32> to vector<1x16xf32>
        tpu.vector_store %arg7[%parallel_loop3A_237, %parallel_loop3A_238], %parallel_loop3A_241 {strides = array<i32>} : memref<16x1024xf32, #tpu.memory_space<vmem>>, vector<1x16xf32>,
        %parallel_loop3A_242 = arith.index_cast %parallel_loop3A_181 : i32 to index
        %parallel_loop3A_243 = arith.constant 80 : index
        %parallel_loop3A_244 = tpu.vector_load %arg7[%parallel_loop3A_242, %parallel_loop3A_243] {strides = array<i32>} : memref<16x1024xf32, #tpu.memory_space<vmem>>, vector<1x16xf32>,
        %parallel_loop3A_245 = vector.shape_cast %parallel_loop3A_244 : vector<1x16xf32> to vector<16xf32>
        %parallel_loop3A_246 = arith.constant 3.200000e+01 : f32
        %parallel_loop3A_247 = vector.broadcast %parallel_loop3A_246 : f32 to vector<16xf32>
        %parallel_loop3A_248 = arith.mulf %parallel_loop3A_245, %parallel_loop3A_247 : vector<16xf32>
        %parallel_loop3A_249 = arith.index_cast %parallel_loop3A_181 : i32 to index
        %parallel_loop3A_250 = arith.constant 80 : index
        %parallel_loop3A_251 = tpu.vector_load %arg7[%parallel_loop3A_249, %parallel_loop3A_250] {strides = array<i32>} : memref<16x1024xf32, #tpu.memory_space<vmem>>, vector<1x16xf32>,
        %parallel_loop3A_252 = vector.shape_cast %parallel_loop3A_251 : vector<1x16xf32> to vector<16xf32>
        %parallel_loop3A_253 = vector.shape_cast %parallel_loop3A_248 : vector<16xf32> to vector<1x16xf32>
        tpu.vector_store %arg7[%parallel_loop3A_249, %parallel_loop3A_250], %parallel_loop3A_253 {strides = array<i32>} : memref<16x1024xf32, #tpu.memory_space<vmem>>, vector<1x16xf32>,
        %parallel_loop3A_254 = arith.index_cast %parallel_loop3A_181 : i32 to index
        %parallel_loop3A_255 = arith.constant 96 : index
        %parallel_loop3A_256 = tpu.vector_load %arg7[%parallel_loop3A_254, %parallel_loop3A_255] {strides = array<i32>} : memref<16x1024xf32, #tpu.memory_space<vmem>>, vector<1x16xf32>,
        %parallel_loop3A_257 = vector.shape_cast %parallel_loop3A_256 : vector<1x16xf32> to vector<16xf32>
        %parallel_loop3A_258 = arith.constant 3.200000e+01 : f32
        %parallel_loop3A_259 = vector.broadcast %parallel_loop3A_258 : f32 to vector<16xf32>
        %parallel_loop3A_260 = arith.mulf %parallel_loop3A_257, %parallel_loop3A_259 : vector<16xf32>
        %parallel_loop3A_261 = arith.index_cast %parallel_loop3A_181 : i32 to index
        %parallel_loop3A_262 = arith.constant 96 : index
        %parallel_loop3A_263 = tpu.vector_load %arg7[%parallel_loop3A_261, %parallel_loop3A_262] {strides = array<i32>} : memref<16x1024xf32, #tpu.memory_space<vmem>>, vector<1x16xf32>,
        %parallel_loop3A_264 = vector.shape_cast %parallel_loop3A_263 : vector<1x16xf32> to vector<16xf32>
        %parallel_loop3A_265 = vector.shape_cast %parallel_loop3A_260 : vector<16xf32> to vector<1x16xf32>
        tpu.vector_store %arg7[%parallel_loop3A_261, %parallel_loop3A_262], %parallel_loop3A_265 {strides = array<i32>} : memref<16x1024xf32, #tpu.memory_space<vmem>>, vector<1x16xf32>,
        %parallel_loop3A_266 = arith.index_cast %parallel_loop3A_181 : i32 to index
        %parallel_loop3A_267 = arith.constant 112 : index
        %parallel_loop3A_268 = tpu.vector_load %arg7[%parallel_loop3A_266, %parallel_loop3A_267] {strides = array<i32>} : memref<16x1024xf32, #tpu.memory_space<vmem>>, vector<1x16xf32>,
        %parallel_loop3A_269 = vector.shape_cast %parallel_loop3A_268 : vector<1x16xf32> to vector<16xf32>
        %parallel_loop3A_270 = arith.constant 3.200000e+01 : f32
        %parallel_loop3A_271 = vector.broadcast %parallel_loop3A_270 : f32 to vector<16xf32>
        %parallel_loop3A_272 = arith.mulf %parallel_loop3A_269, %parallel_loop3A_271 : vector<16xf32>
        %parallel_loop3A_273 = arith.index_cast %parallel_loop3A_181 : i32 to index
        %parallel_loop3A_274 = arith.constant 112 : index
        %parallel_loop3A_275 = tpu.vector_load %arg7[%parallel_loop3A_273, %parallel_loop3A_274] {strides = array<i32>} : memref<16x1024xf32, #tpu.memory_space<vmem>>, vector<1x16xf32>,
        %parallel_loop3A_276 = vector.shape_cast %parallel_loop3A_275 : vector<1x16xf32> to vector<16xf32>
        %parallel_loop3A_277 = vector.shape_cast %parallel_loop3A_272 : vector<16xf32> to vector<1x16xf32>
        tpu.vector_store %arg7[%parallel_loop3A_273, %parallel_loop3A_274], %parallel_loop3A_277 {strides = array<i32>} : memref<16x1024xf32, #tpu.memory_space<vmem>>, vector<1x16xf32>,
        %parallel_loop3A_278 = arith.index_cast %parallel_loop3A_181 : i32 to index
        %parallel_loop3A_279 = arith.constant 128 : index
        %parallel_loop3A_280 = tpu.vector_load %arg7[%parallel_loop3A_278, %parallel_loop3A_279] {strides = array<i32>} : memref<16x1024xf32, #tpu.memory_space<vmem>>, vector<1x16xf32>,
        %parallel_loop3A_281 = vector.shape_cast %parallel_loop3A_280 : vector<1x16xf32> to vector<16xf32>
        %parallel_loop3A_282 = arith.constant 3.200000e+01 : f32
        %parallel_loop3A_283 = vector.broadcast %parallel_loop3A_282 : f32 to vector<16xf32>
        %parallel_loop3A_284 = arith.mulf %parallel_loop3A_281, %parallel_loop3A_283 : vector<16xf32>
        %parallel_loop3A_285 = arith.index_cast %parallel_loop3A_181 : i32 to index
        %parallel_loop3A_286 = arith.constant 128 : index
        %parallel_loop3A_287 = tpu.vector_load %arg7[%parallel_loop3A_285, %parallel_loop3A_286] {strides = array<i32>} : memref<16x1024xf32, #tpu.memory_space<vmem>>, vector<1x16xf32>,
        %parallel_loop3A_288 = vector.shape_cast %parallel_loop3A_287 : vector<1x16xf32> to vector<16xf32>
        %parallel_loop3A_289 = vector.shape_cast %parallel_loop3A_284 : vector<16xf32> to vector<1x16xf32>
        tpu.vector_store %arg7[%parallel_loop3A_285, %parallel_loop3A_286], %parallel_loop3A_289 {strides = array<i32>} : memref<16x1024xf32, #tpu.memory_space<vmem>>, vector<1x16xf32>,
        %parallel_loop3A_290 = arith.index_cast %parallel_loop3A_181 : i32 to index
        %parallel_loop3A_291 = arith.constant 144 : index
        %parallel_loop3A_292 = tpu.vector_load %arg7[%parallel_loop3A_290, %parallel_loop3A_291] {strides = array<i32>} : memref<16x1024xf32, #tpu.memory_space<vmem>>, vector<1x16xf32>,
        %parallel_loop3A_293 = vector.shape_cast %parallel_loop3A_292 : vector<1x16xf32> to vector<16xf32>
        %parallel_loop3A_294 = arith.constant 3.200000e+01 : f32
        %parallel_loop3A_295 = vector.broadcast %parallel_loop3A_294 : f32 to vector<16xf32>
        %parallel_loop3A_296 = arith.mulf %parallel_loop3A_293, %parallel_loop3A_295 : vector<16xf32>
        %parallel_loop3A_297 = arith.index_cast %parallel_loop3A_181 : i32 to index
        %parallel_loop3A_298 = arith.constant 144 : index
        %parallel_loop3A_299 = tpu.vector_load %arg7[%parallel_loop3A_297, %parallel_loop3A_298] {strides = array<i32>} : memref<16x1024xf32, #tpu.memory_space<vmem>>, vector<1x16xf32>,
        %parallel_loop3A_300 = vector.shape_cast %parallel_loop3A_299 : vector<1x16xf32> to vector<16xf32>
        %parallel_loop3A_301 = vector.shape_cast %parallel_loop3A_296 : vector<16xf32> to vector<1x16xf32>
        tpu.vector_store %arg7[%parallel_loop3A_297, %parallel_loop3A_298], %parallel_loop3A_301 {strides = array<i32>} : memref<16x1024xf32, #tpu.memory_space<vmem>>, vector<1x16xf32>,
        %parallel_loop3A_302 = arith.index_cast %parallel_loop3A_181 : i32 to index
        %parallel_loop3A_303 = arith.constant 160 : index
        %parallel_loop3A_304 = tpu.vector_load %arg7[%parallel_loop3A_302, %parallel_loop3A_303] {strides = array<i32>} : memref<16x1024xf32, #tpu.memory_space<vmem>>, vector<1x16xf32>,
        %parallel_loop3A_305 = vector.shape_cast %parallel_loop3A_304 : vector<1x16xf32> to vector<16xf32>
        %parallel_loop3A_306 = arith.constant 3.200000e+01 : f32
        %parallel_loop3A_307 = vector.broadcast %parallel_loop3A_306 : f32 to vector<16xf32>
        %parallel_loop3A_308 = arith.mulf %parallel_loop3A_305, %parallel_loop3A_307 : vector<16xf32>
        %parallel_loop3A_309 = arith.index_cast %parallel_loop3A_181 : i32 to index
        %parallel_loop3A_310 = arith.constant 160 : index
        %parallel_loop3A_311 = tpu.vector_load %arg7[%parallel_loop3A_309, %parallel_loop3A_310] {strides = array<i32>} : memref<16x1024xf32, #tpu.memory_space<vmem>>, vector<1x16xf32>,
        %parallel_loop3A_312 = vector.shape_cast %parallel_loop3A_311 : vector<1x16xf32> to vector<16xf32>
        %parallel_loop3A_313 = vector.shape_cast %parallel_loop3A_308 : vector<16xf32> to vector<1x16xf32>
        tpu.vector_store %arg7[%parallel_loop3A_309, %parallel_loop3A_310], %parallel_loop3A_313 {strides = array<i32>} : memref<16x1024xf32, #tpu.memory_space<vmem>>, vector<1x16xf32>,
        %parallel_loop3A_314 = arith.index_cast %parallel_loop3A_181 : i32 to index
        %parallel_loop3A_315 = arith.constant 176 : index
        %parallel_loop3A_316 = tpu.vector_load %arg7[%parallel_loop3A_314, %parallel_loop3A_315] {strides = array<i32>} : memref<16x1024xf32, #tpu.memory_space<vmem>>, vector<1x16xf32>,
        %parallel_loop3A_317 = vector.shape_cast %parallel_loop3A_316 : vector<1x16xf32> to vector<16xf32>
        %parallel_loop3A_318 = arith.constant 3.200000e+01 : f32
        %parallel_loop3A_319 = vector.broadcast %parallel_loop3A_318 : f32 to vector<16xf32>
        %parallel_loop3A_320 = arith.mulf %parallel_loop3A_317, %parallel_loop3A_319 : vector<16xf32>
        %parallel_loop3A_321 = arith.index_cast %parallel_loop3A_181 : i32 to index
        %parallel_loop3A_322 = arith.constant 176 : index
        %parallel_loop3A_323 = tpu.vector_load %arg7[%parallel_loop3A_321, %parallel_loop3A_322] {strides = array<i32>} : memref<16x1024xf32, #tpu.memory_space<vmem>>, vector<1x16xf32>,
        %parallel_loop3A_324 = vector.shape_cast %parallel_loop3A_323 : vector<1x16xf32> to vector<16xf32>
        %parallel_loop3A_325 = vector.shape_cast %parallel_loop3A_320 : vector<16xf32> to vector<1x16xf32>
        tpu.vector_store %arg7[%parallel_loop3A_321, %parallel_loop3A_322], %parallel_loop3A_325 {strides = array<i32>} : memref<16x1024xf32, #tpu.memory_space<vmem>>, vector<1x16xf32>,
        %parallel_loop3A_326 = arith.index_cast %parallel_loop3A_181 : i32 to index
        %parallel_loop3A_327 = arith.constant 192 : index
        %parallel_loop3A_328 = tpu.vector_load %arg7[%parallel_loop3A_326, %parallel_loop3A_327] {strides = array<i32>} : memref<16x1024xf32, #tpu.memory_space<vmem>>, vector<1x16xf32>,
        %parallel_loop3A_329 = vector.shape_cast %parallel_loop3A_328 : vector<1x16xf32> to vector<16xf32>
        %parallel_loop3A_330 = arith.constant 3.200000e+01 : f32
        %parallel_loop3A_331 = vector.broadcast %parallel_loop3A_330 : f32 to vector<16xf32>
        %parallel_loop3A_332 = arith.mulf %parallel_loop3A_329, %parallel_loop3A_331 : vector<16xf32>
        %parallel_loop3A_333 = arith.index_cast %parallel_loop3A_181 : i32 to index
        %parallel_loop3A_334 = arith.constant 192 : index
        %parallel_loop3A_335 = tpu.vector_load %arg7[%parallel_loop3A_333, %parallel_loop3A_334] {strides = array<i32>} : memref<16x1024xf32, #tpu.memory_space<vmem>>, vector<1x16xf32>,
        %parallel_loop3A_336 = vector.shape_cast %parallel_loop3A_335 : vector<1x16xf32> to vector<16xf32>
        %parallel_loop3A_337 = vector.shape_cast %parallel_loop3A_332 : vector<16xf32> to vector<1x16xf32>
        tpu.vector_store %arg7[%parallel_loop3A_333, %parallel_loop3A_334], %parallel_loop3A_337 {strides = array<i32>} : memref<16x1024xf32, #tpu.memory_space<vmem>>, vector<1x16xf32>,
        %parallel_loop3A_338 = arith.index_cast %parallel_loop3A_181 : i32 to index
        %parallel_loop3A_339 = arith.constant 208 : index
        %parallel_loop3A_340 = tpu.vector_load %arg7[%parallel_loop3A_338, %parallel_loop3A_339] {strides = array<i32>} : memref<16x1024xf32, #tpu.memory_space<vmem>>, vector<1x16xf32>,
        %parallel_loop3A_341 = vector.shape_cast %parallel_loop3A_340 : vector<1x16xf32> to vector<16xf32>
        %parallel_loop3A_342 = arith.constant 3.200000e+01 : f32
        %parallel_loop3A_343 = vector.broadcast %parallel_loop3A_342 : f32 to vector<16xf32>
        %parallel_loop3A_344 = arith.mulf %parallel_loop3A_341, %parallel_loop3A_343 : vector<16xf32>
        %parallel_loop3A_345 = arith.index_cast %parallel_loop3A_181 : i32 to index
        %parallel_loop3A_346 = arith.constant 208 : index
        %parallel_loop3A_347 = tpu.vector_load %arg7[%parallel_loop3A_345, %parallel_loop3A_346] {strides = array<i32>} : memref<16x1024xf32, #tpu.memory_space<vmem>>, vector<1x16xf32>,
        %parallel_loop3A_348 = vector.shape_cast %parallel_loop3A_347 : vector<1x16xf32> to vector<16xf32>
        %parallel_loop3A_349 = vector.shape_cast %parallel_loop3A_344 : vector<16xf32> to vector<1x16xf32>
        tpu.vector_store %arg7[%parallel_loop3A_345, %parallel_loop3A_346], %parallel_loop3A_349 {strides = array<i32>} : memref<16x1024xf32, #tpu.memory_space<vmem>>, vector<1x16xf32>,
        %parallel_loop3A_350 = arith.index_cast %parallel_loop3A_181 : i32 to index
        %parallel_loop3A_351 = arith.constant 224 : index
        %parallel_loop3A_352 = tpu.vector_load %arg7[%parallel_loop3A_350, %parallel_loop3A_351] {strides = array<i32>} : memref<16x1024xf32, #tpu.memory_space<vmem>>, vector<1x16xf32>,
        %parallel_loop3A_353 = vector.shape_cast %parallel_loop3A_352 : vector<1x16xf32> to vector<16xf32>
        %parallel_loop3A_354 = arith.constant 3.200000e+01 : f32
        %parallel_loop3A_355 = vector.broadcast %parallel_loop3A_354 : f32 to vector<16xf32>
        %parallel_loop3A_356 = arith.mulf %parallel_loop3A_353, %parallel_loop3A_355 : vector<16xf32>
        %parallel_loop3A_357 = arith.index_cast %parallel_loop3A_181 : i32 to index
        %parallel_loop3A_358 = arith.constant 224 : index
        %parallel_loop3A_359 = tpu.vector_load %arg7[%parallel_loop3A_357, %parallel_loop3A_358] {strides = array<i32>} : memref<16x1024xf32, #tpu.memory_space<vmem>>, vector<1x16xf32>,
        %parallel_loop3A_360 = vector.shape_cast %parallel_loop3A_359 : vector<1x16xf32> to vector<16xf32>
        %parallel_loop3A_361 = vector.shape_cast %parallel_loop3A_356 : vector<16xf32> to vector<1x16xf32>
        tpu.vector_store %arg7[%parallel_loop3A_357, %parallel_loop3A_358], %parallel_loop3A_361 {strides = array<i32>} : memref<16x1024xf32, #tpu.memory_space<vmem>>, vector<1x16xf32>,
        %parallel_loop3A_362 = arith.index_cast %parallel_loop3A_181 : i32 to index
        %parallel_loop3A_363 = arith.constant 240 : index
        %parallel_loop3A_364 = tpu.vector_load %arg7[%parallel_loop3A_362, %parallel_loop3A_363] {strides = array<i32>} : memref<16x1024xf32, #tpu.memory_space<vmem>>, vector<1x16xf32>,
        %parallel_loop3A_365 = vector.shape_cast %parallel_loop3A_364 : vector<1x16xf32> to vector<16xf32>
        %parallel_loop3A_366 = arith.constant 3.200000e+01 : f32
        %parallel_loop3A_367 = vector.broadcast %parallel_loop3A_366 : f32 to vector<16xf32>
        %parallel_loop3A_368 = arith.mulf %parallel_loop3A_365, %parallel_loop3A_367 : vector<16xf32>
        %parallel_loop3A_369 = arith.index_cast %parallel_loop3A_181 : i32 to index
        %parallel_loop3A_370 = arith.constant 240 : index
        %parallel_loop3A_371 = tpu.vector_load %arg7[%parallel_loop3A_369, %parallel_loop3A_370] {strides = array<i32>} : memref<16x1024xf32, #tpu.memory_space<vmem>>, vector<1x16xf32>,
        %parallel_loop3A_372 = vector.shape_cast %parallel_loop3A_371 : vector<1x16xf32> to vector<16xf32>
        %parallel_loop3A_373 = vector.shape_cast %parallel_loop3A_368 : vector<16xf32> to vector<1x16xf32>
        tpu.vector_store %arg7[%parallel_loop3A_369, %parallel_loop3A_370], %parallel_loop3A_373 {strides = array<i32>} : memref<16x1024xf32, #tpu.memory_space<vmem>>, vector<1x16xf32>,
        %parallel_loop3A_374 = arith.index_cast %parallel_loop3A_181 : i32 to index
        %parallel_loop3A_375 = arith.constant 256 : index
        %parallel_loop3A_376 = tpu.vector_load %arg7[%parallel_loop3A_374, %parallel_loop3A_375] {strides = array<i32>} : memref<16x1024xf32, #tpu.memory_space<vmem>>, vector<1x16xf32>,
        %parallel_loop3A_377 = vector.shape_cast %parallel_loop3A_376 : vector<1x16xf32> to vector<16xf32>
        %parallel_loop3A_378 = arith.constant 3.200000e+01 : f32
        %parallel_loop3A_379 = vector.broadcast %parallel_loop3A_378 : f32 to vector<16xf32>
        %parallel_loop3A_380 = arith.mulf %parallel_loop3A_377, %parallel_loop3A_379 : vector<16xf32>
        %parallel_loop3A_381 = arith.index_cast %parallel_loop3A_181 : i32 to index
        %parallel_loop3A_382 = arith.constant 256 : index
        %parallel_loop3A_383 = tpu.vector_load %arg7[%parallel_loop3A_381, %parallel_loop3A_382] {strides = array<i32>} : memref<16x1024xf32, #tpu.memory_space<vmem>>, vector<1x16xf32>,
        %parallel_loop3A_384 = vector.shape_cast %parallel_loop3A_383 : vector<1x16xf32> to vector<16xf32>
        %parallel_loop3A_385 = vector.shape_cast %parallel_loop3A_380 : vector<16xf32> to vector<1x16xf32>
        tpu.vector_store %arg7[%parallel_loop3A_381, %parallel_loop3A_382], %parallel_loop3A_385 {strides = array<i32>} : memref<16x1024xf32, #tpu.memory_space<vmem>>, vector<1x16xf32>,
        %parallel_loop3A_386 = arith.index_cast %parallel_loop3A_181 : i32 to index
        %parallel_loop3A_387 = arith.constant 272 : index
        %parallel_loop3A_388 = tpu.vector_load %arg7[%parallel_loop3A_386, %parallel_loop3A_387] {strides = array<i32>} : memref<16x1024xf32, #tpu.memory_space<vmem>>, vector<1x16xf32>,
        %parallel_loop3A_389 = vector.shape_cast %parallel_loop3A_388 : vector<1x16xf32> to vector<16xf32>
        %parallel_loop3A_390 = arith.constant 3.200000e+01 : f32
        %parallel_loop3A_391 = vector.broadcast %parallel_loop3A_390 : f32 to vector<16xf32>
        %parallel_loop3A_392 = arith.mulf %parallel_loop3A_389, %parallel_loop3A_391 : vector<16xf32>
        %parallel_loop3A_393 = arith.index_cast %parallel_loop3A_181 : i32 to index
        %parallel_loop3A_394 = arith.constant 272 : index
        %parallel_loop3A_395 = tpu.vector_load %arg7[%parallel_loop3A_393, %parallel_loop3A_394] {strides = array<i32>} : memref<16x1024xf32, #tpu.memory_space<vmem>>, vector<1x16xf32>,
        %parallel_loop3A_396 = vector.shape_cast %parallel_loop3A_395 : vector<1x16xf32> to vector<16xf32>
        %parallel_loop3A_397 = vector.shape_cast %parallel_loop3A_392 : vector<16xf32> to vector<1x16xf32>
        tpu.vector_store %arg7[%parallel_loop3A_393, %parallel_loop3A_394], %parallel_loop3A_397 {strides = array<i32>} : memref<16x1024xf32, #tpu.memory_space<vmem>>, vector<1x16xf32>,
        %parallel_loop3A_398 = arith.index_cast %parallel_loop3A_181 : i32 to index
        %parallel_loop3A_399 = arith.constant 288 : index
        %parallel_loop3A_400 = tpu.vector_load %arg7[%parallel_loop3A_398, %parallel_loop3A_399] {strides = array<i32>} : memref<16x1024xf32, #tpu.memory_space<vmem>>, vector<1x16xf32>,
        %parallel_loop3A_401 = vector.shape_cast %parallel_loop3A_400 : vector<1x16xf32> to vector<16xf32>
        %parallel_loop3A_402 = arith.constant 3.200000e+01 : f32
        %parallel_loop3A_403 = vector.broadcast %parallel_loop3A_402 : f32 to vector<16xf32>
        %parallel_loop3A_404 = arith.mulf %parallel_loop3A_401, %parallel_loop3A_403 : vector<16xf32>
        %parallel_loop3A_405 = arith.index_cast %parallel_loop3A_181 : i32 to index
        %parallel_loop3A_406 = arith.constant 288 : index
        %parallel_loop3A_407 = tpu.vector_load %arg7[%parallel_loop3A_405, %parallel_loop3A_406] {strides = array<i32>} : memref<16x1024xf32, #tpu.memory_space<vmem>>, vector<1x16xf32>,
        %parallel_loop3A_408 = vector.shape_cast %parallel_loop3A_407 : vector<1x16xf32> to vector<16xf32>
        %parallel_loop3A_409 = vector.shape_cast %parallel_loop3A_404 : vector<16xf32> to vector<1x16xf32>
        tpu.vector_store %arg7[%parallel_loop3A_405, %parallel_loop3A_406], %parallel_loop3A_409 {strides = array<i32>} : memref<16x1024xf32, #tpu.memory_space<vmem>>, vector<1x16xf32>,
        %parallel_loop3A_410 = arith.index_cast %parallel_loop3A_181 : i32 to index
        %parallel_loop3A_411 = arith.constant 304 : index
        %parallel_loop3A_412 = tpu.vector_load %arg7[%parallel_loop3A_410, %parallel_loop3A_411] {strides = array<i32>} : memref<16x1024xf32, #tpu.memory_space<vmem>>, vector<1x16xf32>,
        %parallel_loop3A_413 = vector.shape_cast %parallel_loop3A_412 : vector<1x16xf32> to vector<16xf32>
        %parallel_loop3A_414 = arith.constant 3.200000e+01 : f32
        %parallel_loop3A_415 = vector.broadcast %parallel_loop3A_414 : f32 to vector<16xf32>
        %parallel_loop3A_416 = arith.mulf %parallel_loop3A_413, %parallel_loop3A_415 : vector<16xf32>
        %parallel_loop3A_417 = arith.index_cast %parallel_loop3A_181 : i32 to index
        %parallel_loop3A_418 = arith.constant 304 : index
        %parallel_loop3A_419 = tpu.vector_load %arg7[%parallel_loop3A_417, %parallel_loop3A_418] {strides = array<i32>} : memref<16x1024xf32, #tpu.memory_space<vmem>>, vector<1x16xf32>,
        %parallel_loop3A_420 = vector.shape_cast %parallel_loop3A_419 : vector<1x16xf32> to vector<16xf32>
        %parallel_loop3A_421 = vector.shape_cast %parallel_loop3A_416 : vector<16xf32> to vector<1x16xf32>
        tpu.vector_store %arg7[%parallel_loop3A_417, %parallel_loop3A_418], %parallel_loop3A_421 {strides = array<i32>} : memref<16x1024xf32, #tpu.memory_space<vmem>>, vector<1x16xf32>,
        %parallel_loop3A_422 = arith.index_cast %parallel_loop3A_181 : i32 to index
        %parallel_loop3A_423 = arith.constant 320 : index
        %parallel_loop3A_424 = tpu.vector_load %arg7[%parallel_loop3A_422, %parallel_loop3A_423] {strides = array<i32>} : memref<16x1024xf32, #tpu.memory_space<vmem>>, vector<1x16xf32>,
        %parallel_loop3A_425 = vector.shape_cast %parallel_loop3A_424 : vector<1x16xf32> to vector<16xf32>
        %parallel_loop3A_426 = arith.constant 3.200000e+01 : f32
        %parallel_loop3A_427 = vector.broadcast %parallel_loop3A_426 : f32 to vector<16xf32>
        %parallel_loop3A_428 = arith.mulf %parallel_loop3A_425, %parallel_loop3A_427 : vector<16xf32>
        %parallel_loop3A_429 = arith.index_cast %parallel_loop3A_181 : i32 to index
        %parallel_loop3A_430 = arith.constant 320 : index
        %parallel_loop3A_431 = tpu.vector_load %arg7[%parallel_loop3A_429, %parallel_loop3A_430] {strides = array<i32>} : memref<16x1024xf32, #tpu.memory_space<vmem>>, vector<1x16xf32>,
        %parallel_loop3A_432 = vector.shape_cast %parallel_loop3A_431 : vector<1x16xf32> to vector<16xf32>
        %parallel_loop3A_433 = vector.shape_cast %parallel_loop3A_428 : vector<16xf32> to vector<1x16xf32>
        tpu.vector_store %arg7[%parallel_loop3A_429, %parallel_loop3A_430], %parallel_loop3A_433 {strides = array<i32>} : memref<16x1024xf32, #tpu.memory_space<vmem>>, vector<1x16xf32>,
        %parallel_loop3A_434 = arith.index_cast %parallel_loop3A_181 : i32 to index
        %parallel_loop3A_435 = arith.constant 336 : index
        %parallel_loop3A_436 = tpu.vector_load %arg7[%parallel_loop3A_434, %parallel_loop3A_435] {strides = array<i32>} : memref<16x1024xf32, #tpu.memory_space<vmem>>, vector<1x16xf32>,
        %parallel_loop3A_437 = vector.shape_cast %parallel_loop3A_436 : vector<1x16xf32> to vector<16xf32>
        %parallel_loop3A_438 = arith.constant 3.200000e+01 : f32
        %parallel_loop3A_439 = vector.broadcast %parallel_loop3A_438 : f32 to vector<16xf32>
        %parallel_loop3A_440 = arith.mulf %parallel_loop3A_437, %parallel_loop3A_439 : vector<16xf32>
        %parallel_loop3A_441 = arith.index_cast %parallel_loop3A_181 : i32 to index
        %parallel_loop3A_442 = arith.constant 336 : index
        %parallel_loop3A_443 = tpu.vector_load %arg7[%parallel_loop3A_441, %parallel_loop3A_442] {strides = array<i32>} : memref<16x1024xf32, #tpu.memory_space<vmem>>, vector<1x16xf32>,
        %parallel_loop3A_444 = vector.shape_cast %parallel_loop3A_443 : vector<1x16xf32> to vector<16xf32>
        %parallel_loop3A_445 = vector.shape_cast %parallel_loop3A_440 : vector<16xf32> to vector<1x16xf32>
        tpu.vector_store %arg7[%parallel_loop3A_441, %parallel_loop3A_442], %parallel_loop3A_445 {strides = array<i32>} : memref<16x1024xf32, #tpu.memory_space<vmem>>, vector<1x16xf32>,
        %parallel_loop3A_446 = arith.index_cast %parallel_loop3A_181 : i32 to index
        %parallel_loop3A_447 = arith.constant 352 : index
        %parallel_loop3A_448 = tpu.vector_load %arg7[%parallel_loop3A_446, %parallel_loop3A_447] {strides = array<i32>} : memref<16x1024xf32, #tpu.memory_space<vmem>>, vector<1x16xf32>,
        %parallel_loop3A_449 = vector.shape_cast %parallel_loop3A_448 : vector<1x16xf32> to vector<16xf32>
        %parallel_loop3A_450 = arith.constant 3.200000e+01 : f32
        %parallel_loop3A_451 = vector.broadcast %parallel_loop3A_450 : f32 to vector<16xf32>
        %parallel_loop3A_452 = arith.mulf %parallel_loop3A_449, %parallel_loop3A_451 : vector<16xf32>
        %parallel_loop3A_453 = arith.index_cast %parallel_loop3A_181 : i32 to index
        %parallel_loop3A_454 = arith.constant 352 : index
        %parallel_loop3A_455 = tpu.vector_load %arg7[%parallel_loop3A_453, %parallel_loop3A_454] {strides = array<i32>} : memref<16x1024xf32, #tpu.memory_space<vmem>>, vector<1x16xf32>,
        %parallel_loop3A_456 = vector.shape_cast %parallel_loop3A_455 : vector<1x16xf32> to vector<16xf32>
        %parallel_loop3A_457 = vector.shape_cast %parallel_loop3A_452 : vector<16xf32> to vector<1x16xf32>
        tpu.vector_store %arg7[%parallel_loop3A_453, %parallel_loop3A_454], %parallel_loop3A_457 {strides = array<i32>} : memref<16x1024xf32, #tpu.memory_space<vmem>>, vector<1x16xf32>,
        %parallel_loop3A_458 = arith.index_cast %parallel_loop3A_181 : i32 to index
        %parallel_loop3A_459 = arith.constant 368 : index
        %parallel_loop3A_460 = tpu.vector_load %arg7[%parallel_loop3A_458, %parallel_loop3A_459] {strides = array<i32>} : memref<16x1024xf32, #tpu.memory_space<vmem>>, vector<1x16xf32>,
        %parallel_loop3A_461 = vector.shape_cast %parallel_loop3A_460 : vector<1x16xf32> to vector<16xf32>
        %parallel_loop3A_462 = arith.constant 3.200000e+01 : f32
        %parallel_loop3A_463 = vector.broadcast %parallel_loop3A_462 : f32 to vector<16xf32>
        %parallel_loop3A_464 = arith.mulf %parallel_loop3A_461, %parallel_loop3A_463 : vector<16xf32>
        %parallel_loop3A_465 = arith.index_cast %parallel_loop3A_181 : i32 to index
        %parallel_loop3A_466 = arith.constant 368 : index
        %parallel_loop3A_467 = tpu.vector_load %arg7[%parallel_loop3A_465, %parallel_loop3A_466] {strides = array<i32>} : memref<16x1024xf32, #tpu.memory_space<vmem>>, vector<1x16xf32>,
        %parallel_loop3A_468 = vector.shape_cast %parallel_loop3A_467 : vector<1x16xf32> to vector<16xf32>
        %parallel_loop3A_469 = vector.shape_cast %parallel_loop3A_464 : vector<16xf32> to vector<1x16xf32>
        tpu.vector_store %arg7[%parallel_loop3A_465, %parallel_loop3A_466], %parallel_loop3A_469 {strides = array<i32>} : memref<16x1024xf32, #tpu.memory_space<vmem>>, vector<1x16xf32>,
        %parallel_loop3A_470 = arith.index_cast %parallel_loop3A_181 : i32 to index
        %parallel_loop3A_471 = arith.constant 384 : index
        %parallel_loop3A_472 = tpu.vector_load %arg7[%parallel_loop3A_470, %parallel_loop3A_471] {strides = array<i32>} : memref<16x1024xf32, #tpu.memory_space<vmem>>, vector<1x16xf32>,
        %parallel_loop3A_473 = vector.shape_cast %parallel_loop3A_472 : vector<1x16xf32> to vector<16xf32>
        %parallel_loop3A_474 = arith.constant 3.200000e+01 : f32
        %parallel_loop3A_475 = vector.broadcast %parallel_loop3A_474 : f32 to vector<16xf32>
        %parallel_loop3A_476 = arith.mulf %parallel_loop3A_473, %parallel_loop3A_475 : vector<16xf32>
        %parallel_loop3A_477 = arith.index_cast %parallel_loop3A_181 : i32 to index
        %parallel_loop3A_478 = arith.constant 384 : index
        %parallel_loop3A_479 = tpu.vector_load %arg7[%parallel_loop3A_477, %parallel_loop3A_478] {strides = array<i32>} : memref<16x1024xf32, #tpu.memory_space<vmem>>, vector<1x16xf32>,
        %parallel_loop3A_480 = vector.shape_cast %parallel_loop3A_479 : vector<1x16xf32> to vector<16xf32>
        %parallel_loop3A_481 = vector.shape_cast %parallel_loop3A_476 : vector<16xf32> to vector<1x16xf32>
        tpu.vector_store %arg7[%parallel_loop3A_477, %parallel_loop3A_478], %parallel_loop3A_481 {strides = array<i32>} : memref<16x1024xf32, #tpu.memory_space<vmem>>, vector<1x16xf32>,
        %parallel_loop3A_482 = arith.index_cast %parallel_loop3A_181 : i32 to index
        %parallel_loop3A_483 = arith.constant 400 : index
        %parallel_loop3A_484 = tpu.vector_load %arg7[%parallel_loop3A_482, %parallel_loop3A_483] {strides = array<i32>} : memref<16x1024xf32, #tpu.memory_space<vmem>>, vector<1x16xf32>,
        %parallel_loop3A_485 = vector.shape_cast %parallel_loop3A_484 : vector<1x16xf32> to vector<16xf32>
        %parallel_loop3A_486 = arith.constant 3.200000e+01 : f32
        %parallel_loop3A_487 = vector.broadcast %parallel_loop3A_486 : f32 to vector<16xf32>
        %parallel_loop3A_488 = arith.mulf %parallel_loop3A_485, %parallel_loop3A_487 : vector<16xf32>
        %parallel_loop3A_489 = arith.index_cast %parallel_loop3A_181 : i32 to index
        %parallel_loop3A_490 = arith.constant 400 : index
        %parallel_loop3A_491 = tpu.vector_load %arg7[%parallel_loop3A_489, %parallel_loop3A_490] {strides = array<i32>} : memref<16x1024xf32, #tpu.memory_space<vmem>>, vector<1x16xf32>,
        %parallel_loop3A_492 = vector.shape_cast %parallel_loop3A_491 : vector<1x16xf32> to vector<16xf32>
        %parallel_loop3A_493 = vector.shape_cast %parallel_loop3A_488 : vector<16xf32> to vector<1x16xf32>
        tpu.vector_store %arg7[%parallel_loop3A_489, %parallel_loop3A_490], %parallel_loop3A_493 {strides = array<i32>} : memref<16x1024xf32, #tpu.memory_space<vmem>>, vector<1x16xf32>,
        %parallel_loop3A_494 = arith.index_cast %parallel_loop3A_181 : i32 to index
        %parallel_loop3A_495 = arith.constant 416 : index
        %parallel_loop3A_496 = tpu.vector_load %arg7[%parallel_loop3A_494, %parallel_loop3A_495] {strides = array<i32>} : memref<16x1024xf32, #tpu.memory_space<vmem>>, vector<1x16xf32>,
        %parallel_loop3A_497 = vector.shape_cast %parallel_loop3A_496 : vector<1x16xf32> to vector<16xf32>
        %parallel_loop3A_498 = arith.constant 3.200000e+01 : f32
        %parallel_loop3A_499 = vector.broadcast %parallel_loop3A_498 : f32 to vector<16xf32>
        %parallel_loop3A_500 = arith.mulf %parallel_loop3A_497, %parallel_loop3A_499 : vector<16xf32>
        %parallel_loop3A_501 = arith.index_cast %parallel_loop3A_181 : i32 to index
        %parallel_loop3A_502 = arith.constant 416 : index
        %parallel_loop3A_503 = tpu.vector_load %arg7[%parallel_loop3A_501, %parallel_loop3A_502] {strides = array<i32>} : memref<16x1024xf32, #tpu.memory_space<vmem>>, vector<1x16xf32>,
        %parallel_loop3A_504 = vector.shape_cast %parallel_loop3A_503 : vector<1x16xf32> to vector<16xf32>
        %parallel_loop3A_505 = vector.shape_cast %parallel_loop3A_500 : vector<16xf32> to vector<1x16xf32>
        tpu.vector_store %arg7[%parallel_loop3A_501, %parallel_loop3A_502], %parallel_loop3A_505 {strides = array<i32>} : memref<16x1024xf32, #tpu.memory_space<vmem>>, vector<1x16xf32>,
        %parallel_loop3A_506 = arith.index_cast %parallel_loop3A_181 : i32 to index
        %parallel_loop3A_507 = arith.constant 432 : index
        %parallel_loop3A_508 = tpu.vector_load %arg7[%parallel_loop3A_506, %parallel_loop3A_507] {strides = array<i32>} : memref<16x1024xf32, #tpu.memory_space<vmem>>, vector<1x16xf32>,
        %parallel_loop3A_509 = vector.shape_cast %parallel_loop3A_508 : vector<1x16xf32> to vector<16xf32>
        %parallel_loop3A_510 = arith.constant 3.200000e+01 : f32
        %parallel_loop3A_511 = vector.broadcast %parallel_loop3A_510 : f32 to vector<16xf32>
        %parallel_loop3A_512 = arith.mulf %parallel_loop3A_509, %parallel_loop3A_511 : vector<16xf32>
        %parallel_loop3A_513 = arith.index_cast %parallel_loop3A_181 : i32 to index
        %parallel_loop3A_514 = arith.constant 432 : index
        %parallel_loop3A_515 = tpu.vector_load %arg7[%parallel_loop3A_513, %parallel_loop3A_514] {strides = array<i32>} : memref<16x1024xf32, #tpu.memory_space<vmem>>, vector<1x16xf32>,
        %parallel_loop3A_516 = vector.shape_cast %parallel_loop3A_515 : vector<1x16xf32> to vector<16xf32>
        %parallel_loop3A_517 = vector.shape_cast %parallel_loop3A_512 : vector<16xf32> to vector<1x16xf32>
        tpu.vector_store %arg7[%parallel_loop3A_513, %parallel_loop3A_514], %parallel_loop3A_517 {strides = array<i32>} : memref<16x1024xf32, #tpu.memory_space<vmem>>, vector<1x16xf32>,
        %parallel_loop3A_518 = arith.index_cast %parallel_loop3A_181 : i32 to index
        %parallel_loop3A_519 = arith.constant 448 : index
        %parallel_loop3A_520 = tpu.vector_load %arg7[%parallel_loop3A_518, %parallel_loop3A_519] {strides = array<i32>} : memref<16x1024xf32, #tpu.memory_space<vmem>>, vector<1x16xf32>,
        %parallel_loop3A_521 = vector.shape_cast %parallel_loop3A_520 : vector<1x16xf32> to vector<16xf32>
        %parallel_loop3A_522 = arith.constant 3.200000e+01 : f32
        %parallel_loop3A_523 = vector.broadcast %parallel_loop3A_522 : f32 to vector<16xf32>
        %parallel_loop3A_524 = arith.mulf %parallel_loop3A_521, %parallel_loop3A_523 : vector<16xf32>
        %parallel_loop3A_525 = arith.index_cast %parallel_loop3A_181 : i32 to index
        %parallel_loop3A_526 = arith.constant 448 : index
        %parallel_loop3A_527 = tpu.vector_load %arg7[%parallel_loop3A_525, %parallel_loop3A_526] {strides = array<i32>} : memref<16x1024xf32, #tpu.memory_space<vmem>>, vector<1x16xf32>,
        %parallel_loop3A_528 = vector.shape_cast %parallel_loop3A_527 : vector<1x16xf32> to vector<16xf32>
        %parallel_loop3A_529 = vector.shape_cast %parallel_loop3A_524 : vector<16xf32> to vector<1x16xf32>
        tpu.vector_store %arg7[%parallel_loop3A_525, %parallel_loop3A_526], %parallel_loop3A_529 {strides = array<i32>} : memref<16x1024xf32, #tpu.memory_space<vmem>>, vector<1x16xf32>,
        %parallel_loop3A_530 = arith.index_cast %parallel_loop3A_181 : i32 to index
        %parallel_loop3A_531 = arith.constant 464 : index
        %parallel_loop3A_532 = tpu.vector_load %arg7[%parallel_loop3A_530, %parallel_loop3A_531] {strides = array<i32>} : memref<16x1024xf32, #tpu.memory_space<vmem>>, vector<1x16xf32>,
        %parallel_loop3A_533 = vector.shape_cast %parallel_loop3A_532 : vector<1x16xf32> to vector<16xf32>
        %parallel_loop3A_534 = arith.constant 3.200000e+01 : f32
        %parallel_loop3A_535 = vector.broadcast %parallel_loop3A_534 : f32 to vector<16xf32>
        %parallel_loop3A_536 = arith.mulf %parallel_loop3A_533, %parallel_loop3A_535 : vector<16xf32>
        %parallel_loop3A_537 = arith.index_cast %parallel_loop3A_181 : i32 to index
        %parallel_loop3A_538 = arith.constant 464 : index
        %parallel_loop3A_539 = tpu.vector_load %arg7[%parallel_loop3A_537, %parallel_loop3A_538] {strides = array<i32>} : memref<16x1024xf32, #tpu.memory_space<vmem>>, vector<1x16xf32>,
        %parallel_loop3A_540 = vector.shape_cast %parallel_loop3A_539 : vector<1x16xf32> to vector<16xf32>
        %parallel_loop3A_541 = vector.shape_cast %parallel_loop3A_536 : vector<16xf32> to vector<1x16xf32>
        tpu.vector_store %arg7[%parallel_loop3A_537, %parallel_loop3A_538], %parallel_loop3A_541 {strides = array<i32>} : memref<16x1024xf32, #tpu.memory_space<vmem>>, vector<1x16xf32>,
        %parallel_loop3A_542 = arith.index_cast %parallel_loop3A_181 : i32 to index
        %parallel_loop3A_543 = arith.constant 480 : index
        %parallel_loop3A_544 = tpu.vector_load %arg7[%parallel_loop3A_542, %parallel_loop3A_543] {strides = array<i32>} : memref<16x1024xf32, #tpu.memory_space<vmem>>, vector<1x16xf32>,
        %parallel_loop3A_545 = vector.shape_cast %parallel_loop3A_544 : vector<1x16xf32> to vector<16xf32>
        %parallel_loop3A_546 = arith.constant 3.200000e+01 : f32
        %parallel_loop3A_547 = vector.broadcast %parallel_loop3A_546 : f32 to vector<16xf32>
        %parallel_loop3A_548 = arith.mulf %parallel_loop3A_545, %parallel_loop3A_547 : vector<16xf32>
        %parallel_loop3A_549 = arith.index_cast %parallel_loop3A_181 : i32 to index
        %parallel_loop3A_550 = arith.constant 480 : index
        %parallel_loop3A_551 = tpu.vector_load %arg7[%parallel_loop3A_549, %parallel_loop3A_550] {strides = array<i32>} : memref<16x1024xf32, #tpu.memory_space<vmem>>, vector<1x16xf32>,
        %parallel_loop3A_552 = vector.shape_cast %parallel_loop3A_551 : vector<1x16xf32> to vector<16xf32>
        %parallel_loop3A_553 = vector.shape_cast %parallel_loop3A_548 : vector<16xf32> to vector<1x16xf32>
        tpu.vector_store %arg7[%parallel_loop3A_549, %parallel_loop3A_550], %parallel_loop3A_553 {strides = array<i32>} : memref<16x1024xf32, #tpu.memory_space<vmem>>, vector<1x16xf32>,
        %parallel_loop3A_554 = arith.index_cast %parallel_loop3A_181 : i32 to index
        %parallel_loop3A_555 = arith.constant 496 : index
        %parallel_loop3A_556 = tpu.vector_load %arg7[%parallel_loop3A_554, %parallel_loop3A_555] {strides = array<i32>} : memref<16x1024xf32, #tpu.memory_space<vmem>>, vector<1x16xf32>,
        %parallel_loop3A_557 = vector.shape_cast %parallel_loop3A_556 : vector<1x16xf32> to vector<16xf32>
        %parallel_loop3A_558 = arith.constant 3.200000e+01 : f32
        %parallel_loop3A_559 = vector.broadcast %parallel_loop3A_558 : f32 to vector<16xf32>
        %parallel_loop3A_560 = arith.mulf %parallel_loop3A_557, %parallel_loop3A_559 : vector<16xf32>
        %parallel_loop3A_561 = arith.index_cast %parallel_loop3A_181 : i32 to index
        %parallel_loop3A_562 = arith.constant 496 : index
        %parallel_loop3A_563 = tpu.vector_load %arg7[%parallel_loop3A_561, %parallel_loop3A_562] {strides = array<i32>} : memref<16x1024xf32, #tpu.memory_space<vmem>>, vector<1x16xf32>,
        %parallel_loop3A_564 = vector.shape_cast %parallel_loop3A_563 : vector<1x16xf32> to vector<16xf32>
        %parallel_loop3A_565 = vector.shape_cast %parallel_loop3A_560 : vector<16xf32> to vector<1x16xf32>
        tpu.vector_store %arg7[%parallel_loop3A_561, %parallel_loop3A_562], %parallel_loop3A_565 {strides = array<i32>} : memref<16x1024xf32, #tpu.memory_space<vmem>>, vector<1x16xf32>,
        %parallel_loop3A_566 = arith.index_cast %parallel_loop3A_181 : i32 to index
        %parallel_loop3A_567 = arith.constant 512 : index
        %parallel_loop3A_568 = tpu.vector_load %arg7[%parallel_loop3A_566, %parallel_loop3A_567] {strides = array<i32>} : memref<16x1024xf32, #tpu.memory_space<vmem>>, vector<1x16xf32>,
        %parallel_loop3A_569 = vector.shape_cast %parallel_loop3A_568 : vector<1x16xf32> to vector<16xf32>
        %parallel_loop3A_570 = arith.constant 3.200000e+01 : f32
        %parallel_loop3A_571 = vector.broadcast %parallel_loop3A_570 : f32 to vector<16xf32>
        %parallel_loop3A_572 = arith.mulf %parallel_loop3A_569, %parallel_loop3A_571 : vector<16xf32>
        %parallel_loop3A_573 = arith.index_cast %parallel_loop3A_181 : i32 to index
        %parallel_loop3A_574 = arith.constant 512 : index
        %parallel_loop3A_575 = tpu.vector_load %arg7[%parallel_loop3A_573, %parallel_loop3A_574] {strides = array<i32>} : memref<16x1024xf32, #tpu.memory_space<vmem>>, vector<1x16xf32>,
        %parallel_loop3A_576 = vector.shape_cast %parallel_loop3A_575 : vector<1x16xf32> to vector<16xf32>
        %parallel_loop3A_577 = vector.shape_cast %parallel_loop3A_572 : vector<16xf32> to vector<1x16xf32>
        tpu.vector_store %arg7[%parallel_loop3A_573, %parallel_loop3A_574], %parallel_loop3A_577 {strides = array<i32>} : memref<16x1024xf32, #tpu.memory_space<vmem>>, vector<1x16xf32>,
        %parallel_loop3A_578 = arith.index_cast %parallel_loop3A_181 : i32 to index
        %parallel_loop3A_579 = arith.constant 528 : index
        %parallel_loop3A_580 = tpu.vector_load %arg7[%parallel_loop3A_578, %parallel_loop3A_579] {strides = array<i32>} : memref<16x1024xf32, #tpu.memory_space<vmem>>, vector<1x16xf32>,
        %parallel_loop3A_581 = vector.shape_cast %parallel_loop3A_580 : vector<1x16xf32> to vector<16xf32>
        %parallel_loop3A_582 = arith.constant 3.200000e+01 : f32
        %parallel_loop3A_583 = vector.broadcast %parallel_loop3A_582 : f32 to vector<16xf32>
        %parallel_loop3A_584 = arith.mulf %parallel_loop3A_581, %parallel_loop3A_583 : vector<16xf32>
        %parallel_loop3A_585 = arith.index_cast %parallel_loop3A_181 : i32 to index
        %parallel_loop3A_586 = arith.constant 528 : index
        %parallel_loop3A_587 = tpu.vector_load %arg7[%parallel_loop3A_585, %parallel_loop3A_586] {strides = array<i32>} : memref<16x1024xf32, #tpu.memory_space<vmem>>, vector<1x16xf32>,
        %parallel_loop3A_588 = vector.shape_cast %parallel_loop3A_587 : vector<1x16xf32> to vector<16xf32>
        %parallel_loop3A_589 = vector.shape_cast %parallel_loop3A_584 : vector<16xf32> to vector<1x16xf32>
        tpu.vector_store %arg7[%parallel_loop3A_585, %parallel_loop3A_586], %parallel_loop3A_589 {strides = array<i32>} : memref<16x1024xf32, #tpu.memory_space<vmem>>, vector<1x16xf32>,
        %parallel_loop3A_590 = arith.index_cast %parallel_loop3A_181 : i32 to index
        %parallel_loop3A_591 = arith.constant 544 : index
        %parallel_loop3A_592 = tpu.vector_load %arg7[%parallel_loop3A_590, %parallel_loop3A_591] {strides = array<i32>} : memref<16x1024xf32, #tpu.memory_space<vmem>>, vector<1x16xf32>,
        %parallel_loop3A_593 = vector.shape_cast %parallel_loop3A_592 : vector<1x16xf32> to vector<16xf32>
        %parallel_loop3A_594 = arith.constant 3.200000e+01 : f32
        %parallel_loop3A_595 = vector.broadcast %parallel_loop3A_594 : f32 to vector<16xf32>
        %parallel_loop3A_596 = arith.mulf %parallel_loop3A_593, %parallel_loop3A_595 : vector<16xf32>
        %parallel_loop3A_597 = arith.index_cast %parallel_loop3A_181 : i32 to index
        %parallel_loop3A_598 = arith.constant 544 : index
        %parallel_loop3A_599 = tpu.vector_load %arg7[%parallel_loop3A_597, %parallel_loop3A_598] {strides = array<i32>} : memref<16x1024xf32, #tpu.memory_space<vmem>>, vector<1x16xf32>,
        %parallel_loop3A_600 = vector.shape_cast %parallel_loop3A_599 : vector<1x16xf32> to vector<16xf32>
        %parallel_loop3A_601 = vector.shape_cast %parallel_loop3A_596 : vector<16xf32> to vector<1x16xf32>
        tpu.vector_store %arg7[%parallel_loop3A_597, %parallel_loop3A_598], %parallel_loop3A_601 {strides = array<i32>} : memref<16x1024xf32, #tpu.memory_space<vmem>>, vector<1x16xf32>,
        %parallel_loop3A_602 = arith.index_cast %parallel_loop3A_181 : i32 to index
        %parallel_loop3A_603 = arith.constant 560 : index
        %parallel_loop3A_604 = tpu.vector_load %arg7[%parallel_loop3A_602, %parallel_loop3A_603] {strides = array<i32>} : memref<16x1024xf32, #tpu.memory_space<vmem>>, vector<1x16xf32>,
        %parallel_loop3A_605 = vector.shape_cast %parallel_loop3A_604 : vector<1x16xf32> to vector<16xf32>
        %parallel_loop3A_606 = arith.constant 3.200000e+01 : f32
        %parallel_loop3A_607 = vector.broadcast %parallel_loop3A_606 : f32 to vector<16xf32>
        %parallel_loop3A_608 = arith.mulf %parallel_loop3A_605, %parallel_loop3A_607 : vector<16xf32>
        %parallel_loop3A_609 = arith.index_cast %parallel_loop3A_181 : i32 to index
        %parallel_loop3A_610 = arith.constant 560 : index
        %parallel_loop3A_611 = tpu.vector_load %arg7[%parallel_loop3A_609, %parallel_loop3A_610] {strides = array<i32>} : memref<16x1024xf32, #tpu.memory_space<vmem>>, vector<1x16xf32>,
        %parallel_loop3A_612 = vector.shape_cast %parallel_loop3A_611 : vector<1x16xf32> to vector<16xf32>
        %parallel_loop3A_613 = vector.shape_cast %parallel_loop3A_608 : vector<16xf32> to vector<1x16xf32>
        tpu.vector_store %arg7[%parallel_loop3A_609, %parallel_loop3A_610], %parallel_loop3A_613 {strides = array<i32>} : memref<16x1024xf32, #tpu.memory_space<vmem>>, vector<1x16xf32>,
        %parallel_loop3A_614 = arith.index_cast %parallel_loop3A_181 : i32 to index
        %parallel_loop3A_615 = arith.constant 576 : index
        %parallel_loop3A_616 = tpu.vector_load %arg7[%parallel_loop3A_614, %parallel_loop3A_615] {strides = array<i32>} : memref<16x1024xf32, #tpu.memory_space<vmem>>, vector<1x16xf32>,
        %parallel_loop3A_617 = vector.shape_cast %parallel_loop3A_616 : vector<1x16xf32> to vector<16xf32>
        %parallel_loop3A_618 = arith.constant 3.200000e+01 : f32
        %parallel_loop3A_619 = vector.broadcast %parallel_loop3A_618 : f32 to vector<16xf32>
        %parallel_loop3A_620 = arith.mulf %parallel_loop3A_617, %parallel_loop3A_619 : vector<16xf32>
        %parallel_loop3A_621 = arith.index_cast %parallel_loop3A_181 : i32 to index
        %parallel_loop3A_622 = arith.constant 576 : index
        %parallel_loop3A_623 = tpu.vector_load %arg7[%parallel_loop3A_621, %parallel_loop3A_622] {strides = array<i32>} : memref<16x1024xf32, #tpu.memory_space<vmem>>, vector<1x16xf32>,
        %parallel_loop3A_624 = vector.shape_cast %parallel_loop3A_623 : vector<1x16xf32> to vector<16xf32>
        %parallel_loop3A_625 = vector.shape_cast %parallel_loop3A_620 : vector<16xf32> to vector<1x16xf32>
        tpu.vector_store %arg7[%parallel_loop3A_621, %parallel_loop3A_622], %parallel_loop3A_625 {strides = array<i32>} : memref<16x1024xf32, #tpu.memory_space<vmem>>, vector<1x16xf32>,
        %parallel_loop3A_626 = arith.index_cast %parallel_loop3A_181 : i32 to index
        %parallel_loop3A_627 = arith.constant 592 : index
        %parallel_loop3A_628 = tpu.vector_load %arg7[%parallel_loop3A_626, %parallel_loop3A_627] {strides = array<i32>} : memref<16x1024xf32, #tpu.memory_space<vmem>>, vector<1x16xf32>,
        %parallel_loop3A_629 = vector.shape_cast %parallel_loop3A_628 : vector<1x16xf32> to vector<16xf32>
        %parallel_loop3A_630 = arith.constant 3.200000e+01 : f32
        %parallel_loop3A_631 = vector.broadcast %parallel_loop3A_630 : f32 to vector<16xf32>
        %parallel_loop3A_632 = arith.mulf %parallel_loop3A_629, %parallel_loop3A_631 : vector<16xf32>
        %parallel_loop3A_633 = arith.index_cast %parallel_loop3A_181 : i32 to index
        %parallel_loop3A_634 = arith.constant 592 : index
        %parallel_loop3A_635 = tpu.vector_load %arg7[%parallel_loop3A_633, %parallel_loop3A_634] {strides = array<i32>} : memref<16x1024xf32, #tpu.memory_space<vmem>>, vector<1x16xf32>,
        %parallel_loop3A_636 = vector.shape_cast %parallel_loop3A_635 : vector<1x16xf32> to vector<16xf32>
        %parallel_loop3A_637 = vector.shape_cast %parallel_loop3A_632 : vector<16xf32> to vector<1x16xf32>
        tpu.vector_store %arg7[%parallel_loop3A_633, %parallel_loop3A_634], %parallel_loop3A_637 {strides = array<i32>} : memref<16x1024xf32, #tpu.memory_space<vmem>>, vector<1x16xf32>,
        %parallel_loop3A_638 = arith.index_cast %parallel_loop3A_181 : i32 to index
        %parallel_loop3A_639 = arith.constant 608 : index
        %parallel_loop3A_640 = tpu.vector_load %arg7[%parallel_loop3A_638, %parallel_loop3A_639] {strides = array<i32>} : memref<16x1024xf32, #tpu.memory_space<vmem>>, vector<1x16xf32>,
        %parallel_loop3A_641 = vector.shape_cast %parallel_loop3A_640 : vector<1x16xf32> to vector<16xf32>
        %parallel_loop3A_642 = arith.constant 3.200000e+01 : f32
        %parallel_loop3A_643 = vector.broadcast %parallel_loop3A_642 : f32 to vector<16xf32>
        %parallel_loop3A_644 = arith.mulf %parallel_loop3A_641, %parallel_loop3A_643 : vector<16xf32>
        %parallel_loop3A_645 = arith.index_cast %parallel_loop3A_181 : i32 to index
        %parallel_loop3A_646 = arith.constant 608 : index
        %parallel_loop3A_647 = tpu.vector_load %arg7[%parallel_loop3A_645, %parallel_loop3A_646] {strides = array<i32>} : memref<16x1024xf32, #tpu.memory_space<vmem>>, vector<1x16xf32>,
        %parallel_loop3A_648 = vector.shape_cast %parallel_loop3A_647 : vector<1x16xf32> to vector<16xf32>
        %parallel_loop3A_649 = vector.shape_cast %parallel_loop3A_644 : vector<16xf32> to vector<1x16xf32>
        tpu.vector_store %arg7[%parallel_loop3A_645, %parallel_loop3A_646], %parallel_loop3A_649 {strides = array<i32>} : memref<16x1024xf32, #tpu.memory_space<vmem>>, vector<1x16xf32>,
        %parallel_loop3A_650 = arith.index_cast %parallel_loop3A_181 : i32 to index
        %parallel_loop3A_651 = arith.constant 624 : index
        %parallel_loop3A_652 = tpu.vector_load %arg7[%parallel_loop3A_650, %parallel_loop3A_651] {strides = array<i32>} : memref<16x1024xf32, #tpu.memory_space<vmem>>, vector<1x16xf32>,
        %parallel_loop3A_653 = vector.shape_cast %parallel_loop3A_652 : vector<1x16xf32> to vector<16xf32>
        %parallel_loop3A_654 = arith.constant 3.200000e+01 : f32
        %parallel_loop3A_655 = vector.broadcast %parallel_loop3A_654 : f32 to vector<16xf32>
        %parallel_loop3A_656 = arith.mulf %parallel_loop3A_653, %parallel_loop3A_655 : vector<16xf32>
        %parallel_loop3A_657 = arith.index_cast %parallel_loop3A_181 : i32 to index
        %parallel_loop3A_658 = arith.constant 624 : index
        %parallel_loop3A_659 = tpu.vector_load %arg7[%parallel_loop3A_657, %parallel_loop3A_658] {strides = array<i32>} : memref<16x1024xf32, #tpu.memory_space<vmem>>, vector<1x16xf32>,
        %parallel_loop3A_660 = vector.shape_cast %parallel_loop3A_659 : vector<1x16xf32> to vector<16xf32>
        %parallel_loop3A_661 = vector.shape_cast %parallel_loop3A_656 : vector<16xf32> to vector<1x16xf32>
        tpu.vector_store %arg7[%parallel_loop3A_657, %parallel_loop3A_658], %parallel_loop3A_661 {strides = array<i32>} : memref<16x1024xf32, #tpu.memory_space<vmem>>, vector<1x16xf32>,
        %parallel_loop3A_662 = arith.index_cast %parallel_loop3A_181 : i32 to index
        %parallel_loop3A_663 = arith.constant 640 : index
        %parallel_loop3A_664 = tpu.vector_load %arg7[%parallel_loop3A_662, %parallel_loop3A_663] {strides = array<i32>} : memref<16x1024xf32, #tpu.memory_space<vmem>>, vector<1x16xf32>,
        %parallel_loop3A_665 = vector.shape_cast %parallel_loop3A_664 : vector<1x16xf32> to vector<16xf32>
        %parallel_loop3A_666 = arith.constant 3.200000e+01 : f32
        %parallel_loop3A_667 = vector.broadcast %parallel_loop3A_666 : f32 to vector<16xf32>
        %parallel_loop3A_668 = arith.mulf %parallel_loop3A_665, %parallel_loop3A_667 : vector<16xf32>
        %parallel_loop3A_669 = arith.index_cast %parallel_loop3A_181 : i32 to index
        %parallel_loop3A_670 = arith.constant 640 : index
        %parallel_loop3A_671 = tpu.vector_load %arg7[%parallel_loop3A_669, %parallel_loop3A_670] {strides = array<i32>} : memref<16x1024xf32, #tpu.memory_space<vmem>>, vector<1x16xf32>,
        %parallel_loop3A_672 = vector.shape_cast %parallel_loop3A_671 : vector<1x16xf32> to vector<16xf32>
        %parallel_loop3A_673 = vector.shape_cast %parallel_loop3A_668 : vector<16xf32> to vector<1x16xf32>
        tpu.vector_store %arg7[%parallel_loop3A_669, %parallel_loop3A_670], %parallel_loop3A_673 {strides = array<i32>} : memref<16x1024xf32, #tpu.memory_space<vmem>>, vector<1x16xf32>,
        %parallel_loop3A_674 = arith.index_cast %parallel_loop3A_181 : i32 to index
        %parallel_loop3A_675 = arith.constant 656 : index
        %parallel_loop3A_676 = tpu.vector_load %arg7[%parallel_loop3A_674, %parallel_loop3A_675] {strides = array<i32>} : memref<16x1024xf32, #tpu.memory_space<vmem>>, vector<1x16xf32>,
        %parallel_loop3A_677 = vector.shape_cast %parallel_loop3A_676 : vector<1x16xf32> to vector<16xf32>
        %parallel_loop3A_678 = arith.constant 3.200000e+01 : f32
        %parallel_loop3A_679 = vector.broadcast %parallel_loop3A_678 : f32 to vector<16xf32>
        %parallel_loop3A_680 = arith.mulf %parallel_loop3A_677, %parallel_loop3A_679 : vector<16xf32>
        %parallel_loop3A_681 = arith.index_cast %parallel_loop3A_181 : i32 to index
        %parallel_loop3A_682 = arith.constant 656 : index
        %parallel_loop3A_683 = tpu.vector_load %arg7[%parallel_loop3A_681, %parallel_loop3A_682] {strides = array<i32>} : memref<16x1024xf32, #tpu.memory_space<vmem>>, vector<1x16xf32>,
        %parallel_loop3A_684 = vector.shape_cast %parallel_loop3A_683 : vector<1x16xf32> to vector<16xf32>
        %parallel_loop3A_685 = vector.shape_cast %parallel_loop3A_680 : vector<16xf32> to vector<1x16xf32>
        tpu.vector_store %arg7[%parallel_loop3A_681, %parallel_loop3A_682], %parallel_loop3A_685 {strides = array<i32>} : memref<16x1024xf32, #tpu.memory_space<vmem>>, vector<1x16xf32>,
        %parallel_loop3A_686 = arith.index_cast %parallel_loop3A_181 : i32 to index
        %parallel_loop3A_687 = arith.constant 672 : index
        %parallel_loop3A_688 = tpu.vector_load %arg7[%parallel_loop3A_686, %parallel_loop3A_687] {strides = array<i32>} : memref<16x1024xf32, #tpu.memory_space<vmem>>, vector<1x16xf32>,
        %parallel_loop3A_689 = vector.shape_cast %parallel_loop3A_688 : vector<1x16xf32> to vector<16xf32>
        %parallel_loop3A_690 = arith.constant 3.200000e+01 : f32
        %parallel_loop3A_691 = vector.broadcast %parallel_loop3A_690 : f32 to vector<16xf32>
        %parallel_loop3A_692 = arith.mulf %parallel_loop3A_689, %parallel_loop3A_691 : vector<16xf32>
        %parallel_loop3A_693 = arith.index_cast %parallel_loop3A_181 : i32 to index
        %parallel_loop3A_694 = arith.constant 672 : index
        %parallel_loop3A_695 = tpu.vector_load %arg7[%parallel_loop3A_693, %parallel_loop3A_694] {strides = array<i32>} : memref<16x1024xf32, #tpu.memory_space<vmem>>, vector<1x16xf32>,
        %parallel_loop3A_696 = vector.shape_cast %parallel_loop3A_695 : vector<1x16xf32> to vector<16xf32>
        %parallel_loop3A_697 = vector.shape_cast %parallel_loop3A_692 : vector<16xf32> to vector<1x16xf32>
        tpu.vector_store %arg7[%parallel_loop3A_693, %parallel_loop3A_694], %parallel_loop3A_697 {strides = array<i32>} : memref<16x1024xf32, #tpu.memory_space<vmem>>, vector<1x16xf32>,
        %parallel_loop3A_698 = arith.index_cast %parallel_loop3A_181 : i32 to index
        %parallel_loop3A_699 = arith.constant 688 : index
        %parallel_loop3A_700 = tpu.vector_load %arg7[%parallel_loop3A_698, %parallel_loop3A_699] {strides = array<i32>} : memref<16x1024xf32, #tpu.memory_space<vmem>>, vector<1x16xf32>,
        %parallel_loop3A_701 = vector.shape_cast %parallel_loop3A_700 : vector<1x16xf32> to vector<16xf32>
        %parallel_loop3A_702 = arith.constant 3.200000e+01 : f32
        %parallel_loop3A_703 = vector.broadcast %parallel_loop3A_702 : f32 to vector<16xf32>
        %parallel_loop3A_704 = arith.mulf %parallel_loop3A_701, %parallel_loop3A_703 : vector<16xf32>
        %parallel_loop3A_705 = arith.index_cast %parallel_loop3A_181 : i32 to index
        %parallel_loop3A_706 = arith.constant 688 : index
        %parallel_loop3A_707 = tpu.vector_load %arg7[%parallel_loop3A_705, %parallel_loop3A_706] {strides = array<i32>} : memref<16x1024xf32, #tpu.memory_space<vmem>>, vector<1x16xf32>,
        %parallel_loop3A_708 = vector.shape_cast %parallel_loop3A_707 : vector<1x16xf32> to vector<16xf32>
        %parallel_loop3A_709 = vector.shape_cast %parallel_loop3A_704 : vector<16xf32> to vector<1x16xf32>
        tpu.vector_store %arg7[%parallel_loop3A_705, %parallel_loop3A_706], %parallel_loop3A_709 {strides = array<i32>} : memref<16x1024xf32, #tpu.memory_space<vmem>>, vector<1x16xf32>,
        %parallel_loop3A_710 = arith.index_cast %parallel_loop3A_181 : i32 to index
        %parallel_loop3A_711 = arith.constant 704 : index
        %parallel_loop3A_712 = tpu.vector_load %arg7[%parallel_loop3A_710, %parallel_loop3A_711] {strides = array<i32>} : memref<16x1024xf32, #tpu.memory_space<vmem>>, vector<1x16xf32>,
        %parallel_loop3A_713 = vector.shape_cast %parallel_loop3A_712 : vector<1x16xf32> to vector<16xf32>
        %parallel_loop3A_714 = arith.constant 3.200000e+01 : f32
        %parallel_loop3A_715 = vector.broadcast %parallel_loop3A_714 : f32 to vector<16xf32>
        %parallel_loop3A_716 = arith.mulf %parallel_loop3A_713, %parallel_loop3A_715 : vector<16xf32>
        %parallel_loop3A_717 = arith.index_cast %parallel_loop3A_181 : i32 to index
        %parallel_loop3A_718 = arith.constant 704 : index
        %parallel_loop3A_719 = tpu.vector_load %arg7[%parallel_loop3A_717, %parallel_loop3A_718] {strides = array<i32>} : memref<16x1024xf32, #tpu.memory_space<vmem>>, vector<1x16xf32>,
        %parallel_loop3A_720 = vector.shape_cast %parallel_loop3A_719 : vector<1x16xf32> to vector<16xf32>
        %parallel_loop3A_721 = vector.shape_cast %parallel_loop3A_716 : vector<16xf32> to vector<1x16xf32>
        tpu.vector_store %arg7[%parallel_loop3A_717, %parallel_loop3A_718], %parallel_loop3A_721 {strides = array<i32>} : memref<16x1024xf32, #tpu.memory_space<vmem>>, vector<1x16xf32>,
        %parallel_loop3A_722 = arith.index_cast %parallel_loop3A_181 : i32 to index
        %parallel_loop3A_723 = arith.constant 720 : index
        %parallel_loop3A_724 = tpu.vector_load %arg7[%parallel_loop3A_722, %parallel_loop3A_723] {strides = array<i32>} : memref<16x1024xf32, #tpu.memory_space<vmem>>, vector<1x16xf32>,
        %parallel_loop3A_725 = vector.shape_cast %parallel_loop3A_724 : vector<1x16xf32> to vector<16xf32>
        %parallel_loop3A_726 = arith.constant 3.200000e+01 : f32
        %parallel_loop3A_727 = vector.broadcast %parallel_loop3A_726 : f32 to vector<16xf32>
        %parallel_loop3A_728 = arith.mulf %parallel_loop3A_725, %parallel_loop3A_727 : vector<16xf32>
        %parallel_loop3A_729 = arith.index_cast %parallel_loop3A_181 : i32 to index
        %parallel_loop3A_730 = arith.constant 720 : index
        %parallel_loop3A_731 = tpu.vector_load %arg7[%parallel_loop3A_729, %parallel_loop3A_730] {strides = array<i32>} : memref<16x1024xf32, #tpu.memory_space<vmem>>, vector<1x16xf32>,
        %parallel_loop3A_732 = vector.shape_cast %parallel_loop3A_731 : vector<1x16xf32> to vector<16xf32>
        %parallel_loop3A_733 = vector.shape_cast %parallel_loop3A_728 : vector<16xf32> to vector<1x16xf32>
        tpu.vector_store %arg7[%parallel_loop3A_729, %parallel_loop3A_730], %parallel_loop3A_733 {strides = array<i32>} : memref<16x1024xf32, #tpu.memory_space<vmem>>, vector<1x16xf32>,
        %parallel_loop3A_734 = arith.index_cast %parallel_loop3A_181 : i32 to index
        %parallel_loop3A_735 = arith.constant 736 : index
        %parallel_loop3A_736 = tpu.vector_load %arg7[%parallel_loop3A_734, %parallel_loop3A_735] {strides = array<i32>} : memref<16x1024xf32, #tpu.memory_space<vmem>>, vector<1x16xf32>,
        %parallel_loop3A_737 = vector.shape_cast %parallel_loop3A_736 : vector<1x16xf32> to vector<16xf32>
        %parallel_loop3A_738 = arith.constant 3.200000e+01 : f32
        %parallel_loop3A_739 = vector.broadcast %parallel_loop3A_738 : f32 to vector<16xf32>
        %parallel_loop3A_740 = arith.mulf %parallel_loop3A_737, %parallel_loop3A_739 : vector<16xf32>
        %parallel_loop3A_741 = arith.index_cast %parallel_loop3A_181 : i32 to index
        %parallel_loop3A_742 = arith.constant 736 : index
        %parallel_loop3A_743 = tpu.vector_load %arg7[%parallel_loop3A_741, %parallel_loop3A_742] {strides = array<i32>} : memref<16x1024xf32, #tpu.memory_space<vmem>>, vector<1x16xf32>,
        %parallel_loop3A_744 = vector.shape_cast %parallel_loop3A_743 : vector<1x16xf32> to vector<16xf32>
        %parallel_loop3A_745 = vector.shape_cast %parallel_loop3A_740 : vector<16xf32> to vector<1x16xf32>
        tpu.vector_store %arg7[%parallel_loop3A_741, %parallel_loop3A_742], %parallel_loop3A_745 {strides = array<i32>} : memref<16x1024xf32, #tpu.memory_space<vmem>>, vector<1x16xf32>,
        %parallel_loop3A_746 = arith.index_cast %parallel_loop3A_181 : i32 to index
        %parallel_loop3A_747 = arith.constant 752 : index
        %parallel_loop3A_748 = tpu.vector_load %arg7[%parallel_loop3A_746, %parallel_loop3A_747] {strides = array<i32>} : memref<16x1024xf32, #tpu.memory_space<vmem>>, vector<1x16xf32>,
        %parallel_loop3A_749 = vector.shape_cast %parallel_loop3A_748 : vector<1x16xf32> to vector<16xf32>
        %parallel_loop3A_750 = arith.constant 3.200000e+01 : f32
        %parallel_loop3A_751 = vector.broadcast %parallel_loop3A_750 : f32 to vector<16xf32>
        %parallel_loop3A_752 = arith.mulf %parallel_loop3A_749, %parallel_loop3A_751 : vector<16xf32>
        %parallel_loop3A_753 = arith.index_cast %parallel_loop3A_181 : i32 to index
        %parallel_loop3A_754 = arith.constant 752 : index
        %parallel_loop3A_755 = tpu.vector_load %arg7[%parallel_loop3A_753, %parallel_loop3A_754] {strides = array<i32>} : memref<16x1024xf32, #tpu.memory_space<vmem>>, vector<1x16xf32>,
        %parallel_loop3A_756 = vector.shape_cast %parallel_loop3A_755 : vector<1x16xf32> to vector<16xf32>
        %parallel_loop3A_757 = vector.shape_cast %parallel_loop3A_752 : vector<16xf32> to vector<1x16xf32>
        tpu.vector_store %arg7[%parallel_loop3A_753, %parallel_loop3A_754], %parallel_loop3A_757 {strides = array<i32>} : memref<16x1024xf32, #tpu.memory_space<vmem>>, vector<1x16xf32>,
        %parallel_loop3A_758 = arith.index_cast %parallel_loop3A_181 : i32 to index
        %parallel_loop3A_759 = arith.constant 768 : index
        %parallel_loop3A_760 = tpu.vector_load %arg7[%parallel_loop3A_758, %parallel_loop3A_759] {strides = array<i32>} : memref<16x1024xf32, #tpu.memory_space<vmem>>, vector<1x16xf32>,
        %parallel_loop3A_761 = vector.shape_cast %parallel_loop3A_760 : vector<1x16xf32> to vector<16xf32>
        %parallel_loop3A_762 = arith.constant 3.200000e+01 : f32
        %parallel_loop3A_763 = vector.broadcast %parallel_loop3A_762 : f32 to vector<16xf32>
        %parallel_loop3A_764 = arith.mulf %parallel_loop3A_761, %parallel_loop3A_763 : vector<16xf32>
        %parallel_loop3A_765 = arith.index_cast %parallel_loop3A_181 : i32 to index
        %parallel_loop3A_766 = arith.constant 768 : index
        %parallel_loop3A_767 = tpu.vector_load %arg7[%parallel_loop3A_765, %parallel_loop3A_766] {strides = array<i32>} : memref<16x1024xf32, #tpu.memory_space<vmem>>, vector<1x16xf32>,
        %parallel_loop3A_768 = vector.shape_cast %parallel_loop3A_767 : vector<1x16xf32> to vector<16xf32>
        %parallel_loop3A_769 = vector.shape_cast %parallel_loop3A_764 : vector<16xf32> to vector<1x16xf32>
        tpu.vector_store %arg7[%parallel_loop3A_765, %parallel_loop3A_766], %parallel_loop3A_769 {strides = array<i32>} : memref<16x1024xf32, #tpu.memory_space<vmem>>, vector<1x16xf32>,
        %parallel_loop3A_770 = arith.index_cast %parallel_loop3A_181 : i32 to index
        %parallel_loop3A_771 = arith.constant 784 : index
        %parallel_loop3A_772 = tpu.vector_load %arg7[%parallel_loop3A_770, %parallel_loop3A_771] {strides = array<i32>} : memref<16x1024xf32, #tpu.memory_space<vmem>>, vector<1x16xf32>,
        %parallel_loop3A_773 = vector.shape_cast %parallel_loop3A_772 : vector<1x16xf32> to vector<16xf32>
        %parallel_loop3A_774 = arith.constant 3.200000e+01 : f32
        %parallel_loop3A_775 = vector.broadcast %parallel_loop3A_774 : f32 to vector<16xf32>
        %parallel_loop3A_776 = arith.mulf %parallel_loop3A_773, %parallel_loop3A_775 : vector<16xf32>
        %parallel_loop3A_777 = arith.index_cast %parallel_loop3A_181 : i32 to index
        %parallel_loop3A_778 = arith.constant 784 : index
        %parallel_loop3A_779 = tpu.vector_load %arg7[%parallel_loop3A_777, %parallel_loop3A_778] {strides = array<i32>} : memref<16x1024xf32, #tpu.memory_space<vmem>>, vector<1x16xf32>,
        %parallel_loop3A_780 = vector.shape_cast %parallel_loop3A_779 : vector<1x16xf32> to vector<16xf32>
        %parallel_loop3A_781 = vector.shape_cast %parallel_loop3A_776 : vector<16xf32> to vector<1x16xf32>
        tpu.vector_store %arg7[%parallel_loop3A_777, %parallel_loop3A_778], %parallel_loop3A_781 {strides = array<i32>} : memref<16x1024xf32, #tpu.memory_space<vmem>>, vector<1x16xf32>,
        %parallel_loop3A_782 = arith.index_cast %parallel_loop3A_181 : i32 to index
        %parallel_loop3A_783 = arith.constant 800 : index
        %parallel_loop3A_784 = tpu.vector_load %arg7[%parallel_loop3A_782, %parallel_loop3A_783] {strides = array<i32>} : memref<16x1024xf32, #tpu.memory_space<vmem>>, vector<1x16xf32>,
        %parallel_loop3A_785 = vector.shape_cast %parallel_loop3A_784 : vector<1x16xf32> to vector<16xf32>
        %parallel_loop3A_786 = arith.constant 3.200000e+01 : f32
        %parallel_loop3A_787 = vector.broadcast %parallel_loop3A_786 : f32 to vector<16xf32>
        %parallel_loop3A_788 = arith.mulf %parallel_loop3A_785, %parallel_loop3A_787 : vector<16xf32>
        %parallel_loop3A_789 = arith.index_cast %parallel_loop3A_181 : i32 to index
        %parallel_loop3A_790 = arith.constant 800 : index
        %parallel_loop3A_791 = tpu.vector_load %arg7[%parallel_loop3A_789, %parallel_loop3A_790] {strides = array<i32>} : memref<16x1024xf32, #tpu.memory_space<vmem>>, vector<1x16xf32>,
        %parallel_loop3A_792 = vector.shape_cast %parallel_loop3A_791 : vector<1x16xf32> to vector<16xf32>
        %parallel_loop3A_793 = vector.shape_cast %parallel_loop3A_788 : vector<16xf32> to vector<1x16xf32>
        tpu.vector_store %arg7[%parallel_loop3A_789, %parallel_loop3A_790], %parallel_loop3A_793 {strides = array<i32>} : memref<16x1024xf32, #tpu.memory_space<vmem>>, vector<1x16xf32>,
        %parallel_loop3A_794 = arith.index_cast %parallel_loop3A_181 : i32 to index
        %parallel_loop3A_795 = arith.constant 816 : index
        %parallel_loop3A_796 = tpu.vector_load %arg7[%parallel_loop3A_794, %parallel_loop3A_795] {strides = array<i32>} : memref<16x1024xf32, #tpu.memory_space<vmem>>, vector<1x16xf32>,
        %parallel_loop3A_797 = vector.shape_cast %parallel_loop3A_796 : vector<1x16xf32> to vector<16xf32>
        %parallel_loop3A_798 = arith.constant 3.200000e+01 : f32
        %parallel_loop3A_799 = vector.broadcast %parallel_loop3A_798 : f32 to vector<16xf32>
        %parallel_loop3A_800 = arith.mulf %parallel_loop3A_797, %parallel_loop3A_799 : vector<16xf32>
        %parallel_loop3A_801 = arith.index_cast %parallel_loop3A_181 : i32 to index
        %parallel_loop3A_802 = arith.constant 816 : index
        %parallel_loop3A_803 = tpu.vector_load %arg7[%parallel_loop3A_801, %parallel_loop3A_802] {strides = array<i32>} : memref<16x1024xf32, #tpu.memory_space<vmem>>, vector<1x16xf32>,
        %parallel_loop3A_804 = vector.shape_cast %parallel_loop3A_803 : vector<1x16xf32> to vector<16xf32>
        %parallel_loop3A_805 = vector.shape_cast %parallel_loop3A_800 : vector<16xf32> to vector<1x16xf32>
        tpu.vector_store %arg7[%parallel_loop3A_801, %parallel_loop3A_802], %parallel_loop3A_805 {strides = array<i32>} : memref<16x1024xf32, #tpu.memory_space<vmem>>, vector<1x16xf32>,
        %parallel_loop3A_806 = arith.index_cast %parallel_loop3A_181 : i32 to index
        %parallel_loop3A_807 = arith.constant 832 : index
        %parallel_loop3A_808 = tpu.vector_load %arg7[%parallel_loop3A_806, %parallel_loop3A_807] {strides = array<i32>} : memref<16x1024xf32, #tpu.memory_space<vmem>>, vector<1x16xf32>,
        %parallel_loop3A_809 = vector.shape_cast %parallel_loop3A_808 : vector<1x16xf32> to vector<16xf32>
        %parallel_loop3A_810 = arith.constant 3.200000e+01 : f32
        %parallel_loop3A_811 = vector.broadcast %parallel_loop3A_810 : f32 to vector<16xf32>
        %parallel_loop3A_812 = arith.mulf %parallel_loop3A_809, %parallel_loop3A_811 : vector<16xf32>
        %parallel_loop3A_813 = arith.index_cast %parallel_loop3A_181 : i32 to index
        %parallel_loop3A_814 = arith.constant 832 : index
        %parallel_loop3A_815 = tpu.vector_load %arg7[%parallel_loop3A_813, %parallel_loop3A_814] {strides = array<i32>} : memref<16x1024xf32, #tpu.memory_space<vmem>>, vector<1x16xf32>,
        %parallel_loop3A_816 = vector.shape_cast %parallel_loop3A_815 : vector<1x16xf32> to vector<16xf32>
        %parallel_loop3A_817 = vector.shape_cast %parallel_loop3A_812 : vector<16xf32> to vector<1x16xf32>
        tpu.vector_store %arg7[%parallel_loop3A_813, %parallel_loop3A_814], %parallel_loop3A_817 {strides = array<i32>} : memref<16x1024xf32, #tpu.memory_space<vmem>>, vector<1x16xf32>,
        %parallel_loop3A_818 = arith.index_cast %parallel_loop3A_181 : i32 to index
        %parallel_loop3A_819 = arith.constant 848 : index
        %parallel_loop3A_820 = tpu.vector_load %arg7[%parallel_loop3A_818, %parallel_loop3A_819] {strides = array<i32>} : memref<16x1024xf32, #tpu.memory_space<vmem>>, vector<1x16xf32>,
        %parallel_loop3A_821 = vector.shape_cast %parallel_loop3A_820 : vector<1x16xf32> to vector<16xf32>
        %parallel_loop3A_822 = arith.constant 3.200000e+01 : f32
        %parallel_loop3A_823 = vector.broadcast %parallel_loop3A_822 : f32 to vector<16xf32>
        %parallel_loop3A_824 = arith.mulf %parallel_loop3A_821, %parallel_loop3A_823 : vector<16xf32>
        %parallel_loop3A_825 = arith.index_cast %parallel_loop3A_181 : i32 to index
        %parallel_loop3A_826 = arith.constant 848 : index
        %parallel_loop3A_827 = tpu.vector_load %arg7[%parallel_loop3A_825, %parallel_loop3A_826] {strides = array<i32>} : memref<16x1024xf32, #tpu.memory_space<vmem>>, vector<1x16xf32>,
        %parallel_loop3A_828 = vector.shape_cast %parallel_loop3A_827 : vector<1x16xf32> to vector<16xf32>
        %parallel_loop3A_829 = vector.shape_cast %parallel_loop3A_824 : vector<16xf32> to vector<1x16xf32>
        tpu.vector_store %arg7[%parallel_loop3A_825, %parallel_loop3A_826], %parallel_loop3A_829 {strides = array<i32>} : memref<16x1024xf32, #tpu.memory_space<vmem>>, vector<1x16xf32>,
        %parallel_loop3A_830 = arith.index_cast %parallel_loop3A_181 : i32 to index
        %parallel_loop3A_831 = arith.constant 864 : index
        %parallel_loop3A_832 = tpu.vector_load %arg7[%parallel_loop3A_830, %parallel_loop3A_831] {strides = array<i32>} : memref<16x1024xf32, #tpu.memory_space<vmem>>, vector<1x16xf32>,
        %parallel_loop3A_833 = vector.shape_cast %parallel_loop3A_832 : vector<1x16xf32> to vector<16xf32>
        %parallel_loop3A_834 = arith.constant 3.200000e+01 : f32
        %parallel_loop3A_835 = vector.broadcast %parallel_loop3A_834 : f32 to vector<16xf32>
        %parallel_loop3A_836 = arith.mulf %parallel_loop3A_833, %parallel_loop3A_835 : vector<16xf32>
        %parallel_loop3A_837 = arith.index_cast %parallel_loop3A_181 : i32 to index
        %parallel_loop3A_838 = arith.constant 864 : index
        %parallel_loop3A_839 = tpu.vector_load %arg7[%parallel_loop3A_837, %parallel_loop3A_838] {strides = array<i32>} : memref<16x1024xf32, #tpu.memory_space<vmem>>, vector<1x16xf32>,
        %parallel_loop3A_840 = vector.shape_cast %parallel_loop3A_839 : vector<1x16xf32> to vector<16xf32>
        %parallel_loop3A_841 = vector.shape_cast %parallel_loop3A_836 : vector<16xf32> to vector<1x16xf32>
        tpu.vector_store %arg7[%parallel_loop3A_837, %parallel_loop3A_838], %parallel_loop3A_841 {strides = array<i32>} : memref<16x1024xf32, #tpu.memory_space<vmem>>, vector<1x16xf32>,
        %parallel_loop3A_842 = arith.index_cast %parallel_loop3A_181 : i32 to index
        %parallel_loop3A_843 = arith.constant 880 : index
        %parallel_loop3A_844 = tpu.vector_load %arg7[%parallel_loop3A_842, %parallel_loop3A_843] {strides = array<i32>} : memref<16x1024xf32, #tpu.memory_space<vmem>>, vector<1x16xf32>,
        %parallel_loop3A_845 = vector.shape_cast %parallel_loop3A_844 : vector<1x16xf32> to vector<16xf32>
        %parallel_loop3A_846 = arith.constant 3.200000e+01 : f32
        %parallel_loop3A_847 = vector.broadcast %parallel_loop3A_846 : f32 to vector<16xf32>
        %parallel_loop3A_848 = arith.mulf %parallel_loop3A_845, %parallel_loop3A_847 : vector<16xf32>
        %parallel_loop3A_849 = arith.index_cast %parallel_loop3A_181 : i32 to index
        %parallel_loop3A_850 = arith.constant 880 : index
        %parallel_loop3A_851 = tpu.vector_load %arg7[%parallel_loop3A_849, %parallel_loop3A_850] {strides = array<i32>} : memref<16x1024xf32, #tpu.memory_space<vmem>>, vector<1x16xf32>,
        %parallel_loop3A_852 = vector.shape_cast %parallel_loop3A_851 : vector<1x16xf32> to vector<16xf32>
        %parallel_loop3A_853 = vector.shape_cast %parallel_loop3A_848 : vector<16xf32> to vector<1x16xf32>
        tpu.vector_store %arg7[%parallel_loop3A_849, %parallel_loop3A_850], %parallel_loop3A_853 {strides = array<i32>} : memref<16x1024xf32, #tpu.memory_space<vmem>>, vector<1x16xf32>,
        %parallel_loop3A_854 = arith.index_cast %parallel_loop3A_181 : i32 to index
        %parallel_loop3A_855 = arith.constant 896 : index
        %parallel_loop3A_856 = tpu.vector_load %arg7[%parallel_loop3A_854, %parallel_loop3A_855] {strides = array<i32>} : memref<16x1024xf32, #tpu.memory_space<vmem>>, vector<1x16xf32>,
        %parallel_loop3A_857 = vector.shape_cast %parallel_loop3A_856 : vector<1x16xf32> to vector<16xf32>
        %parallel_loop3A_858 = arith.constant 3.200000e+01 : f32
        %parallel_loop3A_859 = vector.broadcast %parallel_loop3A_858 : f32 to vector<16xf32>
        %parallel_loop3A_860 = arith.mulf %parallel_loop3A_857, %parallel_loop3A_859 : vector<16xf32>
        %parallel_loop3A_861 = arith.index_cast %parallel_loop3A_181 : i32 to index
        %parallel_loop3A_862 = arith.constant 896 : index
        %parallel_loop3A_863 = tpu.vector_load %arg7[%parallel_loop3A_861, %parallel_loop3A_862] {strides = array<i32>} : memref<16x1024xf32, #tpu.memory_space<vmem>>, vector<1x16xf32>,
        %parallel_loop3A_864 = vector.shape_cast %parallel_loop3A_863 : vector<1x16xf32> to vector<16xf32>
        %parallel_loop3A_865 = vector.shape_cast %parallel_loop3A_860 : vector<16xf32> to vector<1x16xf32>
        tpu.vector_store %arg7[%parallel_loop3A_861, %parallel_loop3A_862], %parallel_loop3A_865 {strides = array<i32>} : memref<16x1024xf32, #tpu.memory_space<vmem>>, vector<1x16xf32>,
        %parallel_loop3A_866 = arith.index_cast %parallel_loop3A_181 : i32 to index
        %parallel_loop3A_867 = arith.constant 912 : index
        %parallel_loop3A_868 = tpu.vector_load %arg7[%parallel_loop3A_866, %parallel_loop3A_867] {strides = array<i32>} : memref<16x1024xf32, #tpu.memory_space<vmem>>, vector<1x16xf32>,
        %parallel_loop3A_869 = vector.shape_cast %parallel_loop3A_868 : vector<1x16xf32> to vector<16xf32>
        %parallel_loop3A_870 = arith.constant 3.200000e+01 : f32
        %parallel_loop3A_871 = vector.broadcast %parallel_loop3A_870 : f32 to vector<16xf32>
        %parallel_loop3A_872 = arith.mulf %parallel_loop3A_869, %parallel_loop3A_871 : vector<16xf32>
        %parallel_loop3A_873 = arith.index_cast %parallel_loop3A_181 : i32 to index
        %parallel_loop3A_874 = arith.constant 912 : index
        %parallel_loop3A_875 = tpu.vector_load %arg7[%parallel_loop3A_873, %parallel_loop3A_874] {strides = array<i32>} : memref<16x1024xf32, #tpu.memory_space<vmem>>, vector<1x16xf32>,
        %parallel_loop3A_876 = vector.shape_cast %parallel_loop3A_875 : vector<1x16xf32> to vector<16xf32>
        %parallel_loop3A_877 = vector.shape_cast %parallel_loop3A_872 : vector<16xf32> to vector<1x16xf32>
        tpu.vector_store %arg7[%parallel_loop3A_873, %parallel_loop3A_874], %parallel_loop3A_877 {strides = array<i32>} : memref<16x1024xf32, #tpu.memory_space<vmem>>, vector<1x16xf32>,
        %parallel_loop3A_878 = arith.index_cast %parallel_loop3A_181 : i32 to index
        %parallel_loop3A_879 = arith.constant 928 : index
        %parallel_loop3A_880 = tpu.vector_load %arg7[%parallel_loop3A_878, %parallel_loop3A_879] {strides = array<i32>} : memref<16x1024xf32, #tpu.memory_space<vmem>>, vector<1x16xf32>,
        %parallel_loop3A_881 = vector.shape_cast %parallel_loop3A_880 : vector<1x16xf32> to vector<16xf32>
        %parallel_loop3A_882 = arith.constant 3.200000e+01 : f32
        %parallel_loop3A_883 = vector.broadcast %parallel_loop3A_882 : f32 to vector<16xf32>
        %parallel_loop3A_884 = arith.mulf %parallel_loop3A_881, %parallel_loop3A_883 : vector<16xf32>
        %parallel_loop3A_885 = arith.index_cast %parallel_loop3A_181 : i32 to index
        %parallel_loop3A_886 = arith.constant 928 : index
        %parallel_loop3A_887 = tpu.vector_load %arg7[%parallel_loop3A_885, %parallel_loop3A_886] {strides = array<i32>} : memref<16x1024xf32, #tpu.memory_space<vmem>>, vector<1x16xf32>,
        %parallel_loop3A_888 = vector.shape_cast %parallel_loop3A_887 : vector<1x16xf32> to vector<16xf32>
        %parallel_loop3A_889 = vector.shape_cast %parallel_loop3A_884 : vector<16xf32> to vector<1x16xf32>
        tpu.vector_store %arg7[%parallel_loop3A_885, %parallel_loop3A_886], %parallel_loop3A_889 {strides = array<i32>} : memref<16x1024xf32, #tpu.memory_space<vmem>>, vector<1x16xf32>,
        %parallel_loop3A_890 = arith.index_cast %parallel_loop3A_181 : i32 to index
        %parallel_loop3A_891 = arith.constant 944 : index
        %parallel_loop3A_892 = tpu.vector_load %arg7[%parallel_loop3A_890, %parallel_loop3A_891] {strides = array<i32>} : memref<16x1024xf32, #tpu.memory_space<vmem>>, vector<1x16xf32>,
        %parallel_loop3A_893 = vector.shape_cast %parallel_loop3A_892 : vector<1x16xf32> to vector<16xf32>
        %parallel_loop3A_894 = arith.constant 3.200000e+01 : f32
        %parallel_loop3A_895 = vector.broadcast %parallel_loop3A_894 : f32 to vector<16xf32>
        %parallel_loop3A_896 = arith.mulf %parallel_loop3A_893, %parallel_loop3A_895 : vector<16xf32>
        %parallel_loop3A_897 = arith.index_cast %parallel_loop3A_181 : i32 to index
        %parallel_loop3A_898 = arith.constant 944 : index
        %parallel_loop3A_899 = tpu.vector_load %arg7[%parallel_loop3A_897, %parallel_loop3A_898] {strides = array<i32>} : memref<16x1024xf32, #tpu.memory_space<vmem>>, vector<1x16xf32>,
        %parallel_loop3A_900 = vector.shape_cast %parallel_loop3A_899 : vector<1x16xf32> to vector<16xf32>
        %parallel_loop3A_901 = vector.shape_cast %parallel_loop3A_896 : vector<16xf32> to vector<1x16xf32>
        tpu.vector_store %arg7[%parallel_loop3A_897, %parallel_loop3A_898], %parallel_loop3A_901 {strides = array<i32>} : memref<16x1024xf32, #tpu.memory_space<vmem>>, vector<1x16xf32>,
        %parallel_loop3A_902 = arith.index_cast %parallel_loop3A_181 : i32 to index
        %parallel_loop3A_903 = arith.constant 960 : index
        %parallel_loop3A_904 = tpu.vector_load %arg7[%parallel_loop3A_902, %parallel_loop3A_903] {strides = array<i32>} : memref<16x1024xf32, #tpu.memory_space<vmem>>, vector<1x16xf32>,
        %parallel_loop3A_905 = vector.shape_cast %parallel_loop3A_904 : vector<1x16xf32> to vector<16xf32>
        %parallel_loop3A_906 = arith.constant 3.200000e+01 : f32
        %parallel_loop3A_907 = vector.broadcast %parallel_loop3A_906 : f32 to vector<16xf32>
        %parallel_loop3A_908 = arith.mulf %parallel_loop3A_905, %parallel_loop3A_907 : vector<16xf32>
        %parallel_loop3A_909 = arith.index_cast %parallel_loop3A_181 : i32 to index
        %parallel_loop3A_910 = arith.constant 960 : index
        %parallel_loop3A_911 = tpu.vector_load %arg7[%parallel_loop3A_909, %parallel_loop3A_910] {strides = array<i32>} : memref<16x1024xf32, #tpu.memory_space<vmem>>, vector<1x16xf32>,
        %parallel_loop3A_912 = vector.shape_cast %parallel_loop3A_911 : vector<1x16xf32> to vector<16xf32>
        %parallel_loop3A_913 = vector.shape_cast %parallel_loop3A_908 : vector<16xf32> to vector<1x16xf32>
        tpu.vector_store %arg7[%parallel_loop3A_909, %parallel_loop3A_910], %parallel_loop3A_913 {strides = array<i32>} : memref<16x1024xf32, #tpu.memory_space<vmem>>, vector<1x16xf32>,
        %parallel_loop3A_914 = arith.index_cast %parallel_loop3A_181 : i32 to index
        %parallel_loop3A_915 = arith.constant 976 : index
        %parallel_loop3A_916 = tpu.vector_load %arg7[%parallel_loop3A_914, %parallel_loop3A_915] {strides = array<i32>} : memref<16x1024xf32, #tpu.memory_space<vmem>>, vector<1x16xf32>,
        %parallel_loop3A_917 = vector.shape_cast %parallel_loop3A_916 : vector<1x16xf32> to vector<16xf32>
        %parallel_loop3A_918 = arith.constant 3.200000e+01 : f32
        %parallel_loop3A_919 = vector.broadcast %parallel_loop3A_918 : f32 to vector<16xf32>
        %parallel_loop3A_920 = arith.mulf %parallel_loop3A_917, %parallel_loop3A_919 : vector<16xf32>
        %parallel_loop3A_921 = arith.index_cast %parallel_loop3A_181 : i32 to index
        %parallel_loop3A_922 = arith.constant 976 : index
        %parallel_loop3A_923 = tpu.vector_load %arg7[%parallel_loop3A_921, %parallel_loop3A_922] {strides = array<i32>} : memref<16x1024xf32, #tpu.memory_space<vmem>>, vector<1x16xf32>,
        %parallel_loop3A_924 = vector.shape_cast %parallel_loop3A_923 : vector<1x16xf32> to vector<16xf32>
        %parallel_loop3A_925 = vector.shape_cast %parallel_loop3A_920 : vector<16xf32> to vector<1x16xf32>
        tpu.vector_store %arg7[%parallel_loop3A_921, %parallel_loop3A_922], %parallel_loop3A_925 {strides = array<i32>} : memref<16x1024xf32, #tpu.memory_space<vmem>>, vector<1x16xf32>,
        %parallel_loop3A_926 = arith.index_cast %parallel_loop3A_181 : i32 to index
        %parallel_loop3A_927 = arith.constant 992 : index
        %parallel_loop3A_928 = tpu.vector_load %arg7[%parallel_loop3A_926, %parallel_loop3A_927] {strides = array<i32>} : memref<16x1024xf32, #tpu.memory_space<vmem>>, vector<1x16xf32>,
        %parallel_loop3A_929 = vector.shape_cast %parallel_loop3A_928 : vector<1x16xf32> to vector<16xf32>
        %parallel_loop3A_930 = arith.constant 3.200000e+01 : f32
        %parallel_loop3A_931 = vector.broadcast %parallel_loop3A_930 : f32 to vector<16xf32>
        %parallel_loop3A_932 = arith.mulf %parallel_loop3A_929, %parallel_loop3A_931 : vector<16xf32>
        %parallel_loop3A_933 = arith.index_cast %parallel_loop3A_181 : i32 to index
        %parallel_loop3A_934 = arith.constant 992 : index
        %parallel_loop3A_935 = tpu.vector_load %arg7[%parallel_loop3A_933, %parallel_loop3A_934] {strides = array<i32>} : memref<16x1024xf32, #tpu.memory_space<vmem>>, vector<1x16xf32>,
        %parallel_loop3A_936 = vector.shape_cast %parallel_loop3A_935 : vector<1x16xf32> to vector<16xf32>
        %parallel_loop3A_937 = vector.shape_cast %parallel_loop3A_932 : vector<16xf32> to vector<1x16xf32>
        tpu.vector_store %arg7[%parallel_loop3A_933, %parallel_loop3A_934], %parallel_loop3A_937 {strides = array<i32>} : memref<16x1024xf32, #tpu.memory_space<vmem>>, vector<1x16xf32>,
        %parallel_loop3A_938 = arith.index_cast %parallel_loop3A_181 : i32 to index
        %parallel_loop3A_939 = arith.constant 1008 : index
        %parallel_loop3A_940 = tpu.vector_load %arg7[%parallel_loop3A_938, %parallel_loop3A_939] {strides = array<i32>} : memref<16x1024xf32, #tpu.memory_space<vmem>>, vector<1x16xf32>,
        %parallel_loop3A_941 = vector.shape_cast %parallel_loop3A_940 : vector<1x16xf32> to vector<16xf32>
        %parallel_loop3A_942 = arith.constant 3.200000e+01 : f32
        %parallel_loop3A_943 = vector.broadcast %parallel_loop3A_942 : f32 to vector<16xf32>
        %parallel_loop3A_944 = arith.mulf %parallel_loop3A_941, %parallel_loop3A_943 : vector<16xf32>
        %parallel_loop3A_945 = arith.index_cast %parallel_loop3A_181 : i32 to index
        %parallel_loop3A_946 = arith.constant 1008 : index
        %parallel_loop3A_947 = tpu.vector_load %arg7[%parallel_loop3A_945, %parallel_loop3A_946] {strides = array<i32>} : memref<16x1024xf32, #tpu.memory_space<vmem>>, vector<1x16xf32>,
        %parallel_loop3A_948 = vector.shape_cast %parallel_loop3A_947 : vector<1x16xf32> to vector<16xf32>
        %parallel_loop3A_949 = vector.shape_cast %parallel_loop3A_944 : vector<16xf32> to vector<1x16xf32>
        tpu.vector_store %arg7[%parallel_loop3A_945, %parallel_loop3A_946], %parallel_loop3A_949 {strides = array<i32>} : memref<16x1024xf32, #tpu.memory_space<vmem>>, vector<1x16xf32>,
      } {sc.loop_unroll_factor = 1 : i64, sc.parallel_access}
      %ge3A_92 = arith.constant 2 : i32
      %ge3A_93 = arith.cmpi sge, %add3A_75, %ge3A_92 : i32
      %convert_element_type3A_94 = arith.extui %ge3A_93 : i1 to i32
      %cond3A_95 = arith.constant 0 : i32
      %cond3A_96 = arith.cmpi ne, %convert_element_type3A_94, %cond3A_95 : i32
      scf.if %cond3A_96 {
        %sub3A = arith.constant 2 : i32
        %sub3A_181 = arith.subi %add3A_75, %sub3A : i32
        %mul3A_182 = arith.constant 16 : i32
        %mul3A_183 = arith.muli %sub3A_181, %mul3A_182 : i32
        %add3A_184 = arith.addi %mul3A_2, %mul3A_183 : i32
        %dma_wait3A_185 = arith.constant 1 : i32
        %dma_wait3A_186 = arith.constant 0 : i32
        %dma_wait3A_187 = tpu.memref_slice %arg4[%add3A_184, %dma_wait3A_186] : memref<32768x1024xf32, #tpu.memory_space<hbm>> -> memref<16x1024xf32, #tpu.memory_space<hbm>>
        %dma_wait3A_188 = arith.constant 0 : i32
        %dma_wait3A_189 = arith.constant 0 : i32
        %dma_wait3A_190 = tpu.memref_slice %arg10[%arg1, %dma_wait3A_185, %dma_wait3A_188, %dma_wait3A_189] : memref<16x2x16x1024xf32, #tpu.memory_space<vmem_shared>> -> memref<1x1x16x1024xf32, #tpu.memory_space<vmem_shared>>
        %dma_wait3A_191 = tpu.memref_squeeze %dma_wait3A_190 : memref<1x1x16x1024xf32, #tpu.memory_space<vmem_shared>> -> memref<16x1024xf32, #tpu.memory_space<vmem_shared>>
        tpu.wait_dma2 semaphore(%arg16 : memref<!tpu.dma_semaphore, #tpu.memory_space<semaphore_mem>>) src(%dma_wait3A_191 : memref<16x1024xf32, #tpu.memory_space<vmem_shared>>) dst(%dma_wait3A_187 : memref<16x1024xf32, #tpu.memory_space<hbm>>)
      } else {
      }
      %run_scoped3A_97 = arith.constant 1 : i32
      "tpu.region"() ({
        %run_scoped3A_181 = tpu.sem_alloc : memref<!tpu.dma_semaphore, #tpu.memory_space<semaphore_mem>>
        %dma_start3A_182 = arith.constant 0 : i32
        %dma_start3A_183 = arith.constant 0 : i32
        %dma_start3A_184 = tpu.memref_slice %arg10[%arg1, %run_scoped3A_97, %dma_start3A_182, %dma_start3A_183] : memref<16x2x16x1024xf32, #tpu.memory_space<vmem_shared>> -> memref<1x1x16x1024xf32, #tpu.memory_space<vmem_shared>>
        %dma_start3A_185 = tpu.memref_squeeze %dma_start3A_184 : memref<1x1x16x1024xf32, #tpu.memory_space<vmem_shared>> -> memref<16x1024xf32, #tpu.memory_space<vmem_shared>>
        %dma_start3A_186 = arith.constant 0 : i32
        %dma_start3A_187 = arith.constant 0 : i32
        %dma_start3A_188 = tpu.memref_slice %arg10[%arg1, %run_scoped3A_97, %dma_start3A_186, %dma_start3A_187] : memref<16x2x16x1024xf32, #tpu.memory_space<vmem_shared>> -> memref<1x1x16x1024xf32, #tpu.memory_space<vmem_shared>>
        %dma_start3A_189 = tpu.memref_squeeze %dma_start3A_188 : memref<1x1x16x1024xf32, #tpu.memory_space<vmem_shared>> -> memref<16x1024xf32, #tpu.memory_space<vmem_shared>>
        tpu.enqueue_dma source(%arg7 : memref<16x1024xf32, #tpu.memory_space<vmem>>) target(%dma_start3A_189 : memref<16x1024xf32, #tpu.memory_space<vmem_shared>>) target_semaphore(%run_scoped3A_181 : memref<!tpu.dma_semaphore, #tpu.memory_space<semaphore_mem>>)
        %dma_wait3A_190 = arith.constant 0 : i32
        %dma_wait3A_191 = arith.constant 0 : i32
        %dma_wait3A_192 = tpu.memref_slice %arg10[%arg1, %run_scoped3A_97, %dma_wait3A_190, %dma_wait3A_191] : memref<16x2x16x1024xf32, #tpu.memory_space<vmem_shared>> -> memref<1x1x16x1024xf32, #tpu.memory_space<vmem_shared>>
        %dma_wait3A_193 = tpu.memref_squeeze %dma_wait3A_192 : memref<1x1x16x1024xf32, #tpu.memory_space<vmem_shared>> -> memref<16x1024xf32, #tpu.memory_space<vmem_shared>>
        %dma_wait3A_194 = arith.constant 0 : i32
        %dma_wait3A_195 = arith.constant 0 : i32
        %dma_wait3A_196 = tpu.memref_slice %arg10[%arg1, %run_scoped3A_97, %dma_wait3A_194, %dma_wait3A_195] : memref<16x2x16x1024xf32, #tpu.memory_space<vmem_shared>> -> memref<1x1x16x1024xf32, #tpu.memory_space<vmem_shared>>
        %dma_wait3A_197 = tpu.memref_squeeze %dma_wait3A_196 : memref<1x1x16x1024xf32, #tpu.memory_space<vmem_shared>> -> memref<16x1024xf32, #tpu.memory_space<vmem_shared>>
        tpu.wait_dma2 semaphore(%run_scoped3A_181 : memref<!tpu.dma_semaphore, #tpu.memory_space<semaphore_mem>>) src(%arg7 : memref<16x1024xf32, #tpu.memory_space<vmem>>) dst(%dma_wait3A_197 : memref<16x1024xf32, #tpu.memory_space<vmem_shared>>)
        tpu.yield
      }) : () -> ()
      %mul3A_98 = arith.constant 16 : i32
      %mul3A_99 = arith.muli %add3A_75, %mul3A_98 : i32
      %add3A_100 = arith.addi %mul3A_2, %mul3A_99 : i32
      %dma_start3A_101 = arith.constant 1 : i32
      %dma_start3A_102 = arith.constant 0 : i32
      %dma_start3A_103 = tpu.memref_slice %arg4[%add3A_100, %dma_start3A_102] : memref<32768x1024xf32, #tpu.memory_space<hbm>> -> memref<16x1024xf32, #tpu.memory_space<hbm>>
      %dma_start3A_104 = arith.constant 0 : i32
      %dma_start3A_105 = arith.constant 0 : i32
      %dma_start3A_106 = tpu.memref_slice %arg10[%arg1, %dma_start3A_101, %dma_start3A_104, %dma_start3A_105] : memref<16x2x16x1024xf32, #tpu.memory_space<vmem_shared>> -> memref<1x1x16x1024xf32, #tpu.memory_space<vmem_shared>>
      %dma_start3A_107 = tpu.memref_squeeze %dma_start3A_106 : memref<1x1x16x1024xf32, #tpu.memory_space<vmem_shared>> -> memref<16x1024xf32, #tpu.memory_space<vmem_shared>>
      tpu.enqueue_dma source(%dma_start3A_107 : memref<16x1024xf32, #tpu.memory_space<vmem_shared>>) target(%dma_start3A_103 : memref<16x1024xf32, #tpu.memory_space<hbm>>) target_semaphore(%arg16 : memref<!tpu.dma_semaphore, #tpu.memory_space<semaphore_mem>>)
      %mul3A_108 = arith.constant 4 : i32
      %mul3A_109 = arith.muli %scan3A_40, %mul3A_108 : i32
      %add3A_110 = arith.constant 2 : i32
      %add3A_111 = arith.addi %mul3A_109, %add3A_110 : i32
      %add3A_112 = arith.constant 3 : i32
      %add3A_113 = arith.addi %add3A_111, %add3A_112 : i32
      %lt3A_114 = arith.constant 64 : i32
      %lt3A_115 = arith.cmpi slt, %add3A_113, %lt3A_114 : i32
      %convert_element_type3A_116 = arith.extui %lt3A_115 : i1 to i32
      %cond3A_117 = arith.constant 0 : i32
      %cond3A_118 = arith.cmpi ne, %convert_element_type3A_116, %cond3A_117 : i32
      scf.if %cond3A_118 {
        %add3A_181 = arith.constant 3 : i32
        %add3A_182 = arith.addi %add3A_111, %add3A_181 : i32
        %mul3A_183 = arith.constant 16 : i32
        %mul3A_184 = arith.muli %add3A_182, %mul3A_183 : i32
        %dma_start3A_185 = tpu.memref_slice %arg5[%mul3A_184] : memref<1024xi32, #tpu.memory_space<vmem>> -> memref<16xi32, #tpu.memory_space<vmem>>
        %dma_start3A_186 = arith.constant 0 : i32
        %dma_start3A_187 = arith.constant 0 : i32
        %dma_start3A_188 = tpu.memref_slice %arg3[%dma_start3A_186, %dma_start3A_187] : memref<100000x1024xf32, #tpu.memory_space<hbm>> -> memref<100000x1024xf32, #tpu.memory_space<hbm>>
        tpu.enqueue_indirect_dma source(%dma_start3A_188 : memref<100000x1024xf32, #tpu.memory_space<hbm>>) target(%arg7 : memref<16x1024xf32, #tpu.memory_space<vmem>>) offsets(%dma_start3A_185 : memref<16xi32, #tpu.memory_space<vmem>>) semaphore(%arg12 : memref<!tpu.dma_semaphore, #tpu.memory_space<semaphore_mem>>)
      } else {
      }
      %mul3A_119 = arith.constant 16 : i32
      %mul3A_120 = arith.muli %add3A_111, %mul3A_119 : i32
      %dma_wait3A_121 = tpu.memref_slice %arg5[%mul3A_120] : memref<1024xi32, #tpu.memory_space<vmem>> -> memref<16xi32, #tpu.memory_space<vmem>>
      %dma_wait3A_122 = arith.constant 0 : i32
      %dma_wait3A_123 = arith.constant 0 : i32
      %dma_wait3A_124 = tpu.memref_slice %arg3[%dma_wait3A_122, %dma_wait3A_123] : memref<100000x1024xf32, #tpu.memory_space<hbm>> -> memref<100000x1024xf32, #tpu.memory_space<hbm>>
      tpu.wait_indirect_dma semaphore(%arg13 : memref<!tpu.dma_semaphore, #tpu.memory_space<semaphore_mem>>) src(%dma_wait3A_124 : memref<100000x1024xf32, #tpu.memory_space<hbm>>) dst(%arg8 : memref<16x1024xf32, #tpu.memory_space<vmem>>)
      %parallel_loop3A_125 = arith.constant 0 : i32
      %parallel_loop3A_126 = arith.constant 16 : i32
      %parallel_loop3A_127 = arith.constant 1 : i32
      scf.for %parallel_loop3A_181 = %parallel_loop3A_125 to %parallel_loop3A_126 step %parallel_loop3A_127  : i32 {
        %parallel_loop3A_182 = arith.index_cast %parallel_loop3A_181 : i32 to index
        %parallel_loop3A_183 = arith.constant 0 : index
        %parallel_loop3A_184 = tpu.vector_load %arg8[%parallel_loop3A_182, %parallel_loop3A_183] {strides = array<i32>} : memref<16x1024xf32, #tpu.memory_space<vmem>>, vector<1x16xf32>,
        %parallel_loop3A_185 = vector.shape_cast %parallel_loop3A_184 : vector<1x16xf32> to vector<16xf32>
        %parallel_loop3A_186 = arith.constant 3.200000e+01 : f32
        %parallel_loop3A_187 = vector.broadcast %parallel_loop3A_186 : f32 to vector<16xf32>
        %parallel_loop3A_188 = arith.mulf %parallel_loop3A_185, %parallel_loop3A_187 : vector<16xf32>
        %parallel_loop3A_189 = arith.index_cast %parallel_loop3A_181 : i32 to index
        %parallel_loop3A_190 = arith.constant 0 : index
        %parallel_loop3A_191 = tpu.vector_load %arg8[%parallel_loop3A_189, %parallel_loop3A_190] {strides = array<i32>} : memref<16x1024xf32, #tpu.memory_space<vmem>>, vector<1x16xf32>,
        %parallel_loop3A_192 = vector.shape_cast %parallel_loop3A_191 : vector<1x16xf32> to vector<16xf32>
        %parallel_loop3A_193 = vector.shape_cast %parallel_loop3A_188 : vector<16xf32> to vector<1x16xf32>
        tpu.vector_store %arg8[%parallel_loop3A_189, %parallel_loop3A_190], %parallel_loop3A_193 {strides = array<i32>} : memref<16x1024xf32, #tpu.memory_space<vmem>>, vector<1x16xf32>,
        %parallel_loop3A_194 = arith.index_cast %parallel_loop3A_181 : i32 to index
        %parallel_loop3A_195 = arith.constant 16 : index
        %parallel_loop3A_196 = tpu.vector_load %arg8[%parallel_loop3A_194, %parallel_loop3A_195] {strides = array<i32>} : memref<16x1024xf32, #tpu.memory_space<vmem>>, vector<1x16xf32>,
        %parallel_loop3A_197 = vector.shape_cast %parallel_loop3A_196 : vector<1x16xf32> to vector<16xf32>
        %parallel_loop3A_198 = arith.constant 3.200000e+01 : f32
        %parallel_loop3A_199 = vector.broadcast %parallel_loop3A_198 : f32 to vector<16xf32>
        %parallel_loop3A_200 = arith.mulf %parallel_loop3A_197, %parallel_loop3A_199 : vector<16xf32>
        %parallel_loop3A_201 = arith.index_cast %parallel_loop3A_181 : i32 to index
        %parallel_loop3A_202 = arith.constant 16 : index
        %parallel_loop3A_203 = tpu.vector_load %arg8[%parallel_loop3A_201, %parallel_loop3A_202] {strides = array<i32>} : memref<16x1024xf32, #tpu.memory_space<vmem>>, vector<1x16xf32>,
        %parallel_loop3A_204 = vector.shape_cast %parallel_loop3A_203 : vector<1x16xf32> to vector<16xf32>
        %parallel_loop3A_205 = vector.shape_cast %parallel_loop3A_200 : vector<16xf32> to vector<1x16xf32>
        tpu.vector_store %arg8[%parallel_loop3A_201, %parallel_loop3A_202], %parallel_loop3A_205 {strides = array<i32>} : memref<16x1024xf32, #tpu.memory_space<vmem>>, vector<1x16xf32>,
        %parallel_loop3A_206 = arith.index_cast %parallel_loop3A_181 : i32 to index
        %parallel_loop3A_207 = arith.constant 32 : index
        %parallel_loop3A_208 = tpu.vector_load %arg8[%parallel_loop3A_206, %parallel_loop3A_207] {strides = array<i32>} : memref<16x1024xf32, #tpu.memory_space<vmem>>, vector<1x16xf32>,
        %parallel_loop3A_209 = vector.shape_cast %parallel_loop3A_208 : vector<1x16xf32> to vector<16xf32>
        %parallel_loop3A_210 = arith.constant 3.200000e+01 : f32
        %parallel_loop3A_211 = vector.broadcast %parallel_loop3A_210 : f32 to vector<16xf32>
        %parallel_loop3A_212 = arith.mulf %parallel_loop3A_209, %parallel_loop3A_211 : vector<16xf32>
        %parallel_loop3A_213 = arith.index_cast %parallel_loop3A_181 : i32 to index
        %parallel_loop3A_214 = arith.constant 32 : index
        %parallel_loop3A_215 = tpu.vector_load %arg8[%parallel_loop3A_213, %parallel_loop3A_214] {strides = array<i32>} : memref<16x1024xf32, #tpu.memory_space<vmem>>, vector<1x16xf32>,
        %parallel_loop3A_216 = vector.shape_cast %parallel_loop3A_215 : vector<1x16xf32> to vector<16xf32>
        %parallel_loop3A_217 = vector.shape_cast %parallel_loop3A_212 : vector<16xf32> to vector<1x16xf32>
        tpu.vector_store %arg8[%parallel_loop3A_213, %parallel_loop3A_214], %parallel_loop3A_217 {strides = array<i32>} : memref<16x1024xf32, #tpu.memory_space<vmem>>, vector<1x16xf32>,
        %parallel_loop3A_218 = arith.index_cast %parallel_loop3A_181 : i32 to index
        %parallel_loop3A_219 = arith.constant 48 : index
        %parallel_loop3A_220 = tpu.vector_load %arg8[%parallel_loop3A_218, %parallel_loop3A_219] {strides = array<i32>} : memref<16x1024xf32, #tpu.memory_space<vmem>>, vector<1x16xf32>,
        %parallel_loop3A_221 = vector.shape_cast %parallel_loop3A_220 : vector<1x16xf32> to vector<16xf32>
        %parallel_loop3A_222 = arith.constant 3.200000e+01 : f32
        %parallel_loop3A_223 = vector.broadcast %parallel_loop3A_222 : f32 to vector<16xf32>
        %parallel_loop3A_224 = arith.mulf %parallel_loop3A_221, %parallel_loop3A_223 : vector<16xf32>
        %parallel_loop3A_225 = arith.index_cast %parallel_loop3A_181 : i32 to index
        %parallel_loop3A_226 = arith.constant 48 : index
        %parallel_loop3A_227 = tpu.vector_load %arg8[%parallel_loop3A_225, %parallel_loop3A_226] {strides = array<i32>} : memref<16x1024xf32, #tpu.memory_space<vmem>>, vector<1x16xf32>,
        %parallel_loop3A_228 = vector.shape_cast %parallel_loop3A_227 : vector<1x16xf32> to vector<16xf32>
        %parallel_loop3A_229 = vector.shape_cast %parallel_loop3A_224 : vector<16xf32> to vector<1x16xf32>
        tpu.vector_store %arg8[%parallel_loop3A_225, %parallel_loop3A_226], %parallel_loop3A_229 {strides = array<i32>} : memref<16x1024xf32, #tpu.memory_space<vmem>>, vector<1x16xf32>,
        %parallel_loop3A_230 = arith.index_cast %parallel_loop3A_181 : i32 to index
        %parallel_loop3A_231 = arith.constant 64 : index
        %parallel_loop3A_232 = tpu.vector_load %arg8[%parallel_loop3A_230, %parallel_loop3A_231] {strides = array<i32>} : memref<16x1024xf32, #tpu.memory_space<vmem>>, vector<1x16xf32>,
        %parallel_loop3A_233 = vector.shape_cast %parallel_loop3A_232 : vector<1x16xf32> to vector<16xf32>
        %parallel_loop3A_234 = arith.constant 3.200000e+01 : f32
        %parallel_loop3A_235 = vector.broadcast %parallel_loop3A_234 : f32 to vector<16xf32>
        %parallel_loop3A_236 = arith.mulf %parallel_loop3A_233, %parallel_loop3A_235 : vector<16xf32>
        %parallel_loop3A_237 = arith.index_cast %parallel_loop3A_181 : i32 to index
        %parallel_loop3A_238 = arith.constant 64 : index
        %parallel_loop3A_239 = tpu.vector_load %arg8[%parallel_loop3A_237, %parallel_loop3A_238] {strides = array<i32>} : memref<16x1024xf32, #tpu.memory_space<vmem>>, vector<1x16xf32>,
        %parallel_loop3A_240 = vector.shape_cast %parallel_loop3A_239 : vector<1x16xf32> to vector<16xf32>
        %parallel_loop3A_241 = vector.shape_cast %parallel_loop3A_236 : vector<16xf32> to vector<1x16xf32>
        tpu.vector_store %arg8[%parallel_loop3A_237, %parallel_loop3A_238], %parallel_loop3A_241 {strides = array<i32>} : memref<16x1024xf32, #tpu.memory_space<vmem>>, vector<1x16xf32>,
        %parallel_loop3A_242 = arith.index_cast %parallel_loop3A_181 : i32 to index
        %parallel_loop3A_243 = arith.constant 80 : index
        %parallel_loop3A_244 = tpu.vector_load %arg8[%parallel_loop3A_242, %parallel_loop3A_243] {strides = array<i32>} : memref<16x1024xf32, #tpu.memory_space<vmem>>, vector<1x16xf32>,
        %parallel_loop3A_245 = vector.shape_cast %parallel_loop3A_244 : vector<1x16xf32> to vector<16xf32>
        %parallel_loop3A_246 = arith.constant 3.200000e+01 : f32
        %parallel_loop3A_247 = vector.broadcast %parallel_loop3A_246 : f32 to vector<16xf32>
        %parallel_loop3A_248 = arith.mulf %parallel_loop3A_245, %parallel_loop3A_247 : vector<16xf32>
        %parallel_loop3A_249 = arith.index_cast %parallel_loop3A_181 : i32 to index
        %parallel_loop3A_250 = arith.constant 80 : index
        %parallel_loop3A_251 = tpu.vector_load %arg8[%parallel_loop3A_249, %parallel_loop3A_250] {strides = array<i32>} : memref<16x1024xf32, #tpu.memory_space<vmem>>, vector<1x16xf32>,
        %parallel_loop3A_252 = vector.shape_cast %parallel_loop3A_251 : vector<1x16xf32> to vector<16xf32>
        %parallel_loop3A_253 = vector.shape_cast %parallel_loop3A_248 : vector<16xf32> to vector<1x16xf32>
        tpu.vector_store %arg8[%parallel_loop3A_249, %parallel_loop3A_250], %parallel_loop3A_253 {strides = array<i32>} : memref<16x1024xf32, #tpu.memory_space<vmem>>, vector<1x16xf32>,
        %parallel_loop3A_254 = arith.index_cast %parallel_loop3A_181 : i32 to index
        %parallel_loop3A_255 = arith.constant 96 : index
        %parallel_loop3A_256 = tpu.vector_load %arg8[%parallel_loop3A_254, %parallel_loop3A_255] {strides = array<i32>} : memref<16x1024xf32, #tpu.memory_space<vmem>>, vector<1x16xf32>,
        %parallel_loop3A_257 = vector.shape_cast %parallel_loop3A_256 : vector<1x16xf32> to vector<16xf32>
        %parallel_loop3A_258 = arith.constant 3.200000e+01 : f32
        %parallel_loop3A_259 = vector.broadcast %parallel_loop3A_258 : f32 to vector<16xf32>
        %parallel_loop3A_260 = arith.mulf %parallel_loop3A_257, %parallel_loop3A_259 : vector<16xf32>
        %parallel_loop3A_261 = arith.index_cast %parallel_loop3A_181 : i32 to index
        %parallel_loop3A_262 = arith.constant 96 : index
        %parallel_loop3A_263 = tpu.vector_load %arg8[%parallel_loop3A_261, %parallel_loop3A_262] {strides = array<i32>} : memref<16x1024xf32, #tpu.memory_space<vmem>>, vector<1x16xf32>,
        %parallel_loop3A_264 = vector.shape_cast %parallel_loop3A_263 : vector<1x16xf32> to vector<16xf32>
        %parallel_loop3A_265 = vector.shape_cast %parallel_loop3A_260 : vector<16xf32> to vector<1x16xf32>
        tpu.vector_store %arg8[%parallel_loop3A_261, %parallel_loop3A_262], %parallel_loop3A_265 {strides = array<i32>} : memref<16x1024xf32, #tpu.memory_space<vmem>>, vector<1x16xf32>,
        %parallel_loop3A_266 = arith.index_cast %parallel_loop3A_181 : i32 to index
        %parallel_loop3A_267 = arith.constant 112 : index
        %parallel_loop3A_268 = tpu.vector_load %arg8[%parallel_loop3A_266, %parallel_loop3A_267] {strides = array<i32>} : memref<16x1024xf32, #tpu.memory_space<vmem>>, vector<1x16xf32>,
        %parallel_loop3A_269 = vector.shape_cast %parallel_loop3A_268 : vector<1x16xf32> to vector<16xf32>
        %parallel_loop3A_270 = arith.constant 3.200000e+01 : f32
        %parallel_loop3A_271 = vector.broadcast %parallel_loop3A_270 : f32 to vector<16xf32>
        %parallel_loop3A_272 = arith.mulf %parallel_loop3A_269, %parallel_loop3A_271 : vector<16xf32>
        %parallel_loop3A_273 = arith.index_cast %parallel_loop3A_181 : i32 to index
        %parallel_loop3A_274 = arith.constant 112 : index
        %parallel_loop3A_275 = tpu.vector_load %arg8[%parallel_loop3A_273, %parallel_loop3A_274] {strides = array<i32>} : memref<16x1024xf32, #tpu.memory_space<vmem>>, vector<1x16xf32>,
        %parallel_loop3A_276 = vector.shape_cast %parallel_loop3A_275 : vector<1x16xf32> to vector<16xf32>
        %parallel_loop3A_277 = vector.shape_cast %parallel_loop3A_272 : vector<16xf32> to vector<1x16xf32>
        tpu.vector_store %arg8[%parallel_loop3A_273, %parallel_loop3A_274], %parallel_loop3A_277 {strides = array<i32>} : memref<16x1024xf32, #tpu.memory_space<vmem>>, vector<1x16xf32>,
        %parallel_loop3A_278 = arith.index_cast %parallel_loop3A_181 : i32 to index
        %parallel_loop3A_279 = arith.constant 128 : index
        %parallel_loop3A_280 = tpu.vector_load %arg8[%parallel_loop3A_278, %parallel_loop3A_279] {strides = array<i32>} : memref<16x1024xf32, #tpu.memory_space<vmem>>, vector<1x16xf32>,
        %parallel_loop3A_281 = vector.shape_cast %parallel_loop3A_280 : vector<1x16xf32> to vector<16xf32>
        %parallel_loop3A_282 = arith.constant 3.200000e+01 : f32
        %parallel_loop3A_283 = vector.broadcast %parallel_loop3A_282 : f32 to vector<16xf32>
        %parallel_loop3A_284 = arith.mulf %parallel_loop3A_281, %parallel_loop3A_283 : vector<16xf32>
        %parallel_loop3A_285 = arith.index_cast %parallel_loop3A_181 : i32 to index
        %parallel_loop3A_286 = arith.constant 128 : index
        %parallel_loop3A_287 = tpu.vector_load %arg8[%parallel_loop3A_285, %parallel_loop3A_286] {strides = array<i32>} : memref<16x1024xf32, #tpu.memory_space<vmem>>, vector<1x16xf32>,
        %parallel_loop3A_288 = vector.shape_cast %parallel_loop3A_287 : vector<1x16xf32> to vector<16xf32>
        %parallel_loop3A_289 = vector.shape_cast %parallel_loop3A_284 : vector<16xf32> to vector<1x16xf32>
        tpu.vector_store %arg8[%parallel_loop3A_285, %parallel_loop3A_286], %parallel_loop3A_289 {strides = array<i32>} : memref<16x1024xf32, #tpu.memory_space<vmem>>, vector<1x16xf32>,
        %parallel_loop3A_290 = arith.index_cast %parallel_loop3A_181 : i32 to index
        %parallel_loop3A_291 = arith.constant 144 : index
        %parallel_loop3A_292 = tpu.vector_load %arg8[%parallel_loop3A_290, %parallel_loop3A_291] {strides = array<i32>} : memref<16x1024xf32, #tpu.memory_space<vmem>>, vector<1x16xf32>,
        %parallel_loop3A_293 = vector.shape_cast %parallel_loop3A_292 : vector<1x16xf32> to vector<16xf32>
        %parallel_loop3A_294 = arith.constant 3.200000e+01 : f32
        %parallel_loop3A_295 = vector.broadcast %parallel_loop3A_294 : f32 to vector<16xf32>
        %parallel_loop3A_296 = arith.mulf %parallel_loop3A_293, %parallel_loop3A_295 : vector<16xf32>
        %parallel_loop3A_297 = arith.index_cast %parallel_loop3A_181 : i32 to index
        %parallel_loop3A_298 = arith.constant 144 : index
        %parallel_loop3A_299 = tpu.vector_load %arg8[%parallel_loop3A_297, %parallel_loop3A_298] {strides = array<i32>} : memref<16x1024xf32, #tpu.memory_space<vmem>>, vector<1x16xf32>,
        %parallel_loop3A_300 = vector.shape_cast %parallel_loop3A_299 : vector<1x16xf32> to vector<16xf32>
        %parallel_loop3A_301 = vector.shape_cast %parallel_loop3A_296 : vector<16xf32> to vector<1x16xf32>
        tpu.vector_store %arg8[%parallel_loop3A_297, %parallel_loop3A_298], %parallel_loop3A_301 {strides = array<i32>} : memref<16x1024xf32, #tpu.memory_space<vmem>>, vector<1x16xf32>,
        %parallel_loop3A_302 = arith.index_cast %parallel_loop3A_181 : i32 to index
        %parallel_loop3A_303 = arith.constant 160 : index
        %parallel_loop3A_304 = tpu.vector_load %arg8[%parallel_loop3A_302, %parallel_loop3A_303] {strides = array<i32>} : memref<16x1024xf32, #tpu.memory_space<vmem>>, vector<1x16xf32>,
        %parallel_loop3A_305 = vector.shape_cast %parallel_loop3A_304 : vector<1x16xf32> to vector<16xf32>
        %parallel_loop3A_306 = arith.constant 3.200000e+01 : f32
        %parallel_loop3A_307 = vector.broadcast %parallel_loop3A_306 : f32 to vector<16xf32>
        %parallel_loop3A_308 = arith.mulf %parallel_loop3A_305, %parallel_loop3A_307 : vector<16xf32>
        %parallel_loop3A_309 = arith.index_cast %parallel_loop3A_181 : i32 to index
        %parallel_loop3A_310 = arith.constant 160 : index
        %parallel_loop3A_311 = tpu.vector_load %arg8[%parallel_loop3A_309, %parallel_loop3A_310] {strides = array<i32>} : memref<16x1024xf32, #tpu.memory_space<vmem>>, vector<1x16xf32>,
        %parallel_loop3A_312 = vector.shape_cast %parallel_loop3A_311 : vector<1x16xf32> to vector<16xf32>
        %parallel_loop3A_313 = vector.shape_cast %parallel_loop3A_308 : vector<16xf32> to vector<1x16xf32>
        tpu.vector_store %arg8[%parallel_loop3A_309, %parallel_loop3A_310], %parallel_loop3A_313 {strides = array<i32>} : memref<16x1024xf32, #tpu.memory_space<vmem>>, vector<1x16xf32>,
        %parallel_loop3A_314 = arith.index_cast %parallel_loop3A_181 : i32 to index
        %parallel_loop3A_315 = arith.constant 176 : index
        %parallel_loop3A_316 = tpu.vector_load %arg8[%parallel_loop3A_314, %parallel_loop3A_315] {strides = array<i32>} : memref<16x1024xf32, #tpu.memory_space<vmem>>, vector<1x16xf32>,
        %parallel_loop3A_317 = vector.shape_cast %parallel_loop3A_316 : vector<1x16xf32> to vector<16xf32>
        %parallel_loop3A_318 = arith.constant 3.200000e+01 : f32
        %parallel_loop3A_319 = vector.broadcast %parallel_loop3A_318 : f32 to vector<16xf32>
        %parallel_loop3A_320 = arith.mulf %parallel_loop3A_317, %parallel_loop3A_319 : vector<16xf32>
        %parallel_loop3A_321 = arith.index_cast %parallel_loop3A_181 : i32 to index
        %parallel_loop3A_322 = arith.constant 176 : index
        %parallel_loop3A_323 = tpu.vector_load %arg8[%parallel_loop3A_321, %parallel_loop3A_322] {strides = array<i32>} : memref<16x1024xf32, #tpu.memory_space<vmem>>, vector<1x16xf32>,
        %parallel_loop3A_324 = vector.shape_cast %parallel_loop3A_323 : vector<1x16xf32> to vector<16xf32>
        %parallel_loop3A_325 = vector.shape_cast %parallel_loop3A_320 : vector<16xf32> to vector<1x16xf32>
        tpu.vector_store %arg8[%parallel_loop3A_321, %parallel_loop3A_322], %parallel_loop3A_325 {strides = array<i32>} : memref<16x1024xf32, #tpu.memory_space<vmem>>, vector<1x16xf32>,
        %parallel_loop3A_326 = arith.index_cast %parallel_loop3A_181 : i32 to index
        %parallel_loop3A_327 = arith.constant 192 : index
        %parallel_loop3A_328 = tpu.vector_load %arg8[%parallel_loop3A_326, %parallel_loop3A_327] {strides = array<i32>} : memref<16x1024xf32, #tpu.memory_space<vmem>>, vector<1x16xf32>,
        %parallel_loop3A_329 = vector.shape_cast %parallel_loop3A_328 : vector<1x16xf32> to vector<16xf32>
        %parallel_loop3A_330 = arith.constant 3.200000e+01 : f32
        %parallel_loop3A_331 = vector.broadcast %parallel_loop3A_330 : f32 to vector<16xf32>
        %parallel_loop3A_332 = arith.mulf %parallel_loop3A_329, %parallel_loop3A_331 : vector<16xf32>
        %parallel_loop3A_333 = arith.index_cast %parallel_loop3A_181 : i32 to index
        %parallel_loop3A_334 = arith.constant 192 : index
        %parallel_loop3A_335 = tpu.vector_load %arg8[%parallel_loop3A_333, %parallel_loop3A_334] {strides = array<i32>} : memref<16x1024xf32, #tpu.memory_space<vmem>>, vector<1x16xf32>,
        %parallel_loop3A_336 = vector.shape_cast %parallel_loop3A_335 : vector<1x16xf32> to vector<16xf32>
        %parallel_loop3A_337 = vector.shape_cast %parallel_loop3A_332 : vector<16xf32> to vector<1x16xf32>
        tpu.vector_store %arg8[%parallel_loop3A_333, %parallel_loop3A_334], %parallel_loop3A_337 {strides = array<i32>} : memref<16x1024xf32, #tpu.memory_space<vmem>>, vector<1x16xf32>,
        %parallel_loop3A_338 = arith.index_cast %parallel_loop3A_181 : i32 to index
        %parallel_loop3A_339 = arith.constant 208 : index
        %parallel_loop3A_340 = tpu.vector_load %arg8[%parallel_loop3A_338, %parallel_loop3A_339] {strides = array<i32>} : memref<16x1024xf32, #tpu.memory_space<vmem>>, vector<1x16xf32>,
        %parallel_loop3A_341 = vector.shape_cast %parallel_loop3A_340 : vector<1x16xf32> to vector<16xf32>
        %parallel_loop3A_342 = arith.constant 3.200000e+01 : f32
        %parallel_loop3A_343 = vector.broadcast %parallel_loop3A_342 : f32 to vector<16xf32>
        %parallel_loop3A_344 = arith.mulf %parallel_loop3A_341, %parallel_loop3A_343 : vector<16xf32>
        %parallel_loop3A_345 = arith.index_cast %parallel_loop3A_181 : i32 to index
        %parallel_loop3A_346 = arith.constant 208 : index
        %parallel_loop3A_347 = tpu.vector_load %arg8[%parallel_loop3A_345, %parallel_loop3A_346] {strides = array<i32>} : memref<16x1024xf32, #tpu.memory_space<vmem>>, vector<1x16xf32>,
        %parallel_loop3A_348 = vector.shape_cast %parallel_loop3A_347 : vector<1x16xf32> to vector<16xf32>
        %parallel_loop3A_349 = vector.shape_cast %parallel_loop3A_344 : vector<16xf32> to vector<1x16xf32>
        tpu.vector_store %arg8[%parallel_loop3A_345, %parallel_loop3A_346], %parallel_loop3A_349 {strides = array<i32>} : memref<16x1024xf32, #tpu.memory_space<vmem>>, vector<1x16xf32>,
        %parallel_loop3A_350 = arith.index_cast %parallel_loop3A_181 : i32 to index
        %parallel_loop3A_351 = arith.constant 224 : index
        %parallel_loop3A_352 = tpu.vector_load %arg8[%parallel_loop3A_350, %parallel_loop3A_351] {strides = array<i32>} : memref<16x1024xf32, #tpu.memory_space<vmem>>, vector<1x16xf32>,
        %parallel_loop3A_353 = vector.shape_cast %parallel_loop3A_352 : vector<1x16xf32> to vector<16xf32>
        %parallel_loop3A_354 = arith.constant 3.200000e+01 : f32
        %parallel_loop3A_355 = vector.broadcast %parallel_loop3A_354 : f32 to vector<16xf32>
        %parallel_loop3A_356 = arith.mulf %parallel_loop3A_353, %parallel_loop3A_355 : vector<16xf32>
        %parallel_loop3A_357 = arith.index_cast %parallel_loop3A_181 : i32 to index
        %parallel_loop3A_358 = arith.constant 224 : index
        %parallel_loop3A_359 = tpu.vector_load %arg8[%parallel_loop3A_357, %parallel_loop3A_358] {strides = array<i32>} : memref<16x1024xf32, #tpu.memory_space<vmem>>, vector<1x16xf32>,
        %parallel_loop3A_360 = vector.shape_cast %parallel_loop3A_359 : vector<1x16xf32> to vector<16xf32>
        %parallel_loop3A_361 = vector.shape_cast %parallel_loop3A_356 : vector<16xf32> to vector<1x16xf32>
        tpu.vector_store %arg8[%parallel_loop3A_357, %parallel_loop3A_358], %parallel_loop3A_361 {strides = array<i32>} : memref<16x1024xf32, #tpu.memory_space<vmem>>, vector<1x16xf32>,
        %parallel_loop3A_362 = arith.index_cast %parallel_loop3A_181 : i32 to index
        %parallel_loop3A_363 = arith.constant 240 : index
        %parallel_loop3A_364 = tpu.vector_load %arg8[%parallel_loop3A_362, %parallel_loop3A_363] {strides = array<i32>} : memref<16x1024xf32, #tpu.memory_space<vmem>>, vector<1x16xf32>,
        %parallel_loop3A_365 = vector.shape_cast %parallel_loop3A_364 : vector<1x16xf32> to vector<16xf32>
        %parallel_loop3A_366 = arith.constant 3.200000e+01 : f32
        %parallel_loop3A_367 = vector.broadcast %parallel_loop3A_366 : f32 to vector<16xf32>
        %parallel_loop3A_368 = arith.mulf %parallel_loop3A_365, %parallel_loop3A_367 : vector<16xf32>
        %parallel_loop3A_369 = arith.index_cast %parallel_loop3A_181 : i32 to index
        %parallel_loop3A_370 = arith.constant 240 : index
        %parallel_loop3A_371 = tpu.vector_load %arg8[%parallel_loop3A_369, %parallel_loop3A_370] {strides = array<i32>} : memref<16x1024xf32, #tpu.memory_space<vmem>>, vector<1x16xf32>,
        %parallel_loop3A_372 = vector.shape_cast %parallel_loop3A_371 : vector<1x16xf32> to vector<16xf32>
        %parallel_loop3A_373 = vector.shape_cast %parallel_loop3A_368 : vector<16xf32> to vector<1x16xf32>
        tpu.vector_store %arg8[%parallel_loop3A_369, %parallel_loop3A_370], %parallel_loop3A_373 {strides = array<i32>} : memref<16x1024xf32, #tpu.memory_space<vmem>>, vector<1x16xf32>,
        %parallel_loop3A_374 = arith.index_cast %parallel_loop3A_181 : i32 to index
        %parallel_loop3A_375 = arith.constant 256 : index
        %parallel_loop3A_376 = tpu.vector_load %arg8[%parallel_loop3A_374, %parallel_loop3A_375] {strides = array<i32>} : memref<16x1024xf32, #tpu.memory_space<vmem>>, vector<1x16xf32>,
        %parallel_loop3A_377 = vector.shape_cast %parallel_loop3A_376 : vector<1x16xf32> to vector<16xf32>
        %parallel_loop3A_378 = arith.constant 3.200000e+01 : f32
        %parallel_loop3A_379 = vector.broadcast %parallel_loop3A_378 : f32 to vector<16xf32>
        %parallel_loop3A_380 = arith.mulf %parallel_loop3A_377, %parallel_loop3A_379 : vector<16xf32>
        %parallel_loop3A_381 = arith.index_cast %parallel_loop3A_181 : i32 to index
        %parallel_loop3A_382 = arith.constant 256 : index
        %parallel_loop3A_383 = tpu.vector_load %arg8[%parallel_loop3A_381, %parallel_loop3A_382] {strides = array<i32>} : memref<16x1024xf32, #tpu.memory_space<vmem>>, vector<1x16xf32>,
        %parallel_loop3A_384 = vector.shape_cast %parallel_loop3A_383 : vector<1x16xf32> to vector<16xf32>
        %parallel_loop3A_385 = vector.shape_cast %parallel_loop3A_380 : vector<16xf32> to vector<1x16xf32>
        tpu.vector_store %arg8[%parallel_loop3A_381, %parallel_loop3A_382], %parallel_loop3A_385 {strides = array<i32>} : memref<16x1024xf32, #tpu.memory_space<vmem>>, vector<1x16xf32>,
        %parallel_loop3A_386 = arith.index_cast %parallel_loop3A_181 : i32 to index
        %parallel_loop3A_387 = arith.constant 272 : index
        %parallel_loop3A_388 = tpu.vector_load %arg8[%parallel_loop3A_386, %parallel_loop3A_387] {strides = array<i32>} : memref<16x1024xf32, #tpu.memory_space<vmem>>, vector<1x16xf32>,
        %parallel_loop3A_389 = vector.shape_cast %parallel_loop3A_388 : vector<1x16xf32> to vector<16xf32>
        %parallel_loop3A_390 = arith.constant 3.200000e+01 : f32
        %parallel_loop3A_391 = vector.broadcast %parallel_loop3A_390 : f32 to vector<16xf32>
        %parallel_loop3A_392 = arith.mulf %parallel_loop3A_389, %parallel_loop3A_391 : vector<16xf32>
        %parallel_loop3A_393 = arith.index_cast %parallel_loop3A_181 : i32 to index
        %parallel_loop3A_394 = arith.constant 272 : index
        %parallel_loop3A_395 = tpu.vector_load %arg8[%parallel_loop3A_393, %parallel_loop3A_394] {strides = array<i32>} : memref<16x1024xf32, #tpu.memory_space<vmem>>, vector<1x16xf32>,
        %parallel_loop3A_396 = vector.shape_cast %parallel_loop3A_395 : vector<1x16xf32> to vector<16xf32>
        %parallel_loop3A_397 = vector.shape_cast %parallel_loop3A_392 : vector<16xf32> to vector<1x16xf32>
        tpu.vector_store %arg8[%parallel_loop3A_393, %parallel_loop3A_394], %parallel_loop3A_397 {strides = array<i32>} : memref<16x1024xf32, #tpu.memory_space<vmem>>, vector<1x16xf32>,
        %parallel_loop3A_398 = arith.index_cast %parallel_loop3A_181 : i32 to index
        %parallel_loop3A_399 = arith.constant 288 : index
        %parallel_loop3A_400 = tpu.vector_load %arg8[%parallel_loop3A_398, %parallel_loop3A_399] {strides = array<i32>} : memref<16x1024xf32, #tpu.memory_space<vmem>>, vector<1x16xf32>,
        %parallel_loop3A_401 = vector.shape_cast %parallel_loop3A_400 : vector<1x16xf32> to vector<16xf32>
        %parallel_loop3A_402 = arith.constant 3.200000e+01 : f32
        %parallel_loop3A_403 = vector.broadcast %parallel_loop3A_402 : f32 to vector<16xf32>
        %parallel_loop3A_404 = arith.mulf %parallel_loop3A_401, %parallel_loop3A_403 : vector<16xf32>
        %parallel_loop3A_405 = arith.index_cast %parallel_loop3A_181 : i32 to index
        %parallel_loop3A_406 = arith.constant 288 : index
        %parallel_loop3A_407 = tpu.vector_load %arg8[%parallel_loop3A_405, %parallel_loop3A_406] {strides = array<i32>} : memref<16x1024xf32, #tpu.memory_space<vmem>>, vector<1x16xf32>,
        %parallel_loop3A_408 = vector.shape_cast %parallel_loop3A_407 : vector<1x16xf32> to vector<16xf32>
        %parallel_loop3A_409 = vector.shape_cast %parallel_loop3A_404 : vector<16xf32> to vector<1x16xf32>
        tpu.vector_store %arg8[%parallel_loop3A_405, %parallel_loop3A_406], %parallel_loop3A_409 {strides = array<i32>} : memref<16x1024xf32, #tpu.memory_space<vmem>>, vector<1x16xf32>,
        %parallel_loop3A_410 = arith.index_cast %parallel_loop3A_181 : i32 to index
        %parallel_loop3A_411 = arith.constant 304 : index
        %parallel_loop3A_412 = tpu.vector_load %arg8[%parallel_loop3A_410, %parallel_loop3A_411] {strides = array<i32>} : memref<16x1024xf32, #tpu.memory_space<vmem>>, vector<1x16xf32>,
        %parallel_loop3A_413 = vector.shape_cast %parallel_loop3A_412 : vector<1x16xf32> to vector<16xf32>
        %parallel_loop3A_414 = arith.constant 3.200000e+01 : f32
        %parallel_loop3A_415 = vector.broadcast %parallel_loop3A_414 : f32 to vector<16xf32>
        %parallel_loop3A_416 = arith.mulf %parallel_loop3A_413, %parallel_loop3A_415 : vector<16xf32>
        %parallel_loop3A_417 = arith.index_cast %parallel_loop3A_181 : i32 to index
        %parallel_loop3A_418 = arith.constant 304 : index
        %parallel_loop3A_419 = tpu.vector_load %arg8[%parallel_loop3A_417, %parallel_loop3A_418] {strides = array<i32>} : memref<16x1024xf32, #tpu.memory_space<vmem>>, vector<1x16xf32>,
        %parallel_loop3A_420 = vector.shape_cast %parallel_loop3A_419 : vector<1x16xf32> to vector<16xf32>
        %parallel_loop3A_421 = vector.shape_cast %parallel_loop3A_416 : vector<16xf32> to vector<1x16xf32>
        tpu.vector_store %arg8[%parallel_loop3A_417, %parallel_loop3A_418], %parallel_loop3A_421 {strides = array<i32>} : memref<16x1024xf32, #tpu.memory_space<vmem>>, vector<1x16xf32>,
        %parallel_loop3A_422 = arith.index_cast %parallel_loop3A_181 : i32 to index
        %parallel_loop3A_423 = arith.constant 320 : index
        %parallel_loop3A_424 = tpu.vector_load %arg8[%parallel_loop3A_422, %parallel_loop3A_423] {strides = array<i32>} : memref<16x1024xf32, #tpu.memory_space<vmem>>, vector<1x16xf32>,
        %parallel_loop3A_425 = vector.shape_cast %parallel_loop3A_424 : vector<1x16xf32> to vector<16xf32>
        %parallel_loop3A_426 = arith.constant 3.200000e+01 : f32
        %parallel_loop3A_427 = vector.broadcast %parallel_loop3A_426 : f32 to vector<16xf32>
        %parallel_loop3A_428 = arith.mulf %parallel_loop3A_425, %parallel_loop3A_427 : vector<16xf32>
        %parallel_loop3A_429 = arith.index_cast %parallel_loop3A_181 : i32 to index
        %parallel_loop3A_430 = arith.constant 320 : index
        %parallel_loop3A_431 = tpu.vector_load %arg8[%parallel_loop3A_429, %parallel_loop3A_430] {strides = array<i32>} : memref<16x1024xf32, #tpu.memory_space<vmem>>, vector<1x16xf32>,
        %parallel_loop3A_432 = vector.shape_cast %parallel_loop3A_431 : vector<1x16xf32> to vector<16xf32>
        %parallel_loop3A_433 = vector.shape_cast %parallel_loop3A_428 : vector<16xf32> to vector<1x16xf32>
        tpu.vector_store %arg8[%parallel_loop3A_429, %parallel_loop3A_430], %parallel_loop3A_433 {strides = array<i32>} : memref<16x1024xf32, #tpu.memory_space<vmem>>, vector<1x16xf32>,
        %parallel_loop3A_434 = arith.index_cast %parallel_loop3A_181 : i32 to index
        %parallel_loop3A_435 = arith.constant 336 : index
        %parallel_loop3A_436 = tpu.vector_load %arg8[%parallel_loop3A_434, %parallel_loop3A_435] {strides = array<i32>} : memref<16x1024xf32, #tpu.memory_space<vmem>>, vector<1x16xf32>,
        %parallel_loop3A_437 = vector.shape_cast %parallel_loop3A_436 : vector<1x16xf32> to vector<16xf32>
        %parallel_loop3A_438 = arith.constant 3.200000e+01 : f32
        %parallel_loop3A_439 = vector.broadcast %parallel_loop3A_438 : f32 to vector<16xf32>
        %parallel_loop3A_440 = arith.mulf %parallel_loop3A_437, %parallel_loop3A_439 : vector<16xf32>
        %parallel_loop3A_441 = arith.index_cast %parallel_loop3A_181 : i32 to index
        %parallel_loop3A_442 = arith.constant 336 : index
        %parallel_loop3A_443 = tpu.vector_load %arg8[%parallel_loop3A_441, %parallel_loop3A_442] {strides = array<i32>} : memref<16x1024xf32, #tpu.memory_space<vmem>>, vector<1x16xf32>,
        %parallel_loop3A_444 = vector.shape_cast %parallel_loop3A_443 : vector<1x16xf32> to vector<16xf32>
        %parallel_loop3A_445 = vector.shape_cast %parallel_loop3A_440 : vector<16xf32> to vector<1x16xf32>
        tpu.vector_store %arg8[%parallel_loop3A_441, %parallel_loop3A_442], %parallel_loop3A_445 {strides = array<i32>} : memref<16x1024xf32, #tpu.memory_space<vmem>>, vector<1x16xf32>,
        %parallel_loop3A_446 = arith.index_cast %parallel_loop3A_181 : i32 to index
        %parallel_loop3A_447 = arith.constant 352 : index
        %parallel_loop3A_448 = tpu.vector_load %arg8[%parallel_loop3A_446, %parallel_loop3A_447] {strides = array<i32>} : memref<16x1024xf32, #tpu.memory_space<vmem>>, vector<1x16xf32>,
        %parallel_loop3A_449 = vector.shape_cast %parallel_loop3A_448 : vector<1x16xf32> to vector<16xf32>
        %parallel_loop3A_450 = arith.constant 3.200000e+01 : f32
        %parallel_loop3A_451 = vector.broadcast %parallel_loop3A_450 : f32 to vector<16xf32>
        %parallel_loop3A_452 = arith.mulf %parallel_loop3A_449, %parallel_loop3A_451 : vector<16xf32>
        %parallel_loop3A_453 = arith.index_cast %parallel_loop3A_181 : i32 to index
        %parallel_loop3A_454 = arith.constant 352 : index
        %parallel_loop3A_455 = tpu.vector_load %arg8[%parallel_loop3A_453, %parallel_loop3A_454] {strides = array<i32>} : memref<16x1024xf32, #tpu.memory_space<vmem>>, vector<1x16xf32>,
        %parallel_loop3A_456 = vector.shape_cast %parallel_loop3A_455 : vector<1x16xf32> to vector<16xf32>
        %parallel_loop3A_457 = vector.shape_cast %parallel_loop3A_452 : vector<16xf32> to vector<1x16xf32>
        tpu.vector_store %arg8[%parallel_loop3A_453, %parallel_loop3A_454], %parallel_loop3A_457 {strides = array<i32>} : memref<16x1024xf32, #tpu.memory_space<vmem>>, vector<1x16xf32>,
        %parallel_loop3A_458 = arith.index_cast %parallel_loop3A_181 : i32 to index
        %parallel_loop3A_459 = arith.constant 368 : index
        %parallel_loop3A_460 = tpu.vector_load %arg8[%parallel_loop3A_458, %parallel_loop3A_459] {strides = array<i32>} : memref<16x1024xf32, #tpu.memory_space<vmem>>, vector<1x16xf32>,
        %parallel_loop3A_461 = vector.shape_cast %parallel_loop3A_460 : vector<1x16xf32> to vector<16xf32>
        %parallel_loop3A_462 = arith.constant 3.200000e+01 : f32
        %parallel_loop3A_463 = vector.broadcast %parallel_loop3A_462 : f32 to vector<16xf32>
        %parallel_loop3A_464 = arith.mulf %parallel_loop3A_461, %parallel_loop3A_463 : vector<16xf32>
        %parallel_loop3A_465 = arith.index_cast %parallel_loop3A_181 : i32 to index
        %parallel_loop3A_466 = arith.constant 368 : index
        %parallel_loop3A_467 = tpu.vector_load %arg8[%parallel_loop3A_465, %parallel_loop3A_466] {strides = array<i32>} : memref<16x1024xf32, #tpu.memory_space<vmem>>, vector<1x16xf32>,
        %parallel_loop3A_468 = vector.shape_cast %parallel_loop3A_467 : vector<1x16xf32> to vector<16xf32>
        %parallel_loop3A_469 = vector.shape_cast %parallel_loop3A_464 : vector<16xf32> to vector<1x16xf32>
        tpu.vector_store %arg8[%parallel_loop3A_465, %parallel_loop3A_466], %parallel_loop3A_469 {strides = array<i32>} : memref<16x1024xf32, #tpu.memory_space<vmem>>, vector<1x16xf32>,
        %parallel_loop3A_470 = arith.index_cast %parallel_loop3A_181 : i32 to index
        %parallel_loop3A_471 = arith.constant 384 : index
        %parallel_loop3A_472 = tpu.vector_load %arg8[%parallel_loop3A_470, %parallel_loop3A_471] {strides = array<i32>} : memref<16x1024xf32, #tpu.memory_space<vmem>>, vector<1x16xf32>,
        %parallel_loop3A_473 = vector.shape_cast %parallel_loop3A_472 : vector<1x16xf32> to vector<16xf32>
        %parallel_loop3A_474 = arith.constant 3.200000e+01 : f32
        %parallel_loop3A_475 = vector.broadcast %parallel_loop3A_474 : f32 to vector<16xf32>
        %parallel_loop3A_476 = arith.mulf %parallel_loop3A_473, %parallel_loop3A_475 : vector<16xf32>
        %parallel_loop3A_477 = arith.index_cast %parallel_loop3A_181 : i32 to index
        %parallel_loop3A_478 = arith.constant 384 : index
        %parallel_loop3A_479 = tpu.vector_load %arg8[%parallel_loop3A_477, %parallel_loop3A_478] {strides = array<i32>} : memref<16x1024xf32, #tpu.memory_space<vmem>>, vector<1x16xf32>,
        %parallel_loop3A_480 = vector.shape_cast %parallel_loop3A_479 : vector<1x16xf32> to vector<16xf32>
        %parallel_loop3A_481 = vector.shape_cast %parallel_loop3A_476 : vector<16xf32> to vector<1x16xf32>
        tpu.vector_store %arg8[%parallel_loop3A_477, %parallel_loop3A_478], %parallel_loop3A_481 {strides = array<i32>} : memref<16x1024xf32, #tpu.memory_space<vmem>>, vector<1x16xf32>,
        %parallel_loop3A_482 = arith.index_cast %parallel_loop3A_181 : i32 to index
        %parallel_loop3A_483 = arith.constant 400 : index
        %parallel_loop3A_484 = tpu.vector_load %arg8[%parallel_loop3A_482, %parallel_loop3A_483] {strides = array<i32>} : memref<16x1024xf32, #tpu.memory_space<vmem>>, vector<1x16xf32>,
        %parallel_loop3A_485 = vector.shape_cast %parallel_loop3A_484 : vector<1x16xf32> to vector<16xf32>
        %parallel_loop3A_486 = arith.constant 3.200000e+01 : f32
        %parallel_loop3A_487 = vector.broadcast %parallel_loop3A_486 : f32 to vector<16xf32>
        %parallel_loop3A_488 = arith.mulf %parallel_loop3A_485, %parallel_loop3A_487 : vector<16xf32>
        %parallel_loop3A_489 = arith.index_cast %parallel_loop3A_181 : i32 to index
        %parallel_loop3A_490 = arith.constant 400 : index
        %parallel_loop3A_491 = tpu.vector_load %arg8[%parallel_loop3A_489, %parallel_loop3A_490] {strides = array<i32>} : memref<16x1024xf32, #tpu.memory_space<vmem>>, vector<1x16xf32>,
        %parallel_loop3A_492 = vector.shape_cast %parallel_loop3A_491 : vector<1x16xf32> to vector<16xf32>
        %parallel_loop3A_493 = vector.shape_cast %parallel_loop3A_488 : vector<16xf32> to vector<1x16xf32>
        tpu.vector_store %arg8[%parallel_loop3A_489, %parallel_loop3A_490], %parallel_loop3A_493 {strides = array<i32>} : memref<16x1024xf32, #tpu.memory_space<vmem>>, vector<1x16xf32>,
        %parallel_loop3A_494 = arith.index_cast %parallel_loop3A_181 : i32 to index
        %parallel_loop3A_495 = arith.constant 416 : index
        %parallel_loop3A_496 = tpu.vector_load %arg8[%parallel_loop3A_494, %parallel_loop3A_495] {strides = array<i32>} : memref<16x1024xf32, #tpu.memory_space<vmem>>, vector<1x16xf32>,
        %parallel_loop3A_497 = vector.shape_cast %parallel_loop3A_496 : vector<1x16xf32> to vector<16xf32>
        %parallel_loop3A_498 = arith.constant 3.200000e+01 : f32
        %parallel_loop3A_499 = vector.broadcast %parallel_loop3A_498 : f32 to vector<16xf32>
        %parallel_loop3A_500 = arith.mulf %parallel_loop3A_497, %parallel_loop3A_499 : vector<16xf32>
        %parallel_loop3A_501 = arith.index_cast %parallel_loop3A_181 : i32 to index
        %parallel_loop3A_502 = arith.constant 416 : index
        %parallel_loop3A_503 = tpu.vector_load %arg8[%parallel_loop3A_501, %parallel_loop3A_502] {strides = array<i32>} : memref<16x1024xf32, #tpu.memory_space<vmem>>, vector<1x16xf32>,
        %parallel_loop3A_504 = vector.shape_cast %parallel_loop3A_503 : vector<1x16xf32> to vector<16xf32>
        %parallel_loop3A_505 = vector.shape_cast %parallel_loop3A_500 : vector<16xf32> to vector<1x16xf32>
        tpu.vector_store %arg8[%parallel_loop3A_501, %parallel_loop3A_502], %parallel_loop3A_505 {strides = array<i32>} : memref<16x1024xf32, #tpu.memory_space<vmem>>, vector<1x16xf32>,
        %parallel_loop3A_506 = arith.index_cast %parallel_loop3A_181 : i32 to index
        %parallel_loop3A_507 = arith.constant 432 : index
        %parallel_loop3A_508 = tpu.vector_load %arg8[%parallel_loop3A_506, %parallel_loop3A_507] {strides = array<i32>} : memref<16x1024xf32, #tpu.memory_space<vmem>>, vector<1x16xf32>,
        %parallel_loop3A_509 = vector.shape_cast %parallel_loop3A_508 : vector<1x16xf32> to vector<16xf32>
        %parallel_loop3A_510 = arith.constant 3.200000e+01 : f32
        %parallel_loop3A_511 = vector.broadcast %parallel_loop3A_510 : f32 to vector<16xf32>
        %parallel_loop3A_512 = arith.mulf %parallel_loop3A_509, %parallel_loop3A_511 : vector<16xf32>
        %parallel_loop3A_513 = arith.index_cast %parallel_loop3A_181 : i32 to index
        %parallel_loop3A_514 = arith.constant 432 : index
        %parallel_loop3A_515 = tpu.vector_load %arg8[%parallel_loop3A_513, %parallel_loop3A_514] {strides = array<i32>} : memref<16x1024xf32, #tpu.memory_space<vmem>>, vector<1x16xf32>,
        %parallel_loop3A_516 = vector.shape_cast %parallel_loop3A_515 : vector<1x16xf32> to vector<16xf32>
        %parallel_loop3A_517 = vector.shape_cast %parallel_loop3A_512 : vector<16xf32> to vector<1x16xf32>
        tpu.vector_store %arg8[%parallel_loop3A_513, %parallel_loop3A_514], %parallel_loop3A_517 {strides = array<i32>} : memref<16x1024xf32, #tpu.memory_space<vmem>>, vector<1x16xf32>,
        %parallel_loop3A_518 = arith.index_cast %parallel_loop3A_181 : i32 to index
        %parallel_loop3A_519 = arith.constant 448 : index
        %parallel_loop3A_520 = tpu.vector_load %arg8[%parallel_loop3A_518, %parallel_loop3A_519] {strides = array<i32>} : memref<16x1024xf32, #tpu.memory_space<vmem>>, vector<1x16xf32>,
        %parallel_loop3A_521 = vector.shape_cast %parallel_loop3A_520 : vector<1x16xf32> to vector<16xf32>
        %parallel_loop3A_522 = arith.constant 3.200000e+01 : f32
        %parallel_loop3A_523 = vector.broadcast %parallel_loop3A_522 : f32 to vector<16xf32>
        %parallel_loop3A_524 = arith.mulf %parallel_loop3A_521, %parallel_loop3A_523 : vector<16xf32>
        %parallel_loop3A_525 = arith.index_cast %parallel_loop3A_181 : i32 to index
        %parallel_loop3A_526 = arith.constant 448 : index
        %parallel_loop3A_527 = tpu.vector_load %arg8[%parallel_loop3A_525, %parallel_loop3A_526] {strides = array<i32>} : memref<16x1024xf32, #tpu.memory_space<vmem>>, vector<1x16xf32>,
        %parallel_loop3A_528 = vector.shape_cast %parallel_loop3A_527 : vector<1x16xf32> to vector<16xf32>
        %parallel_loop3A_529 = vector.shape_cast %parallel_loop3A_524 : vector<16xf32> to vector<1x16xf32>
        tpu.vector_store %arg8[%parallel_loop3A_525, %parallel_loop3A_526], %parallel_loop3A_529 {strides = array<i32>} : memref<16x1024xf32, #tpu.memory_space<vmem>>, vector<1x16xf32>,
        %parallel_loop3A_530 = arith.index_cast %parallel_loop3A_181 : i32 to index
        %parallel_loop3A_531 = arith.constant 464 : index
        %parallel_loop3A_532 = tpu.vector_load %arg8[%parallel_loop3A_530, %parallel_loop3A_531] {strides = array<i32>} : memref<16x1024xf32, #tpu.memory_space<vmem>>, vector<1x16xf32>,
        %parallel_loop3A_533 = vector.shape_cast %parallel_loop3A_532 : vector<1x16xf32> to vector<16xf32>
        %parallel_loop3A_534 = arith.constant 3.200000e+01 : f32
        %parallel_loop3A_535 = vector.broadcast %parallel_loop3A_534 : f32 to vector<16xf32>
        %parallel_loop3A_536 = arith.mulf %parallel_loop3A_533, %parallel_loop3A_535 : vector<16xf32>
        %parallel_loop3A_537 = arith.index_cast %parallel_loop3A_181 : i32 to index
        %parallel_loop3A_538 = arith.constant 464 : index
        %parallel_loop3A_539 = tpu.vector_load %arg8[%parallel_loop3A_537, %parallel_loop3A_538] {strides = array<i32>} : memref<16x1024xf32, #tpu.memory_space<vmem>>, vector<1x16xf32>,
        %parallel_loop3A_540 = vector.shape_cast %parallel_loop3A_539 : vector<1x16xf32> to vector<16xf32>
        %parallel_loop3A_541 = vector.shape_cast %parallel_loop3A_536 : vector<16xf32> to vector<1x16xf32>
        tpu.vector_store %arg8[%parallel_loop3A_537, %parallel_loop3A_538], %parallel_loop3A_541 {strides = array<i32>} : memref<16x1024xf32, #tpu.memory_space<vmem>>, vector<1x16xf32>,
        %parallel_loop3A_542 = arith.index_cast %parallel_loop3A_181 : i32 to index
        %parallel_loop3A_543 = arith.constant 480 : index
        %parallel_loop3A_544 = tpu.vector_load %arg8[%parallel_loop3A_542, %parallel_loop3A_543] {strides = array<i32>} : memref<16x1024xf32, #tpu.memory_space<vmem>>, vector<1x16xf32>,
        %parallel_loop3A_545 = vector.shape_cast %parallel_loop3A_544 : vector<1x16xf32> to vector<16xf32>
        %parallel_loop3A_546 = arith.constant 3.200000e+01 : f32
        %parallel_loop3A_547 = vector.broadcast %parallel_loop3A_546 : f32 to vector<16xf32>
        %parallel_loop3A_548 = arith.mulf %parallel_loop3A_545, %parallel_loop3A_547 : vector<16xf32>
        %parallel_loop3A_549 = arith.index_cast %parallel_loop3A_181 : i32 to index
        %parallel_loop3A_550 = arith.constant 480 : index
        %parallel_loop3A_551 = tpu.vector_load %arg8[%parallel_loop3A_549, %parallel_loop3A_550] {strides = array<i32>} : memref<16x1024xf32, #tpu.memory_space<vmem>>, vector<1x16xf32>,
        %parallel_loop3A_552 = vector.shape_cast %parallel_loop3A_551 : vector<1x16xf32> to vector<16xf32>
        %parallel_loop3A_553 = vector.shape_cast %parallel_loop3A_548 : vector<16xf32> to vector<1x16xf32>
        tpu.vector_store %arg8[%parallel_loop3A_549, %parallel_loop3A_550], %parallel_loop3A_553 {strides = array<i32>} : memref<16x1024xf32, #tpu.memory_space<vmem>>, vector<1x16xf32>,
        %parallel_loop3A_554 = arith.index_cast %parallel_loop3A_181 : i32 to index
        %parallel_loop3A_555 = arith.constant 496 : index
        %parallel_loop3A_556 = tpu.vector_load %arg8[%parallel_loop3A_554, %parallel_loop3A_555] {strides = array<i32>} : memref<16x1024xf32, #tpu.memory_space<vmem>>, vector<1x16xf32>,
        %parallel_loop3A_557 = vector.shape_cast %parallel_loop3A_556 : vector<1x16xf32> to vector<16xf32>
        %parallel_loop3A_558 = arith.constant 3.200000e+01 : f32
        %parallel_loop3A_559 = vector.broadcast %parallel_loop3A_558 : f32 to vector<16xf32>
        %parallel_loop3A_560 = arith.mulf %parallel_loop3A_557, %parallel_loop3A_559 : vector<16xf32>
        %parallel_loop3A_561 = arith.index_cast %parallel_loop3A_181 : i32 to index
        %parallel_loop3A_562 = arith.constant 496 : index
        %parallel_loop3A_563 = tpu.vector_load %arg8[%parallel_loop3A_561, %parallel_loop3A_562] {strides = array<i32>} : memref<16x1024xf32, #tpu.memory_space<vmem>>, vector<1x16xf32>,
        %parallel_loop3A_564 = vector.shape_cast %parallel_loop3A_563 : vector<1x16xf32> to vector<16xf32>
        %parallel_loop3A_565 = vector.shape_cast %parallel_loop3A_560 : vector<16xf32> to vector<1x16xf32>
        tpu.vector_store %arg8[%parallel_loop3A_561, %parallel_loop3A_562], %parallel_loop3A_565 {strides = array<i32>} : memref<16x1024xf32, #tpu.memory_space<vmem>>, vector<1x16xf32>,
        %parallel_loop3A_566 = arith.index_cast %parallel_loop3A_181 : i32 to index
        %parallel_loop3A_567 = arith.constant 512 : index
        %parallel_loop3A_568 = tpu.vector_load %arg8[%parallel_loop3A_566, %parallel_loop3A_567] {strides = array<i32>} : memref<16x1024xf32, #tpu.memory_space<vmem>>, vector<1x16xf32>,
        %parallel_loop3A_569 = vector.shape_cast %parallel_loop3A_568 : vector<1x16xf32> to vector<16xf32>
        %parallel_loop3A_570 = arith.constant 3.200000e+01 : f32
        %parallel_loop3A_571 = vector.broadcast %parallel_loop3A_570 : f32 to vector<16xf32>
        %parallel_loop3A_572 = arith.mulf %parallel_loop3A_569, %parallel_loop3A_571 : vector<16xf32>
        %parallel_loop3A_573 = arith.index_cast %parallel_loop3A_181 : i32 to index
        %parallel_loop3A_574 = arith.constant 512 : index
        %parallel_loop3A_575 = tpu.vector_load %arg8[%parallel_loop3A_573, %parallel_loop3A_574] {strides = array<i32>} : memref<16x1024xf32, #tpu.memory_space<vmem>>, vector<1x16xf32>,
        %parallel_loop3A_576 = vector.shape_cast %parallel_loop3A_575 : vector<1x16xf32> to vector<16xf32>
        %parallel_loop3A_577 = vector.shape_cast %parallel_loop3A_572 : vector<16xf32> to vector<1x16xf32>
        tpu.vector_store %arg8[%parallel_loop3A_573, %parallel_loop3A_574], %parallel_loop3A_577 {strides = array<i32>} : memref<16x1024xf32, #tpu.memory_space<vmem>>, vector<1x16xf32>,
        %parallel_loop3A_578 = arith.index_cast %parallel_loop3A_181 : i32 to index
        %parallel_loop3A_579 = arith.constant 528 : index
        %parallel_loop3A_580 = tpu.vector_load %arg8[%parallel_loop3A_578, %parallel_loop3A_579] {strides = array<i32>} : memref<16x1024xf32, #tpu.memory_space<vmem>>, vector<1x16xf32>,
        %parallel_loop3A_581 = vector.shape_cast %parallel_loop3A_580 : vector<1x16xf32> to vector<16xf32>
        %parallel_loop3A_582 = arith.constant 3.200000e+01 : f32
        %parallel_loop3A_583 = vector.broadcast %parallel_loop3A_582 : f32 to vector<16xf32>
        %parallel_loop3A_584 = arith.mulf %parallel_loop3A_581, %parallel_loop3A_583 : vector<16xf32>
        %parallel_loop3A_585 = arith.index_cast %parallel_loop3A_181 : i32 to index
        %parallel_loop3A_586 = arith.constant 528 : index
        %parallel_loop3A_587 = tpu.vector_load %arg8[%parallel_loop3A_585, %parallel_loop3A_586] {strides = array<i32>} : memref<16x1024xf32, #tpu.memory_space<vmem>>, vector<1x16xf32>,
        %parallel_loop3A_588 = vector.shape_cast %parallel_loop3A_587 : vector<1x16xf32> to vector<16xf32>
        %parallel_loop3A_589 = vector.shape_cast %parallel_loop3A_584 : vector<16xf32> to vector<1x16xf32>
        tpu.vector_store %arg8[%parallel_loop3A_585, %parallel_loop3A_586], %parallel_loop3A_589 {strides = array<i32>} : memref<16x1024xf32, #tpu.memory_space<vmem>>, vector<1x16xf32>,
        %parallel_loop3A_590 = arith.index_cast %parallel_loop3A_181 : i32 to index
        %parallel_loop3A_591 = arith.constant 544 : index
        %parallel_loop3A_592 = tpu.vector_load %arg8[%parallel_loop3A_590, %parallel_loop3A_591] {strides = array<i32>} : memref<16x1024xf32, #tpu.memory_space<vmem>>, vector<1x16xf32>,
        %parallel_loop3A_593 = vector.shape_cast %parallel_loop3A_592 : vector<1x16xf32> to vector<16xf32>
        %parallel_loop3A_594 = arith.constant 3.200000e+01 : f32
        %parallel_loop3A_595 = vector.broadcast %parallel_loop3A_594 : f32 to vector<16xf32>
        %parallel_loop3A_596 = arith.mulf %parallel_loop3A_593, %parallel_loop3A_595 : vector<16xf32>
        %parallel_loop3A_597 = arith.index_cast %parallel_loop3A_181 : i32 to index
        %parallel_loop3A_598 = arith.constant 544 : index
        %parallel_loop3A_599 = tpu.vector_load %arg8[%parallel_loop3A_597, %parallel_loop3A_598] {strides = array<i32>} : memref<16x1024xf32, #tpu.memory_space<vmem>>, vector<1x16xf32>,
        %parallel_loop3A_600 = vector.shape_cast %parallel_loop3A_599 : vector<1x16xf32> to vector<16xf32>
        %parallel_loop3A_601 = vector.shape_cast %parallel_loop3A_596 : vector<16xf32> to vector<1x16xf32>
        tpu.vector_store %arg8[%parallel_loop3A_597, %parallel_loop3A_598], %parallel_loop3A_601 {strides = array<i32>} : memref<16x1024xf32, #tpu.memory_space<vmem>>, vector<1x16xf32>,
        %parallel_loop3A_602 = arith.index_cast %parallel_loop3A_181 : i32 to index
        %parallel_loop3A_603 = arith.constant 560 : index
        %parallel_loop3A_604 = tpu.vector_load %arg8[%parallel_loop3A_602, %parallel_loop3A_603] {strides = array<i32>} : memref<16x1024xf32, #tpu.memory_space<vmem>>, vector<1x16xf32>,
        %parallel_loop3A_605 = vector.shape_cast %parallel_loop3A_604 : vector<1x16xf32> to vector<16xf32>
        %parallel_loop3A_606 = arith.constant 3.200000e+01 : f32
        %parallel_loop3A_607 = vector.broadcast %parallel_loop3A_606 : f32 to vector<16xf32>
        %parallel_loop3A_608 = arith.mulf %parallel_loop3A_605, %parallel_loop3A_607 : vector<16xf32>
        %parallel_loop3A_609 = arith.index_cast %parallel_loop3A_181 : i32 to index
        %parallel_loop3A_610 = arith.constant 560 : index
        %parallel_loop3A_611 = tpu.vector_load %arg8[%parallel_loop3A_609, %parallel_loop3A_610] {strides = array<i32>} : memref<16x1024xf32, #tpu.memory_space<vmem>>, vector<1x16xf32>,
        %parallel_loop3A_612 = vector.shape_cast %parallel_loop3A_611 : vector<1x16xf32> to vector<16xf32>
        %parallel_loop3A_613 = vector.shape_cast %parallel_loop3A_608 : vector<16xf32> to vector<1x16xf32>
        tpu.vector_store %arg8[%parallel_loop3A_609, %parallel_loop3A_610], %parallel_loop3A_613 {strides = array<i32>} : memref<16x1024xf32, #tpu.memory_space<vmem>>, vector<1x16xf32>,
        %parallel_loop3A_614 = arith.index_cast %parallel_loop3A_181 : i32 to index
        %parallel_loop3A_615 = arith.constant 576 : index
        %parallel_loop3A_616 = tpu.vector_load %arg8[%parallel_loop3A_614, %parallel_loop3A_615] {strides = array<i32>} : memref<16x1024xf32, #tpu.memory_space<vmem>>, vector<1x16xf32>,
        %parallel_loop3A_617 = vector.shape_cast %parallel_loop3A_616 : vector<1x16xf32> to vector<16xf32>
        %parallel_loop3A_618 = arith.constant 3.200000e+01 : f32
        %parallel_loop3A_619 = vector.broadcast %parallel_loop3A_618 : f32 to vector<16xf32>
        %parallel_loop3A_620 = arith.mulf %parallel_loop3A_617, %parallel_loop3A_619 : vector<16xf32>
        %parallel_loop3A_621 = arith.index_cast %parallel_loop3A_181 : i32 to index
        %parallel_loop3A_622 = arith.constant 576 : index
        %parallel_loop3A_623 = tpu.vector_load %arg8[%parallel_loop3A_621, %parallel_loop3A_622] {strides = array<i32>} : memref<16x1024xf32, #tpu.memory_space<vmem>>, vector<1x16xf32>,
        %parallel_loop3A_624 = vector.shape_cast %parallel_loop3A_623 : vector<1x16xf32> to vector<16xf32>
        %parallel_loop3A_625 = vector.shape_cast %parallel_loop3A_620 : vector<16xf32> to vector<1x16xf32>
        tpu.vector_store %arg8[%parallel_loop3A_621, %parallel_loop3A_622], %parallel_loop3A_625 {strides = array<i32>} : memref<16x1024xf32, #tpu.memory_space<vmem>>, vector<1x16xf32>,
        %parallel_loop3A_626 = arith.index_cast %parallel_loop3A_181 : i32 to index
        %parallel_loop3A_627 = arith.constant 592 : index
        %parallel_loop3A_628 = tpu.vector_load %arg8[%parallel_loop3A_626, %parallel_loop3A_627] {strides = array<i32>} : memref<16x1024xf32, #tpu.memory_space<vmem>>, vector<1x16xf32>,
        %parallel_loop3A_629 = vector.shape_cast %parallel_loop3A_628 : vector<1x16xf32> to vector<16xf32>
        %parallel_loop3A_630 = arith.constant 3.200000e+01 : f32
        %parallel_loop3A_631 = vector.broadcast %parallel_loop3A_630 : f32 to vector<16xf32>
        %parallel_loop3A_632 = arith.mulf %parallel_loop3A_629, %parallel_loop3A_631 : vector<16xf32>
        %parallel_loop3A_633 = arith.index_cast %parallel_loop3A_181 : i32 to index
        %parallel_loop3A_634 = arith.constant 592 : index
        %parallel_loop3A_635 = tpu.vector_load %arg8[%parallel_loop3A_633, %parallel_loop3A_634] {strides = array<i32>} : memref<16x1024xf32, #tpu.memory_space<vmem>>, vector<1x16xf32>,
        %parallel_loop3A_636 = vector.shape_cast %parallel_loop3A_635 : vector<1x16xf32> to vector<16xf32>
        %parallel_loop3A_637 = vector.shape_cast %parallel_loop3A_632 : vector<16xf32> to vector<1x16xf32>
        tpu.vector_store %arg8[%parallel_loop3A_633, %parallel_loop3A_634], %parallel_loop3A_637 {strides = array<i32>} : memref<16x1024xf32, #tpu.memory_space<vmem>>, vector<1x16xf32>,
        %parallel_loop3A_638 = arith.index_cast %parallel_loop3A_181 : i32 to index
        %parallel_loop3A_639 = arith.constant 608 : index
        %parallel_loop3A_640 = tpu.vector_load %arg8[%parallel_loop3A_638, %parallel_loop3A_639] {strides = array<i32>} : memref<16x1024xf32, #tpu.memory_space<vmem>>, vector<1x16xf32>,
        %parallel_loop3A_641 = vector.shape_cast %parallel_loop3A_640 : vector<1x16xf32> to vector<16xf32>
        %parallel_loop3A_642 = arith.constant 3.200000e+01 : f32
        %parallel_loop3A_643 = vector.broadcast %parallel_loop3A_642 : f32 to vector<16xf32>
        %parallel_loop3A_644 = arith.mulf %parallel_loop3A_641, %parallel_loop3A_643 : vector<16xf32>
        %parallel_loop3A_645 = arith.index_cast %parallel_loop3A_181 : i32 to index
        %parallel_loop3A_646 = arith.constant 608 : index
        %parallel_loop3A_647 = tpu.vector_load %arg8[%parallel_loop3A_645, %parallel_loop3A_646] {strides = array<i32>} : memref<16x1024xf32, #tpu.memory_space<vmem>>, vector<1x16xf32>,
        %parallel_loop3A_648 = vector.shape_cast %parallel_loop3A_647 : vector<1x16xf32> to vector<16xf32>
        %parallel_loop3A_649 = vector.shape_cast %parallel_loop3A_644 : vector<16xf32> to vector<1x16xf32>
        tpu.vector_store %arg8[%parallel_loop3A_645, %parallel_loop3A_646], %parallel_loop3A_649 {strides = array<i32>} : memref<16x1024xf32, #tpu.memory_space<vmem>>, vector<1x16xf32>,
        %parallel_loop3A_650 = arith.index_cast %parallel_loop3A_181 : i32 to index
        %parallel_loop3A_651 = arith.constant 624 : index
        %parallel_loop3A_652 = tpu.vector_load %arg8[%parallel_loop3A_650, %parallel_loop3A_651] {strides = array<i32>} : memref<16x1024xf32, #tpu.memory_space<vmem>>, vector<1x16xf32>,
        %parallel_loop3A_653 = vector.shape_cast %parallel_loop3A_652 : vector<1x16xf32> to vector<16xf32>
        %parallel_loop3A_654 = arith.constant 3.200000e+01 : f32
        %parallel_loop3A_655 = vector.broadcast %parallel_loop3A_654 : f32 to vector<16xf32>
        %parallel_loop3A_656 = arith.mulf %parallel_loop3A_653, %parallel_loop3A_655 : vector<16xf32>
        %parallel_loop3A_657 = arith.index_cast %parallel_loop3A_181 : i32 to index
        %parallel_loop3A_658 = arith.constant 624 : index
        %parallel_loop3A_659 = tpu.vector_load %arg8[%parallel_loop3A_657, %parallel_loop3A_658] {strides = array<i32>} : memref<16x1024xf32, #tpu.memory_space<vmem>>, vector<1x16xf32>,
        %parallel_loop3A_660 = vector.shape_cast %parallel_loop3A_659 : vector<1x16xf32> to vector<16xf32>
        %parallel_loop3A_661 = vector.shape_cast %parallel_loop3A_656 : vector<16xf32> to vector<1x16xf32>
        tpu.vector_store %arg8[%parallel_loop3A_657, %parallel_loop3A_658], %parallel_loop3A_661 {strides = array<i32>} : memref<16x1024xf32, #tpu.memory_space<vmem>>, vector<1x16xf32>,
        %parallel_loop3A_662 = arith.index_cast %parallel_loop3A_181 : i32 to index
        %parallel_loop3A_663 = arith.constant 640 : index
        %parallel_loop3A_664 = tpu.vector_load %arg8[%parallel_loop3A_662, %parallel_loop3A_663] {strides = array<i32>} : memref<16x1024xf32, #tpu.memory_space<vmem>>, vector<1x16xf32>,
        %parallel_loop3A_665 = vector.shape_cast %parallel_loop3A_664 : vector<1x16xf32> to vector<16xf32>
        %parallel_loop3A_666 = arith.constant 3.200000e+01 : f32
        %parallel_loop3A_667 = vector.broadcast %parallel_loop3A_666 : f32 to vector<16xf32>
        %parallel_loop3A_668 = arith.mulf %parallel_loop3A_665, %parallel_loop3A_667 : vector<16xf32>
        %parallel_loop3A_669 = arith.index_cast %parallel_loop3A_181 : i32 to index
        %parallel_loop3A_670 = arith.constant 640 : index
        %parallel_loop3A_671 = tpu.vector_load %arg8[%parallel_loop3A_669, %parallel_loop3A_670] {strides = array<i32>} : memref<16x1024xf32, #tpu.memory_space<vmem>>, vector<1x16xf32>,
        %parallel_loop3A_672 = vector.shape_cast %parallel_loop3A_671 : vector<1x16xf32> to vector<16xf32>
        %parallel_loop3A_673 = vector.shape_cast %parallel_loop3A_668 : vector<16xf32> to vector<1x16xf32>
        tpu.vector_store %arg8[%parallel_loop3A_669, %parallel_loop3A_670], %parallel_loop3A_673 {strides = array<i32>} : memref<16x1024xf32, #tpu.memory_space<vmem>>, vector<1x16xf32>,
        %parallel_loop3A_674 = arith.index_cast %parallel_loop3A_181 : i32 to index
        %parallel_loop3A_675 = arith.constant 656 : index
        %parallel_loop3A_676 = tpu.vector_load %arg8[%parallel_loop3A_674, %parallel_loop3A_675] {strides = array<i32>} : memref<16x1024xf32, #tpu.memory_space<vmem>>, vector<1x16xf32>,
        %parallel_loop3A_677 = vector.shape_cast %parallel_loop3A_676 : vector<1x16xf32> to vector<16xf32>
        %parallel_loop3A_678 = arith.constant 3.200000e+01 : f32
        %parallel_loop3A_679 = vector.broadcast %parallel_loop3A_678 : f32 to vector<16xf32>
        %parallel_loop3A_680 = arith.mulf %parallel_loop3A_677, %parallel_loop3A_679 : vector<16xf32>
        %parallel_loop3A_681 = arith.index_cast %parallel_loop3A_181 : i32 to index
        %parallel_loop3A_682 = arith.constant 656 : index
        %parallel_loop3A_683 = tpu.vector_load %arg8[%parallel_loop3A_681, %parallel_loop3A_682] {strides = array<i32>} : memref<16x1024xf32, #tpu.memory_space<vmem>>, vector<1x16xf32>,
        %parallel_loop3A_684 = vector.shape_cast %parallel_loop3A_683 : vector<1x16xf32> to vector<16xf32>
        %parallel_loop3A_685 = vector.shape_cast %parallel_loop3A_680 : vector<16xf32> to vector<1x16xf32>
        tpu.vector_store %arg8[%parallel_loop3A_681, %parallel_loop3A_682], %parallel_loop3A_685 {strides = array<i32>} : memref<16x1024xf32, #tpu.memory_space<vmem>>, vector<1x16xf32>,
        %parallel_loop3A_686 = arith.index_cast %parallel_loop3A_181 : i32 to index
        %parallel_loop3A_687 = arith.constant 672 : index
        %parallel_loop3A_688 = tpu.vector_load %arg8[%parallel_loop3A_686, %parallel_loop3A_687] {strides = array<i32>} : memref<16x1024xf32, #tpu.memory_space<vmem>>, vector<1x16xf32>,
        %parallel_loop3A_689 = vector.shape_cast %parallel_loop3A_688 : vector<1x16xf32> to vector<16xf32>
        %parallel_loop3A_690 = arith.constant 3.200000e+01 : f32
        %parallel_loop3A_691 = vector.broadcast %parallel_loop3A_690 : f32 to vector<16xf32>
        %parallel_loop3A_692 = arith.mulf %parallel_loop3A_689, %parallel_loop3A_691 : vector<16xf32>
        %parallel_loop3A_693 = arith.index_cast %parallel_loop3A_181 : i32 to index
        %parallel_loop3A_694 = arith.constant 672 : index
        %parallel_loop3A_695 = tpu.vector_load %arg8[%parallel_loop3A_693, %parallel_loop3A_694] {strides = array<i32>} : memref<16x1024xf32, #tpu.memory_space<vmem>>, vector<1x16xf32>,
        %parallel_loop3A_696 = vector.shape_cast %parallel_loop3A_695 : vector<1x16xf32> to vector<16xf32>
        %parallel_loop3A_697 = vector.shape_cast %parallel_loop3A_692 : vector<16xf32> to vector<1x16xf32>
        tpu.vector_store %arg8[%parallel_loop3A_693, %parallel_loop3A_694], %parallel_loop3A_697 {strides = array<i32>} : memref<16x1024xf32, #tpu.memory_space<vmem>>, vector<1x16xf32>,
        %parallel_loop3A_698 = arith.index_cast %parallel_loop3A_181 : i32 to index
        %parallel_loop3A_699 = arith.constant 688 : index
        %parallel_loop3A_700 = tpu.vector_load %arg8[%parallel_loop3A_698, %parallel_loop3A_699] {strides = array<i32>} : memref<16x1024xf32, #tpu.memory_space<vmem>>, vector<1x16xf32>,
        %parallel_loop3A_701 = vector.shape_cast %parallel_loop3A_700 : vector<1x16xf32> to vector<16xf32>
        %parallel_loop3A_702 = arith.constant 3.200000e+01 : f32
        %parallel_loop3A_703 = vector.broadcast %parallel_loop3A_702 : f32 to vector<16xf32>
        %parallel_loop3A_704 = arith.mulf %parallel_loop3A_701, %parallel_loop3A_703 : vector<16xf32>
        %parallel_loop3A_705 = arith.index_cast %parallel_loop3A_181 : i32 to index
        %parallel_loop3A_706 = arith.constant 688 : index
        %parallel_loop3A_707 = tpu.vector_load %arg8[%parallel_loop3A_705, %parallel_loop3A_706] {strides = array<i32>} : memref<16x1024xf32, #tpu.memory_space<vmem>>, vector<1x16xf32>,
        %parallel_loop3A_708 = vector.shape_cast %parallel_loop3A_707 : vector<1x16xf32> to vector<16xf32>
        %parallel_loop3A_709 = vector.shape_cast %parallel_loop3A_704 : vector<16xf32> to vector<1x16xf32>
        tpu.vector_store %arg8[%parallel_loop3A_705, %parallel_loop3A_706], %parallel_loop3A_709 {strides = array<i32>} : memref<16x1024xf32, #tpu.memory_space<vmem>>, vector<1x16xf32>,
        %parallel_loop3A_710 = arith.index_cast %parallel_loop3A_181 : i32 to index
        %parallel_loop3A_711 = arith.constant 704 : index
        %parallel_loop3A_712 = tpu.vector_load %arg8[%parallel_loop3A_710, %parallel_loop3A_711] {strides = array<i32>} : memref<16x1024xf32, #tpu.memory_space<vmem>>, vector<1x16xf32>,
        %parallel_loop3A_713 = vector.shape_cast %parallel_loop3A_712 : vector<1x16xf32> to vector<16xf32>
        %parallel_loop3A_714 = arith.constant 3.200000e+01 : f32
        %parallel_loop3A_715 = vector.broadcast %parallel_loop3A_714 : f32 to vector<16xf32>
        %parallel_loop3A_716 = arith.mulf %parallel_loop3A_713, %parallel_loop3A_715 : vector<16xf32>
        %parallel_loop3A_717 = arith.index_cast %parallel_loop3A_181 : i32 to index
        %parallel_loop3A_718 = arith.constant 704 : index
        %parallel_loop3A_719 = tpu.vector_load %arg8[%parallel_loop3A_717, %parallel_loop3A_718] {strides = array<i32>} : memref<16x1024xf32, #tpu.memory_space<vmem>>, vector<1x16xf32>,
        %parallel_loop3A_720 = vector.shape_cast %parallel_loop3A_719 : vector<1x16xf32> to vector<16xf32>
        %parallel_loop3A_721 = vector.shape_cast %parallel_loop3A_716 : vector<16xf32> to vector<1x16xf32>
        tpu.vector_store %arg8[%parallel_loop3A_717, %parallel_loop3A_718], %parallel_loop3A_721 {strides = array<i32>} : memref<16x1024xf32, #tpu.memory_space<vmem>>, vector<1x16xf32>,
        %parallel_loop3A_722 = arith.index_cast %parallel_loop3A_181 : i32 to index
        %parallel_loop3A_723 = arith.constant 720 : index
        %parallel_loop3A_724 = tpu.vector_load %arg8[%parallel_loop3A_722, %parallel_loop3A_723] {strides = array<i32>} : memref<16x1024xf32, #tpu.memory_space<vmem>>, vector<1x16xf32>,
        %parallel_loop3A_725 = vector.shape_cast %parallel_loop3A_724 : vector<1x16xf32> to vector<16xf32>
        %parallel_loop3A_726 = arith.constant 3.200000e+01 : f32
        %parallel_loop3A_727 = vector.broadcast %parallel_loop3A_726 : f32 to vector<16xf32>
        %parallel_loop3A_728 = arith.mulf %parallel_loop3A_725, %parallel_loop3A_727 : vector<16xf32>
        %parallel_loop3A_729 = arith.index_cast %parallel_loop3A_181 : i32 to index
        %parallel_loop3A_730 = arith.constant 720 : index
        %parallel_loop3A_731 = tpu.vector_load %arg8[%parallel_loop3A_729, %parallel_loop3A_730] {strides = array<i32>} : memref<16x1024xf32, #tpu.memory_space<vmem>>, vector<1x16xf32>,
        %parallel_loop3A_732 = vector.shape_cast %parallel_loop3A_731 : vector<1x16xf32> to vector<16xf32>
        %parallel_loop3A_733 = vector.shape_cast %parallel_loop3A_728 : vector<16xf32> to vector<1x16xf32>
        tpu.vector_store %arg8[%parallel_loop3A_729, %parallel_loop3A_730], %parallel_loop3A_733 {strides = array<i32>} : memref<16x1024xf32, #tpu.memory_space<vmem>>, vector<1x16xf32>,
        %parallel_loop3A_734 = arith.index_cast %parallel_loop3A_181 : i32 to index
        %parallel_loop3A_735 = arith.constant 736 : index
        %parallel_loop3A_736 = tpu.vector_load %arg8[%parallel_loop3A_734, %parallel_loop3A_735] {strides = array<i32>} : memref<16x1024xf32, #tpu.memory_space<vmem>>, vector<1x16xf32>,
        %parallel_loop3A_737 = vector.shape_cast %parallel_loop3A_736 : vector<1x16xf32> to vector<16xf32>
        %parallel_loop3A_738 = arith.constant 3.200000e+01 : f32
        %parallel_loop3A_739 = vector.broadcast %parallel_loop3A_738 : f32 to vector<16xf32>
        %parallel_loop3A_740 = arith.mulf %parallel_loop3A_737, %parallel_loop3A_739 : vector<16xf32>
        %parallel_loop3A_741 = arith.index_cast %parallel_loop3A_181 : i32 to index
        %parallel_loop3A_742 = arith.constant 736 : index
        %parallel_loop3A_743 = tpu.vector_load %arg8[%parallel_loop3A_741, %parallel_loop3A_742] {strides = array<i32>} : memref<16x1024xf32, #tpu.memory_space<vmem>>, vector<1x16xf32>,
        %parallel_loop3A_744 = vector.shape_cast %parallel_loop3A_743 : vector<1x16xf32> to vector<16xf32>
        %parallel_loop3A_745 = vector.shape_cast %parallel_loop3A_740 : vector<16xf32> to vector<1x16xf32>
        tpu.vector_store %arg8[%parallel_loop3A_741, %parallel_loop3A_742], %parallel_loop3A_745 {strides = array<i32>} : memref<16x1024xf32, #tpu.memory_space<vmem>>, vector<1x16xf32>,
        %parallel_loop3A_746 = arith.index_cast %parallel_loop3A_181 : i32 to index
        %parallel_loop3A_747 = arith.constant 752 : index
        %parallel_loop3A_748 = tpu.vector_load %arg8[%parallel_loop3A_746, %parallel_loop3A_747] {strides = array<i32>} : memref<16x1024xf32, #tpu.memory_space<vmem>>, vector<1x16xf32>,
        %parallel_loop3A_749 = vector.shape_cast %parallel_loop3A_748 : vector<1x16xf32> to vector<16xf32>
        %parallel_loop3A_750 = arith.constant 3.200000e+01 : f32
        %parallel_loop3A_751 = vector.broadcast %parallel_loop3A_750 : f32 to vector<16xf32>
        %parallel_loop3A_752 = arith.mulf %parallel_loop3A_749, %parallel_loop3A_751 : vector<16xf32>
        %parallel_loop3A_753 = arith.index_cast %parallel_loop3A_181 : i32 to index
        %parallel_loop3A_754 = arith.constant 752 : index
        %parallel_loop3A_755 = tpu.vector_load %arg8[%parallel_loop3A_753, %parallel_loop3A_754] {strides = array<i32>} : memref<16x1024xf32, #tpu.memory_space<vmem>>, vector<1x16xf32>,
        %parallel_loop3A_756 = vector.shape_cast %parallel_loop3A_755 : vector<1x16xf32> to vector<16xf32>
        %parallel_loop3A_757 = vector.shape_cast %parallel_loop3A_752 : vector<16xf32> to vector<1x16xf32>
        tpu.vector_store %arg8[%parallel_loop3A_753, %parallel_loop3A_754], %parallel_loop3A_757 {strides = array<i32>} : memref<16x1024xf32, #tpu.memory_space<vmem>>, vector<1x16xf32>,
        %parallel_loop3A_758 = arith.index_cast %parallel_loop3A_181 : i32 to index
        %parallel_loop3A_759 = arith.constant 768 : index
        %parallel_loop3A_760 = tpu.vector_load %arg8[%parallel_loop3A_758, %parallel_loop3A_759] {strides = array<i32>} : memref<16x1024xf32, #tpu.memory_space<vmem>>, vector<1x16xf32>,
        %parallel_loop3A_761 = vector.shape_cast %parallel_loop3A_760 : vector<1x16xf32> to vector<16xf32>
        %parallel_loop3A_762 = arith.constant 3.200000e+01 : f32
        %parallel_loop3A_763 = vector.broadcast %parallel_loop3A_762 : f32 to vector<16xf32>
        %parallel_loop3A_764 = arith.mulf %parallel_loop3A_761, %parallel_loop3A_763 : vector<16xf32>
        %parallel_loop3A_765 = arith.index_cast %parallel_loop3A_181 : i32 to index
        %parallel_loop3A_766 = arith.constant 768 : index
        %parallel_loop3A_767 = tpu.vector_load %arg8[%parallel_loop3A_765, %parallel_loop3A_766] {strides = array<i32>} : memref<16x1024xf32, #tpu.memory_space<vmem>>, vector<1x16xf32>,
        %parallel_loop3A_768 = vector.shape_cast %parallel_loop3A_767 : vector<1x16xf32> to vector<16xf32>
        %parallel_loop3A_769 = vector.shape_cast %parallel_loop3A_764 : vector<16xf32> to vector<1x16xf32>
        tpu.vector_store %arg8[%parallel_loop3A_765, %parallel_loop3A_766], %parallel_loop3A_769 {strides = array<i32>} : memref<16x1024xf32, #tpu.memory_space<vmem>>, vector<1x16xf32>,
        %parallel_loop3A_770 = arith.index_cast %parallel_loop3A_181 : i32 to index
        %parallel_loop3A_771 = arith.constant 784 : index
        %parallel_loop3A_772 = tpu.vector_load %arg8[%parallel_loop3A_770, %parallel_loop3A_771] {strides = array<i32>} : memref<16x1024xf32, #tpu.memory_space<vmem>>, vector<1x16xf32>,
        %parallel_loop3A_773 = vector.shape_cast %parallel_loop3A_772 : vector<1x16xf32> to vector<16xf32>
        %parallel_loop3A_774 = arith.constant 3.200000e+01 : f32
        %parallel_loop3A_775 = vector.broadcast %parallel_loop3A_774 : f32 to vector<16xf32>
        %parallel_loop3A_776 = arith.mulf %parallel_loop3A_773, %parallel_loop3A_775 : vector<16xf32>
        %parallel_loop3A_777 = arith.index_cast %parallel_loop3A_181 : i32 to index
        %parallel_loop3A_778 = arith.constant 784 : index
        %parallel_loop3A_779 = tpu.vector_load %arg8[%parallel_loop3A_777, %parallel_loop3A_778] {strides = array<i32>} : memref<16x1024xf32, #tpu.memory_space<vmem>>, vector<1x16xf32>,
        %parallel_loop3A_780 = vector.shape_cast %parallel_loop3A_779 : vector<1x16xf32> to vector<16xf32>
        %parallel_loop3A_781 = vector.shape_cast %parallel_loop3A_776 : vector<16xf32> to vector<1x16xf32>
        tpu.vector_store %arg8[%parallel_loop3A_777, %parallel_loop3A_778], %parallel_loop3A_781 {strides = array<i32>} : memref<16x1024xf32, #tpu.memory_space<vmem>>, vector<1x16xf32>,
        %parallel_loop3A_782 = arith.index_cast %parallel_loop3A_181 : i32 to index
        %parallel_loop3A_783 = arith.constant 800 : index
        %parallel_loop3A_784 = tpu.vector_load %arg8[%parallel_loop3A_782, %parallel_loop3A_783] {strides = array<i32>} : memref<16x1024xf32, #tpu.memory_space<vmem>>, vector<1x16xf32>,
        %parallel_loop3A_785 = vector.shape_cast %parallel_loop3A_784 : vector<1x16xf32> to vector<16xf32>
        %parallel_loop3A_786 = arith.constant 3.200000e+01 : f32
        %parallel_loop3A_787 = vector.broadcast %parallel_loop3A_786 : f32 to vector<16xf32>
        %parallel_loop3A_788 = arith.mulf %parallel_loop3A_785, %parallel_loop3A_787 : vector<16xf32>
        %parallel_loop3A_789 = arith.index_cast %parallel_loop3A_181 : i32 to index
        %parallel_loop3A_790 = arith.constant 800 : index
        %parallel_loop3A_791 = tpu.vector_load %arg8[%parallel_loop3A_789, %parallel_loop3A_790] {strides = array<i32>} : memref<16x1024xf32, #tpu.memory_space<vmem>>, vector<1x16xf32>,
        %parallel_loop3A_792 = vector.shape_cast %parallel_loop3A_791 : vector<1x16xf32> to vector<16xf32>
        %parallel_loop3A_793 = vector.shape_cast %parallel_loop3A_788 : vector<16xf32> to vector<1x16xf32>
        tpu.vector_store %arg8[%parallel_loop3A_789, %parallel_loop3A_790], %parallel_loop3A_793 {strides = array<i32>} : memref<16x1024xf32, #tpu.memory_space<vmem>>, vector<1x16xf32>,
        %parallel_loop3A_794 = arith.index_cast %parallel_loop3A_181 : i32 to index
        %parallel_loop3A_795 = arith.constant 816 : index
        %parallel_loop3A_796 = tpu.vector_load %arg8[%parallel_loop3A_794, %parallel_loop3A_795] {strides = array<i32>} : memref<16x1024xf32, #tpu.memory_space<vmem>>, vector<1x16xf32>,
        %parallel_loop3A_797 = vector.shape_cast %parallel_loop3A_796 : vector<1x16xf32> to vector<16xf32>
        %parallel_loop3A_798 = arith.constant 3.200000e+01 : f32
        %parallel_loop3A_799 = vector.broadcast %parallel_loop3A_798 : f32 to vector<16xf32>
        %parallel_loop3A_800 = arith.mulf %parallel_loop3A_797, %parallel_loop3A_799 : vector<16xf32>
        %parallel_loop3A_801 = arith.index_cast %parallel_loop3A_181 : i32 to index
        %parallel_loop3A_802 = arith.constant 816 : index
        %parallel_loop3A_803 = tpu.vector_load %arg8[%parallel_loop3A_801, %parallel_loop3A_802] {strides = array<i32>} : memref<16x1024xf32, #tpu.memory_space<vmem>>, vector<1x16xf32>,
        %parallel_loop3A_804 = vector.shape_cast %parallel_loop3A_803 : vector<1x16xf32> to vector<16xf32>
        %parallel_loop3A_805 = vector.shape_cast %parallel_loop3A_800 : vector<16xf32> to vector<1x16xf32>
        tpu.vector_store %arg8[%parallel_loop3A_801, %parallel_loop3A_802], %parallel_loop3A_805 {strides = array<i32>} : memref<16x1024xf32, #tpu.memory_space<vmem>>, vector<1x16xf32>,
        %parallel_loop3A_806 = arith.index_cast %parallel_loop3A_181 : i32 to index
        %parallel_loop3A_807 = arith.constant 832 : index
        %parallel_loop3A_808 = tpu.vector_load %arg8[%parallel_loop3A_806, %parallel_loop3A_807] {strides = array<i32>} : memref<16x1024xf32, #tpu.memory_space<vmem>>, vector<1x16xf32>,
        %parallel_loop3A_809 = vector.shape_cast %parallel_loop3A_808 : vector<1x16xf32> to vector<16xf32>
        %parallel_loop3A_810 = arith.constant 3.200000e+01 : f32
        %parallel_loop3A_811 = vector.broadcast %parallel_loop3A_810 : f32 to vector<16xf32>
        %parallel_loop3A_812 = arith.mulf %parallel_loop3A_809, %parallel_loop3A_811 : vector<16xf32>
        %parallel_loop3A_813 = arith.index_cast %parallel_loop3A_181 : i32 to index
        %parallel_loop3A_814 = arith.constant 832 : index
        %parallel_loop3A_815 = tpu.vector_load %arg8[%parallel_loop3A_813, %parallel_loop3A_814] {strides = array<i32>} : memref<16x1024xf32, #tpu.memory_space<vmem>>, vector<1x16xf32>,
        %parallel_loop3A_816 = vector.shape_cast %parallel_loop3A_815 : vector<1x16xf32> to vector<16xf32>
        %parallel_loop3A_817 = vector.shape_cast %parallel_loop3A_812 : vector<16xf32> to vector<1x16xf32>
        tpu.vector_store %arg8[%parallel_loop3A_813, %parallel_loop3A_814], %parallel_loop3A_817 {strides = array<i32>} : memref<16x1024xf32, #tpu.memory_space<vmem>>, vector<1x16xf32>,
        %parallel_loop3A_818 = arith.index_cast %parallel_loop3A_181 : i32 to index
        %parallel_loop3A_819 = arith.constant 848 : index
        %parallel_loop3A_820 = tpu.vector_load %arg8[%parallel_loop3A_818, %parallel_loop3A_819] {strides = array<i32>} : memref<16x1024xf32, #tpu.memory_space<vmem>>, vector<1x16xf32>,
        %parallel_loop3A_821 = vector.shape_cast %parallel_loop3A_820 : vector<1x16xf32> to vector<16xf32>
        %parallel_loop3A_822 = arith.constant 3.200000e+01 : f32
        %parallel_loop3A_823 = vector.broadcast %parallel_loop3A_822 : f32 to vector<16xf32>
        %parallel_loop3A_824 = arith.mulf %parallel_loop3A_821, %parallel_loop3A_823 : vector<16xf32>
        %parallel_loop3A_825 = arith.index_cast %parallel_loop3A_181 : i32 to index
        %parallel_loop3A_826 = arith.constant 848 : index
        %parallel_loop3A_827 = tpu.vector_load %arg8[%parallel_loop3A_825, %parallel_loop3A_826] {strides = array<i32>} : memref<16x1024xf32, #tpu.memory_space<vmem>>, vector<1x16xf32>,
        %parallel_loop3A_828 = vector.shape_cast %parallel_loop3A_827 : vector<1x16xf32> to vector<16xf32>
        %parallel_loop3A_829 = vector.shape_cast %parallel_loop3A_824 : vector<16xf32> to vector<1x16xf32>
        tpu.vector_store %arg8[%parallel_loop3A_825, %parallel_loop3A_826], %parallel_loop3A_829 {strides = array<i32>} : memref<16x1024xf32, #tpu.memory_space<vmem>>, vector<1x16xf32>,
        %parallel_loop3A_830 = arith.index_cast %parallel_loop3A_181 : i32 to index
        %parallel_loop3A_831 = arith.constant 864 : index
        %parallel_loop3A_832 = tpu.vector_load %arg8[%parallel_loop3A_830, %parallel_loop3A_831] {strides = array<i32>} : memref<16x1024xf32, #tpu.memory_space<vmem>>, vector<1x16xf32>,
        %parallel_loop3A_833 = vector.shape_cast %parallel_loop3A_832 : vector<1x16xf32> to vector<16xf32>
        %parallel_loop3A_834 = arith.constant 3.200000e+01 : f32
        %parallel_loop3A_835 = vector.broadcast %parallel_loop3A_834 : f32 to vector<16xf32>
        %parallel_loop3A_836 = arith.mulf %parallel_loop3A_833, %parallel_loop3A_835 : vector<16xf32>
        %parallel_loop3A_837 = arith.index_cast %parallel_loop3A_181 : i32 to index
        %parallel_loop3A_838 = arith.constant 864 : index
        %parallel_loop3A_839 = tpu.vector_load %arg8[%parallel_loop3A_837, %parallel_loop3A_838] {strides = array<i32>} : memref<16x1024xf32, #tpu.memory_space<vmem>>, vector<1x16xf32>,
        %parallel_loop3A_840 = vector.shape_cast %parallel_loop3A_839 : vector<1x16xf32> to vector<16xf32>
        %parallel_loop3A_841 = vector.shape_cast %parallel_loop3A_836 : vector<16xf32> to vector<1x16xf32>
        tpu.vector_store %arg8[%parallel_loop3A_837, %parallel_loop3A_838], %parallel_loop3A_841 {strides = array<i32>} : memref<16x1024xf32, #tpu.memory_space<vmem>>, vector<1x16xf32>,
        %parallel_loop3A_842 = arith.index_cast %parallel_loop3A_181 : i32 to index
        %parallel_loop3A_843 = arith.constant 880 : index
        %parallel_loop3A_844 = tpu.vector_load %arg8[%parallel_loop3A_842, %parallel_loop3A_843] {strides = array<i32>} : memref<16x1024xf32, #tpu.memory_space<vmem>>, vector<1x16xf32>,
        %parallel_loop3A_845 = vector.shape_cast %parallel_loop3A_844 : vector<1x16xf32> to vector<16xf32>
        %parallel_loop3A_846 = arith.constant 3.200000e+01 : f32
        %parallel_loop3A_847 = vector.broadcast %parallel_loop3A_846 : f32 to vector<16xf32>
        %parallel_loop3A_848 = arith.mulf %parallel_loop3A_845, %parallel_loop3A_847 : vector<16xf32>
        %parallel_loop3A_849 = arith.index_cast %parallel_loop3A_181 : i32 to index
        %parallel_loop3A_850 = arith.constant 880 : index
        %parallel_loop3A_851 = tpu.vector_load %arg8[%parallel_loop3A_849, %parallel_loop3A_850] {strides = array<i32>} : memref<16x1024xf32, #tpu.memory_space<vmem>>, vector<1x16xf32>,
        %parallel_loop3A_852 = vector.shape_cast %parallel_loop3A_851 : vector<1x16xf32> to vector<16xf32>
        %parallel_loop3A_853 = vector.shape_cast %parallel_loop3A_848 : vector<16xf32> to vector<1x16xf32>
        tpu.vector_store %arg8[%parallel_loop3A_849, %parallel_loop3A_850], %parallel_loop3A_853 {strides = array<i32>} : memref<16x1024xf32, #tpu.memory_space<vmem>>, vector<1x16xf32>,
        %parallel_loop3A_854 = arith.index_cast %parallel_loop3A_181 : i32 to index
        %parallel_loop3A_855 = arith.constant 896 : index
        %parallel_loop3A_856 = tpu.vector_load %arg8[%parallel_loop3A_854, %parallel_loop3A_855] {strides = array<i32>} : memref<16x1024xf32, #tpu.memory_space<vmem>>, vector<1x16xf32>,
        %parallel_loop3A_857 = vector.shape_cast %parallel_loop3A_856 : vector<1x16xf32> to vector<16xf32>
        %parallel_loop3A_858 = arith.constant 3.200000e+01 : f32
        %parallel_loop3A_859 = vector.broadcast %parallel_loop3A_858 : f32 to vector<16xf32>
        %parallel_loop3A_860 = arith.mulf %parallel_loop3A_857, %parallel_loop3A_859 : vector<16xf32>
        %parallel_loop3A_861 = arith.index_cast %parallel_loop3A_181 : i32 to index
        %parallel_loop3A_862 = arith.constant 896 : index
        %parallel_loop3A_863 = tpu.vector_load %arg8[%parallel_loop3A_861, %parallel_loop3A_862] {strides = array<i32>} : memref<16x1024xf32, #tpu.memory_space<vmem>>, vector<1x16xf32>,
        %parallel_loop3A_864 = vector.shape_cast %parallel_loop3A_863 : vector<1x16xf32> to vector<16xf32>
        %parallel_loop3A_865 = vector.shape_cast %parallel_loop3A_860 : vector<16xf32> to vector<1x16xf32>
        tpu.vector_store %arg8[%parallel_loop3A_861, %parallel_loop3A_862], %parallel_loop3A_865 {strides = array<i32>} : memref<16x1024xf32, #tpu.memory_space<vmem>>, vector<1x16xf32>,
        %parallel_loop3A_866 = arith.index_cast %parallel_loop3A_181 : i32 to index
        %parallel_loop3A_867 = arith.constant 912 : index
        %parallel_loop3A_868 = tpu.vector_load %arg8[%parallel_loop3A_866, %parallel_loop3A_867] {strides = array<i32>} : memref<16x1024xf32, #tpu.memory_space<vmem>>, vector<1x16xf32>,
        %parallel_loop3A_869 = vector.shape_cast %parallel_loop3A_868 : vector<1x16xf32> to vector<16xf32>
        %parallel_loop3A_870 = arith.constant 3.200000e+01 : f32
        %parallel_loop3A_871 = vector.broadcast %parallel_loop3A_870 : f32 to vector<16xf32>
        %parallel_loop3A_872 = arith.mulf %parallel_loop3A_869, %parallel_loop3A_871 : vector<16xf32>
        %parallel_loop3A_873 = arith.index_cast %parallel_loop3A_181 : i32 to index
        %parallel_loop3A_874 = arith.constant 912 : index
        %parallel_loop3A_875 = tpu.vector_load %arg8[%parallel_loop3A_873, %parallel_loop3A_874] {strides = array<i32>} : memref<16x1024xf32, #tpu.memory_space<vmem>>, vector<1x16xf32>,
        %parallel_loop3A_876 = vector.shape_cast %parallel_loop3A_875 : vector<1x16xf32> to vector<16xf32>
        %parallel_loop3A_877 = vector.shape_cast %parallel_loop3A_872 : vector<16xf32> to vector<1x16xf32>
        tpu.vector_store %arg8[%parallel_loop3A_873, %parallel_loop3A_874], %parallel_loop3A_877 {strides = array<i32>} : memref<16x1024xf32, #tpu.memory_space<vmem>>, vector<1x16xf32>,
        %parallel_loop3A_878 = arith.index_cast %parallel_loop3A_181 : i32 to index
        %parallel_loop3A_879 = arith.constant 928 : index
        %parallel_loop3A_880 = tpu.vector_load %arg8[%parallel_loop3A_878, %parallel_loop3A_879] {strides = array<i32>} : memref<16x1024xf32, #tpu.memory_space<vmem>>, vector<1x16xf32>,
        %parallel_loop3A_881 = vector.shape_cast %parallel_loop3A_880 : vector<1x16xf32> to vector<16xf32>
        %parallel_loop3A_882 = arith.constant 3.200000e+01 : f32
        %parallel_loop3A_883 = vector.broadcast %parallel_loop3A_882 : f32 to vector<16xf32>
        %parallel_loop3A_884 = arith.mulf %parallel_loop3A_881, %parallel_loop3A_883 : vector<16xf32>
        %parallel_loop3A_885 = arith.index_cast %parallel_loop3A_181 : i32 to index
        %parallel_loop3A_886 = arith.constant 928 : index
        %parallel_loop3A_887 = tpu.vector_load %arg8[%parallel_loop3A_885, %parallel_loop3A_886] {strides = array<i32>} : memref<16x1024xf32, #tpu.memory_space<vmem>>, vector<1x16xf32>,
        %parallel_loop3A_888 = vector.shape_cast %parallel_loop3A_887 : vector<1x16xf32> to vector<16xf32>
        %parallel_loop3A_889 = vector.shape_cast %parallel_loop3A_884 : vector<16xf32> to vector<1x16xf32>
        tpu.vector_store %arg8[%parallel_loop3A_885, %parallel_loop3A_886], %parallel_loop3A_889 {strides = array<i32>} : memref<16x1024xf32, #tpu.memory_space<vmem>>, vector<1x16xf32>,
        %parallel_loop3A_890 = arith.index_cast %parallel_loop3A_181 : i32 to index
        %parallel_loop3A_891 = arith.constant 944 : index
        %parallel_loop3A_892 = tpu.vector_load %arg8[%parallel_loop3A_890, %parallel_loop3A_891] {strides = array<i32>} : memref<16x1024xf32, #tpu.memory_space<vmem>>, vector<1x16xf32>,
        %parallel_loop3A_893 = vector.shape_cast %parallel_loop3A_892 : vector<1x16xf32> to vector<16xf32>
        %parallel_loop3A_894 = arith.constant 3.200000e+01 : f32
        %parallel_loop3A_895 = vector.broadcast %parallel_loop3A_894 : f32 to vector<16xf32>
        %parallel_loop3A_896 = arith.mulf %parallel_loop3A_893, %parallel_loop3A_895 : vector<16xf32>
        %parallel_loop3A_897 = arith.index_cast %parallel_loop3A_181 : i32 to index
        %parallel_loop3A_898 = arith.constant 944 : index
        %parallel_loop3A_899 = tpu.vector_load %arg8[%parallel_loop3A_897, %parallel_loop3A_898] {strides = array<i32>} : memref<16x1024xf32, #tpu.memory_space<vmem>>, vector<1x16xf32>,
        %parallel_loop3A_900 = vector.shape_cast %parallel_loop3A_899 : vector<1x16xf32> to vector<16xf32>
        %parallel_loop3A_901 = vector.shape_cast %parallel_loop3A_896 : vector<16xf32> to vector<1x16xf32>
        tpu.vector_store %arg8[%parallel_loop3A_897, %parallel_loop3A_898], %parallel_loop3A_901 {strides = array<i32>} : memref<16x1024xf32, #tpu.memory_space<vmem>>, vector<1x16xf32>,
        %parallel_loop3A_902 = arith.index_cast %parallel_loop3A_181 : i32 to index
        %parallel_loop3A_903 = arith.constant 960 : index
        %parallel_loop3A_904 = tpu.vector_load %arg8[%parallel_loop3A_902, %parallel_loop3A_903] {strides = array<i32>} : memref<16x1024xf32, #tpu.memory_space<vmem>>, vector<1x16xf32>,
        %parallel_loop3A_905 = vector.shape_cast %parallel_loop3A_904 : vector<1x16xf32> to vector<16xf32>
        %parallel_loop3A_906 = arith.constant 3.200000e+01 : f32
        %parallel_loop3A_907 = vector.broadcast %parallel_loop3A_906 : f32 to vector<16xf32>
        %parallel_loop3A_908 = arith.mulf %parallel_loop3A_905, %parallel_loop3A_907 : vector<16xf32>
        %parallel_loop3A_909 = arith.index_cast %parallel_loop3A_181 : i32 to index
        %parallel_loop3A_910 = arith.constant 960 : index
        %parallel_loop3A_911 = tpu.vector_load %arg8[%parallel_loop3A_909, %parallel_loop3A_910] {strides = array<i32>} : memref<16x1024xf32, #tpu.memory_space<vmem>>, vector<1x16xf32>,
        %parallel_loop3A_912 = vector.shape_cast %parallel_loop3A_911 : vector<1x16xf32> to vector<16xf32>
        %parallel_loop3A_913 = vector.shape_cast %parallel_loop3A_908 : vector<16xf32> to vector<1x16xf32>
        tpu.vector_store %arg8[%parallel_loop3A_909, %parallel_loop3A_910], %parallel_loop3A_913 {strides = array<i32>} : memref<16x1024xf32, #tpu.memory_space<vmem>>, vector<1x16xf32>,
        %parallel_loop3A_914 = arith.index_cast %parallel_loop3A_181 : i32 to index
        %parallel_loop3A_915 = arith.constant 976 : index
        %parallel_loop3A_916 = tpu.vector_load %arg8[%parallel_loop3A_914, %parallel_loop3A_915] {strides = array<i32>} : memref<16x1024xf32, #tpu.memory_space<vmem>>, vector<1x16xf32>,
        %parallel_loop3A_917 = vector.shape_cast %parallel_loop3A_916 : vector<1x16xf32> to vector<16xf32>
        %parallel_loop3A_918 = arith.constant 3.200000e+01 : f32
        %parallel_loop3A_919 = vector.broadcast %parallel_loop3A_918 : f32 to vector<16xf32>
        %parallel_loop3A_920 = arith.mulf %parallel_loop3A_917, %parallel_loop3A_919 : vector<16xf32>
        %parallel_loop3A_921 = arith.index_cast %parallel_loop3A_181 : i32 to index
        %parallel_loop3A_922 = arith.constant 976 : index
        %parallel_loop3A_923 = tpu.vector_load %arg8[%parallel_loop3A_921, %parallel_loop3A_922] {strides = array<i32>} : memref<16x1024xf32, #tpu.memory_space<vmem>>, vector<1x16xf32>,
        %parallel_loop3A_924 = vector.shape_cast %parallel_loop3A_923 : vector<1x16xf32> to vector<16xf32>
        %parallel_loop3A_925 = vector.shape_cast %parallel_loop3A_920 : vector<16xf32> to vector<1x16xf32>
        tpu.vector_store %arg8[%parallel_loop3A_921, %parallel_loop3A_922], %parallel_loop3A_925 {strides = array<i32>} : memref<16x1024xf32, #tpu.memory_space<vmem>>, vector<1x16xf32>,
        %parallel_loop3A_926 = arith.index_cast %parallel_loop3A_181 : i32 to index
        %parallel_loop3A_927 = arith.constant 992 : index
        %parallel_loop3A_928 = tpu.vector_load %arg8[%parallel_loop3A_926, %parallel_loop3A_927] {strides = array<i32>} : memref<16x1024xf32, #tpu.memory_space<vmem>>, vector<1x16xf32>,
        %parallel_loop3A_929 = vector.shape_cast %parallel_loop3A_928 : vector<1x16xf32> to vector<16xf32>
        %parallel_loop3A_930 = arith.constant 3.200000e+01 : f32
        %parallel_loop3A_931 = vector.broadcast %parallel_loop3A_930 : f32 to vector<16xf32>
        %parallel_loop3A_932 = arith.mulf %parallel_loop3A_929, %parallel_loop3A_931 : vector<16xf32>
        %parallel_loop3A_933 = arith.index_cast %parallel_loop3A_181 : i32 to index
        %parallel_loop3A_934 = arith.constant 992 : index
        %parallel_loop3A_935 = tpu.vector_load %arg8[%parallel_loop3A_933, %parallel_loop3A_934] {strides = array<i32>} : memref<16x1024xf32, #tpu.memory_space<vmem>>, vector<1x16xf32>,
        %parallel_loop3A_936 = vector.shape_cast %parallel_loop3A_935 : vector<1x16xf32> to vector<16xf32>
        %parallel_loop3A_937 = vector.shape_cast %parallel_loop3A_932 : vector<16xf32> to vector<1x16xf32>
        tpu.vector_store %arg8[%parallel_loop3A_933, %parallel_loop3A_934], %parallel_loop3A_937 {strides = array<i32>} : memref<16x1024xf32, #tpu.memory_space<vmem>>, vector<1x16xf32>,
        %parallel_loop3A_938 = arith.index_cast %parallel_loop3A_181 : i32 to index
        %parallel_loop3A_939 = arith.constant 1008 : index
        %parallel_loop3A_940 = tpu.vector_load %arg8[%parallel_loop3A_938, %parallel_loop3A_939] {strides = array<i32>} : memref<16x1024xf32, #tpu.memory_space<vmem>>, vector<1x16xf32>,
        %parallel_loop3A_941 = vector.shape_cast %parallel_loop3A_940 : vector<1x16xf32> to vector<16xf32>
        %parallel_loop3A_942 = arith.constant 3.200000e+01 : f32
        %parallel_loop3A_943 = vector.broadcast %parallel_loop3A_942 : f32 to vector<16xf32>
        %parallel_loop3A_944 = arith.mulf %parallel_loop3A_941, %parallel_loop3A_943 : vector<16xf32>
        %parallel_loop3A_945 = arith.index_cast %parallel_loop3A_181 : i32 to index
        %parallel_loop3A_946 = arith.constant 1008 : index
        %parallel_loop3A_947 = tpu.vector_load %arg8[%parallel_loop3A_945, %parallel_loop3A_946] {strides = array<i32>} : memref<16x1024xf32, #tpu.memory_space<vmem>>, vector<1x16xf32>,
        %parallel_loop3A_948 = vector.shape_cast %parallel_loop3A_947 : vector<1x16xf32> to vector<16xf32>
        %parallel_loop3A_949 = vector.shape_cast %parallel_loop3A_944 : vector<16xf32> to vector<1x16xf32>
        tpu.vector_store %arg8[%parallel_loop3A_945, %parallel_loop3A_946], %parallel_loop3A_949 {strides = array<i32>} : memref<16x1024xf32, #tpu.memory_space<vmem>>, vector<1x16xf32>,
      } {sc.loop_unroll_factor = 1 : i64, sc.parallel_access}
      %ge3A_128 = arith.constant 2 : i32
      %ge3A_129 = arith.cmpi sge, %add3A_111, %ge3A_128 : i32
      %convert_element_type3A_130 = arith.extui %ge3A_129 : i1 to i32
      %cond3A_131 = arith.constant 0 : i32
      %cond3A_132 = arith.cmpi ne, %convert_element_type3A_130, %cond3A_131 : i32
      scf.if %cond3A_132 {
        %sub3A = arith.constant 2 : i32
        %sub3A_181 = arith.subi %add3A_111, %sub3A : i32
        %mul3A_182 = arith.constant 16 : i32
        %mul3A_183 = arith.muli %sub3A_181, %mul3A_182 : i32
        %add3A_184 = arith.addi %mul3A_2, %mul3A_183 : i32
        %dma_wait3A_185 = arith.constant 0 : i32
        %dma_wait3A_186 = arith.constant 0 : i32
        %dma_wait3A_187 = tpu.memref_slice %arg4[%add3A_184, %dma_wait3A_186] : memref<32768x1024xf32, #tpu.memory_space<hbm>> -> memref<16x1024xf32, #tpu.memory_space<hbm>>
        %dma_wait3A_188 = arith.constant 0 : i32
        %dma_wait3A_189 = arith.constant 0 : i32
        %dma_wait3A_190 = tpu.memref_slice %arg10[%arg1, %dma_wait3A_185, %dma_wait3A_188, %dma_wait3A_189] : memref<16x2x16x1024xf32, #tpu.memory_space<vmem_shared>> -> memref<1x1x16x1024xf32, #tpu.memory_space<vmem_shared>>
        %dma_wait3A_191 = tpu.memref_squeeze %dma_wait3A_190 : memref<1x1x16x1024xf32, #tpu.memory_space<vmem_shared>> -> memref<16x1024xf32, #tpu.memory_space<vmem_shared>>
        tpu.wait_dma2 semaphore(%arg15 : memref<!tpu.dma_semaphore, #tpu.memory_space<semaphore_mem>>) src(%dma_wait3A_191 : memref<16x1024xf32, #tpu.memory_space<vmem_shared>>) dst(%dma_wait3A_187 : memref<16x1024xf32, #tpu.memory_space<hbm>>)
      } else {
      }
      %run_scoped3A_133 = arith.constant 0 : i32
      "tpu.region"() ({
        %run_scoped3A_181 = tpu.sem_alloc : memref<!tpu.dma_semaphore, #tpu.memory_space<semaphore_mem>>
        %dma_start3A_182 = arith.constant 0 : i32
        %dma_start3A_183 = arith.constant 0 : i32
        %dma_start3A_184 = tpu.memref_slice %arg10[%arg1, %run_scoped3A_133, %dma_start3A_182, %dma_start3A_183] : memref<16x2x16x1024xf32, #tpu.memory_space<vmem_shared>> -> memref<1x1x16x1024xf32, #tpu.memory_space<vmem_shared>>
        %dma_start3A_185 = tpu.memref_squeeze %dma_start3A_184 : memref<1x1x16x1024xf32, #tpu.memory_space<vmem_shared>> -> memref<16x1024xf32, #tpu.memory_space<vmem_shared>>
        %dma_start3A_186 = arith.constant 0 : i32
        %dma_start3A_187 = arith.constant 0 : i32
        %dma_start3A_188 = tpu.memref_slice %arg10[%arg1, %run_scoped3A_133, %dma_start3A_186, %dma_start3A_187] : memref<16x2x16x1024xf32, #tpu.memory_space<vmem_shared>> -> memref<1x1x16x1024xf32, #tpu.memory_space<vmem_shared>>
        %dma_start3A_189 = tpu.memref_squeeze %dma_start3A_188 : memref<1x1x16x1024xf32, #tpu.memory_space<vmem_shared>> -> memref<16x1024xf32, #tpu.memory_space<vmem_shared>>
        tpu.enqueue_dma source(%arg8 : memref<16x1024xf32, #tpu.memory_space<vmem>>) target(%dma_start3A_189 : memref<16x1024xf32, #tpu.memory_space<vmem_shared>>) target_semaphore(%run_scoped3A_181 : memref<!tpu.dma_semaphore, #tpu.memory_space<semaphore_mem>>)
        %dma_wait3A_190 = arith.constant 0 : i32
        %dma_wait3A_191 = arith.constant 0 : i32
        %dma_wait3A_192 = tpu.memref_slice %arg10[%arg1, %run_scoped3A_133, %dma_wait3A_190, %dma_wait3A_191] : memref<16x2x16x1024xf32, #tpu.memory_space<vmem_shared>> -> memref<1x1x16x1024xf32, #tpu.memory_space<vmem_shared>>
        %dma_wait3A_193 = tpu.memref_squeeze %dma_wait3A_192 : memref<1x1x16x1024xf32, #tpu.memory_space<vmem_shared>> -> memref<16x1024xf32, #tpu.memory_space<vmem_shared>>
        %dma_wait3A_194 = arith.constant 0 : i32
        %dma_wait3A_195 = arith.constant 0 : i32
        %dma_wait3A_196 = tpu.memref_slice %arg10[%arg1, %run_scoped3A_133, %dma_wait3A_194, %dma_wait3A_195] : memref<16x2x16x1024xf32, #tpu.memory_space<vmem_shared>> -> memref<1x1x16x1024xf32, #tpu.memory_space<vmem_shared>>
        %dma_wait3A_197 = tpu.memref_squeeze %dma_wait3A_196 : memref<1x1x16x1024xf32, #tpu.memory_space<vmem_shared>> -> memref<16x1024xf32, #tpu.memory_space<vmem_shared>>
        tpu.wait_dma2 semaphore(%run_scoped3A_181 : memref<!tpu.dma_semaphore, #tpu.memory_space<semaphore_mem>>) src(%arg8 : memref<16x1024xf32, #tpu.memory_space<vmem>>) dst(%dma_wait3A_197 : memref<16x1024xf32, #tpu.memory_space<vmem_shared>>)
        tpu.yield
      }) : () -> ()
      %mul3A_134 = arith.constant 16 : i32
      %mul3A_135 = arith.muli %add3A_111, %mul3A_134 : i32
      %add3A_136 = arith.addi %mul3A_2, %mul3A_135 : i32
      %dma_start3A_137 = arith.constant 0 : i32
      %dma_start3A_138 = arith.constant 0 : i32
      %dma_start3A_139 = tpu.memref_slice %arg4[%add3A_136, %dma_start3A_138] : memref<32768x1024xf32, #tpu.memory_space<hbm>> -> memref<16x1024xf32, #tpu.memory_space<hbm>>
      %dma_start3A_140 = arith.constant 0 : i32
      %dma_start3A_141 = arith.constant 0 : i32
      %dma_start3A_142 = tpu.memref_slice %arg10[%arg1, %dma_start3A_137, %dma_start3A_140, %dma_start3A_141] : memref<16x2x16x1024xf32, #tpu.memory_space<vmem_shared>> -> memref<1x1x16x1024xf32, #tpu.memory_space<vmem_shared>>
      %dma_start3A_143 = tpu.memref_squeeze %dma_start3A_142 : memref<1x1x16x1024xf32, #tpu.memory_space<vmem_shared>> -> memref<16x1024xf32, #tpu.memory_space<vmem_shared>>
      tpu.enqueue_dma source(%dma_start3A_143 : memref<16x1024xf32, #tpu.memory_space<vmem_shared>>) target(%dma_start3A_139 : memref<16x1024xf32, #tpu.memory_space<hbm>>) target_semaphore(%arg15 : memref<!tpu.dma_semaphore, #tpu.memory_space<semaphore_mem>>)
      %mul3A_144 = arith.constant 4 : i32
      %mul3A_145 = arith.muli %scan3A_40, %mul3A_144 : i32
      %add3A_146 = arith.constant 3 : i32
      %add3A_147 = arith.addi %mul3A_145, %add3A_146 : i32
      %add3A_148 = arith.constant 3 : i32
      %add3A_149 = arith.addi %add3A_147, %add3A_148 : i32
      %lt3A_150 = arith.constant 64 : i32
      %lt3A_151 = arith.cmpi slt, %add3A_149, %lt3A_150 : i32
      %convert_element_type3A_152 = arith.extui %lt3A_151 : i1 to i32
      %cond3A_153 = arith.constant 0 : i32
      %cond3A_154 = arith.cmpi ne, %convert_element_type3A_152, %cond3A_153 : i32
      scf.if %cond3A_154 {
        %add3A_181 = arith.constant 3 : i32
        %add3A_182 = arith.addi %add3A_147, %add3A_181 : i32
        %mul3A_183 = arith.constant 16 : i32
        %mul3A_184 = arith.muli %add3A_182, %mul3A_183 : i32
        %dma_start3A_185 = tpu.memref_slice %arg5[%mul3A_184] : memref<1024xi32, #tpu.memory_space<vmem>> -> memref<16xi32, #tpu.memory_space<vmem>>
        %dma_start3A_186 = arith.constant 0 : i32
        %dma_start3A_187 = arith.constant 0 : i32
        %dma_start3A_188 = tpu.memref_slice %arg3[%dma_start3A_186, %dma_start3A_187] : memref<100000x1024xf32, #tpu.memory_space<hbm>> -> memref<100000x1024xf32, #tpu.memory_space<hbm>>
        tpu.enqueue_indirect_dma source(%dma_start3A_188 : memref<100000x1024xf32, #tpu.memory_space<hbm>>) target(%arg8 : memref<16x1024xf32, #tpu.memory_space<vmem>>) offsets(%dma_start3A_185 : memref<16xi32, #tpu.memory_space<vmem>>) semaphore(%arg13 : memref<!tpu.dma_semaphore, #tpu.memory_space<semaphore_mem>>)
      } else {
      }
      %mul3A_155 = arith.constant 16 : i32
      %mul3A_156 = arith.muli %add3A_147, %mul3A_155 : i32
      %dma_wait3A_157 = tpu.memref_slice %arg5[%mul3A_156] : memref<1024xi32, #tpu.memory_space<vmem>> -> memref<16xi32, #tpu.memory_space<vmem>>
      %dma_wait3A_158 = arith.constant 0 : i32
      %dma_wait3A_159 = arith.constant 0 : i32
      %dma_wait3A_160 = tpu.memref_slice %arg3[%dma_wait3A_158, %dma_wait3A_159] : memref<100000x1024xf32, #tpu.memory_space<hbm>> -> memref<100000x1024xf32, #tpu.memory_space<hbm>>
      tpu.wait_indirect_dma semaphore(%arg14 : memref<!tpu.dma_semaphore, #tpu.memory_space<semaphore_mem>>) src(%dma_wait3A_160 : memref<100000x1024xf32, #tpu.memory_space<hbm>>) dst(%arg9 : memref<16x1024xf32, #tpu.memory_space<vmem>>)
      %parallel_loop3A_161 = arith.constant 0 : i32
      %parallel_loop3A_162 = arith.constant 16 : i32
      %parallel_loop3A_163 = arith.constant 1 : i32
      scf.for %parallel_loop3A_181 = %parallel_loop3A_161 to %parallel_loop3A_162 step %parallel_loop3A_163  : i32 {
        %parallel_loop3A_182 = arith.index_cast %parallel_loop3A_181 : i32 to index
        %parallel_loop3A_183 = arith.constant 0 : index
        %parallel_loop3A_184 = tpu.vector_load %arg9[%parallel_loop3A_182, %parallel_loop3A_183] {strides = array<i32>} : memref<16x1024xf32, #tpu.memory_space<vmem>>, vector<1x16xf32>,
        %parallel_loop3A_185 = vector.shape_cast %parallel_loop3A_184 : vector<1x16xf32> to vector<16xf32>
        %parallel_loop3A_186 = arith.constant 3.200000e+01 : f32
        %parallel_loop3A_187 = vector.broadcast %parallel_loop3A_186 : f32 to vector<16xf32>
        %parallel_loop3A_188 = arith.mulf %parallel_loop3A_185, %parallel_loop3A_187 : vector<16xf32>
        %parallel_loop3A_189 = arith.index_cast %parallel_loop3A_181 : i32 to index
        %parallel_loop3A_190 = arith.constant 0 : index
        %parallel_loop3A_191 = tpu.vector_load %arg9[%parallel_loop3A_189, %parallel_loop3A_190] {strides = array<i32>} : memref<16x1024xf32, #tpu.memory_space<vmem>>, vector<1x16xf32>,
        %parallel_loop3A_192 = vector.shape_cast %parallel_loop3A_191 : vector<1x16xf32> to vector<16xf32>
        %parallel_loop3A_193 = vector.shape_cast %parallel_loop3A_188 : vector<16xf32> to vector<1x16xf32>
        tpu.vector_store %arg9[%parallel_loop3A_189, %parallel_loop3A_190], %parallel_loop3A_193 {strides = array<i32>} : memref<16x1024xf32, #tpu.memory_space<vmem>>, vector<1x16xf32>,
        %parallel_loop3A_194 = arith.index_cast %parallel_loop3A_181 : i32 to index
        %parallel_loop3A_195 = arith.constant 16 : index
        %parallel_loop3A_196 = tpu.vector_load %arg9[%parallel_loop3A_194, %parallel_loop3A_195] {strides = array<i32>} : memref<16x1024xf32, #tpu.memory_space<vmem>>, vector<1x16xf32>,
        %parallel_loop3A_197 = vector.shape_cast %parallel_loop3A_196 : vector<1x16xf32> to vector<16xf32>
        %parallel_loop3A_198 = arith.constant 3.200000e+01 : f32
        %parallel_loop3A_199 = vector.broadcast %parallel_loop3A_198 : f32 to vector<16xf32>
        %parallel_loop3A_200 = arith.mulf %parallel_loop3A_197, %parallel_loop3A_199 : vector<16xf32>
        %parallel_loop3A_201 = arith.index_cast %parallel_loop3A_181 : i32 to index
        %parallel_loop3A_202 = arith.constant 16 : index
        %parallel_loop3A_203 = tpu.vector_load %arg9[%parallel_loop3A_201, %parallel_loop3A_202] {strides = array<i32>} : memref<16x1024xf32, #tpu.memory_space<vmem>>, vector<1x16xf32>,
        %parallel_loop3A_204 = vector.shape_cast %parallel_loop3A_203 : vector<1x16xf32> to vector<16xf32>
        %parallel_loop3A_205 = vector.shape_cast %parallel_loop3A_200 : vector<16xf32> to vector<1x16xf32>
        tpu.vector_store %arg9[%parallel_loop3A_201, %parallel_loop3A_202], %parallel_loop3A_205 {strides = array<i32>} : memref<16x1024xf32, #tpu.memory_space<vmem>>, vector<1x16xf32>,
        %parallel_loop3A_206 = arith.index_cast %parallel_loop3A_181 : i32 to index
        %parallel_loop3A_207 = arith.constant 32 : index
        %parallel_loop3A_208 = tpu.vector_load %arg9[%parallel_loop3A_206, %parallel_loop3A_207] {strides = array<i32>} : memref<16x1024xf32, #tpu.memory_space<vmem>>, vector<1x16xf32>,
        %parallel_loop3A_209 = vector.shape_cast %parallel_loop3A_208 : vector<1x16xf32> to vector<16xf32>
        %parallel_loop3A_210 = arith.constant 3.200000e+01 : f32
        %parallel_loop3A_211 = vector.broadcast %parallel_loop3A_210 : f32 to vector<16xf32>
        %parallel_loop3A_212 = arith.mulf %parallel_loop3A_209, %parallel_loop3A_211 : vector<16xf32>
        %parallel_loop3A_213 = arith.index_cast %parallel_loop3A_181 : i32 to index
        %parallel_loop3A_214 = arith.constant 32 : index
        %parallel_loop3A_215 = tpu.vector_load %arg9[%parallel_loop3A_213, %parallel_loop3A_214] {strides = array<i32>} : memref<16x1024xf32, #tpu.memory_space<vmem>>, vector<1x16xf32>,
        %parallel_loop3A_216 = vector.shape_cast %parallel_loop3A_215 : vector<1x16xf32> to vector<16xf32>
        %parallel_loop3A_217 = vector.shape_cast %parallel_loop3A_212 : vector<16xf32> to vector<1x16xf32>
        tpu.vector_store %arg9[%parallel_loop3A_213, %parallel_loop3A_214], %parallel_loop3A_217 {strides = array<i32>} : memref<16x1024xf32, #tpu.memory_space<vmem>>, vector<1x16xf32>,
        %parallel_loop3A_218 = arith.index_cast %parallel_loop3A_181 : i32 to index
        %parallel_loop3A_219 = arith.constant 48 : index
        %parallel_loop3A_220 = tpu.vector_load %arg9[%parallel_loop3A_218, %parallel_loop3A_219] {strides = array<i32>} : memref<16x1024xf32, #tpu.memory_space<vmem>>, vector<1x16xf32>,
        %parallel_loop3A_221 = vector.shape_cast %parallel_loop3A_220 : vector<1x16xf32> to vector<16xf32>
        %parallel_loop3A_222 = arith.constant 3.200000e+01 : f32
        %parallel_loop3A_223 = vector.broadcast %parallel_loop3A_222 : f32 to vector<16xf32>
        %parallel_loop3A_224 = arith.mulf %parallel_loop3A_221, %parallel_loop3A_223 : vector<16xf32>
        %parallel_loop3A_225 = arith.index_cast %parallel_loop3A_181 : i32 to index
        %parallel_loop3A_226 = arith.constant 48 : index
        %parallel_loop3A_227 = tpu.vector_load %arg9[%parallel_loop3A_225, %parallel_loop3A_226] {strides = array<i32>} : memref<16x1024xf32, #tpu.memory_space<vmem>>, vector<1x16xf32>,
        %parallel_loop3A_228 = vector.shape_cast %parallel_loop3A_227 : vector<1x16xf32> to vector<16xf32>
        %parallel_loop3A_229 = vector.shape_cast %parallel_loop3A_224 : vector<16xf32> to vector<1x16xf32>
        tpu.vector_store %arg9[%parallel_loop3A_225, %parallel_loop3A_226], %parallel_loop3A_229 {strides = array<i32>} : memref<16x1024xf32, #tpu.memory_space<vmem>>, vector<1x16xf32>,
        %parallel_loop3A_230 = arith.index_cast %parallel_loop3A_181 : i32 to index
        %parallel_loop3A_231 = arith.constant 64 : index
        %parallel_loop3A_232 = tpu.vector_load %arg9[%parallel_loop3A_230, %parallel_loop3A_231] {strides = array<i32>} : memref<16x1024xf32, #tpu.memory_space<vmem>>, vector<1x16xf32>,
        %parallel_loop3A_233 = vector.shape_cast %parallel_loop3A_232 : vector<1x16xf32> to vector<16xf32>
        %parallel_loop3A_234 = arith.constant 3.200000e+01 : f32
        %parallel_loop3A_235 = vector.broadcast %parallel_loop3A_234 : f32 to vector<16xf32>
        %parallel_loop3A_236 = arith.mulf %parallel_loop3A_233, %parallel_loop3A_235 : vector<16xf32>
        %parallel_loop3A_237 = arith.index_cast %parallel_loop3A_181 : i32 to index
        %parallel_loop3A_238 = arith.constant 64 : index
        %parallel_loop3A_239 = tpu.vector_load %arg9[%parallel_loop3A_237, %parallel_loop3A_238] {strides = array<i32>} : memref<16x1024xf32, #tpu.memory_space<vmem>>, vector<1x16xf32>,
        %parallel_loop3A_240 = vector.shape_cast %parallel_loop3A_239 : vector<1x16xf32> to vector<16xf32>
        %parallel_loop3A_241 = vector.shape_cast %parallel_loop3A_236 : vector<16xf32> to vector<1x16xf32>
        tpu.vector_store %arg9[%parallel_loop3A_237, %parallel_loop3A_238], %parallel_loop3A_241 {strides = array<i32>} : memref<16x1024xf32, #tpu.memory_space<vmem>>, vector<1x16xf32>,
        %parallel_loop3A_242 = arith.index_cast %parallel_loop3A_181 : i32 to index
        %parallel_loop3A_243 = arith.constant 80 : index
        %parallel_loop3A_244 = tpu.vector_load %arg9[%parallel_loop3A_242, %parallel_loop3A_243] {strides = array<i32>} : memref<16x1024xf32, #tpu.memory_space<vmem>>, vector<1x16xf32>,
        %parallel_loop3A_245 = vector.shape_cast %parallel_loop3A_244 : vector<1x16xf32> to vector<16xf32>
        %parallel_loop3A_246 = arith.constant 3.200000e+01 : f32
        %parallel_loop3A_247 = vector.broadcast %parallel_loop3A_246 : f32 to vector<16xf32>
        %parallel_loop3A_248 = arith.mulf %parallel_loop3A_245, %parallel_loop3A_247 : vector<16xf32>
        %parallel_loop3A_249 = arith.index_cast %parallel_loop3A_181 : i32 to index
        %parallel_loop3A_250 = arith.constant 80 : index
        %parallel_loop3A_251 = tpu.vector_load %arg9[%parallel_loop3A_249, %parallel_loop3A_250] {strides = array<i32>} : memref<16x1024xf32, #tpu.memory_space<vmem>>, vector<1x16xf32>,
        %parallel_loop3A_252 = vector.shape_cast %parallel_loop3A_251 : vector<1x16xf32> to vector<16xf32>
        %parallel_loop3A_253 = vector.shape_cast %parallel_loop3A_248 : vector<16xf32> to vector<1x16xf32>
        tpu.vector_store %arg9[%parallel_loop3A_249, %parallel_loop3A_250], %parallel_loop3A_253 {strides = array<i32>} : memref<16x1024xf32, #tpu.memory_space<vmem>>, vector<1x16xf32>,
        %parallel_loop3A_254 = arith.index_cast %parallel_loop3A_181 : i32 to index
        %parallel_loop3A_255 = arith.constant 96 : index
        %parallel_loop3A_256 = tpu.vector_load %arg9[%parallel_loop3A_254, %parallel_loop3A_255] {strides = array<i32>} : memref<16x1024xf32, #tpu.memory_space<vmem>>, vector<1x16xf32>,
        %parallel_loop3A_257 = vector.shape_cast %parallel_loop3A_256 : vector<1x16xf32> to vector<16xf32>
        %parallel_loop3A_258 = arith.constant 3.200000e+01 : f32
        %parallel_loop3A_259 = vector.broadcast %parallel_loop3A_258 : f32 to vector<16xf32>
        %parallel_loop3A_260 = arith.mulf %parallel_loop3A_257, %parallel_loop3A_259 : vector<16xf32>
        %parallel_loop3A_261 = arith.index_cast %parallel_loop3A_181 : i32 to index
        %parallel_loop3A_262 = arith.constant 96 : index
        %parallel_loop3A_263 = tpu.vector_load %arg9[%parallel_loop3A_261, %parallel_loop3A_262] {strides = array<i32>} : memref<16x1024xf32, #tpu.memory_space<vmem>>, vector<1x16xf32>,
        %parallel_loop3A_264 = vector.shape_cast %parallel_loop3A_263 : vector<1x16xf32> to vector<16xf32>
        %parallel_loop3A_265 = vector.shape_cast %parallel_loop3A_260 : vector<16xf32> to vector<1x16xf32>
        tpu.vector_store %arg9[%parallel_loop3A_261, %parallel_loop3A_262], %parallel_loop3A_265 {strides = array<i32>} : memref<16x1024xf32, #tpu.memory_space<vmem>>, vector<1x16xf32>,
        %parallel_loop3A_266 = arith.index_cast %parallel_loop3A_181 : i32 to index
        %parallel_loop3A_267 = arith.constant 112 : index
        %parallel_loop3A_268 = tpu.vector_load %arg9[%parallel_loop3A_266, %parallel_loop3A_267] {strides = array<i32>} : memref<16x1024xf32, #tpu.memory_space<vmem>>, vector<1x16xf32>,
        %parallel_loop3A_269 = vector.shape_cast %parallel_loop3A_268 : vector<1x16xf32> to vector<16xf32>
        %parallel_loop3A_270 = arith.constant 3.200000e+01 : f32
        %parallel_loop3A_271 = vector.broadcast %parallel_loop3A_270 : f32 to vector<16xf32>
        %parallel_loop3A_272 = arith.mulf %parallel_loop3A_269, %parallel_loop3A_271 : vector<16xf32>
        %parallel_loop3A_273 = arith.index_cast %parallel_loop3A_181 : i32 to index
        %parallel_loop3A_274 = arith.constant 112 : index
        %parallel_loop3A_275 = tpu.vector_load %arg9[%parallel_loop3A_273, %parallel_loop3A_274] {strides = array<i32>} : memref<16x1024xf32, #tpu.memory_space<vmem>>, vector<1x16xf32>,
        %parallel_loop3A_276 = vector.shape_cast %parallel_loop3A_275 : vector<1x16xf32> to vector<16xf32>
        %parallel_loop3A_277 = vector.shape_cast %parallel_loop3A_272 : vector<16xf32> to vector<1x16xf32>
        tpu.vector_store %arg9[%parallel_loop3A_273, %parallel_loop3A_274], %parallel_loop3A_277 {strides = array<i32>} : memref<16x1024xf32, #tpu.memory_space<vmem>>, vector<1x16xf32>,
        %parallel_loop3A_278 = arith.index_cast %parallel_loop3A_181 : i32 to index
        %parallel_loop3A_279 = arith.constant 128 : index
        %parallel_loop3A_280 = tpu.vector_load %arg9[%parallel_loop3A_278, %parallel_loop3A_279] {strides = array<i32>} : memref<16x1024xf32, #tpu.memory_space<vmem>>, vector<1x16xf32>,
        %parallel_loop3A_281 = vector.shape_cast %parallel_loop3A_280 : vector<1x16xf32> to vector<16xf32>
        %parallel_loop3A_282 = arith.constant 3.200000e+01 : f32
        %parallel_loop3A_283 = vector.broadcast %parallel_loop3A_282 : f32 to vector<16xf32>
        %parallel_loop3A_284 = arith.mulf %parallel_loop3A_281, %parallel_loop3A_283 : vector<16xf32>
        %parallel_loop3A_285 = arith.index_cast %parallel_loop3A_181 : i32 to index
        %parallel_loop3A_286 = arith.constant 128 : index
        %parallel_loop3A_287 = tpu.vector_load %arg9[%parallel_loop3A_285, %parallel_loop3A_286] {strides = array<i32>} : memref<16x1024xf32, #tpu.memory_space<vmem>>, vector<1x16xf32>,
        %parallel_loop3A_288 = vector.shape_cast %parallel_loop3A_287 : vector<1x16xf32> to vector<16xf32>
        %parallel_loop3A_289 = vector.shape_cast %parallel_loop3A_284 : vector<16xf32> to vector<1x16xf32>
        tpu.vector_store %arg9[%parallel_loop3A_285, %parallel_loop3A_286], %parallel_loop3A_289 {strides = array<i32>} : memref<16x1024xf32, #tpu.memory_space<vmem>>, vector<1x16xf32>,
        %parallel_loop3A_290 = arith.index_cast %parallel_loop3A_181 : i32 to index
        %parallel_loop3A_291 = arith.constant 144 : index
        %parallel_loop3A_292 = tpu.vector_load %arg9[%parallel_loop3A_290, %parallel_loop3A_291] {strides = array<i32>} : memref<16x1024xf32, #tpu.memory_space<vmem>>, vector<1x16xf32>,
        %parallel_loop3A_293 = vector.shape_cast %parallel_loop3A_292 : vector<1x16xf32> to vector<16xf32>
        %parallel_loop3A_294 = arith.constant 3.200000e+01 : f32
        %parallel_loop3A_295 = vector.broadcast %parallel_loop3A_294 : f32 to vector<16xf32>
        %parallel_loop3A_296 = arith.mulf %parallel_loop3A_293, %parallel_loop3A_295 : vector<16xf32>
        %parallel_loop3A_297 = arith.index_cast %parallel_loop3A_181 : i32 to index
        %parallel_loop3A_298 = arith.constant 144 : index
        %parallel_loop3A_299 = tpu.vector_load %arg9[%parallel_loop3A_297, %parallel_loop3A_298] {strides = array<i32>} : memref<16x1024xf32, #tpu.memory_space<vmem>>, vector<1x16xf32>,
        %parallel_loop3A_300 = vector.shape_cast %parallel_loop3A_299 : vector<1x16xf32> to vector<16xf32>
        %parallel_loop3A_301 = vector.shape_cast %parallel_loop3A_296 : vector<16xf32> to vector<1x16xf32>
        tpu.vector_store %arg9[%parallel_loop3A_297, %parallel_loop3A_298], %parallel_loop3A_301 {strides = array<i32>} : memref<16x1024xf32, #tpu.memory_space<vmem>>, vector<1x16xf32>,
        %parallel_loop3A_302 = arith.index_cast %parallel_loop3A_181 : i32 to index
        %parallel_loop3A_303 = arith.constant 160 : index
        %parallel_loop3A_304 = tpu.vector_load %arg9[%parallel_loop3A_302, %parallel_loop3A_303] {strides = array<i32>} : memref<16x1024xf32, #tpu.memory_space<vmem>>, vector<1x16xf32>,
        %parallel_loop3A_305 = vector.shape_cast %parallel_loop3A_304 : vector<1x16xf32> to vector<16xf32>
        %parallel_loop3A_306 = arith.constant 3.200000e+01 : f32
        %parallel_loop3A_307 = vector.broadcast %parallel_loop3A_306 : f32 to vector<16xf32>
        %parallel_loop3A_308 = arith.mulf %parallel_loop3A_305, %parallel_loop3A_307 : vector<16xf32>
        %parallel_loop3A_309 = arith.index_cast %parallel_loop3A_181 : i32 to index
        %parallel_loop3A_310 = arith.constant 160 : index
        %parallel_loop3A_311 = tpu.vector_load %arg9[%parallel_loop3A_309, %parallel_loop3A_310] {strides = array<i32>} : memref<16x1024xf32, #tpu.memory_space<vmem>>, vector<1x16xf32>,
        %parallel_loop3A_312 = vector.shape_cast %parallel_loop3A_311 : vector<1x16xf32> to vector<16xf32>
        %parallel_loop3A_313 = vector.shape_cast %parallel_loop3A_308 : vector<16xf32> to vector<1x16xf32>
        tpu.vector_store %arg9[%parallel_loop3A_309, %parallel_loop3A_310], %parallel_loop3A_313 {strides = array<i32>} : memref<16x1024xf32, #tpu.memory_space<vmem>>, vector<1x16xf32>,
        %parallel_loop3A_314 = arith.index_cast %parallel_loop3A_181 : i32 to index
        %parallel_loop3A_315 = arith.constant 176 : index
        %parallel_loop3A_316 = tpu.vector_load %arg9[%parallel_loop3A_314, %parallel_loop3A_315] {strides = array<i32>} : memref<16x1024xf32, #tpu.memory_space<vmem>>, vector<1x16xf32>,
        %parallel_loop3A_317 = vector.shape_cast %parallel_loop3A_316 : vector<1x16xf32> to vector<16xf32>
        %parallel_loop3A_318 = arith.constant 3.200000e+01 : f32
        %parallel_loop3A_319 = vector.broadcast %parallel_loop3A_318 : f32 to vector<16xf32>
        %parallel_loop3A_320 = arith.mulf %parallel_loop3A_317, %parallel_loop3A_319 : vector<16xf32>
        %parallel_loop3A_321 = arith.index_cast %parallel_loop3A_181 : i32 to index
        %parallel_loop3A_322 = arith.constant 176 : index
        %parallel_loop3A_323 = tpu.vector_load %arg9[%parallel_loop3A_321, %parallel_loop3A_322] {strides = array<i32>} : memref<16x1024xf32, #tpu.memory_space<vmem>>, vector<1x16xf32>,
        %parallel_loop3A_324 = vector.shape_cast %parallel_loop3A_323 : vector<1x16xf32> to vector<16xf32>
        %parallel_loop3A_325 = vector.shape_cast %parallel_loop3A_320 : vector<16xf32> to vector<1x16xf32>
        tpu.vector_store %arg9[%parallel_loop3A_321, %parallel_loop3A_322], %parallel_loop3A_325 {strides = array<i32>} : memref<16x1024xf32, #tpu.memory_space<vmem>>, vector<1x16xf32>,
        %parallel_loop3A_326 = arith.index_cast %parallel_loop3A_181 : i32 to index
        %parallel_loop3A_327 = arith.constant 192 : index
        %parallel_loop3A_328 = tpu.vector_load %arg9[%parallel_loop3A_326, %parallel_loop3A_327] {strides = array<i32>} : memref<16x1024xf32, #tpu.memory_space<vmem>>, vector<1x16xf32>,
        %parallel_loop3A_329 = vector.shape_cast %parallel_loop3A_328 : vector<1x16xf32> to vector<16xf32>
        %parallel_loop3A_330 = arith.constant 3.200000e+01 : f32
        %parallel_loop3A_331 = vector.broadcast %parallel_loop3A_330 : f32 to vector<16xf32>
        %parallel_loop3A_332 = arith.mulf %parallel_loop3A_329, %parallel_loop3A_331 : vector<16xf32>
        %parallel_loop3A_333 = arith.index_cast %parallel_loop3A_181 : i32 to index
        %parallel_loop3A_334 = arith.constant 192 : index
        %parallel_loop3A_335 = tpu.vector_load %arg9[%parallel_loop3A_333, %parallel_loop3A_334] {strides = array<i32>} : memref<16x1024xf32, #tpu.memory_space<vmem>>, vector<1x16xf32>,
        %parallel_loop3A_336 = vector.shape_cast %parallel_loop3A_335 : vector<1x16xf32> to vector<16xf32>
        %parallel_loop3A_337 = vector.shape_cast %parallel_loop3A_332 : vector<16xf32> to vector<1x16xf32>
        tpu.vector_store %arg9[%parallel_loop3A_333, %parallel_loop3A_334], %parallel_loop3A_337 {strides = array<i32>} : memref<16x1024xf32, #tpu.memory_space<vmem>>, vector<1x16xf32>,
        %parallel_loop3A_338 = arith.index_cast %parallel_loop3A_181 : i32 to index
        %parallel_loop3A_339 = arith.constant 208 : index
        %parallel_loop3A_340 = tpu.vector_load %arg9[%parallel_loop3A_338, %parallel_loop3A_339] {strides = array<i32>} : memref<16x1024xf32, #tpu.memory_space<vmem>>, vector<1x16xf32>,
        %parallel_loop3A_341 = vector.shape_cast %parallel_loop3A_340 : vector<1x16xf32> to vector<16xf32>
        %parallel_loop3A_342 = arith.constant 3.200000e+01 : f32
        %parallel_loop3A_343 = vector.broadcast %parallel_loop3A_342 : f32 to vector<16xf32>
        %parallel_loop3A_344 = arith.mulf %parallel_loop3A_341, %parallel_loop3A_343 : vector<16xf32>
        %parallel_loop3A_345 = arith.index_cast %parallel_loop3A_181 : i32 to index
        %parallel_loop3A_346 = arith.constant 208 : index
        %parallel_loop3A_347 = tpu.vector_load %arg9[%parallel_loop3A_345, %parallel_loop3A_346] {strides = array<i32>} : memref<16x1024xf32, #tpu.memory_space<vmem>>, vector<1x16xf32>,
        %parallel_loop3A_348 = vector.shape_cast %parallel_loop3A_347 : vector<1x16xf32> to vector<16xf32>
        %parallel_loop3A_349 = vector.shape_cast %parallel_loop3A_344 : vector<16xf32> to vector<1x16xf32>
        tpu.vector_store %arg9[%parallel_loop3A_345, %parallel_loop3A_346], %parallel_loop3A_349 {strides = array<i32>} : memref<16x1024xf32, #tpu.memory_space<vmem>>, vector<1x16xf32>,
        %parallel_loop3A_350 = arith.index_cast %parallel_loop3A_181 : i32 to index
        %parallel_loop3A_351 = arith.constant 224 : index
        %parallel_loop3A_352 = tpu.vector_load %arg9[%parallel_loop3A_350, %parallel_loop3A_351] {strides = array<i32>} : memref<16x1024xf32, #tpu.memory_space<vmem>>, vector<1x16xf32>,
        %parallel_loop3A_353 = vector.shape_cast %parallel_loop3A_352 : vector<1x16xf32> to vector<16xf32>
        %parallel_loop3A_354 = arith.constant 3.200000e+01 : f32
        %parallel_loop3A_355 = vector.broadcast %parallel_loop3A_354 : f32 to vector<16xf32>
        %parallel_loop3A_356 = arith.mulf %parallel_loop3A_353, %parallel_loop3A_355 : vector<16xf32>
        %parallel_loop3A_357 = arith.index_cast %parallel_loop3A_181 : i32 to index
        %parallel_loop3A_358 = arith.constant 224 : index
        %parallel_loop3A_359 = tpu.vector_load %arg9[%parallel_loop3A_357, %parallel_loop3A_358] {strides = array<i32>} : memref<16x1024xf32, #tpu.memory_space<vmem>>, vector<1x16xf32>,
        %parallel_loop3A_360 = vector.shape_cast %parallel_loop3A_359 : vector<1x16xf32> to vector<16xf32>
        %parallel_loop3A_361 = vector.shape_cast %parallel_loop3A_356 : vector<16xf32> to vector<1x16xf32>
        tpu.vector_store %arg9[%parallel_loop3A_357, %parallel_loop3A_358], %parallel_loop3A_361 {strides = array<i32>} : memref<16x1024xf32, #tpu.memory_space<vmem>>, vector<1x16xf32>,
        %parallel_loop3A_362 = arith.index_cast %parallel_loop3A_181 : i32 to index
        %parallel_loop3A_363 = arith.constant 240 : index
        %parallel_loop3A_364 = tpu.vector_load %arg9[%parallel_loop3A_362, %parallel_loop3A_363] {strides = array<i32>} : memref<16x1024xf32, #tpu.memory_space<vmem>>, vector<1x16xf32>,
        %parallel_loop3A_365 = vector.shape_cast %parallel_loop3A_364 : vector<1x16xf32> to vector<16xf32>
        %parallel_loop3A_366 = arith.constant 3.200000e+01 : f32
        %parallel_loop3A_367 = vector.broadcast %parallel_loop3A_366 : f32 to vector<16xf32>
        %parallel_loop3A_368 = arith.mulf %parallel_loop3A_365, %parallel_loop3A_367 : vector<16xf32>
        %parallel_loop3A_369 = arith.index_cast %parallel_loop3A_181 : i32 to index
        %parallel_loop3A_370 = arith.constant 240 : index
        %parallel_loop3A_371 = tpu.vector_load %arg9[%parallel_loop3A_369, %parallel_loop3A_370] {strides = array<i32>} : memref<16x1024xf32, #tpu.memory_space<vmem>>, vector<1x16xf32>,
        %parallel_loop3A_372 = vector.shape_cast %parallel_loop3A_371 : vector<1x16xf32> to vector<16xf32>
        %parallel_loop3A_373 = vector.shape_cast %parallel_loop3A_368 : vector<16xf32> to vector<1x16xf32>
        tpu.vector_store %arg9[%parallel_loop3A_369, %parallel_loop3A_370], %parallel_loop3A_373 {strides = array<i32>} : memref<16x1024xf32, #tpu.memory_space<vmem>>, vector<1x16xf32>,
        %parallel_loop3A_374 = arith.index_cast %parallel_loop3A_181 : i32 to index
        %parallel_loop3A_375 = arith.constant 256 : index
        %parallel_loop3A_376 = tpu.vector_load %arg9[%parallel_loop3A_374, %parallel_loop3A_375] {strides = array<i32>} : memref<16x1024xf32, #tpu.memory_space<vmem>>, vector<1x16xf32>,
        %parallel_loop3A_377 = vector.shape_cast %parallel_loop3A_376 : vector<1x16xf32> to vector<16xf32>
        %parallel_loop3A_378 = arith.constant 3.200000e+01 : f32
        %parallel_loop3A_379 = vector.broadcast %parallel_loop3A_378 : f32 to vector<16xf32>
        %parallel_loop3A_380 = arith.mulf %parallel_loop3A_377, %parallel_loop3A_379 : vector<16xf32>
        %parallel_loop3A_381 = arith.index_cast %parallel_loop3A_181 : i32 to index
        %parallel_loop3A_382 = arith.constant 256 : index
        %parallel_loop3A_383 = tpu.vector_load %arg9[%parallel_loop3A_381, %parallel_loop3A_382] {strides = array<i32>} : memref<16x1024xf32, #tpu.memory_space<vmem>>, vector<1x16xf32>,
        %parallel_loop3A_384 = vector.shape_cast %parallel_loop3A_383 : vector<1x16xf32> to vector<16xf32>
        %parallel_loop3A_385 = vector.shape_cast %parallel_loop3A_380 : vector<16xf32> to vector<1x16xf32>
        tpu.vector_store %arg9[%parallel_loop3A_381, %parallel_loop3A_382], %parallel_loop3A_385 {strides = array<i32>} : memref<16x1024xf32, #tpu.memory_space<vmem>>, vector<1x16xf32>,
        %parallel_loop3A_386 = arith.index_cast %parallel_loop3A_181 : i32 to index
        %parallel_loop3A_387 = arith.constant 272 : index
        %parallel_loop3A_388 = tpu.vector_load %arg9[%parallel_loop3A_386, %parallel_loop3A_387] {strides = array<i32>} : memref<16x1024xf32, #tpu.memory_space<vmem>>, vector<1x16xf32>,
        %parallel_loop3A_389 = vector.shape_cast %parallel_loop3A_388 : vector<1x16xf32> to vector<16xf32>
        %parallel_loop3A_390 = arith.constant 3.200000e+01 : f32
        %parallel_loop3A_391 = vector.broadcast %parallel_loop3A_390 : f32 to vector<16xf32>
        %parallel_loop3A_392 = arith.mulf %parallel_loop3A_389, %parallel_loop3A_391 : vector<16xf32>
        %parallel_loop3A_393 = arith.index_cast %parallel_loop3A_181 : i32 to index
        %parallel_loop3A_394 = arith.constant 272 : index
        %parallel_loop3A_395 = tpu.vector_load %arg9[%parallel_loop3A_393, %parallel_loop3A_394] {strides = array<i32>} : memref<16x1024xf32, #tpu.memory_space<vmem>>, vector<1x16xf32>,
        %parallel_loop3A_396 = vector.shape_cast %parallel_loop3A_395 : vector<1x16xf32> to vector<16xf32>
        %parallel_loop3A_397 = vector.shape_cast %parallel_loop3A_392 : vector<16xf32> to vector<1x16xf32>
        tpu.vector_store %arg9[%parallel_loop3A_393, %parallel_loop3A_394], %parallel_loop3A_397 {strides = array<i32>} : memref<16x1024xf32, #tpu.memory_space<vmem>>, vector<1x16xf32>,
        %parallel_loop3A_398 = arith.index_cast %parallel_loop3A_181 : i32 to index
        %parallel_loop3A_399 = arith.constant 288 : index
        %parallel_loop3A_400 = tpu.vector_load %arg9[%parallel_loop3A_398, %parallel_loop3A_399] {strides = array<i32>} : memref<16x1024xf32, #tpu.memory_space<vmem>>, vector<1x16xf32>,
        %parallel_loop3A_401 = vector.shape_cast %parallel_loop3A_400 : vector<1x16xf32> to vector<16xf32>
        %parallel_loop3A_402 = arith.constant 3.200000e+01 : f32
        %parallel_loop3A_403 = vector.broadcast %parallel_loop3A_402 : f32 to vector<16xf32>
        %parallel_loop3A_404 = arith.mulf %parallel_loop3A_401, %parallel_loop3A_403 : vector<16xf32>
        %parallel_loop3A_405 = arith.index_cast %parallel_loop3A_181 : i32 to index
        %parallel_loop3A_406 = arith.constant 288 : index
        %parallel_loop3A_407 = tpu.vector_load %arg9[%parallel_loop3A_405, %parallel_loop3A_406] {strides = array<i32>} : memref<16x1024xf32, #tpu.memory_space<vmem>>, vector<1x16xf32>,
        %parallel_loop3A_408 = vector.shape_cast %parallel_loop3A_407 : vector<1x16xf32> to vector<16xf32>
        %parallel_loop3A_409 = vector.shape_cast %parallel_loop3A_404 : vector<16xf32> to vector<1x16xf32>
        tpu.vector_store %arg9[%parallel_loop3A_405, %parallel_loop3A_406], %parallel_loop3A_409 {strides = array<i32>} : memref<16x1024xf32, #tpu.memory_space<vmem>>, vector<1x16xf32>,
        %parallel_loop3A_410 = arith.index_cast %parallel_loop3A_181 : i32 to index
        %parallel_loop3A_411 = arith.constant 304 : index
        %parallel_loop3A_412 = tpu.vector_load %arg9[%parallel_loop3A_410, %parallel_loop3A_411] {strides = array<i32>} : memref<16x1024xf32, #tpu.memory_space<vmem>>, vector<1x16xf32>,
        %parallel_loop3A_413 = vector.shape_cast %parallel_loop3A_412 : vector<1x16xf32> to vector<16xf32>
        %parallel_loop3A_414 = arith.constant 3.200000e+01 : f32
        %parallel_loop3A_415 = vector.broadcast %parallel_loop3A_414 : f32 to vector<16xf32>
        %parallel_loop3A_416 = arith.mulf %parallel_loop3A_413, %parallel_loop3A_415 : vector<16xf32>
        %parallel_loop3A_417 = arith.index_cast %parallel_loop3A_181 : i32 to index
        %parallel_loop3A_418 = arith.constant 304 : index
        %parallel_loop3A_419 = tpu.vector_load %arg9[%parallel_loop3A_417, %parallel_loop3A_418] {strides = array<i32>} : memref<16x1024xf32, #tpu.memory_space<vmem>>, vector<1x16xf32>,
        %parallel_loop3A_420 = vector.shape_cast %parallel_loop3A_419 : vector<1x16xf32> to vector<16xf32>
        %parallel_loop3A_421 = vector.shape_cast %parallel_loop3A_416 : vector<16xf32> to vector<1x16xf32>
        tpu.vector_store %arg9[%parallel_loop3A_417, %parallel_loop3A_418], %parallel_loop3A_421 {strides = array<i32>} : memref<16x1024xf32, #tpu.memory_space<vmem>>, vector<1x16xf32>,
        %parallel_loop3A_422 = arith.index_cast %parallel_loop3A_181 : i32 to index
        %parallel_loop3A_423 = arith.constant 320 : index
        %parallel_loop3A_424 = tpu.vector_load %arg9[%parallel_loop3A_422, %parallel_loop3A_423] {strides = array<i32>} : memref<16x1024xf32, #tpu.memory_space<vmem>>, vector<1x16xf32>,
        %parallel_loop3A_425 = vector.shape_cast %parallel_loop3A_424 : vector<1x16xf32> to vector<16xf32>
        %parallel_loop3A_426 = arith.constant 3.200000e+01 : f32
        %parallel_loop3A_427 = vector.broadcast %parallel_loop3A_426 : f32 to vector<16xf32>
        %parallel_loop3A_428 = arith.mulf %parallel_loop3A_425, %parallel_loop3A_427 : vector<16xf32>
        %parallel_loop3A_429 = arith.index_cast %parallel_loop3A_181 : i32 to index
        %parallel_loop3A_430 = arith.constant 320 : index
        %parallel_loop3A_431 = tpu.vector_load %arg9[%parallel_loop3A_429, %parallel_loop3A_430] {strides = array<i32>} : memref<16x1024xf32, #tpu.memory_space<vmem>>, vector<1x16xf32>,
        %parallel_loop3A_432 = vector.shape_cast %parallel_loop3A_431 : vector<1x16xf32> to vector<16xf32>
        %parallel_loop3A_433 = vector.shape_cast %parallel_loop3A_428 : vector<16xf32> to vector<1x16xf32>
        tpu.vector_store %arg9[%parallel_loop3A_429, %parallel_loop3A_430], %parallel_loop3A_433 {strides = array<i32>} : memref<16x1024xf32, #tpu.memory_space<vmem>>, vector<1x16xf32>,
        %parallel_loop3A_434 = arith.index_cast %parallel_loop3A_181 : i32 to index
        %parallel_loop3A_435 = arith.constant 336 : index
        %parallel_loop3A_436 = tpu.vector_load %arg9[%parallel_loop3A_434, %parallel_loop3A_435] {strides = array<i32>} : memref<16x1024xf32, #tpu.memory_space<vmem>>, vector<1x16xf32>,
        %parallel_loop3A_437 = vector.shape_cast %parallel_loop3A_436 : vector<1x16xf32> to vector<16xf32>
        %parallel_loop3A_438 = arith.constant 3.200000e+01 : f32
        %parallel_loop3A_439 = vector.broadcast %parallel_loop3A_438 : f32 to vector<16xf32>
        %parallel_loop3A_440 = arith.mulf %parallel_loop3A_437, %parallel_loop3A_439 : vector<16xf32>
        %parallel_loop3A_441 = arith.index_cast %parallel_loop3A_181 : i32 to index
        %parallel_loop3A_442 = arith.constant 336 : index
        %parallel_loop3A_443 = tpu.vector_load %arg9[%parallel_loop3A_441, %parallel_loop3A_442] {strides = array<i32>} : memref<16x1024xf32, #tpu.memory_space<vmem>>, vector<1x16xf32>,
        %parallel_loop3A_444 = vector.shape_cast %parallel_loop3A_443 : vector<1x16xf32> to vector<16xf32>
        %parallel_loop3A_445 = vector.shape_cast %parallel_loop3A_440 : vector<16xf32> to vector<1x16xf32>
        tpu.vector_store %arg9[%parallel_loop3A_441, %parallel_loop3A_442], %parallel_loop3A_445 {strides = array<i32>} : memref<16x1024xf32, #tpu.memory_space<vmem>>, vector<1x16xf32>,
        %parallel_loop3A_446 = arith.index_cast %parallel_loop3A_181 : i32 to index
        %parallel_loop3A_447 = arith.constant 352 : index
        %parallel_loop3A_448 = tpu.vector_load %arg9[%parallel_loop3A_446, %parallel_loop3A_447] {strides = array<i32>} : memref<16x1024xf32, #tpu.memory_space<vmem>>, vector<1x16xf32>,
        %parallel_loop3A_449 = vector.shape_cast %parallel_loop3A_448 : vector<1x16xf32> to vector<16xf32>
        %parallel_loop3A_450 = arith.constant 3.200000e+01 : f32
        %parallel_loop3A_451 = vector.broadcast %parallel_loop3A_450 : f32 to vector<16xf32>
        %parallel_loop3A_452 = arith.mulf %parallel_loop3A_449, %parallel_loop3A_451 : vector<16xf32>
        %parallel_loop3A_453 = arith.index_cast %parallel_loop3A_181 : i32 to index
        %parallel_loop3A_454 = arith.constant 352 : index
        %parallel_loop3A_455 = tpu.vector_load %arg9[%parallel_loop3A_453, %parallel_loop3A_454] {strides = array<i32>} : memref<16x1024xf32, #tpu.memory_space<vmem>>, vector<1x16xf32>,
        %parallel_loop3A_456 = vector.shape_cast %parallel_loop3A_455 : vector<1x16xf32> to vector<16xf32>
        %parallel_loop3A_457 = vector.shape_cast %parallel_loop3A_452 : vector<16xf32> to vector<1x16xf32>
        tpu.vector_store %arg9[%parallel_loop3A_453, %parallel_loop3A_454], %parallel_loop3A_457 {strides = array<i32>} : memref<16x1024xf32, #tpu.memory_space<vmem>>, vector<1x16xf32>,
        %parallel_loop3A_458 = arith.index_cast %parallel_loop3A_181 : i32 to index
        %parallel_loop3A_459 = arith.constant 368 : index
        %parallel_loop3A_460 = tpu.vector_load %arg9[%parallel_loop3A_458, %parallel_loop3A_459] {strides = array<i32>} : memref<16x1024xf32, #tpu.memory_space<vmem>>, vector<1x16xf32>,
        %parallel_loop3A_461 = vector.shape_cast %parallel_loop3A_460 : vector<1x16xf32> to vector<16xf32>
        %parallel_loop3A_462 = arith.constant 3.200000e+01 : f32
        %parallel_loop3A_463 = vector.broadcast %parallel_loop3A_462 : f32 to vector<16xf32>
        %parallel_loop3A_464 = arith.mulf %parallel_loop3A_461, %parallel_loop3A_463 : vector<16xf32>
        %parallel_loop3A_465 = arith.index_cast %parallel_loop3A_181 : i32 to index
        %parallel_loop3A_466 = arith.constant 368 : index
        %parallel_loop3A_467 = tpu.vector_load %arg9[%parallel_loop3A_465, %parallel_loop3A_466] {strides = array<i32>} : memref<16x1024xf32, #tpu.memory_space<vmem>>, vector<1x16xf32>,
        %parallel_loop3A_468 = vector.shape_cast %parallel_loop3A_467 : vector<1x16xf32> to vector<16xf32>
        %parallel_loop3A_469 = vector.shape_cast %parallel_loop3A_464 : vector<16xf32> to vector<1x16xf32>
        tpu.vector_store %arg9[%parallel_loop3A_465, %parallel_loop3A_466], %parallel_loop3A_469 {strides = array<i32>} : memref<16x1024xf32, #tpu.memory_space<vmem>>, vector<1x16xf32>,
        %parallel_loop3A_470 = arith.index_cast %parallel_loop3A_181 : i32 to index
        %parallel_loop3A_471 = arith.constant 384 : index
        %parallel_loop3A_472 = tpu.vector_load %arg9[%parallel_loop3A_470, %parallel_loop3A_471] {strides = array<i32>} : memref<16x1024xf32, #tpu.memory_space<vmem>>, vector<1x16xf32>,
        %parallel_loop3A_473 = vector.shape_cast %parallel_loop3A_472 : vector<1x16xf32> to vector<16xf32>
        %parallel_loop3A_474 = arith.constant 3.200000e+01 : f32
        %parallel_loop3A_475 = vector.broadcast %parallel_loop3A_474 : f32 to vector<16xf32>
        %parallel_loop3A_476 = arith.mulf %parallel_loop3A_473, %parallel_loop3A_475 : vector<16xf32>
        %parallel_loop3A_477 = arith.index_cast %parallel_loop3A_181 : i32 to index
        %parallel_loop3A_478 = arith.constant 384 : index
        %parallel_loop3A_479 = tpu.vector_load %arg9[%parallel_loop3A_477, %parallel_loop3A_478] {strides = array<i32>} : memref<16x1024xf32, #tpu.memory_space<vmem>>, vector<1x16xf32>,
        %parallel_loop3A_480 = vector.shape_cast %parallel_loop3A_479 : vector<1x16xf32> to vector<16xf32>
        %parallel_loop3A_481 = vector.shape_cast %parallel_loop3A_476 : vector<16xf32> to vector<1x16xf32>
        tpu.vector_store %arg9[%parallel_loop3A_477, %parallel_loop3A_478], %parallel_loop3A_481 {strides = array<i32>} : memref<16x1024xf32, #tpu.memory_space<vmem>>, vector<1x16xf32>,
        %parallel_loop3A_482 = arith.index_cast %parallel_loop3A_181 : i32 to index
        %parallel_loop3A_483 = arith.constant 400 : index
        %parallel_loop3A_484 = tpu.vector_load %arg9[%parallel_loop3A_482, %parallel_loop3A_483] {strides = array<i32>} : memref<16x1024xf32, #tpu.memory_space<vmem>>, vector<1x16xf32>,
        %parallel_loop3A_485 = vector.shape_cast %parallel_loop3A_484 : vector<1x16xf32> to vector<16xf32>
        %parallel_loop3A_486 = arith.constant 3.200000e+01 : f32
        %parallel_loop3A_487 = vector.broadcast %parallel_loop3A_486 : f32 to vector<16xf32>
        %parallel_loop3A_488 = arith.mulf %parallel_loop3A_485, %parallel_loop3A_487 : vector<16xf32>
        %parallel_loop3A_489 = arith.index_cast %parallel_loop3A_181 : i32 to index
        %parallel_loop3A_490 = arith.constant 400 : index
        %parallel_loop3A_491 = tpu.vector_load %arg9[%parallel_loop3A_489, %parallel_loop3A_490] {strides = array<i32>} : memref<16x1024xf32, #tpu.memory_space<vmem>>, vector<1x16xf32>,
        %parallel_loop3A_492 = vector.shape_cast %parallel_loop3A_491 : vector<1x16xf32> to vector<16xf32>
        %parallel_loop3A_493 = vector.shape_cast %parallel_loop3A_488 : vector<16xf32> to vector<1x16xf32>
        tpu.vector_store %arg9[%parallel_loop3A_489, %parallel_loop3A_490], %parallel_loop3A_493 {strides = array<i32>} : memref<16x1024xf32, #tpu.memory_space<vmem>>, vector<1x16xf32>,
        %parallel_loop3A_494 = arith.index_cast %parallel_loop3A_181 : i32 to index
        %parallel_loop3A_495 = arith.constant 416 : index
        %parallel_loop3A_496 = tpu.vector_load %arg9[%parallel_loop3A_494, %parallel_loop3A_495] {strides = array<i32>} : memref<16x1024xf32, #tpu.memory_space<vmem>>, vector<1x16xf32>,
        %parallel_loop3A_497 = vector.shape_cast %parallel_loop3A_496 : vector<1x16xf32> to vector<16xf32>
        %parallel_loop3A_498 = arith.constant 3.200000e+01 : f32
        %parallel_loop3A_499 = vector.broadcast %parallel_loop3A_498 : f32 to vector<16xf32>
        %parallel_loop3A_500 = arith.mulf %parallel_loop3A_497, %parallel_loop3A_499 : vector<16xf32>
        %parallel_loop3A_501 = arith.index_cast %parallel_loop3A_181 : i32 to index
        %parallel_loop3A_502 = arith.constant 416 : index
        %parallel_loop3A_503 = tpu.vector_load %arg9[%parallel_loop3A_501, %parallel_loop3A_502] {strides = array<i32>} : memref<16x1024xf32, #tpu.memory_space<vmem>>, vector<1x16xf32>,
        %parallel_loop3A_504 = vector.shape_cast %parallel_loop3A_503 : vector<1x16xf32> to vector<16xf32>
        %parallel_loop3A_505 = vector.shape_cast %parallel_loop3A_500 : vector<16xf32> to vector<1x16xf32>
        tpu.vector_store %arg9[%parallel_loop3A_501, %parallel_loop3A_502], %parallel_loop3A_505 {strides = array<i32>} : memref<16x1024xf32, #tpu.memory_space<vmem>>, vector<1x16xf32>,
        %parallel_loop3A_506 = arith.index_cast %parallel_loop3A_181 : i32 to index
        %parallel_loop3A_507 = arith.constant 432 : index
        %parallel_loop3A_508 = tpu.vector_load %arg9[%parallel_loop3A_506, %parallel_loop3A_507] {strides = array<i32>} : memref<16x1024xf32, #tpu.memory_space<vmem>>, vector<1x16xf32>,
        %parallel_loop3A_509 = vector.shape_cast %parallel_loop3A_508 : vector<1x16xf32> to vector<16xf32>
        %parallel_loop3A_510 = arith.constant 3.200000e+01 : f32
        %parallel_loop3A_511 = vector.broadcast %parallel_loop3A_510 : f32 to vector<16xf32>
        %parallel_loop3A_512 = arith.mulf %parallel_loop3A_509, %parallel_loop3A_511 : vector<16xf32>
        %parallel_loop3A_513 = arith.index_cast %parallel_loop3A_181 : i32 to index
        %parallel_loop3A_514 = arith.constant 432 : index
        %parallel_loop3A_515 = tpu.vector_load %arg9[%parallel_loop3A_513, %parallel_loop3A_514] {strides = array<i32>} : memref<16x1024xf32, #tpu.memory_space<vmem>>, vector<1x16xf32>,
        %parallel_loop3A_516 = vector.shape_cast %parallel_loop3A_515 : vector<1x16xf32> to vector<16xf32>
        %parallel_loop3A_517 = vector.shape_cast %parallel_loop3A_512 : vector<16xf32> to vector<1x16xf32>
        tpu.vector_store %arg9[%parallel_loop3A_513, %parallel_loop3A_514], %parallel_loop3A_517 {strides = array<i32>} : memref<16x1024xf32, #tpu.memory_space<vmem>>, vector<1x16xf32>,
        %parallel_loop3A_518 = arith.index_cast %parallel_loop3A_181 : i32 to index
        %parallel_loop3A_519 = arith.constant 448 : index
        %parallel_loop3A_520 = tpu.vector_load %arg9[%parallel_loop3A_518, %parallel_loop3A_519] {strides = array<i32>} : memref<16x1024xf32, #tpu.memory_space<vmem>>, vector<1x16xf32>,
        %parallel_loop3A_521 = vector.shape_cast %parallel_loop3A_520 : vector<1x16xf32> to vector<16xf32>
        %parallel_loop3A_522 = arith.constant 3.200000e+01 : f32
        %parallel_loop3A_523 = vector.broadcast %parallel_loop3A_522 : f32 to vector<16xf32>
        %parallel_loop3A_524 = arith.mulf %parallel_loop3A_521, %parallel_loop3A_523 : vector<16xf32>
        %parallel_loop3A_525 = arith.index_cast %parallel_loop3A_181 : i32 to index
        %parallel_loop3A_526 = arith.constant 448 : index
        %parallel_loop3A_527 = tpu.vector_load %arg9[%parallel_loop3A_525, %parallel_loop3A_526] {strides = array<i32>} : memref<16x1024xf32, #tpu.memory_space<vmem>>, vector<1x16xf32>,
        %parallel_loop3A_528 = vector.shape_cast %parallel_loop3A_527 : vector<1x16xf32> to vector<16xf32>
        %parallel_loop3A_529 = vector.shape_cast %parallel_loop3A_524 : vector<16xf32> to vector<1x16xf32>
        tpu.vector_store %arg9[%parallel_loop3A_525, %parallel_loop3A_526], %parallel_loop3A_529 {strides = array<i32>} : memref<16x1024xf32, #tpu.memory_space<vmem>>, vector<1x16xf32>,
        %parallel_loop3A_530 = arith.index_cast %parallel_loop3A_181 : i32 to index
        %parallel_loop3A_531 = arith.constant 464 : index
        %parallel_loop3A_532 = tpu.vector_load %arg9[%parallel_loop3A_530, %parallel_loop3A_531] {strides = array<i32>} : memref<16x1024xf32, #tpu.memory_space<vmem>>, vector<1x16xf32>,
        %parallel_loop3A_533 = vector.shape_cast %parallel_loop3A_532 : vector<1x16xf32> to vector<16xf32>
        %parallel_loop3A_534 = arith.constant 3.200000e+01 : f32
        %parallel_loop3A_535 = vector.broadcast %parallel_loop3A_534 : f32 to vector<16xf32>
        %parallel_loop3A_536 = arith.mulf %parallel_loop3A_533, %parallel_loop3A_535 : vector<16xf32>
        %parallel_loop3A_537 = arith.index_cast %parallel_loop3A_181 : i32 to index
        %parallel_loop3A_538 = arith.constant 464 : index
        %parallel_loop3A_539 = tpu.vector_load %arg9[%parallel_loop3A_537, %parallel_loop3A_538] {strides = array<i32>} : memref<16x1024xf32, #tpu.memory_space<vmem>>, vector<1x16xf32>,
        %parallel_loop3A_540 = vector.shape_cast %parallel_loop3A_539 : vector<1x16xf32> to vector<16xf32>
        %parallel_loop3A_541 = vector.shape_cast %parallel_loop3A_536 : vector<16xf32> to vector<1x16xf32>
        tpu.vector_store %arg9[%parallel_loop3A_537, %parallel_loop3A_538], %parallel_loop3A_541 {strides = array<i32>} : memref<16x1024xf32, #tpu.memory_space<vmem>>, vector<1x16xf32>,
        %parallel_loop3A_542 = arith.index_cast %parallel_loop3A_181 : i32 to index
        %parallel_loop3A_543 = arith.constant 480 : index
        %parallel_loop3A_544 = tpu.vector_load %arg9[%parallel_loop3A_542, %parallel_loop3A_543] {strides = array<i32>} : memref<16x1024xf32, #tpu.memory_space<vmem>>, vector<1x16xf32>,
        %parallel_loop3A_545 = vector.shape_cast %parallel_loop3A_544 : vector<1x16xf32> to vector<16xf32>
        %parallel_loop3A_546 = arith.constant 3.200000e+01 : f32
        %parallel_loop3A_547 = vector.broadcast %parallel_loop3A_546 : f32 to vector<16xf32>
        %parallel_loop3A_548 = arith.mulf %parallel_loop3A_545, %parallel_loop3A_547 : vector<16xf32>
        %parallel_loop3A_549 = arith.index_cast %parallel_loop3A_181 : i32 to index
        %parallel_loop3A_550 = arith.constant 480 : index
        %parallel_loop3A_551 = tpu.vector_load %arg9[%parallel_loop3A_549, %parallel_loop3A_550] {strides = array<i32>} : memref<16x1024xf32, #tpu.memory_space<vmem>>, vector<1x16xf32>,
        %parallel_loop3A_552 = vector.shape_cast %parallel_loop3A_551 : vector<1x16xf32> to vector<16xf32>
        %parallel_loop3A_553 = vector.shape_cast %parallel_loop3A_548 : vector<16xf32> to vector<1x16xf32>
        tpu.vector_store %arg9[%parallel_loop3A_549, %parallel_loop3A_550], %parallel_loop3A_553 {strides = array<i32>} : memref<16x1024xf32, #tpu.memory_space<vmem>>, vector<1x16xf32>,
        %parallel_loop3A_554 = arith.index_cast %parallel_loop3A_181 : i32 to index
        %parallel_loop3A_555 = arith.constant 496 : index
        %parallel_loop3A_556 = tpu.vector_load %arg9[%parallel_loop3A_554, %parallel_loop3A_555] {strides = array<i32>} : memref<16x1024xf32, #tpu.memory_space<vmem>>, vector<1x16xf32>,
        %parallel_loop3A_557 = vector.shape_cast %parallel_loop3A_556 : vector<1x16xf32> to vector<16xf32>
        %parallel_loop3A_558 = arith.constant 3.200000e+01 : f32
        %parallel_loop3A_559 = vector.broadcast %parallel_loop3A_558 : f32 to vector<16xf32>
        %parallel_loop3A_560 = arith.mulf %parallel_loop3A_557, %parallel_loop3A_559 : vector<16xf32>
        %parallel_loop3A_561 = arith.index_cast %parallel_loop3A_181 : i32 to index
        %parallel_loop3A_562 = arith.constant 496 : index
        %parallel_loop3A_563 = tpu.vector_load %arg9[%parallel_loop3A_561, %parallel_loop3A_562] {strides = array<i32>} : memref<16x1024xf32, #tpu.memory_space<vmem>>, vector<1x16xf32>,
        %parallel_loop3A_564 = vector.shape_cast %parallel_loop3A_563 : vector<1x16xf32> to vector<16xf32>
        %parallel_loop3A_565 = vector.shape_cast %parallel_loop3A_560 : vector<16xf32> to vector<1x16xf32>
        tpu.vector_store %arg9[%parallel_loop3A_561, %parallel_loop3A_562], %parallel_loop3A_565 {strides = array<i32>} : memref<16x1024xf32, #tpu.memory_space<vmem>>, vector<1x16xf32>,
        %parallel_loop3A_566 = arith.index_cast %parallel_loop3A_181 : i32 to index
        %parallel_loop3A_567 = arith.constant 512 : index
        %parallel_loop3A_568 = tpu.vector_load %arg9[%parallel_loop3A_566, %parallel_loop3A_567] {strides = array<i32>} : memref<16x1024xf32, #tpu.memory_space<vmem>>, vector<1x16xf32>,
        %parallel_loop3A_569 = vector.shape_cast %parallel_loop3A_568 : vector<1x16xf32> to vector<16xf32>
        %parallel_loop3A_570 = arith.constant 3.200000e+01 : f32
        %parallel_loop3A_571 = vector.broadcast %parallel_loop3A_570 : f32 to vector<16xf32>
        %parallel_loop3A_572 = arith.mulf %parallel_loop3A_569, %parallel_loop3A_571 : vector<16xf32>
        %parallel_loop3A_573 = arith.index_cast %parallel_loop3A_181 : i32 to index
        %parallel_loop3A_574 = arith.constant 512 : index
        %parallel_loop3A_575 = tpu.vector_load %arg9[%parallel_loop3A_573, %parallel_loop3A_574] {strides = array<i32>} : memref<16x1024xf32, #tpu.memory_space<vmem>>, vector<1x16xf32>,
        %parallel_loop3A_576 = vector.shape_cast %parallel_loop3A_575 : vector<1x16xf32> to vector<16xf32>
        %parallel_loop3A_577 = vector.shape_cast %parallel_loop3A_572 : vector<16xf32> to vector<1x16xf32>
        tpu.vector_store %arg9[%parallel_loop3A_573, %parallel_loop3A_574], %parallel_loop3A_577 {strides = array<i32>} : memref<16x1024xf32, #tpu.memory_space<vmem>>, vector<1x16xf32>,
        %parallel_loop3A_578 = arith.index_cast %parallel_loop3A_181 : i32 to index
        %parallel_loop3A_579 = arith.constant 528 : index
        %parallel_loop3A_580 = tpu.vector_load %arg9[%parallel_loop3A_578, %parallel_loop3A_579] {strides = array<i32>} : memref<16x1024xf32, #tpu.memory_space<vmem>>, vector<1x16xf32>,
        %parallel_loop3A_581 = vector.shape_cast %parallel_loop3A_580 : vector<1x16xf32> to vector<16xf32>
        %parallel_loop3A_582 = arith.constant 3.200000e+01 : f32
        %parallel_loop3A_583 = vector.broadcast %parallel_loop3A_582 : f32 to vector<16xf32>
        %parallel_loop3A_584 = arith.mulf %parallel_loop3A_581, %parallel_loop3A_583 : vector<16xf32>
        %parallel_loop3A_585 = arith.index_cast %parallel_loop3A_181 : i32 to index
        %parallel_loop3A_586 = arith.constant 528 : index
        %parallel_loop3A_587 = tpu.vector_load %arg9[%parallel_loop3A_585, %parallel_loop3A_586] {strides = array<i32>} : memref<16x1024xf32, #tpu.memory_space<vmem>>, vector<1x16xf32>,
        %parallel_loop3A_588 = vector.shape_cast %parallel_loop3A_587 : vector<1x16xf32> to vector<16xf32>
        %parallel_loop3A_589 = vector.shape_cast %parallel_loop3A_584 : vector<16xf32> to vector<1x16xf32>
        tpu.vector_store %arg9[%parallel_loop3A_585, %parallel_loop3A_586], %parallel_loop3A_589 {strides = array<i32>} : memref<16x1024xf32, #tpu.memory_space<vmem>>, vector<1x16xf32>,
        %parallel_loop3A_590 = arith.index_cast %parallel_loop3A_181 : i32 to index
        %parallel_loop3A_591 = arith.constant 544 : index
        %parallel_loop3A_592 = tpu.vector_load %arg9[%parallel_loop3A_590, %parallel_loop3A_591] {strides = array<i32>} : memref<16x1024xf32, #tpu.memory_space<vmem>>, vector<1x16xf32>,
        %parallel_loop3A_593 = vector.shape_cast %parallel_loop3A_592 : vector<1x16xf32> to vector<16xf32>
        %parallel_loop3A_594 = arith.constant 3.200000e+01 : f32
        %parallel_loop3A_595 = vector.broadcast %parallel_loop3A_594 : f32 to vector<16xf32>
        %parallel_loop3A_596 = arith.mulf %parallel_loop3A_593, %parallel_loop3A_595 : vector<16xf32>
        %parallel_loop3A_597 = arith.index_cast %parallel_loop3A_181 : i32 to index
        %parallel_loop3A_598 = arith.constant 544 : index
        %parallel_loop3A_599 = tpu.vector_load %arg9[%parallel_loop3A_597, %parallel_loop3A_598] {strides = array<i32>} : memref<16x1024xf32, #tpu.memory_space<vmem>>, vector<1x16xf32>,
        %parallel_loop3A_600 = vector.shape_cast %parallel_loop3A_599 : vector<1x16xf32> to vector<16xf32>
        %parallel_loop3A_601 = vector.shape_cast %parallel_loop3A_596 : vector<16xf32> to vector<1x16xf32>
        tpu.vector_store %arg9[%parallel_loop3A_597, %parallel_loop3A_598], %parallel_loop3A_601 {strides = array<i32>} : memref<16x1024xf32, #tpu.memory_space<vmem>>, vector<1x16xf32>,
        %parallel_loop3A_602 = arith.index_cast %parallel_loop3A_181 : i32 to index
        %parallel_loop3A_603 = arith.constant 560 : index
        %parallel_loop3A_604 = tpu.vector_load %arg9[%parallel_loop3A_602, %parallel_loop3A_603] {strides = array<i32>} : memref<16x1024xf32, #tpu.memory_space<vmem>>, vector<1x16xf32>,
        %parallel_loop3A_605 = vector.shape_cast %parallel_loop3A_604 : vector<1x16xf32> to vector<16xf32>
        %parallel_loop3A_606 = arith.constant 3.200000e+01 : f32
        %parallel_loop3A_607 = vector.broadcast %parallel_loop3A_606 : f32 to vector<16xf32>
        %parallel_loop3A_608 = arith.mulf %parallel_loop3A_605, %parallel_loop3A_607 : vector<16xf32>
        %parallel_loop3A_609 = arith.index_cast %parallel_loop3A_181 : i32 to index
        %parallel_loop3A_610 = arith.constant 560 : index
        %parallel_loop3A_611 = tpu.vector_load %arg9[%parallel_loop3A_609, %parallel_loop3A_610] {strides = array<i32>} : memref<16x1024xf32, #tpu.memory_space<vmem>>, vector<1x16xf32>,
        %parallel_loop3A_612 = vector.shape_cast %parallel_loop3A_611 : vector<1x16xf32> to vector<16xf32>
        %parallel_loop3A_613 = vector.shape_cast %parallel_loop3A_608 : vector<16xf32> to vector<1x16xf32>
        tpu.vector_store %arg9[%parallel_loop3A_609, %parallel_loop3A_610], %parallel_loop3A_613 {strides = array<i32>} : memref<16x1024xf32, #tpu.memory_space<vmem>>, vector<1x16xf32>,
        %parallel_loop3A_614 = arith.index_cast %parallel_loop3A_181 : i32 to index
        %parallel_loop3A_615 = arith.constant 576 : index
        %parallel_loop3A_616 = tpu.vector_load %arg9[%parallel_loop3A_614, %parallel_loop3A_615] {strides = array<i32>} : memref<16x1024xf32, #tpu.memory_space<vmem>>, vector<1x16xf32>,
        %parallel_loop3A_617 = vector.shape_cast %parallel_loop3A_616 : vector<1x16xf32> to vector<16xf32>
        %parallel_loop3A_618 = arith.constant 3.200000e+01 : f32
        %parallel_loop3A_619 = vector.broadcast %parallel_loop3A_618 : f32 to vector<16xf32>
        %parallel_loop3A_620 = arith.mulf %parallel_loop3A_617, %parallel_loop3A_619 : vector<16xf32>
        %parallel_loop3A_621 = arith.index_cast %parallel_loop3A_181 : i32 to index
        %parallel_loop3A_622 = arith.constant 576 : index
        %parallel_loop3A_623 = tpu.vector_load %arg9[%parallel_loop3A_621, %parallel_loop3A_622] {strides = array<i32>} : memref<16x1024xf32, #tpu.memory_space<vmem>>, vector<1x16xf32>,
        %parallel_loop3A_624 = vector.shape_cast %parallel_loop3A_623 : vector<1x16xf32> to vector<16xf32>
        %parallel_loop3A_625 = vector.shape_cast %parallel_loop3A_620 : vector<16xf32> to vector<1x16xf32>
        tpu.vector_store %arg9[%parallel_loop3A_621, %parallel_loop3A_622], %parallel_loop3A_625 {strides = array<i32>} : memref<16x1024xf32, #tpu.memory_space<vmem>>, vector<1x16xf32>,
        %parallel_loop3A_626 = arith.index_cast %parallel_loop3A_181 : i32 to index
        %parallel_loop3A_627 = arith.constant 592 : index
        %parallel_loop3A_628 = tpu.vector_load %arg9[%parallel_loop3A_626, %parallel_loop3A_627] {strides = array<i32>} : memref<16x1024xf32, #tpu.memory_space<vmem>>, vector<1x16xf32>,
        %parallel_loop3A_629 = vector.shape_cast %parallel_loop3A_628 : vector<1x16xf32> to vector<16xf32>
        %parallel_loop3A_630 = arith.constant 3.200000e+01 : f32
        %parallel_loop3A_631 = vector.broadcast %parallel_loop3A_630 : f32 to vector<16xf32>
        %parallel_loop3A_632 = arith.mulf %parallel_loop3A_629, %parallel_loop3A_631 : vector<16xf32>
        %parallel_loop3A_633 = arith.index_cast %parallel_loop3A_181 : i32 to index
        %parallel_loop3A_634 = arith.constant 592 : index
        %parallel_loop3A_635 = tpu.vector_load %arg9[%parallel_loop3A_633, %parallel_loop3A_634] {strides = array<i32>} : memref<16x1024xf32, #tpu.memory_space<vmem>>, vector<1x16xf32>,
        %parallel_loop3A_636 = vector.shape_cast %parallel_loop3A_635 : vector<1x16xf32> to vector<16xf32>
        %parallel_loop3A_637 = vector.shape_cast %parallel_loop3A_632 : vector<16xf32> to vector<1x16xf32>
        tpu.vector_store %arg9[%parallel_loop3A_633, %parallel_loop3A_634], %parallel_loop3A_637 {strides = array<i32>} : memref<16x1024xf32, #tpu.memory_space<vmem>>, vector<1x16xf32>,
        %parallel_loop3A_638 = arith.index_cast %parallel_loop3A_181 : i32 to index
        %parallel_loop3A_639 = arith.constant 608 : index
        %parallel_loop3A_640 = tpu.vector_load %arg9[%parallel_loop3A_638, %parallel_loop3A_639] {strides = array<i32>} : memref<16x1024xf32, #tpu.memory_space<vmem>>, vector<1x16xf32>,
        %parallel_loop3A_641 = vector.shape_cast %parallel_loop3A_640 : vector<1x16xf32> to vector<16xf32>
        %parallel_loop3A_642 = arith.constant 3.200000e+01 : f32
        %parallel_loop3A_643 = vector.broadcast %parallel_loop3A_642 : f32 to vector<16xf32>
        %parallel_loop3A_644 = arith.mulf %parallel_loop3A_641, %parallel_loop3A_643 : vector<16xf32>
        %parallel_loop3A_645 = arith.index_cast %parallel_loop3A_181 : i32 to index
        %parallel_loop3A_646 = arith.constant 608 : index
        %parallel_loop3A_647 = tpu.vector_load %arg9[%parallel_loop3A_645, %parallel_loop3A_646] {strides = array<i32>} : memref<16x1024xf32, #tpu.memory_space<vmem>>, vector<1x16xf32>,
        %parallel_loop3A_648 = vector.shape_cast %parallel_loop3A_647 : vector<1x16xf32> to vector<16xf32>
        %parallel_loop3A_649 = vector.shape_cast %parallel_loop3A_644 : vector<16xf32> to vector<1x16xf32>
        tpu.vector_store %arg9[%parallel_loop3A_645, %parallel_loop3A_646], %parallel_loop3A_649 {strides = array<i32>} : memref<16x1024xf32, #tpu.memory_space<vmem>>, vector<1x16xf32>,
        %parallel_loop3A_650 = arith.index_cast %parallel_loop3A_181 : i32 to index
        %parallel_loop3A_651 = arith.constant 624 : index
        %parallel_loop3A_652 = tpu.vector_load %arg9[%parallel_loop3A_650, %parallel_loop3A_651] {strides = array<i32>} : memref<16x1024xf32, #tpu.memory_space<vmem>>, vector<1x16xf32>,
        %parallel_loop3A_653 = vector.shape_cast %parallel_loop3A_652 : vector<1x16xf32> to vector<16xf32>
        %parallel_loop3A_654 = arith.constant 3.200000e+01 : f32
        %parallel_loop3A_655 = vector.broadcast %parallel_loop3A_654 : f32 to vector<16xf32>
        %parallel_loop3A_656 = arith.mulf %parallel_loop3A_653, %parallel_loop3A_655 : vector<16xf32>
        %parallel_loop3A_657 = arith.index_cast %parallel_loop3A_181 : i32 to index
        %parallel_loop3A_658 = arith.constant 624 : index
        %parallel_loop3A_659 = tpu.vector_load %arg9[%parallel_loop3A_657, %parallel_loop3A_658] {strides = array<i32>} : memref<16x1024xf32, #tpu.memory_space<vmem>>, vector<1x16xf32>,
        %parallel_loop3A_660 = vector.shape_cast %parallel_loop3A_659 : vector<1x16xf32> to vector<16xf32>
        %parallel_loop3A_661 = vector.shape_cast %parallel_loop3A_656 : vector<16xf32> to vector<1x16xf32>
        tpu.vector_store %arg9[%parallel_loop3A_657, %parallel_loop3A_658], %parallel_loop3A_661 {strides = array<i32>} : memref<16x1024xf32, #tpu.memory_space<vmem>>, vector<1x16xf32>,
        %parallel_loop3A_662 = arith.index_cast %parallel_loop3A_181 : i32 to index
        %parallel_loop3A_663 = arith.constant 640 : index
        %parallel_loop3A_664 = tpu.vector_load %arg9[%parallel_loop3A_662, %parallel_loop3A_663] {strides = array<i32>} : memref<16x1024xf32, #tpu.memory_space<vmem>>, vector<1x16xf32>,
        %parallel_loop3A_665 = vector.shape_cast %parallel_loop3A_664 : vector<1x16xf32> to vector<16xf32>
        %parallel_loop3A_666 = arith.constant 3.200000e+01 : f32
        %parallel_loop3A_667 = vector.broadcast %parallel_loop3A_666 : f32 to vector<16xf32>
        %parallel_loop3A_668 = arith.mulf %parallel_loop3A_665, %parallel_loop3A_667 : vector<16xf32>
        %parallel_loop3A_669 = arith.index_cast %parallel_loop3A_181 : i32 to index
        %parallel_loop3A_670 = arith.constant 640 : index
        %parallel_loop3A_671 = tpu.vector_load %arg9[%parallel_loop3A_669, %parallel_loop3A_670] {strides = array<i32>} : memref<16x1024xf32, #tpu.memory_space<vmem>>, vector<1x16xf32>,
        %parallel_loop3A_672 = vector.shape_cast %parallel_loop3A_671 : vector<1x16xf32> to vector<16xf32>
        %parallel_loop3A_673 = vector.shape_cast %parallel_loop3A_668 : vector<16xf32> to vector<1x16xf32>
        tpu.vector_store %arg9[%parallel_loop3A_669, %parallel_loop3A_670], %parallel_loop3A_673 {strides = array<i32>} : memref<16x1024xf32, #tpu.memory_space<vmem>>, vector<1x16xf32>,
        %parallel_loop3A_674 = arith.index_cast %parallel_loop3A_181 : i32 to index
        %parallel_loop3A_675 = arith.constant 656 : index
        %parallel_loop3A_676 = tpu.vector_load %arg9[%parallel_loop3A_674, %parallel_loop3A_675] {strides = array<i32>} : memref<16x1024xf32, #tpu.memory_space<vmem>>, vector<1x16xf32>,
        %parallel_loop3A_677 = vector.shape_cast %parallel_loop3A_676 : vector<1x16xf32> to vector<16xf32>
        %parallel_loop3A_678 = arith.constant 3.200000e+01 : f32
        %parallel_loop3A_679 = vector.broadcast %parallel_loop3A_678 : f32 to vector<16xf32>
        %parallel_loop3A_680 = arith.mulf %parallel_loop3A_677, %parallel_loop3A_679 : vector<16xf32>
        %parallel_loop3A_681 = arith.index_cast %parallel_loop3A_181 : i32 to index
        %parallel_loop3A_682 = arith.constant 656 : index
        %parallel_loop3A_683 = tpu.vector_load %arg9[%parallel_loop3A_681, %parallel_loop3A_682] {strides = array<i32>} : memref<16x1024xf32, #tpu.memory_space<vmem>>, vector<1x16xf32>,
        %parallel_loop3A_684 = vector.shape_cast %parallel_loop3A_683 : vector<1x16xf32> to vector<16xf32>
        %parallel_loop3A_685 = vector.shape_cast %parallel_loop3A_680 : vector<16xf32> to vector<1x16xf32>
        tpu.vector_store %arg9[%parallel_loop3A_681, %parallel_loop3A_682], %parallel_loop3A_685 {strides = array<i32>} : memref<16x1024xf32, #tpu.memory_space<vmem>>, vector<1x16xf32>,
        %parallel_loop3A_686 = arith.index_cast %parallel_loop3A_181 : i32 to index
        %parallel_loop3A_687 = arith.constant 672 : index
        %parallel_loop3A_688 = tpu.vector_load %arg9[%parallel_loop3A_686, %parallel_loop3A_687] {strides = array<i32>} : memref<16x1024xf32, #tpu.memory_space<vmem>>, vector<1x16xf32>,
        %parallel_loop3A_689 = vector.shape_cast %parallel_loop3A_688 : vector<1x16xf32> to vector<16xf32>
        %parallel_loop3A_690 = arith.constant 3.200000e+01 : f32
        %parallel_loop3A_691 = vector.broadcast %parallel_loop3A_690 : f32 to vector<16xf32>
        %parallel_loop3A_692 = arith.mulf %parallel_loop3A_689, %parallel_loop3A_691 : vector<16xf32>
        %parallel_loop3A_693 = arith.index_cast %parallel_loop3A_181 : i32 to index
        %parallel_loop3A_694 = arith.constant 672 : index
        %parallel_loop3A_695 = tpu.vector_load %arg9[%parallel_loop3A_693, %parallel_loop3A_694] {strides = array<i32>} : memref<16x1024xf32, #tpu.memory_space<vmem>>, vector<1x16xf32>,
        %parallel_loop3A_696 = vector.shape_cast %parallel_loop3A_695 : vector<1x16xf32> to vector<16xf32>
        %parallel_loop3A_697 = vector.shape_cast %parallel_loop3A_692 : vector<16xf32> to vector<1x16xf32>
        tpu.vector_store %arg9[%parallel_loop3A_693, %parallel_loop3A_694], %parallel_loop3A_697 {strides = array<i32>} : memref<16x1024xf32, #tpu.memory_space<vmem>>, vector<1x16xf32>,
        %parallel_loop3A_698 = arith.index_cast %parallel_loop3A_181 : i32 to index
        %parallel_loop3A_699 = arith.constant 688 : index
        %parallel_loop3A_700 = tpu.vector_load %arg9[%parallel_loop3A_698, %parallel_loop3A_699] {strides = array<i32>} : memref<16x1024xf32, #tpu.memory_space<vmem>>, vector<1x16xf32>,
        %parallel_loop3A_701 = vector.shape_cast %parallel_loop3A_700 : vector<1x16xf32> to vector<16xf32>
        %parallel_loop3A_702 = arith.constant 3.200000e+01 : f32
        %parallel_loop3A_703 = vector.broadcast %parallel_loop3A_702 : f32 to vector<16xf32>
        %parallel_loop3A_704 = arith.mulf %parallel_loop3A_701, %parallel_loop3A_703 : vector<16xf32>
        %parallel_loop3A_705 = arith.index_cast %parallel_loop3A_181 : i32 to index
        %parallel_loop3A_706 = arith.constant 688 : index
        %parallel_loop3A_707 = tpu.vector_load %arg9[%parallel_loop3A_705, %parallel_loop3A_706] {strides = array<i32>} : memref<16x1024xf32, #tpu.memory_space<vmem>>, vector<1x16xf32>,
        %parallel_loop3A_708 = vector.shape_cast %parallel_loop3A_707 : vector<1x16xf32> to vector<16xf32>
        %parallel_loop3A_709 = vector.shape_cast %parallel_loop3A_704 : vector<16xf32> to vector<1x16xf32>
        tpu.vector_store %arg9[%parallel_loop3A_705, %parallel_loop3A_706], %parallel_loop3A_709 {strides = array<i32>} : memref<16x1024xf32, #tpu.memory_space<vmem>>, vector<1x16xf32>,
        %parallel_loop3A_710 = arith.index_cast %parallel_loop3A_181 : i32 to index
        %parallel_loop3A_711 = arith.constant 704 : index
        %parallel_loop3A_712 = tpu.vector_load %arg9[%parallel_loop3A_710, %parallel_loop3A_711] {strides = array<i32>} : memref<16x1024xf32, #tpu.memory_space<vmem>>, vector<1x16xf32>,
        %parallel_loop3A_713 = vector.shape_cast %parallel_loop3A_712 : vector<1x16xf32> to vector<16xf32>
        %parallel_loop3A_714 = arith.constant 3.200000e+01 : f32
        %parallel_loop3A_715 = vector.broadcast %parallel_loop3A_714 : f32 to vector<16xf32>
        %parallel_loop3A_716 = arith.mulf %parallel_loop3A_713, %parallel_loop3A_715 : vector<16xf32>
        %parallel_loop3A_717 = arith.index_cast %parallel_loop3A_181 : i32 to index
        %parallel_loop3A_718 = arith.constant 704 : index
        %parallel_loop3A_719 = tpu.vector_load %arg9[%parallel_loop3A_717, %parallel_loop3A_718] {strides = array<i32>} : memref<16x1024xf32, #tpu.memory_space<vmem>>, vector<1x16xf32>,
        %parallel_loop3A_720 = vector.shape_cast %parallel_loop3A_719 : vector<1x16xf32> to vector<16xf32>
        %parallel_loop3A_721 = vector.shape_cast %parallel_loop3A_716 : vector<16xf32> to vector<1x16xf32>
        tpu.vector_store %arg9[%parallel_loop3A_717, %parallel_loop3A_718], %parallel_loop3A_721 {strides = array<i32>} : memref<16x1024xf32, #tpu.memory_space<vmem>>, vector<1x16xf32>,
        %parallel_loop3A_722 = arith.index_cast %parallel_loop3A_181 : i32 to index
        %parallel_loop3A_723 = arith.constant 720 : index
        %parallel_loop3A_724 = tpu.vector_load %arg9[%parallel_loop3A_722, %parallel_loop3A_723] {strides = array<i32>} : memref<16x1024xf32, #tpu.memory_space<vmem>>, vector<1x16xf32>,
        %parallel_loop3A_725 = vector.shape_cast %parallel_loop3A_724 : vector<1x16xf32> to vector<16xf32>
        %parallel_loop3A_726 = arith.constant 3.200000e+01 : f32
        %parallel_loop3A_727 = vector.broadcast %parallel_loop3A_726 : f32 to vector<16xf32>
        %parallel_loop3A_728 = arith.mulf %parallel_loop3A_725, %parallel_loop3A_727 : vector<16xf32>
        %parallel_loop3A_729 = arith.index_cast %parallel_loop3A_181 : i32 to index
        %parallel_loop3A_730 = arith.constant 720 : index
        %parallel_loop3A_731 = tpu.vector_load %arg9[%parallel_loop3A_729, %parallel_loop3A_730] {strides = array<i32>} : memref<16x1024xf32, #tpu.memory_space<vmem>>, vector<1x16xf32>,
        %parallel_loop3A_732 = vector.shape_cast %parallel_loop3A_731 : vector<1x16xf32> to vector<16xf32>
        %parallel_loop3A_733 = vector.shape_cast %parallel_loop3A_728 : vector<16xf32> to vector<1x16xf32>
        tpu.vector_store %arg9[%parallel_loop3A_729, %parallel_loop3A_730], %parallel_loop3A_733 {strides = array<i32>} : memref<16x1024xf32, #tpu.memory_space<vmem>>, vector<1x16xf32>,
        %parallel_loop3A_734 = arith.index_cast %parallel_loop3A_181 : i32 to index
        %parallel_loop3A_735 = arith.constant 736 : index
        %parallel_loop3A_736 = tpu.vector_load %arg9[%parallel_loop3A_734, %parallel_loop3A_735] {strides = array<i32>} : memref<16x1024xf32, #tpu.memory_space<vmem>>, vector<1x16xf32>,
        %parallel_loop3A_737 = vector.shape_cast %parallel_loop3A_736 : vector<1x16xf32> to vector<16xf32>
        %parallel_loop3A_738 = arith.constant 3.200000e+01 : f32
        %parallel_loop3A_739 = vector.broadcast %parallel_loop3A_738 : f32 to vector<16xf32>
        %parallel_loop3A_740 = arith.mulf %parallel_loop3A_737, %parallel_loop3A_739 : vector<16xf32>
        %parallel_loop3A_741 = arith.index_cast %parallel_loop3A_181 : i32 to index
        %parallel_loop3A_742 = arith.constant 736 : index
        %parallel_loop3A_743 = tpu.vector_load %arg9[%parallel_loop3A_741, %parallel_loop3A_742] {strides = array<i32>} : memref<16x1024xf32, #tpu.memory_space<vmem>>, vector<1x16xf32>,
        %parallel_loop3A_744 = vector.shape_cast %parallel_loop3A_743 : vector<1x16xf32> to vector<16xf32>
        %parallel_loop3A_745 = vector.shape_cast %parallel_loop3A_740 : vector<16xf32> to vector<1x16xf32>
        tpu.vector_store %arg9[%parallel_loop3A_741, %parallel_loop3A_742], %parallel_loop3A_745 {strides = array<i32>} : memref<16x1024xf32, #tpu.memory_space<vmem>>, vector<1x16xf32>,
        %parallel_loop3A_746 = arith.index_cast %parallel_loop3A_181 : i32 to index
        %parallel_loop3A_747 = arith.constant 752 : index
        %parallel_loop3A_748 = tpu.vector_load %arg9[%parallel_loop3A_746, %parallel_loop3A_747] {strides = array<i32>} : memref<16x1024xf32, #tpu.memory_space<vmem>>, vector<1x16xf32>,
        %parallel_loop3A_749 = vector.shape_cast %parallel_loop3A_748 : vector<1x16xf32> to vector<16xf32>
        %parallel_loop3A_750 = arith.constant 3.200000e+01 : f32
        %parallel_loop3A_751 = vector.broadcast %parallel_loop3A_750 : f32 to vector<16xf32>
        %parallel_loop3A_752 = arith.mulf %parallel_loop3A_749, %parallel_loop3A_751 : vector<16xf32>
        %parallel_loop3A_753 = arith.index_cast %parallel_loop3A_181 : i32 to index
        %parallel_loop3A_754 = arith.constant 752 : index
        %parallel_loop3A_755 = tpu.vector_load %arg9[%parallel_loop3A_753, %parallel_loop3A_754] {strides = array<i32>} : memref<16x1024xf32, #tpu.memory_space<vmem>>, vector<1x16xf32>,
        %parallel_loop3A_756 = vector.shape_cast %parallel_loop3A_755 : vector<1x16xf32> to vector<16xf32>
        %parallel_loop3A_757 = vector.shape_cast %parallel_loop3A_752 : vector<16xf32> to vector<1x16xf32>
        tpu.vector_store %arg9[%parallel_loop3A_753, %parallel_loop3A_754], %parallel_loop3A_757 {strides = array<i32>} : memref<16x1024xf32, #tpu.memory_space<vmem>>, vector<1x16xf32>,
        %parallel_loop3A_758 = arith.index_cast %parallel_loop3A_181 : i32 to index
        %parallel_loop3A_759 = arith.constant 768 : index
        %parallel_loop3A_760 = tpu.vector_load %arg9[%parallel_loop3A_758, %parallel_loop3A_759] {strides = array<i32>} : memref<16x1024xf32, #tpu.memory_space<vmem>>, vector<1x16xf32>,
        %parallel_loop3A_761 = vector.shape_cast %parallel_loop3A_760 : vector<1x16xf32> to vector<16xf32>
        %parallel_loop3A_762 = arith.constant 3.200000e+01 : f32
        %parallel_loop3A_763 = vector.broadcast %parallel_loop3A_762 : f32 to vector<16xf32>
        %parallel_loop3A_764 = arith.mulf %parallel_loop3A_761, %parallel_loop3A_763 : vector<16xf32>
        %parallel_loop3A_765 = arith.index_cast %parallel_loop3A_181 : i32 to index
        %parallel_loop3A_766 = arith.constant 768 : index
        %parallel_loop3A_767 = tpu.vector_load %arg9[%parallel_loop3A_765, %parallel_loop3A_766] {strides = array<i32>} : memref<16x1024xf32, #tpu.memory_space<vmem>>, vector<1x16xf32>,
        %parallel_loop3A_768 = vector.shape_cast %parallel_loop3A_767 : vector<1x16xf32> to vector<16xf32>
        %parallel_loop3A_769 = vector.shape_cast %parallel_loop3A_764 : vector<16xf32> to vector<1x16xf32>
        tpu.vector_store %arg9[%parallel_loop3A_765, %parallel_loop3A_766], %parallel_loop3A_769 {strides = array<i32>} : memref<16x1024xf32, #tpu.memory_space<vmem>>, vector<1x16xf32>,
        %parallel_loop3A_770 = arith.index_cast %parallel_loop3A_181 : i32 to index
        %parallel_loop3A_771 = arith.constant 784 : index
        %parallel_loop3A_772 = tpu.vector_load %arg9[%parallel_loop3A_770, %parallel_loop3A_771] {strides = array<i32>} : memref<16x1024xf32, #tpu.memory_space<vmem>>, vector<1x16xf32>,
        %parallel_loop3A_773 = vector.shape_cast %parallel_loop3A_772 : vector<1x16xf32> to vector<16xf32>
        %parallel_loop3A_774 = arith.constant 3.200000e+01 : f32
        %parallel_loop3A_775 = vector.broadcast %parallel_loop3A_774 : f32 to vector<16xf32>
        %parallel_loop3A_776 = arith.mulf %parallel_loop3A_773, %parallel_loop3A_775 : vector<16xf32>
        %parallel_loop3A_777 = arith.index_cast %parallel_loop3A_181 : i32 to index
        %parallel_loop3A_778 = arith.constant 784 : index
        %parallel_loop3A_779 = tpu.vector_load %arg9[%parallel_loop3A_777, %parallel_loop3A_778] {strides = array<i32>} : memref<16x1024xf32, #tpu.memory_space<vmem>>, vector<1x16xf32>,
        %parallel_loop3A_780 = vector.shape_cast %parallel_loop3A_779 : vector<1x16xf32> to vector<16xf32>
        %parallel_loop3A_781 = vector.shape_cast %parallel_loop3A_776 : vector<16xf32> to vector<1x16xf32>
        tpu.vector_store %arg9[%parallel_loop3A_777, %parallel_loop3A_778], %parallel_loop3A_781 {strides = array<i32>} : memref<16x1024xf32, #tpu.memory_space<vmem>>, vector<1x16xf32>,
        %parallel_loop3A_782 = arith.index_cast %parallel_loop3A_181 : i32 to index
        %parallel_loop3A_783 = arith.constant 800 : index
        %parallel_loop3A_784 = tpu.vector_load %arg9[%parallel_loop3A_782, %parallel_loop3A_783] {strides = array<i32>} : memref<16x1024xf32, #tpu.memory_space<vmem>>, vector<1x16xf32>,
        %parallel_loop3A_785 = vector.shape_cast %parallel_loop3A_784 : vector<1x16xf32> to vector<16xf32>
        %parallel_loop3A_786 = arith.constant 3.200000e+01 : f32
        %parallel_loop3A_787 = vector.broadcast %parallel_loop3A_786 : f32 to vector<16xf32>
        %parallel_loop3A_788 = arith.mulf %parallel_loop3A_785, %parallel_loop3A_787 : vector<16xf32>
        %parallel_loop3A_789 = arith.index_cast %parallel_loop3A_181 : i32 to index
        %parallel_loop3A_790 = arith.constant 800 : index
        %parallel_loop3A_791 = tpu.vector_load %arg9[%parallel_loop3A_789, %parallel_loop3A_790] {strides = array<i32>} : memref<16x1024xf32, #tpu.memory_space<vmem>>, vector<1x16xf32>,
        %parallel_loop3A_792 = vector.shape_cast %parallel_loop3A_791 : vector<1x16xf32> to vector<16xf32>
        %parallel_loop3A_793 = vector.shape_cast %parallel_loop3A_788 : vector<16xf32> to vector<1x16xf32>
        tpu.vector_store %arg9[%parallel_loop3A_789, %parallel_loop3A_790], %parallel_loop3A_793 {strides = array<i32>} : memref<16x1024xf32, #tpu.memory_space<vmem>>, vector<1x16xf32>,
        %parallel_loop3A_794 = arith.index_cast %parallel_loop3A_181 : i32 to index
        %parallel_loop3A_795 = arith.constant 816 : index
        %parallel_loop3A_796 = tpu.vector_load %arg9[%parallel_loop3A_794, %parallel_loop3A_795] {strides = array<i32>} : memref<16x1024xf32, #tpu.memory_space<vmem>>, vector<1x16xf32>,
        %parallel_loop3A_797 = vector.shape_cast %parallel_loop3A_796 : vector<1x16xf32> to vector<16xf32>
        %parallel_loop3A_798 = arith.constant 3.200000e+01 : f32
        %parallel_loop3A_799 = vector.broadcast %parallel_loop3A_798 : f32 to vector<16xf32>
        %parallel_loop3A_800 = arith.mulf %parallel_loop3A_797, %parallel_loop3A_799 : vector<16xf32>
        %parallel_loop3A_801 = arith.index_cast %parallel_loop3A_181 : i32 to index
        %parallel_loop3A_802 = arith.constant 816 : index
        %parallel_loop3A_803 = tpu.vector_load %arg9[%parallel_loop3A_801, %parallel_loop3A_802] {strides = array<i32>} : memref<16x1024xf32, #tpu.memory_space<vmem>>, vector<1x16xf32>,
        %parallel_loop3A_804 = vector.shape_cast %parallel_loop3A_803 : vector<1x16xf32> to vector<16xf32>
        %parallel_loop3A_805 = vector.shape_cast %parallel_loop3A_800 : vector<16xf32> to vector<1x16xf32>
        tpu.vector_store %arg9[%parallel_loop3A_801, %parallel_loop3A_802], %parallel_loop3A_805 {strides = array<i32>} : memref<16x1024xf32, #tpu.memory_space<vmem>>, vector<1x16xf32>,
        %parallel_loop3A_806 = arith.index_cast %parallel_loop3A_181 : i32 to index
        %parallel_loop3A_807 = arith.constant 832 : index
        %parallel_loop3A_808 = tpu.vector_load %arg9[%parallel_loop3A_806, %parallel_loop3A_807] {strides = array<i32>} : memref<16x1024xf32, #tpu.memory_space<vmem>>, vector<1x16xf32>,
        %parallel_loop3A_809 = vector.shape_cast %parallel_loop3A_808 : vector<1x16xf32> to vector<16xf32>
        %parallel_loop3A_810 = arith.constant 3.200000e+01 : f32
        %parallel_loop3A_811 = vector.broadcast %parallel_loop3A_810 : f32 to vector<16xf32>
        %parallel_loop3A_812 = arith.mulf %parallel_loop3A_809, %parallel_loop3A_811 : vector<16xf32>
        %parallel_loop3A_813 = arith.index_cast %parallel_loop3A_181 : i32 to index
        %parallel_loop3A_814 = arith.constant 832 : index
        %parallel_loop3A_815 = tpu.vector_load %arg9[%parallel_loop3A_813, %parallel_loop3A_814] {strides = array<i32>} : memref<16x1024xf32, #tpu.memory_space<vmem>>, vector<1x16xf32>,
        %parallel_loop3A_816 = vector.shape_cast %parallel_loop3A_815 : vector<1x16xf32> to vector<16xf32>
        %parallel_loop3A_817 = vector.shape_cast %parallel_loop3A_812 : vector<16xf32> to vector<1x16xf32>
        tpu.vector_store %arg9[%parallel_loop3A_813, %parallel_loop3A_814], %parallel_loop3A_817 {strides = array<i32>} : memref<16x1024xf32, #tpu.memory_space<vmem>>, vector<1x16xf32>,
        %parallel_loop3A_818 = arith.index_cast %parallel_loop3A_181 : i32 to index
        %parallel_loop3A_819 = arith.constant 848 : index
        %parallel_loop3A_820 = tpu.vector_load %arg9[%parallel_loop3A_818, %parallel_loop3A_819] {strides = array<i32>} : memref<16x1024xf32, #tpu.memory_space<vmem>>, vector<1x16xf32>,
        %parallel_loop3A_821 = vector.shape_cast %parallel_loop3A_820 : vector<1x16xf32> to vector<16xf32>
        %parallel_loop3A_822 = arith.constant 3.200000e+01 : f32
        %parallel_loop3A_823 = vector.broadcast %parallel_loop3A_822 : f32 to vector<16xf32>
        %parallel_loop3A_824 = arith.mulf %parallel_loop3A_821, %parallel_loop3A_823 : vector<16xf32>
        %parallel_loop3A_825 = arith.index_cast %parallel_loop3A_181 : i32 to index
        %parallel_loop3A_826 = arith.constant 848 : index
        %parallel_loop3A_827 = tpu.vector_load %arg9[%parallel_loop3A_825, %parallel_loop3A_826] {strides = array<i32>} : memref<16x1024xf32, #tpu.memory_space<vmem>>, vector<1x16xf32>,
        %parallel_loop3A_828 = vector.shape_cast %parallel_loop3A_827 : vector<1x16xf32> to vector<16xf32>
        %parallel_loop3A_829 = vector.shape_cast %parallel_loop3A_824 : vector<16xf32> to vector<1x16xf32>
        tpu.vector_store %arg9[%parallel_loop3A_825, %parallel_loop3A_826], %parallel_loop3A_829 {strides = array<i32>} : memref<16x1024xf32, #tpu.memory_space<vmem>>, vector<1x16xf32>,
        %parallel_loop3A_830 = arith.index_cast %parallel_loop3A_181 : i32 to index
        %parallel_loop3A_831 = arith.constant 864 : index
        %parallel_loop3A_832 = tpu.vector_load %arg9[%parallel_loop3A_830, %parallel_loop3A_831] {strides = array<i32>} : memref<16x1024xf32, #tpu.memory_space<vmem>>, vector<1x16xf32>,
        %parallel_loop3A_833 = vector.shape_cast %parallel_loop3A_832 : vector<1x16xf32> to vector<16xf32>
        %parallel_loop3A_834 = arith.constant 3.200000e+01 : f32
        %parallel_loop3A_835 = vector.broadcast %parallel_loop3A_834 : f32 to vector<16xf32>
        %parallel_loop3A_836 = arith.mulf %parallel_loop3A_833, %parallel_loop3A_835 : vector<16xf32>
        %parallel_loop3A_837 = arith.index_cast %parallel_loop3A_181 : i32 to index
        %parallel_loop3A_838 = arith.constant 864 : index
        %parallel_loop3A_839 = tpu.vector_load %arg9[%parallel_loop3A_837, %parallel_loop3A_838] {strides = array<i32>} : memref<16x1024xf32, #tpu.memory_space<vmem>>, vector<1x16xf32>,
        %parallel_loop3A_840 = vector.shape_cast %parallel_loop3A_839 : vector<1x16xf32> to vector<16xf32>
        %parallel_loop3A_841 = vector.shape_cast %parallel_loop3A_836 : vector<16xf32> to vector<1x16xf32>
        tpu.vector_store %arg9[%parallel_loop3A_837, %parallel_loop3A_838], %parallel_loop3A_841 {strides = array<i32>} : memref<16x1024xf32, #tpu.memory_space<vmem>>, vector<1x16xf32>,
        %parallel_loop3A_842 = arith.index_cast %parallel_loop3A_181 : i32 to index
        %parallel_loop3A_843 = arith.constant 880 : index
        %parallel_loop3A_844 = tpu.vector_load %arg9[%parallel_loop3A_842, %parallel_loop3A_843] {strides = array<i32>} : memref<16x1024xf32, #tpu.memory_space<vmem>>, vector<1x16xf32>,
        %parallel_loop3A_845 = vector.shape_cast %parallel_loop3A_844 : vector<1x16xf32> to vector<16xf32>
        %parallel_loop3A_846 = arith.constant 3.200000e+01 : f32
        %parallel_loop3A_847 = vector.broadcast %parallel_loop3A_846 : f32 to vector<16xf32>
        %parallel_loop3A_848 = arith.mulf %parallel_loop3A_845, %parallel_loop3A_847 : vector<16xf32>
        %parallel_loop3A_849 = arith.index_cast %parallel_loop3A_181 : i32 to index
        %parallel_loop3A_850 = arith.constant 880 : index
        %parallel_loop3A_851 = tpu.vector_load %arg9[%parallel_loop3A_849, %parallel_loop3A_850] {strides = array<i32>} : memref<16x1024xf32, #tpu.memory_space<vmem>>, vector<1x16xf32>,
        %parallel_loop3A_852 = vector.shape_cast %parallel_loop3A_851 : vector<1x16xf32> to vector<16xf32>
        %parallel_loop3A_853 = vector.shape_cast %parallel_loop3A_848 : vector<16xf32> to vector<1x16xf32>
        tpu.vector_store %arg9[%parallel_loop3A_849, %parallel_loop3A_850], %parallel_loop3A_853 {strides = array<i32>} : memref<16x1024xf32, #tpu.memory_space<vmem>>, vector<1x16xf32>,
        %parallel_loop3A_854 = arith.index_cast %parallel_loop3A_181 : i32 to index
        %parallel_loop3A_855 = arith.constant 896 : index
        %parallel_loop3A_856 = tpu.vector_load %arg9[%parallel_loop3A_854, %parallel_loop3A_855] {strides = array<i32>} : memref<16x1024xf32, #tpu.memory_space<vmem>>, vector<1x16xf32>,
        %parallel_loop3A_857 = vector.shape_cast %parallel_loop3A_856 : vector<1x16xf32> to vector<16xf32>
        %parallel_loop3A_858 = arith.constant 3.200000e+01 : f32
        %parallel_loop3A_859 = vector.broadcast %parallel_loop3A_858 : f32 to vector<16xf32>
        %parallel_loop3A_860 = arith.mulf %parallel_loop3A_857, %parallel_loop3A_859 : vector<16xf32>
        %parallel_loop3A_861 = arith.index_cast %parallel_loop3A_181 : i32 to index
        %parallel_loop3A_862 = arith.constant 896 : index
        %parallel_loop3A_863 = tpu.vector_load %arg9[%parallel_loop3A_861, %parallel_loop3A_862] {strides = array<i32>} : memref<16x1024xf32, #tpu.memory_space<vmem>>, vector<1x16xf32>,
        %parallel_loop3A_864 = vector.shape_cast %parallel_loop3A_863 : vector<1x16xf32> to vector<16xf32>
        %parallel_loop3A_865 = vector.shape_cast %parallel_loop3A_860 : vector<16xf32> to vector<1x16xf32>
        tpu.vector_store %arg9[%parallel_loop3A_861, %parallel_loop3A_862], %parallel_loop3A_865 {strides = array<i32>} : memref<16x1024xf32, #tpu.memory_space<vmem>>, vector<1x16xf32>,
        %parallel_loop3A_866 = arith.index_cast %parallel_loop3A_181 : i32 to index
        %parallel_loop3A_867 = arith.constant 912 : index
        %parallel_loop3A_868 = tpu.vector_load %arg9[%parallel_loop3A_866, %parallel_loop3A_867] {strides = array<i32>} : memref<16x1024xf32, #tpu.memory_space<vmem>>, vector<1x16xf32>,
        %parallel_loop3A_869 = vector.shape_cast %parallel_loop3A_868 : vector<1x16xf32> to vector<16xf32>
        %parallel_loop3A_870 = arith.constant 3.200000e+01 : f32
        %parallel_loop3A_871 = vector.broadcast %parallel_loop3A_870 : f32 to vector<16xf32>
        %parallel_loop3A_872 = arith.mulf %parallel_loop3A_869, %parallel_loop3A_871 : vector<16xf32>
        %parallel_loop3A_873 = arith.index_cast %parallel_loop3A_181 : i32 to index
        %parallel_loop3A_874 = arith.constant 912 : index
        %parallel_loop3A_875 = tpu.vector_load %arg9[%parallel_loop3A_873, %parallel_loop3A_874] {strides = array<i32>} : memref<16x1024xf32, #tpu.memory_space<vmem>>, vector<1x16xf32>,
        %parallel_loop3A_876 = vector.shape_cast %parallel_loop3A_875 : vector<1x16xf32> to vector<16xf32>
        %parallel_loop3A_877 = vector.shape_cast %parallel_loop3A_872 : vector<16xf32> to vector<1x16xf32>
        tpu.vector_store %arg9[%parallel_loop3A_873, %parallel_loop3A_874], %parallel_loop3A_877 {strides = array<i32>} : memref<16x1024xf32, #tpu.memory_space<vmem>>, vector<1x16xf32>,
        %parallel_loop3A_878 = arith.index_cast %parallel_loop3A_181 : i32 to index
        %parallel_loop3A_879 = arith.constant 928 : index
        %parallel_loop3A_880 = tpu.vector_load %arg9[%parallel_loop3A_878, %parallel_loop3A_879] {strides = array<i32>} : memref<16x1024xf32, #tpu.memory_space<vmem>>, vector<1x16xf32>,
        %parallel_loop3A_881 = vector.shape_cast %parallel_loop3A_880 : vector<1x16xf32> to vector<16xf32>
        %parallel_loop3A_882 = arith.constant 3.200000e+01 : f32
        %parallel_loop3A_883 = vector.broadcast %parallel_loop3A_882 : f32 to vector<16xf32>
        %parallel_loop3A_884 = arith.mulf %parallel_loop3A_881, %parallel_loop3A_883 : vector<16xf32>
        %parallel_loop3A_885 = arith.index_cast %parallel_loop3A_181 : i32 to index
        %parallel_loop3A_886 = arith.constant 928 : index
        %parallel_loop3A_887 = tpu.vector_load %arg9[%parallel_loop3A_885, %parallel_loop3A_886] {strides = array<i32>} : memref<16x1024xf32, #tpu.memory_space<vmem>>, vector<1x16xf32>,
        %parallel_loop3A_888 = vector.shape_cast %parallel_loop3A_887 : vector<1x16xf32> to vector<16xf32>
        %parallel_loop3A_889 = vector.shape_cast %parallel_loop3A_884 : vector<16xf32> to vector<1x16xf32>
        tpu.vector_store %arg9[%parallel_loop3A_885, %parallel_loop3A_886], %parallel_loop3A_889 {strides = array<i32>} : memref<16x1024xf32, #tpu.memory_space<vmem>>, vector<1x16xf32>,
        %parallel_loop3A_890 = arith.index_cast %parallel_loop3A_181 : i32 to index
        %parallel_loop3A_891 = arith.constant 944 : index
        %parallel_loop3A_892 = tpu.vector_load %arg9[%parallel_loop3A_890, %parallel_loop3A_891] {strides = array<i32>} : memref<16x1024xf32, #tpu.memory_space<vmem>>, vector<1x16xf32>,
        %parallel_loop3A_893 = vector.shape_cast %parallel_loop3A_892 : vector<1x16xf32> to vector<16xf32>
        %parallel_loop3A_894 = arith.constant 3.200000e+01 : f32
        %parallel_loop3A_895 = vector.broadcast %parallel_loop3A_894 : f32 to vector<16xf32>
        %parallel_loop3A_896 = arith.mulf %parallel_loop3A_893, %parallel_loop3A_895 : vector<16xf32>
        %parallel_loop3A_897 = arith.index_cast %parallel_loop3A_181 : i32 to index
        %parallel_loop3A_898 = arith.constant 944 : index
        %parallel_loop3A_899 = tpu.vector_load %arg9[%parallel_loop3A_897, %parallel_loop3A_898] {strides = array<i32>} : memref<16x1024xf32, #tpu.memory_space<vmem>>, vector<1x16xf32>,
        %parallel_loop3A_900 = vector.shape_cast %parallel_loop3A_899 : vector<1x16xf32> to vector<16xf32>
        %parallel_loop3A_901 = vector.shape_cast %parallel_loop3A_896 : vector<16xf32> to vector<1x16xf32>
        tpu.vector_store %arg9[%parallel_loop3A_897, %parallel_loop3A_898], %parallel_loop3A_901 {strides = array<i32>} : memref<16x1024xf32, #tpu.memory_space<vmem>>, vector<1x16xf32>,
        %parallel_loop3A_902 = arith.index_cast %parallel_loop3A_181 : i32 to index
        %parallel_loop3A_903 = arith.constant 960 : index
        %parallel_loop3A_904 = tpu.vector_load %arg9[%parallel_loop3A_902, %parallel_loop3A_903] {strides = array<i32>} : memref<16x1024xf32, #tpu.memory_space<vmem>>, vector<1x16xf32>,
        %parallel_loop3A_905 = vector.shape_cast %parallel_loop3A_904 : vector<1x16xf32> to vector<16xf32>
        %parallel_loop3A_906 = arith.constant 3.200000e+01 : f32
        %parallel_loop3A_907 = vector.broadcast %parallel_loop3A_906 : f32 to vector<16xf32>
        %parallel_loop3A_908 = arith.mulf %parallel_loop3A_905, %parallel_loop3A_907 : vector<16xf32>
        %parallel_loop3A_909 = arith.index_cast %parallel_loop3A_181 : i32 to index
        %parallel_loop3A_910 = arith.constant 960 : index
        %parallel_loop3A_911 = tpu.vector_load %arg9[%parallel_loop3A_909, %parallel_loop3A_910] {strides = array<i32>} : memref<16x1024xf32, #tpu.memory_space<vmem>>, vector<1x16xf32>,
        %parallel_loop3A_912 = vector.shape_cast %parallel_loop3A_911 : vector<1x16xf32> to vector<16xf32>
        %parallel_loop3A_913 = vector.shape_cast %parallel_loop3A_908 : vector<16xf32> to vector<1x16xf32>
        tpu.vector_store %arg9[%parallel_loop3A_909, %parallel_loop3A_910], %parallel_loop3A_913 {strides = array<i32>} : memref<16x1024xf32, #tpu.memory_space<vmem>>, vector<1x16xf32>,
        %parallel_loop3A_914 = arith.index_cast %parallel_loop3A_181 : i32 to index
        %parallel_loop3A_915 = arith.constant 976 : index
        %parallel_loop3A_916 = tpu.vector_load %arg9[%parallel_loop3A_914, %parallel_loop3A_915] {strides = array<i32>} : memref<16x1024xf32, #tpu.memory_space<vmem>>, vector<1x16xf32>,
        %parallel_loop3A_917 = vector.shape_cast %parallel_loop3A_916 : vector<1x16xf32> to vector<16xf32>
        %parallel_loop3A_918 = arith.constant 3.200000e+01 : f32
        %parallel_loop3A_919 = vector.broadcast %parallel_loop3A_918 : f32 to vector<16xf32>
        %parallel_loop3A_920 = arith.mulf %parallel_loop3A_917, %parallel_loop3A_919 : vector<16xf32>
        %parallel_loop3A_921 = arith.index_cast %parallel_loop3A_181 : i32 to index
        %parallel_loop3A_922 = arith.constant 976 : index
        %parallel_loop3A_923 = tpu.vector_load %arg9[%parallel_loop3A_921, %parallel_loop3A_922] {strides = array<i32>} : memref<16x1024xf32, #tpu.memory_space<vmem>>, vector<1x16xf32>,
        %parallel_loop3A_924 = vector.shape_cast %parallel_loop3A_923 : vector<1x16xf32> to vector<16xf32>
        %parallel_loop3A_925 = vector.shape_cast %parallel_loop3A_920 : vector<16xf32> to vector<1x16xf32>
        tpu.vector_store %arg9[%parallel_loop3A_921, %parallel_loop3A_922], %parallel_loop3A_925 {strides = array<i32>} : memref<16x1024xf32, #tpu.memory_space<vmem>>, vector<1x16xf32>,
        %parallel_loop3A_926 = arith.index_cast %parallel_loop3A_181 : i32 to index
        %parallel_loop3A_927 = arith.constant 992 : index
        %parallel_loop3A_928 = tpu.vector_load %arg9[%parallel_loop3A_926, %parallel_loop3A_927] {strides = array<i32>} : memref<16x1024xf32, #tpu.memory_space<vmem>>, vector<1x16xf32>,
        %parallel_loop3A_929 = vector.shape_cast %parallel_loop3A_928 : vector<1x16xf32> to vector<16xf32>
        %parallel_loop3A_930 = arith.constant 3.200000e+01 : f32
        %parallel_loop3A_931 = vector.broadcast %parallel_loop3A_930 : f32 to vector<16xf32>
        %parallel_loop3A_932 = arith.mulf %parallel_loop3A_929, %parallel_loop3A_931 : vector<16xf32>
        %parallel_loop3A_933 = arith.index_cast %parallel_loop3A_181 : i32 to index
        %parallel_loop3A_934 = arith.constant 992 : index
        %parallel_loop3A_935 = tpu.vector_load %arg9[%parallel_loop3A_933, %parallel_loop3A_934] {strides = array<i32>} : memref<16x1024xf32, #tpu.memory_space<vmem>>, vector<1x16xf32>,
        %parallel_loop3A_936 = vector.shape_cast %parallel_loop3A_935 : vector<1x16xf32> to vector<16xf32>
        %parallel_loop3A_937 = vector.shape_cast %parallel_loop3A_932 : vector<16xf32> to vector<1x16xf32>
        tpu.vector_store %arg9[%parallel_loop3A_933, %parallel_loop3A_934], %parallel_loop3A_937 {strides = array<i32>} : memref<16x1024xf32, #tpu.memory_space<vmem>>, vector<1x16xf32>,
        %parallel_loop3A_938 = arith.index_cast %parallel_loop3A_181 : i32 to index
        %parallel_loop3A_939 = arith.constant 1008 : index
        %parallel_loop3A_940 = tpu.vector_load %arg9[%parallel_loop3A_938, %parallel_loop3A_939] {strides = array<i32>} : memref<16x1024xf32, #tpu.memory_space<vmem>>, vector<1x16xf32>,
        %parallel_loop3A_941 = vector.shape_cast %parallel_loop3A_940 : vector<1x16xf32> to vector<16xf32>
        %parallel_loop3A_942 = arith.constant 3.200000e+01 : f32
        %parallel_loop3A_943 = vector.broadcast %parallel_loop3A_942 : f32 to vector<16xf32>
        %parallel_loop3A_944 = arith.mulf %parallel_loop3A_941, %parallel_loop3A_943 : vector<16xf32>
        %parallel_loop3A_945 = arith.index_cast %parallel_loop3A_181 : i32 to index
        %parallel_loop3A_946 = arith.constant 1008 : index
        %parallel_loop3A_947 = tpu.vector_load %arg9[%parallel_loop3A_945, %parallel_loop3A_946] {strides = array<i32>} : memref<16x1024xf32, #tpu.memory_space<vmem>>, vector<1x16xf32>,
        %parallel_loop3A_948 = vector.shape_cast %parallel_loop3A_947 : vector<1x16xf32> to vector<16xf32>
        %parallel_loop3A_949 = vector.shape_cast %parallel_loop3A_944 : vector<16xf32> to vector<1x16xf32>
        tpu.vector_store %arg9[%parallel_loop3A_945, %parallel_loop3A_946], %parallel_loop3A_949 {strides = array<i32>} : memref<16x1024xf32, #tpu.memory_space<vmem>>, vector<1x16xf32>,
      } {sc.loop_unroll_factor = 1 : i64, sc.parallel_access}
      %ge3A_164 = arith.constant 2 : i32
      %ge3A_165 = arith.cmpi sge, %add3A_147, %ge3A_164 : i32
      %convert_element_type3A_166 = arith.extui %ge3A_165 : i1 to i32
      %cond3A_167 = arith.constant 0 : i32
      %cond3A_168 = arith.cmpi ne, %convert_element_type3A_166, %cond3A_167 : i32
      scf.if %cond3A_168 {
        %sub3A = arith.constant 2 : i32
        %sub3A_181 = arith.subi %add3A_147, %sub3A : i32
        %mul3A_182 = arith.constant 16 : i32
        %mul3A_183 = arith.muli %sub3A_181, %mul3A_182 : i32
        %add3A_184 = arith.addi %mul3A_2, %mul3A_183 : i32
        %dma_wait3A_185 = arith.constant 1 : i32
        %dma_wait3A_186 = arith.constant 0 : i32
        %dma_wait3A_187 = tpu.memref_slice %arg4[%add3A_184, %dma_wait3A_186] : memref<32768x1024xf32, #tpu.memory_space<hbm>> -> memref<16x1024xf32, #tpu.memory_space<hbm>>
        %dma_wait3A_188 = arith.constant 0 : i32
        %dma_wait3A_189 = arith.constant 0 : i32
        %dma_wait3A_190 = tpu.memref_slice %arg10[%arg1, %dma_wait3A_185, %dma_wait3A_188, %dma_wait3A_189] : memref<16x2x16x1024xf32, #tpu.memory_space<vmem_shared>> -> memref<1x1x16x1024xf32, #tpu.memory_space<vmem_shared>>
        %dma_wait3A_191 = tpu.memref_squeeze %dma_wait3A_190 : memref<1x1x16x1024xf32, #tpu.memory_space<vmem_shared>> -> memref<16x1024xf32, #tpu.memory_space<vmem_shared>>
        tpu.wait_dma2 semaphore(%arg16 : memref<!tpu.dma_semaphore, #tpu.memory_space<semaphore_mem>>) src(%dma_wait3A_191 : memref<16x1024xf32, #tpu.memory_space<vmem_shared>>) dst(%dma_wait3A_187 : memref<16x1024xf32, #tpu.memory_space<hbm>>)
      } else {
      }
      %run_scoped3A_169 = arith.constant 1 : i32
      "tpu.region"() ({
        %run_scoped3A_181 = tpu.sem_alloc : memref<!tpu.dma_semaphore, #tpu.memory_space<semaphore_mem>>
        %dma_start3A_182 = arith.constant 0 : i32
        %dma_start3A_183 = arith.constant 0 : i32
        %dma_start3A_184 = tpu.memref_slice %arg10[%arg1, %run_scoped3A_169, %dma_start3A_182, %dma_start3A_183] : memref<16x2x16x1024xf32, #tpu.memory_space<vmem_shared>> -> memref<1x1x16x1024xf32, #tpu.memory_space<vmem_shared>>
        %dma_start3A_185 = tpu.memref_squeeze %dma_start3A_184 : memref<1x1x16x1024xf32, #tpu.memory_space<vmem_shared>> -> memref<16x1024xf32, #tpu.memory_space<vmem_shared>>
        %dma_start3A_186 = arith.constant 0 : i32
        %dma_start3A_187 = arith.constant 0 : i32
        %dma_start3A_188 = tpu.memref_slice %arg10[%arg1, %run_scoped3A_169, %dma_start3A_186, %dma_start3A_187] : memref<16x2x16x1024xf32, #tpu.memory_space<vmem_shared>> -> memref<1x1x16x1024xf32, #tpu.memory_space<vmem_shared>>
        %dma_start3A_189 = tpu.memref_squeeze %dma_start3A_188 : memref<1x1x16x1024xf32, #tpu.memory_space<vmem_shared>> -> memref<16x1024xf32, #tpu.memory_space<vmem_shared>>
        tpu.enqueue_dma source(%arg9 : memref<16x1024xf32, #tpu.memory_space<vmem>>) target(%dma_start3A_189 : memref<16x1024xf32, #tpu.memory_space<vmem_shared>>) target_semaphore(%run_scoped3A_181 : memref<!tpu.dma_semaphore, #tpu.memory_space<semaphore_mem>>)
        %dma_wait3A_190 = arith.constant 0 : i32
        %dma_wait3A_191 = arith.constant 0 : i32
        %dma_wait3A_192 = tpu.memref_slice %arg10[%arg1, %run_scoped3A_169, %dma_wait3A_190, %dma_wait3A_191] : memref<16x2x16x1024xf32, #tpu.memory_space<vmem_shared>> -> memref<1x1x16x1024xf32, #tpu.memory_space<vmem_shared>>
        %dma_wait3A_193 = tpu.memref_squeeze %dma_wait3A_192 : memref<1x1x16x1024xf32, #tpu.memory_space<vmem_shared>> -> memref<16x1024xf32, #tpu.memory_space<vmem_shared>>
        %dma_wait3A_194 = arith.constant 0 : i32
        %dma_wait3A_195 = arith.constant 0 : i32
        %dma_wait3A_196 = tpu.memref_slice %arg10[%arg1, %run_scoped3A_169, %dma_wait3A_194, %dma_wait3A_195] : memref<16x2x16x1024xf32, #tpu.memory_space<vmem_shared>> -> memref<1x1x16x1024xf32, #tpu.memory_space<vmem_shared>>
        %dma_wait3A_197 = tpu.memref_squeeze %dma_wait3A_196 : memref<1x1x16x1024xf32, #tpu.memory_space<vmem_shared>> -> memref<16x1024xf32, #tpu.memory_space<vmem_shared>>
        tpu.wait_dma2 semaphore(%run_scoped3A_181 : memref<!tpu.dma_semaphore, #tpu.memory_space<semaphore_mem>>) src(%arg9 : memref<16x1024xf32, #tpu.memory_space<vmem>>) dst(%dma_wait3A_197 : memref<16x1024xf32, #tpu.memory_space<vmem_shared>>)
        tpu.yield
      }) : () -> ()
      %mul3A_170 = arith.constant 16 : i32
      %mul3A_171 = arith.muli %add3A_147, %mul3A_170 : i32
      %add3A_172 = arith.addi %mul3A_2, %mul3A_171 : i32
      %dma_start3A_173 = arith.constant 1 : i32
      %dma_start3A_174 = arith.constant 0 : i32
      %dma_start3A_175 = tpu.memref_slice %arg4[%add3A_172, %dma_start3A_174] : memref<32768x1024xf32, #tpu.memory_space<hbm>> -> memref<16x1024xf32, #tpu.memory_space<hbm>>
      %dma_start3A_176 = arith.constant 0 : i32
      %dma_start3A_177 = arith.constant 0 : i32
      %dma_start3A_178 = tpu.memref_slice %arg10[%arg1, %dma_start3A_173, %dma_start3A_176, %dma_start3A_177] : memref<16x2x16x1024xf32, #tpu.memory_space<vmem_shared>> -> memref<1x1x16x1024xf32, #tpu.memory_space<vmem_shared>>
      %dma_start3A_179 = tpu.memref_squeeze %dma_start3A_178 : memref<1x1x16x1024xf32, #tpu.memory_space<vmem_shared>> -> memref<16x1024xf32, #tpu.memory_space<vmem_shared>>
      tpu.enqueue_dma source(%dma_start3A_179 : memref<16x1024xf32, #tpu.memory_space<vmem_shared>>) target(%dma_start3A_175 : memref<16x1024xf32, #tpu.memory_space<hbm>>) target_semaphore(%arg16 : memref<!tpu.dma_semaphore, #tpu.memory_space<semaphore_mem>>)
      %scan3A_180 = arith.constant 0 : i32
      scf.yield %scan3A_180 : i32
    }
    %scan3A_22 = arith.constant 16 : i32
    %add3A_23 = arith.constant 992 : i32
    %add3A_24 = arith.addi %mul3A_2, %add3A_23 : i32
    %dma_wait3A = arith.constant 0 : i32
    %dma_wait3A_25 = arith.constant 0 : i32
    %dma_wait3A_26 = tpu.memref_slice %arg4[%add3A_24, %dma_wait3A_25] : memref<32768x1024xf32, #tpu.memory_space<hbm>> -> memref<16x1024xf32, #tpu.memory_space<hbm>>
    %dma_wait3A_27 = arith.constant 0 : i32
    %dma_wait3A_28 = arith.constant 0 : i32
    %dma_wait3A_29 = tpu.memref_slice %arg10[%arg1, %dma_wait3A, %dma_wait3A_27, %dma_wait3A_28] : memref<16x2x16x1024xf32, #tpu.memory_space<vmem_shared>> -> memref<1x1x16x1024xf32, #tpu.memory_space<vmem_shared>>
    %dma_wait3A_30 = tpu.memref_squeeze %dma_wait3A_29 : memref<1x1x16x1024xf32, #tpu.memory_space<vmem_shared>> -> memref<16x1024xf32, #tpu.memory_space<vmem_shared>>
    tpu.wait_dma2 semaphore(%arg15 : memref<!tpu.dma_semaphore, #tpu.memory_space<semaphore_mem>>) src(%dma_wait3A_30 : memref<16x1024xf32, #tpu.memory_space<vmem_shared>>) dst(%dma_wait3A_26 : memref<16x1024xf32, #tpu.memory_space<hbm>>)
    %add3A_31 = arith.constant 1008 : i32
    %add3A_32 = arith.addi %mul3A_2, %add3A_31 : i32
    %dma_wait3A_33 = arith.constant 1 : i32
    %dma_wait3A_34 = arith.constant 0 : i32
    %dma_wait3A_35 = tpu.memref_slice %arg4[%add3A_32, %dma_wait3A_34] : memref<32768x1024xf32, #tpu.memory_space<hbm>> -> memref<16x1024xf32, #tpu.memory_space<hbm>>
    %dma_wait3A_36 = arith.constant 0 : i32
    %dma_wait3A_37 = arith.constant 0 : i32
    %dma_wait3A_38 = tpu.memref_slice %arg10[%arg1, %dma_wait3A_33, %dma_wait3A_36, %dma_wait3A_37] : memref<16x2x16x1024xf32, #tpu.memory_space<vmem_shared>> -> memref<1x1x16x1024xf32, #tpu.memory_space<vmem_shared>>
    %dma_wait3A_39 = tpu.memref_squeeze %dma_wait3A_38 : memref<1x1x16x1024xf32, #tpu.memory_space<vmem_shared>> -> memref<16x1024xf32, #tpu.memory_space<vmem_shared>>
    tpu.wait_dma2 semaphore(%arg16 : memref<!tpu.dma_semaphore, #tpu.memory_space<semaphore_mem>>) src(%dma_wait3A_39 : memref<16x1024xf32, #tpu.memory_space<vmem_shared>>) dst(%dma_wait3A_35 : memref<16x1024xf32, #tpu.memory_space<hbm>>)
    return
  }
}

</mosaic_0001>

<sc_bundles>
// kernel: _embed.3.cloned.1.call-start
scs
__scs_entry_jumppad:
0x0: {  	(pc) =	sbr.rel $0x88, $3  }
0x1: {  	(tag) =	ssettag $0x0;
	lr =	simm.s32 $0x1  }
0x2: {  	[smem:$0x3F9F] =	sst lr;
	_ =	strace $0xD0000000  }
0x3: {  	_ = 	snop  }
0x4: {  	_ = 	snop  }
0x5: {  	_ = 	snop  }
0x6: {  	_ = 	snop  }
0x7: {  	_ = 	snop  }
__scs_overlays_trampoline_lowered:
0x8: {  	[smem:$0x3FAE] =	sst s0  }
0x9: {  	[smem:$0x3FAF] =	sst s1  }
0xa: {  	[smem:$0x3FB0] =	sst s2  }
0xb: {  	[smem:$0x3FB1] =	sst s3  }
0xc: {  	[smem:$0x3FB2] =	sst s4  }
0xd: {  	[smem:$0x3FB3] =	sst s5  }
0xe: {  	[smem:$0x3FB4] =	sst s6  }
0xf: {  	[smem:$0x3FB5] =	sst s7  }
0x10: {  	[smem:$0x3FB6] =	sst s8  }
0x11: {  	[smem:$0x3FB7] =	sst s9;
	s0 =	simm.s32 @!p0 $0x0  }
0x12: {  	s1 =	sld [smem:$0x3F9D];
	s0 =	simm.s32 @p0 $0x1  }
0x13: {  	[smem:$0x3FB8] =	sst s0;
	s0 =	simm.s32 @!p1 $0x0  }
0x14: {  	s2 =	sld [smem:$0x3F9C];
	s0 =	simm.s32 @p1 $0x1  }
0x15: {  	[smem:$0x3FB9] =	sst s0;
	s0 =	simm.s32 @!p2 $0x0  }
0x16: {  	s3 =	sld [smem:$0x3FDB];
	s0 =	simm.s32 @p2 $0x1  }
0x17: {  	s4 =	simm.s32 $0x1BF5;
	[smem:$0x3FBB] =	sst s0  }
0x18: {  	s0 =	sld [smem:$0x3F9E];
	_ =	swait.ge [sflag:s4], $0x0  }
0x19: {  	s7 =	sld [smem:$0x3F9F]  }
0x1a: {  	s8 =	sadd.s32 $0xFFFFE003, lr  }
0x1b: {  	s9 =	sadd.s32 $0xFFFFFEF7, lr;
	s5 =	simm.s32 $0xFFFFFFFF;
	p2 =	slt.u32 s8, $0xFFFFF086  }
0x1c: {  	p1 =	slt.u32 s9, $0xF7A;
	s5 =	simm.s32 @!p2 $0x0  }
0x1d: {  	s5 =	simm.s32 @p1 $0x1;
	p0 =	seq.s32 s7, s2  }
0x1e: {  	s7 =	smul.u32 @!p0 $0xF7A, s2;
	p2 =	seq.s32 @!p0 s5, $0x0  }
0x1f: {  	s9 =	smul.u32 $0xF7A, s1;
	s8 =	simm.s32 @!p0 $0x1BF5;
	p2 =	por !p2, p0  }
0x20: {  	[sflag:s8] =	ssyncset.s32 @!p0 $0xFFFFF086;
	s6 =	sadd.s32 @!p0 s3, s7;
	s7 =	simm.s32 @!p0 $0x108  }
0x21: {  	s3 =	sadd.s32 s3, s9;
	s6 =	sadd.s32 @!p0 $0x88, s6;
	s7 =	simm.s32 @p2 $0x1082  }
0x22: {  	[simem:s7], [sflag:s8] =	dma.local @!p0 [hbm:s6], $0xF7A  }
0x23: {  	s9 =	sor.u32 $0xD0000000, s2;
	s6 =	simm.s32 $0x108;
	_ =	swait.ge @!p0 [sflag:s8], $0x0  }
0x24: {  	s3 =	sadd.s32 $0x88, s3;
	s6 =	simm.s32 @!p1 $0x1082;
	[sflag:s4] =	ssyncset.s32 $0xFFFFF086  }
0x25: {  	[simem:s6], [sflag:s4] =	dma.local [hbm:s3], $0xF7A  }
0x26: {  	[smem:$0x3F9F] =	sst s1;
	(tag) =	ssettag s2;
	_ =	strace s9  }
0x27: {  	s1 =	sld [smem:$0x3FAF]  }
0x28: {  	s2 =	sld [smem:$0x3FB0]  }
0x29: {  	s4 =	sld [smem:$0x3FB2]  }
0x2a: {  	p0 =	seq.s32 s5, $0x0;
	s5 =	sld [smem:$0x3FB3]  }
0x2b: {  	s6 =	sld [smem:$0x3FB4]  }
0x2c: {  	s7 =	sld [smem:$0x3FB5]  }
0x2d: {  	s3 =	simm.s32 $0x108;
	s8 =	sld [smem:$0x3FB6]  }
0x2e: {  	s3 =	simm.s32 @!p0 $0x1082;
	s9 =	sld [smem:$0x3FB7]  }
0x2f: {  	lr =	sadd.s32 s0, s3;
	s0 =	sld [smem:$0x3FAE]  }
0x30: {  	s3 =	sld [smem:$0x3FB1]  }
0x31: {  	[smem:$0x3FBA] =	sst s10  }
0x32: {  	s10 =	sld [smem:$0x3FB8];
	_ =	sdelay $0x3  }
0x33: {  	p0 =	seq.s32 s10, $0x1;
	s10 =	sld [smem:$0x3FBA];
	_ =	sdelay $0x3  }
0x34: {  	[smem:$0x3FBA] =	sst s10  }
0x35: {  	s10 =	sld [smem:$0x3FB9];
	_ =	sdelay $0x3  }
0x36: {  	p1 =	seq.s32 s10, $0x1;
	s10 =	sld [smem:$0x3FBA];
	_ =	sdelay $0x3  }
0x37: {  	[smem:$0x3FBA] =	sst s10  }
0x38: {  	s10 =	sld [smem:$0x3FBB]  }
0x39: {  	_ = 	snop;
	(pc) =	sbr.ind lr, $3  }
0x3a: {  	_ = 	snop  }
0x3b: {  	_ = 	snop  }
0x3c: {  	p2 =	seq.s32 s10, $0x1;
	s10 =	sld [smem:$0x3FBA]  }
0x3d: {  	_ =	shalt  }
0x3e: {  	_ =	shalt  }
0x3f: {  	_ =	shalt  }
0x40: {  	_ =	shalt  }
0x41: {  	_ =	shalt  }
0x42: {  	_ =	shalt  }
0x43: {  	_ =	shalt  }
0x44: {  	_ =	shalt  }
0x45: {  	_ =	shalt  }
0x46: {  	_ =	shalt  }
0x47: {  	_ =	shalt  }
0x48: {  	_ =	shalt  }
0x49: {  	_ =	shalt  }
0x4a: {  	_ =	shalt  }
0x4b: {  	_ =	shalt  }
0x4c: {  	_ =	shalt  }
0x4d: {  	_ =	shalt  }
0x4e: {  	_ =	shalt  }
0x4f: {  	_ =	shalt  }
0x50: {  	_ =	shalt  }
0x51: {  	_ =	shalt  }
0x52: {  	_ =	shalt  }
0x53: {  	_ =	shalt  }
0x54: {  	_ =	shalt  }
0x55: {  	_ =	shalt  }
0x56: {  	_ =	shalt  }
0x57: {  	_ =	shalt  }
0x58: {  	_ =	shalt  }
0x59: {  	_ =	shalt  }
0x5a: {  	_ =	shalt  }
0x5b: {  	_ =	shalt  }
0x5c: {  	_ =	shalt  }
0x5d: {  	_ =	shalt  }
0x5e: {  	_ =	shalt  }
0x5f: {  	_ =	shalt  }
0x60: {  	_ =	shalt  }
0x61: {  	_ =	shalt  }
0x62: {  	_ =	shalt  }
0x63: {  	_ =	shalt  }
0x64: {  	_ =	shalt  }
0x65: {  	_ =	shalt  }
0x66: {  	_ =	shalt  }
0x67: {  	_ =	shalt  }
0x68: {  	_ =	shalt  }
0x69: {  	_ =	shalt  }
0x6a: {  	_ =	shalt  }
0x6b: {  	_ =	shalt  }
0x6c: {  	_ =	shalt  }
0x6d: {  	_ =	shalt  }
0x6e: {  	_ =	shalt  }
0x6f: {  	_ =	shalt  }
0x70: {  	_ =	shalt  }
0x71: {  	_ =	shalt  }
0x72: {  	_ =	shalt  }
0x73: {  	_ =	shalt  }
0x74: {  	_ =	shalt  }
0x75: {  	_ =	shalt  }
0x76: {  	_ =	shalt  }
0x77: {  	_ =	shalt  }
0x78: {  	_ =	shalt  }
0x79: {  	_ =	shalt  }
0x7a: {  	_ =	shalt  }
0x7b: {  	_ =	shalt  }
0x7c: {  	_ =	shalt  }
0x7d: {  	_ =	shalt  }
0x7e: {  	_ =	shalt  }
0x7f: {  	_ =	shalt  }
0x80: {  	_ =	shalt  }
0x81: {  	_ =	shalt  }
0x82: {  	_ =	shalt  }
0x83: {  	_ =	shalt  }
0x84: {  	_ =	shalt  }
0x85: {  	_ =	shalt  }
0x86: {  	_ =	shalt  }
0x87: {  	_ =	shalt  }
.Lfunc_end0:
.L_simem_size_0:
called_computation_lowered:
.L_overlay_start_0:
0x88: {  	s2 =	sld [smem:$0x3FD9]  }
0x89: {  	s3 =	sld [smem:$0x3FFE];
	_ =	sdelay $0x1  }
0x8a: {  	s1 =	srdreg.scid  }
0x8b: {  	s0 =	sand.u32 $0x1, s1  }
0x8c: {  	s18 =	sshll.u32 s0, $0xA;
	s2 =	sadd.s32 s3, s2  }
0x8d: {  	s2 =	sadd.s32 s2, s18  }
0x8e: {  	[smem:$0x3FC6] =	sst s2  }
0x8f: {  	_ = 	snop  }
0x90: {  	s2 =	sld [smem:$0x3FC9]  }
0x91: {  	s19 =	sld [smem:$0x3FC8]  }
0x92: {  	s4 =	sld [smem:$0x3FD0];
	(tm) =	ssettm $0x1  }
0x93: {  	s5 =	sld [smem:$0x3FFB];
	_ =	sdelay $0x3  }
0x94: {  	_ =	strace s5  }
0x95: {  	s5 =	sld [smem:$0x3FFC];
	_ =	sdelay $0x3  }
0x96: {  	_ =	strace s5  }
0x97: {  	s5 =	sld [smem:$0x3FFD];
	_ =	sdelay $0x3  }
0x98: {  	_ =	strace s5  }
0x99: {  	_ =	strace $0x8FFFFFFF  }
0x9a: {  	s20 =	sld [smem:$0x3FDB];
	_ =	sdelay $0x1  }
0x9b: {  	s6 =	simm.s32 $_scs_section_size  }
0x9c: {  	s7 =	simm.s32 $_size__tile_overlayer_lowered;
	s8 =	simm.s32 $_tile_overlayer_lowered  }
0x9d: {  	s23 =	simm.s32 $0x1BFF;
	s22 =	sshll.u32 s8, $0x1;
	s5 =	sadd.s32 s6, s20  }
0x9e: {  	s9 =	simm.s32 $0x0;
	s21 =	sshll.u32 s7, $0x1;
	s7 =	sadd.s32 s22, s5  }
0x9f: {  	[timem:s9], [sflag:s23] =	dma.local [hbm:s7], s21  }
0xa0: {  	_ =	swait.ge [sflag:s23], s21  }
0xa1: {  	s6 =	ssub.s32 $0x0, s21;
	[sflag:s23] =	ssyncset.done $0x0  }
0xa2: {  	[sflag:s23] =	ssyncadd.s32 s6;
	_ =	sdelay $0x1  }
0xa3: {  	s24 =	simm.s32 $0x1B8B  }
0xa4: {  	_ =	swait.ge [sflag:s24], $0x1  }
0xa5: {  	[sflag:s24] =	ssyncset.done $0x0  }
0xa6: {  	s25 =	simm.s32 $0x1B8E;
	[sflag:s24] =	ssyncadd.s32 $0xFFFFFFFF  }
0xa7: {  	s26 =	simm.s32 $execute0_lowered;
	[smem:$0x3FD2] =	sst s25  }
0xa8: {  	s6 =	sshll.u32 s26, $0x1;
	_ =	strace $0x80000046;
	[dreg:$0x1] =	wrdreg $0xFFFFFFFF  }
0xa9: {  	s28 =	simm.s32 $_size_execute0_lowered;
	s5 =	sadd.s32 s5, s6;
	[dreg:$0x0] =	wrdreg $0x0  }
0xaa: {  	s6 =	sshll.u32 s28, $0x1;
	[dreg:$0x2] =	wrdreg s5  }
0xab: {  	[dreg:$0x3] =	wrdreg s6  }
0xac: {  	[dreg:$0x4] =	wrdreg $0xC0  }
0xad: {  	_ =	task [dreg:s9], $0x5FFFF  }
0xae: {  	[dreg:$0x1] =	wrdreg $0xFFFFFFFF  }
0xaf: {  	[dreg:$0x0] =	wrdreg $0x60  }
0xb0: {  	[dreg:$0x2] =	wrdreg s2  }
0xb1: {  	[dreg:$0x3] =	wrdreg s19  }
0xb2: {  	[dreg:$0x4] =	wrdreg s4  }
0xb3: {  	[dreg:$0x5] =	wrdreg $0x104000  }
0xb4: {  	[dreg:$0x6] =	wrdreg $0x9  }
0xb5: {  	_ =	task.clear_ibuf [dreg:s9], $0x7FFFF;
	_ =	strace $0x90000046  }
0xb6: {  	s29 =	simm.s32 $0x9;
	_ =	strace $0x80000048  }
0xb7: {  	_ =	swait.ge [sflag:s29], $0x1  }
0xb8: {  	[sflag:s29] =	ssyncadd.s32 $0xFFFFFFFF  }
0xb9: {  	_ =	strace $0x90000048  }
0xba: {  	_ =	sfence  }
0xbb: {  	s30 =	sld [smem:$0x0];
	_ =	sdelay $0x2  }
0xbc: {  	s31 =	sshll.u32 s1, $0xD;
	s1 =	sshrl.u32 s1, $0x2  }
0xbd: {  	s3 =	sand.u32 $0x4000, s31;
	s1 =	sadd.s32 s1, s30  }
0xbe: {  	s0 =	sor.u32 s3, s0;
	s1 =	sshll.u32 s1, $0x11  }
0xbf: {  	s0 =	sor.u32 s1, s0  }
0xc0: {  	s0 =	sadd.s32 $0x8F2B, s0  }
0xc1: {  	[sflag:s0] =	ssyncadd.remote.s32 $0x1  }
0xc2: {  	_ =	sfence.sel $0xFFFF  }
0xc3: {  	[dreg:$0x0] =	wrdreg $0xFFFFFFFF;
	(pc) =	sbr.abs _section_cstart, $3  }
0xc4: {  	[dreg:$0x1] =	wrdreg $0xFFFFFFFF  }
0xc5: {  	_ =	task.clear_ibuf [dreg:s9], $0x2FFFF;
	_ =	strace $0x9FFFFFFF  }
0xc6: {  	(tm) =	ssettm $0x7FFFFFFF  }
0xc7: {  	_ =	shalt  }
tec
execute0_lowered:
.L_overlay_start_1:
0x0: {  	(tag) =	ssettag $0x1  }
0x1: {  	s0 =	rddreg [dreg:$0x0]  }
0x2: {  	s1 =	rddreg [dreg:$0x1]  }
0x3: {  	s11 =	rddreg [dreg:$0x2]  }
0x4: {  	s2 =	rddreg [dreg:$0x3];
	s3 =	srdreg.scid  }
0x5: {  	s9 =	stileid.u32;
	s6 =	simm.s32 $0x0;
	s14 =	simm.s32 $0x7  }
0x6: {  	s18 =	simm.s32 $0x2;
	s19 =	simm.s32 $0x3;
	s20 =	simm.s32 $0x5  }
0x7: {  	s21 =	simm.s32 $0x4;
	s22 =	simm.s32 $0x6;
	s3 =	sand.u32 $0x1, s3  }
0x8: {  	s4 =	sshll.u32 s9, $0xB;
	[smem:$0x7FF] =	sst s6;
	s7 =	sadd.s32 $0x100, s1  }
0x9: {  	s8 =	sadd.s32 $0x200, s1;
	s29 =	sshll.u32 s9, $0xF;
	s9 =	sadd.s32 $0x300, s1  }
0xa: {  	s5 =	sshll.u32 s3, $0xA;
	s3 =	ssub.s32 $0x2, s3;
	_ =	strace $0x80000047  }
0xb: {  	s10 =	sadd.s32 s29, s2;
	s2 =	simm.s32 $0x0;
	s5 =	sor.u32 s5, s4  }
0xc: {  	s26 =	sshrl.u32 s3, $0x1;
	s12 =	sadd.s32 $0x4000, s10;
	s28 =	sshrl.u32 s5, $0x3  }
0xd: {  	v2 =	vlaneseq.u32;
	s3 =	ssub.s32 s3, s26;
	[dreg:$0x5] =	wrdreg s5;
	s0 =	sadd.s32 s0, s28  }
0xe: {  	vm0 =	vmmov $0xffff;
	v1 =	vshrl.u32 v2, $0x3;
	s30 =	sshll.u32 s5, $0x7;
	s31 =	smax.u32 s3, $0x1;
	[dreg:$0x6] =	wrdreg s0  }
0xf: {  	v0 =	vand.u32 $0x7, v2;
	v2 =	vor.u32 $0x8, v2;
	v1 =	vmul.u32 $0x8, v1;
	s11 =	sadd.s32 s11, s30;
	s3 =	simm.s32 $0xC400;
	[dreg:$0x7] =	wrdreg s31  }
.LBB2_1:
0x10: {  	[dreg:$0x8] =	wrdreg s2  }
0x11: {  	s0 =	simm.s32 $0x0;
	s16 =	rddreg [dreg:$0x6]  }
0x12: {  	[tilespmem:s0], [sflag:$0x7] =	stream.linear.gather [hbm4b:s16+s0], $0x400, $0x38;
	[tilespmem:$0x18400] =	vst v63  }
0x13: {  	_ =	swait.ge [sflag:s14], $0x400  }
0x14: {  	[sflag:s14] =	ssyncset.done $0x0  }
0x15: {  	[sflag:s14] =	ssyncadd.s32 $0xFFFFFC00  }
0x16: {  	v3 =	vld [tilespmem:$0x0];
	_ =	sdelay $0x4  }
0x17: {  	v4 =	vshll.u32 v3, $0x3  }
0x18: {  	v3 =	vand.u32 $0x7, v3;
	v4 =	vand.u32 $0xFFFFFFC0, v4  }
0x19: {  	v3 =	vor.u32 v3, v4  }
0x1a: {  	v4 =	vperm.xlane v3, v0;
	_ =	sdelay $0x1  }
0x1b: {  	v4 =	vadd.s32 v1, v4;
	_ =	sdelay $0x3  }
0x1c: {  	s17 =	simm.s32 $0x400  }
0x1d: {  	[tilespmem:s17], [sflag:$0x1] =	stream.indirect_vreg.gather [hbm4b:s1+s0], $0x80, v4, vm0, $0xb8;
	[tilespmem:$0x18400] =	vst v63  }
0x1e: {  	s23 =	simm.s32 $0xC00;
	v3 =	vperm.xlane v3, v2  }
0x1f: {  	[tilespmem:s23], [sflag:$0x1] =	stream.indirect_vreg.gather [hbm4b:s7+s0], $0x80, v4, vm0, $0xb8;
	[tilespmem:$0x18400] =	vst v63  }
0x20: {  	s24 =	simm.s32 $0x1400;
	v3 =	vadd.s32 v1, v3  }
0x21: {  	[tilespmem:s24], [sflag:$0x1] =	stream.indirect_vreg.gather [hbm4b:s8+s0], $0x80, v4, vm0, $0xb8;
	[tilespmem:$0x18400] =	vst v63  }
0x22: {  	s25 =	simm.s32 $0x1C00  }
0x23: {  	[tilespmem:s25], [sflag:$0x1] =	stream.indirect_vreg.gather [hbm4b:s9+s0], $0x80, v4, vm0, $0xb8;
	[tilespmem:$0x18400] =	vst v63  }
0x24: {  	s26 =	simm.s32 $0x2400  }
0x25: {  	[tilespmem:s26], [sflag:$0x1] =	stream.indirect_vreg.gather [hbm4b:s1+s0], $0x80, v3, vm0, $0xb8;
	[tilespmem:$0x18400] =	vst v63  }
0x26: {  	s28 =	simm.s32 $0x2C00  }
0x27: {  	[tilespmem:s28], [sflag:$0x1] =	stream.indirect_vreg.gather [hbm4b:s7+s0], $0x80, v3, vm0, $0xb8;
	[tilespmem:$0x18400] =	vst v63  }
0x28: {  	s29 =	simm.s32 $0x3400  }
0x29: {  	[tilespmem:s29], [sflag:$0x1] =	stream.indirect_vreg.gather [hbm4b:s8+s0], $0x80, v3, vm0, $0xb8;
	[tilespmem:$0x18400] =	vst v63  }
0x2a: {  	s30 =	simm.s32 $0x3C00  }
0x2b: {  	[tilespmem:s30], [sflag:$0x1] =	stream.indirect_vreg.gather [hbm4b:s9+s0], $0x80, v3, vm0, $0xb8;
	[tilespmem:$0x18400] =	vst v63  }
0x2c: {  	v3 =	vld [tilespmem:$0x10];
	_ =	sdelay $0x4  }
0x2d: {  	v62 =	vshll.u32 v3, $0x3  }
0x2e: {  	v3 =	vand.u32 $0x7, v3;
	v4 =	vand.u32 $0xFFFFFFC0, v62  }
0x2f: {  	v3 =	vor.u32 v3, v4  }
0x30: {  	v4 =	vperm.xlane v3, v0;
	_ =	sdelay $0x1  }
0x31: {  	v4 =	vadd.s32 v1, v4;
	_ =	sdelay $0x3  }
0x32: {  	s31 =	simm.s32 $0x4400  }
0x33: {  	[tilespmem:s31], [sflag:$0x2] =	stream.indirect_vreg.gather [hbm4b:s1+s0], $0x80, v4, vm0, $0xb8;
	[tilespmem:$0x18400] =	vst v63  }
0x34: {  	s4 =	simm.s32 $0x4C00;
	v3 =	vperm.xlane v3, v2  }
0x35: {  	[tilespmem:s4], [sflag:$0x2] =	stream.indirect_vreg.gather [hbm4b:s7+s0], $0x80, v4, vm0, $0xb8;
	[tilespmem:$0x18400] =	vst v63  }
0x36: {  	s5 =	simm.s32 $0x5400;
	v3 =	vadd.s32 v1, v3  }
0x37: {  	[tilespmem:s5], [sflag:$0x2] =	stream.indirect_vreg.gather [hbm4b:s8+s0], $0x80, v4, vm0, $0xb8;
	[tilespmem:$0x18400] =	vst v63  }
0x38: {  	s6 =	simm.s32 $0x5C00  }
0x39: {  	[tilespmem:s6], [sflag:$0x2] =	stream.indirect_vreg.gather [hbm4b:s9+s0], $0x80, v4, vm0, $0xb8;
	[tilespmem:$0x18400] =	vst v63  }
0x3a: {  	s13 =	simm.s32 $0x6400  }
0x3b: {  	[tilespmem:s13], [sflag:$0x2] =	stream.indirect_vreg.gather [hbm4b:s1+s0], $0x80, v3, vm0, $0xb8;
	[tilespmem:$0x18400] =	vst v63  }
0x3c: {  	s15 =	simm.s32 $0x6C00  }
0x3d: {  	[tilespmem:s15], [sflag:$0x2] =	stream.indirect_vreg.gather [hbm4b:s7+s0], $0x80, v3, vm0, $0xb8;
	[tilespmem:$0x18400] =	vst v63  }
0x3e: {  	s16 =	simm.s32 $0x7400  }
0x3f: {  	[tilespmem:s16], [sflag:$0x2] =	stream.indirect_vreg.gather [hbm4b:s8+s0], $0x80, v3, vm0, $0xb8;
	[tilespmem:$0x18400] =	vst v63  }
0x40: {  	s17 =	simm.s32 $0x7C00  }
0x41: {  	[tilespmem:s17], [sflag:$0x2] =	stream.indirect_vreg.gather [hbm4b:s9+s0], $0x80, v3, vm0, $0xb8;
	[tilespmem:$0x18400] =	vst v63  }
0x42: {  	v3 =	vld [tilespmem:$0x20];
	_ =	sdelay $0x4  }
0x43: {  	v63 =	vshll.u32 v3, $0x3  }
0x44: {  	v3 =	vand.u32 $0x7, v3;
	v4 =	vand.u32 $0xFFFFFFC0, v63  }
0x45: {  	v3 =	vor.u32 v3, v4  }
0x46: {  	v4 =	vperm.xlane v3, v0;
	_ =	sdelay $0x1  }
0x47: {  	v4 =	vadd.s32 v1, v4;
	_ =	sdelay $0x3  }
0x48: {  	s23 =	simm.s32 $0x8400  }
0x49: {  	[tilespmem:s23], [sflag:$0x3] =	stream.indirect_vreg.gather [hbm4b:s1+s0], $0x80, v4, vm0, $0xb8;
	[tilespmem:$0x18400] =	vst v63  }
0x4a: {  	s24 =	simm.s32 $0x8C00;
	v3 =	vperm.xlane v3, v2  }
0x4b: {  	[tilespmem:s24], [sflag:$0x3] =	stream.indirect_vreg.gather [hbm4b:s7+s0], $0x80, v4, vm0, $0xb8;
	[tilespmem:$0x18400] =	vst v63  }
0x4c: {  	s25 =	simm.s32 $0x9400;
	v3 =	vadd.s32 v1, v3  }
0x4d: {  	[tilespmem:s25], [sflag:$0x3] =	stream.indirect_vreg.gather [hbm4b:s8+s0], $0x80, v4, vm0, $0xb8;
	[tilespmem:$0x18400] =	vst v63  }
0x4e: {  	s26 =	simm.s32 $0x9C00  }
0x4f: {  	[tilespmem:s26], [sflag:$0x3] =	stream.indirect_vreg.gather [hbm4b:s9+s0], $0x80, v4, vm0, $0xb8;
	[tilespmem:$0x18400] =	vst v63  }
0x50: {  	s28 =	simm.s32 $0xA400  }
0x51: {  	[tilespmem:s28], [sflag:$0x3] =	stream.indirect_vreg.gather [hbm4b:s1+s0], $0x80, v3, vm0, $0xb8;
	[tilespmem:$0x18400] =	vst v63  }
0x52: {  	s29 =	simm.s32 $0xAC00  }
0x53: {  	[tilespmem:s29], [sflag:$0x3] =	stream.indirect_vreg.gather [hbm4b:s7+s0], $0x80, v3, vm0, $0xb8;
	[tilespmem:$0x18400] =	vst v63  }
0x54: {  	s30 =	simm.s32 $0xB400  }
0x55: {  	[tilespmem:s30], [sflag:$0x3] =	stream.indirect_vreg.gather [hbm4b:s8+s0], $0x80, v3, vm0, $0xb8;
	[tilespmem:$0x18400] =	vst v63  }
0x56: {  	s31 =	simm.s32 $0xBC00;
	s13 =	simm.s32 $0x0  }
0x57: {  	[tilespmem:s31], [sflag:$0x3] =	stream.indirect_vreg.gather [hbm4b:s9+s0], $0x80, v3, vm0, $0xb8;
	[tilespmem:$0x18400] =	vst v63  }
.LBB2_2:
0x58: {  	s6 =	sshllo.u32 s13, $0x2  }
0x59: {  	s0 =	sshll.u32 s6, $0x4  }
0x5a: {  	s0 =	sand.u32 $0x3FFFFFF0, s0  }
0x5b: {  	v3 =	vld [tilespmem:s0+$0x0];
	_ =	sdelay $0x4  }
0x5c: {  	v4 =	vshll.u32 v3, $0x3  }
0x5d: {  	v3 =	vand.u32 $0x7, v3;
	v4 =	vand.u32 $0xFFFFFFC0, v4  }
0x5e: {  	v3 =	vor.u32 v3, v4  }
0x5f: {  	v4 =	vperm.xlane v3, v0;
	_ =	sdelay $0x1  }
0x60: {  	v4 =	vadd.s32 v1, v4;
	_ =	sdelay $0x3  }
0x61: {  	s2 =	simm.s32 $0x0  }
0x62: {  	[tilespmem:s3], [sflag:$0x4] =	stream.indirect_vreg.gather [hbm4b:s1+s2], $0x80, v4, vm0, $0xb8;
	[tilespmem:$0x18400] =	vst v63  }
0x63: {  	s29 =	simm.s32 $0xCC00;
	v3 =	vperm.xlane v3, v2  }
0x64: {  	[tilespmem:s29], [sflag:$0x4] =	stream.indirect_vreg.gather [hbm4b:s7+s2], $0x80, v4, vm0, $0xb8;
	[tilespmem:$0x18400] =	vst v63  }
0x65: {  	s30 =	simm.s32 $0xD400;
	v3 =	vadd.s32 v1, v3  }
0x66: {  	[tilespmem:s30], [sflag:$0x4] =	stream.indirect_vreg.gather [hbm4b:s8+s2], $0x80, v4, vm0, $0xb8;
	[tilespmem:$0x18400] =	vst v63  }
0x67: {  	s31 =	simm.s32 $0xDC00  }
0x68: {  	[tilespmem:s31], [sflag:$0x4] =	stream.indirect_vreg.gather [hbm4b:s9+s2], $0x80, v4, vm0, $0xb8;
	[tilespmem:$0x18400] =	vst v63  }
0x69: {  	s3 =	simm.s32 $0xE400  }
0x6a: {  	[tilespmem:s3], [sflag:$0x4] =	stream.indirect_vreg.gather [hbm4b:s1+s2], $0x80, v3, vm0, $0xb8;
	[tilespmem:$0x18400] =	vst v63  }
0x6b: {  	s4 =	simm.s32 $0xEC00  }
0x6c: {  	[tilespmem:s4], [sflag:$0x4] =	stream.indirect_vreg.gather [hbm4b:s7+s2], $0x80, v3, vm0, $0xb8;
	[tilespmem:$0x18400] =	vst v63  }
0x6d: {  	s5 =	simm.s32 $0xF400  }
0x6e: {  	[tilespmem:s5], [sflag:$0x4] =	stream.indirect_vreg.gather [hbm4b:s8+s2], $0x80, v3, vm0, $0xb8;
	[tilespmem:$0x18400] =	vst v63  }
0x6f: {  	s15 =	simm.s32 $0xFC00;
	s4 =	simm.s32 $0x1  }
0x70: {  	[tilespmem:s15], [sflag:$0x4] =	stream.indirect_vreg.gather [hbm4b:s9+s2], $0x80, v3, vm0, $0xb8;
	[tilespmem:$0x18400] =	vst v63  }
0x71: {  	s16 =	simm.s32 $0x0;
	_ =	swait.ge [sflag:s4], $0x4000  }
0x72: {  	s17 =	sand.u32 $0x380, s2;
	s0 =	sand.u32 $0x2000, s16;
	[sflag:s4] =	ssyncset.done $0x0  }
0x73: {  	s15 =	sor.u32 s17, s0;
	[sflag:s4] =	ssyncadd.s32 $0xFFFFC000  }
0x74: {  	v3 =	vld [tilespmem:s15+$0x400]  }
0x75: {  	v4 =	vld [tilespmem:s15+$0x410]  }
0x76: {  	v5 =	vld [tilespmem:s15+$0x420]  }
0x77: {  	v6 =	vld [tilespmem:s15+$0x430]  }
0x78: {  	v7 =	vld [tilespmem:s15+$0x450]  }
0x79: {  	v8 =	vld [tilespmem:s15+$0x460]  }
0x7a: {  	v9 =	vld [tilespmem:s15+$0x470];
	v3 =	vmul.f32 $3.200000000e+01, v3  }
0x7b: {  	v10 =	vld [tilespmem:s15+$0x800];
	v4 =	vmul.f32 $3.200000000e+01, v4  }
0x7c: {  	s23 =	simm.s32 $0x80;
	s24 =	simm.s32 $0x400;
	v11 =	vld [tilespmem:s15+$0x810];
	[tilespmem:s15+$0x400] =	vst v3;
	v3 =	vmul.f32 $3.200000000e+01, v5  }
0x7d: {  	s3 =	sand.u32 $0x2000, s24;
	s0 =	sand.u32 $0x380, s23;
	v12 =	vld [tilespmem:s15+$0x820];
	[tilespmem:s15+$0x410] =	vst v4;
	v4 =	vmul.f32 $3.200000000e+01, v6  }
0x7e: {  	s3 =	sor.u32 s0, s3;
	v13 =	vld [tilespmem:s15+$0x830];
	[tilespmem:s15+$0x420] =	vst v3;
	v3 =	vmul.f32 $3.200000000e+01, v7  }
0x7f: {  	v59 =	vld [tilespmem:s3+$0x460];
	[tilespmem:s15+$0x430] =	vst v4;
	v4 =	vmul.f32 $3.200000000e+01, v8  }
0x80: {  	v51 =	vld [tilespmem:s15+$0xC50];
	[tilespmem:s15+$0x450] =	vst v3;
	v3 =	vmul.f32 $3.200000000e+01, v9  }
0x81: {  	v5 =	vld [tilespmem:s15+$0x850];
	[tilespmem:s15+$0x460] =	vst v4;
	v4 =	vmul.f32 $3.200000000e+01, v10  }
0x82: {  	v60 =	vld [tilespmem:s3+$0x470];
	[tilespmem:s15+$0x470] =	vst v3;
	v3 =	vmul.f32 $3.200000000e+01, v11  }
0x83: {  	v6 =	vld [tilespmem:s15+$0x860];
	[tilespmem:s15+$0x800] =	vst v4;
	v4 =	vmul.f32 $3.200000000e+01, v12  }
0x84: {  	v7 =	vld [tilespmem:s15+$0x870];
	v12 =	vmul.f32 $3.200000000e+01, v59;
	[tilespmem:s15+$0x810] =	vst v3  }
0x85: {  	v8 =	vld [tilespmem:s15+$0xC00];
	v3 =	vmul.f32 $3.200000000e+01, v13;
	[tilespmem:s15+$0x820] =	vst v4  }
0x86: {  	v9 =	vld [tilespmem:s15+$0xC10];
	v4 =	vmul.f32 $3.200000000e+01, v5;
	[tilespmem:s3+$0x460] =	vst v12  }
0x87: {  	v10 =	vld [tilespmem:s15+$0xC20];
	v13 =	vmul.f32 $3.200000000e+01, v60;
	[tilespmem:s15+$0x830] =	vst v3  }
0x88: {  	v11 =	vld [tilespmem:s15+$0xC30];
	v3 =	vmul.f32 $3.200000000e+01, v6;
	[tilespmem:s15+$0x850] =	vst v4  }
0x89: {  	v52 =	vld [tilespmem:s15+$0xC60];
	v4 =	vmul.f32 $3.200000000e+01, v7;
	[tilespmem:s3+$0x470] =	vst v13  }
0x8a: {  	v53 =	vld [tilespmem:s15+$0x1070];
	[tilespmem:s15+$0x860] =	vst v3;
	v3 =	vmul.f32 $3.200000000e+01, v8  }
0x8b: {  	v5 =	vld [tilespmem:s15+$0xC70];
	[tilespmem:s15+$0x870] =	vst v4;
	v4 =	vmul.f32 $3.200000000e+01, v9  }
0x8c: {  	v6 =	vld [tilespmem:s15+$0x1000];
	[tilespmem:s15+$0xC00] =	vst v3;
	v3 =	vmul.f32 $3.200000000e+01, v10  }
0x8d: {  	v7 =	vld [tilespmem:s15+$0x1010];
	[tilespmem:s15+$0xC10] =	vst v4;
	v4 =	vmul.f32 $3.200000000e+01, v11  }
0x8e: {  	v8 =	vld [tilespmem:s15+$0x1020];
	[tilespmem:s15+$0xC20] =	vst v3;
	v3 =	vmul.f32 $3.200000000e+01, v51  }
0x8f: {  	v9 =	vld [tilespmem:s15+$0x1030];
	[tilespmem:s15+$0xC30] =	vst v4;
	v4 =	vmul.f32 $3.200000000e+01, v52  }
0x90: {  	v10 =	vld [tilespmem:s15+$0x1050];
	[tilespmem:s15+$0xC50] =	vst v3;
	v3 =	vmul.f32 $3.200000000e+01, v5  }
0x91: {  	v11 =	vld [tilespmem:s15+$0x1060];
	[tilespmem:s15+$0xC60] =	vst v4;
	v4 =	vmul.f32 $3.200000000e+01, v6  }
0x92: {  	v54 =	vld [tilespmem:s15+$0x1400];
	[tilespmem:s15+$0xC70] =	vst v3;
	v3 =	vmul.f32 $3.200000000e+01, v7  }
0x93: {  	v55 =	vld [tilespmem:s15+$0x1810];
	[tilespmem:s15+$0x1000] =	vst v4;
	v4 =	vmul.f32 $3.200000000e+01, v8  }
0x94: {  	v5 =	vld [tilespmem:s15+$0x1410];
	[tilespmem:s15+$0x1010] =	vst v3;
	v3 =	vmul.f32 $3.200000000e+01, v9  }
0x95: {  	v6 =	vld [tilespmem:s15+$0x1420];
	[tilespmem:s15+$0x1020] =	vst v4;
	v4 =	vmul.f32 $3.200000000e+01, v10  }
0x96: {  	v7 =	vld [tilespmem:s15+$0x1430];
	[tilespmem:s15+$0x1030] =	vst v3;
	v3 =	vmul.f32 $3.200000000e+01, v11  }
0x97: {  	v8 =	vld [tilespmem:s15+$0x1450];
	[tilespmem:s15+$0x1050] =	vst v4;
	v4 =	vmul.f32 $3.200000000e+01, v53  }
0x98: {  	v9 =	vld [tilespmem:s15+$0x1460];
	[tilespmem:s15+$0x1060] =	vst v3;
	v3 =	vmul.f32 $3.200000000e+01, v54  }
0x99: {  	v10 =	vld [tilespmem:s15+$0x1470];
	[tilespmem:s15+$0x1070] =	vst v4;
	v4 =	vmul.f32 $3.200000000e+01, v5  }
0x9a: {  	v11 =	vld [tilespmem:s15+$0x1800];
	[tilespmem:s15+$0x1400] =	vst v3;
	v3 =	vmul.f32 $3.200000000e+01, v6  }
0x9b: {  	v56 =	vld [tilespmem:s15+$0x1820];
	[tilespmem:s15+$0x1410] =	vst v4;
	v4 =	vmul.f32 $3.200000000e+01, v7  }
0x9c: {  	v57 =	vld [tilespmem:s3+$0x400];
	[tilespmem:s15+$0x1420] =	vst v3;
	v3 =	vmul.f32 $3.200000000e+01, v8  }
0x9d: {  	v8 =	vld [tilespmem:s15+$0x1870];
	[tilespmem:s15+$0x1430] =	vst v4;
	v4 =	vmul.f32 $3.200000000e+01, v9  }
0x9e: {  	v5 =	vld [tilespmem:s15+$0x1830];
	[tilespmem:s15+$0x1450] =	vst v3;
	v3 =	vmul.f32 $3.200000000e+01, v10  }
0x9f: {  	v6 =	vld [tilespmem:s15+$0x1850];
	[tilespmem:s15+$0x1460] =	vst v4;
	v4 =	vmul.f32 $3.200000000e+01, v11  }
0xa0: {  	v9 =	vld [tilespmem:s15+$0x1C00];
	[tilespmem:s15+$0x1470] =	vst v3;
	v3 =	vmul.f32 $3.200000000e+01, v55  }
0xa1: {  	v10 =	vld [tilespmem:s15+$0x1C10];
	[tilespmem:s15+$0x1800] =	vst v4;
	v4 =	vmul.f32 $3.200000000e+01, v56  }
0xa2: {  	v11 =	vld [tilespmem:s15+$0x1C20];
	v8 =	vmul.f32 $3.200000000e+01, v8;
	[tilespmem:s15+$0x1810] =	vst v3  }
0xa3: {  	v7 =	vld [tilespmem:s15+$0x1860];
	v3 =	vmul.f32 $3.200000000e+01, v5;
	[tilespmem:s15+$0x1820] =	vst v4  }
0xa4: {  	v58 =	vld [tilespmem:s3+$0x410];
	v4 =	vmul.f32 $3.200000000e+01, v6;
	[tilespmem:s15+$0x1870] =	vst v8  }
0xa5: {  	v61 =	vld [tilespmem:s15+$0x840];
	v8 =	vmul.f32 $3.200000000e+01, v9;
	[tilespmem:s15+$0x1830] =	vst v3  }
0xa6: {  	v5 =	vld [tilespmem:s3+$0x420];
	v10 =	vmul.f32 $3.200000000e+01, v10;
	[tilespmem:s15+$0x1850] =	vst v4  }
0xa7: {  	v6 =	vld [tilespmem:s3+$0x430];
	v11 =	vmul.f32 $3.200000000e+01, v11;
	[tilespmem:s15+$0x1C00] =	vst v8  }
0xa8: {  	v3 =	vmul.f32 $3.200000000e+01, v7;
	v7 =	vld [tilespmem:s3+$0x450];
	[tilespmem:s15+$0x1C10] =	vst v10  }
0xa9: {  	v4 =	vmul.f32 $3.200000000e+01, v57;
	v10 =	vld [tilespmem:s3+$0x820];
	[tilespmem:s15+$0x1C20] =	vst v11  }
0xaa: {  	v11 =	vld [tilespmem:s3+$0x830];
	[tilespmem:s15+$0x1860] =	vst v3;
	v3 =	vmul.f32 $3.200000000e+01, v58  }
0xab: {  	[tilespmem:s3+$0x400] =	vst v4;
	v4 =	vld [tilespmem:s15+$0x1C30];
	v5 =	vmul.f32 $3.200000000e+01, v5  }
0xac: {  	v6 =	vmul.f32 $3.200000000e+01, v6;
	[tilespmem:s3+$0x410] =	vst v3;
	v3 =	vld [tilespmem:s15+$0x1C50]  }
0xad: {  	[tilespmem:s3+$0x420] =	vst v5;
	v5 =	vld [tilespmem:s15+$0x1C60];
	v7 =	vmul.f32 $3.200000000e+01, v7  }
0xae: {  	[tilespmem:s3+$0x430] =	vst v6;
	v6 =	vld [tilespmem:s15+$0x1C70];
	v10 =	vmul.f32 $3.200000000e+01, v10  }
0xaf: {  	v9 =	vld [tilespmem:s3+$0x800];
	v11 =	vmul.f32 $3.200000000e+01, v11;
	[tilespmem:s3+$0x450] =	vst v7  }
0xb0: {  	v8 =	vld [tilespmem:s3+$0x810];
	v4 =	vmul.f32 $3.200000000e+01, v4;
	[tilespmem:s3+$0x820] =	vst v10  }
0xb1: {  	v7 =	vld [tilespmem:s15+$0x440];
	[tilespmem:s3+$0x830] =	vst v11;
	v3 =	vmul.f32 $3.200000000e+01, v3  }
0xb2: {  	[tilespmem:s15+$0x1C30] =	vst v4;
	v4 =	vld [tilespmem:s3+$0x850];
	v5 =	vmul.f32 $3.200000000e+01, v5  }
0xb3: {  	v62 =	vld [tilespmem:s15+$0xC40];
	v6 =	vmul.f32 $3.200000000e+01, v6;
	[tilespmem:s15+$0x1C50] =	vst v3  }
0xb4: {  	v3 =	vmul.f32 $3.200000000e+01, v9;
	v9 =	vld [tilespmem:s3+$0x860];
	[tilespmem:s15+$0x1C60] =	vst v5  }
0xb5: {  	v10 =	vld [tilespmem:s15+$0x1840];
	v5 =	vmul.f32 $3.200000000e+01, v8;
	[tilespmem:s15+$0x1C70] =	vst v6  }
0xb6: {  	s25 =	sand.u32 $0x7, s2;
	v8 =	vld [tilespmem:s3+$0x870];
	v7 =	vmul.f32 $3.200000000e+01, v7;
	[tilespmem:s3+$0x800] =	vst v3  }
0xb7: {  	s0 =	sshll.u32 s25, $0x7;
	v3 =	vld [tilespmem:s15+$0x1040];
	[tilespmem:s3+$0x810] =	vst v5;
	v4 =	vmul.f32 $3.200000000e+01, v4  }
0xb8: {  	s4 =	sadd.s32 $0x0, s0;
	v12 =	vmul.f32 $3.200000000e+01, v61;
	v5 =	vld [tilespmem:s15+$0x1440];
	[tilespmem:s15+$0x440] =	vst v7  }
0xb9: {  	s0 =	sor.u32 $0x1C00, s4;
	v7 =	vld [tilespmem:s3+$0xC10];
	[tilespmem:s3+$0x850] =	vst v4;
	v4 =	vmul.f32 $3.200000000e+01, v9  }
0xba: {  	v13 =	vmul.f32 $3.200000000e+01, v62;
	v11 =	vld [tilespmem:s0+$0x400];
	[tilespmem:s15+$0x840] =	vst v12  }
0xbb: {  	v8 =	vmul.f32 $3.200000000e+01, v8;
	[tilespmem:s3+$0x860] =	vst v4;
	v4 =	vld [tilespmem:s15+$0x1C40]  }
0xbc: {  	[tilespmem:s15+$0xC40] =	vst v13;
	v3 =	vmul.f32 $3.200000000e+01, v3  }
0xbd: {  	v5 =	vmul.f32 $3.200000000e+01, v5;
	[tilespmem:s3+$0x870] =	vst v8  }
0xbe: {  	v8 =	vmul.f32 $3.200000000e+01, v10;
	[tilespmem:s15+$0x1040] =	vst v3  }
0xbf: {  	v7 =	vmul.f32 $3.200000000e+01, v7;
	[tilespmem:s15+$0x1440] =	vst v5  }
0xc0: {  	[tilespmem:s15+$0x1840] =	vst v8;
	v4 =	vmul.f32 $3.200000000e+01, v4  }
0xc1: {  	v6 =	vld [tilespmem:s3+$0xC00];
	[tilespmem:s3+$0xC10] =	vst v7;
	v7 =	vmul.f32 $3.200000000e+01, v11  }
0xc2: {  	[tilespmem:s15+$0x1C40] =	vst v4  }
0xc3: {  	s26 =	sor.u32 $0x1C10, s4;
	v3 =	vld [tilespmem:s3+$0xC50];
	[tilespmem:s0+$0x400] =	vst v7  }
0xc4: {  	v7 =	vld [tilespmem:s26+$0x400]  }
0xc5: {  	v4 =	vld [tilespmem:s3+$0x1000]  }
0xc6: {  	v5 =	vmul.f32 $3.200000000e+01, v6;
	v6 =	vld [tilespmem:s3+$0xC60];
	_ =	sdelay $0x1  }
0xc7: {  	v3 =	vmul.f32 $3.200000000e+01, v3  }
0xc8: {  	v7 =	vmul.f32 $3.200000000e+01, v7  }
0xc9: {  	[tilespmem:s3+$0xC50] =	vst v3;
	v3 =	vld [tilespmem:s3+$0x1030];
	v4 =	vmul.f32 $3.200000000e+01, v4  }
0xca: {  	v63 =	vld [tilespmem:s3+$0xC20];
	s28 =	sor.u32 $0x1C20, s4;
	v6 =	vmul.f32 $3.200000000e+01, v6;
	[tilespmem:s26+$0x400] =	vst v7  }
0xcb: {  	[tilespmem:s3+$0x1000] =	vst v4;
	v4 =	vld [tilespmem:s28+$0x400]  }
0xcc: {  	[tilespmem:s3+$0xC60] =	vst v6;
	v6 =	vld [tilespmem:s3+$0x1050];
	_ =	sdelay $0x1  }
0xcd: {  	v3 =	vmul.f32 $3.200000000e+01, v3  }
0xce: {  	[tilespmem:s3+$0xC00] =	vst v5;
	v5 =	vmul.f32 $3.200000000e+01, v63  }
0xcf: {  	v9 =	vld [tilespmem:s3+$0xC30];
	[tilespmem:s3+$0x1030] =	vst v3;
	v3 =	vmul.f32 $3.200000000e+01, v4  }
0xd0: {  	v8 =	vld [tilespmem:s3+$0xC70];
	[tilespmem:s3+$0xC20] =	vst v5;
	v6 =	vmul.f32 $3.200000000e+01, v6  }
0xd1: {  	s29 =	sor.u32 $0x1C30, s4;
	v5 =	vld [tilespmem:s3+$0x1010];
	[tilespmem:s28+$0x400] =	vst v3  }
0xd2: {  	[tilespmem:s3+$0x1050] =	vst v6;
	v6 =	vld [tilespmem:s29+$0x400];
	_ =	sdelay $0x1  }
0xd3: {  	v9 =	vmul.f32 $3.200000000e+01, v9;
	v7 =	vld [tilespmem:s3+$0x1070]  }
0xd4: {  	v8 =	vmul.f32 $3.200000000e+01, v8  }
0xd5: {  	[tilespmem:s3+$0xC30] =	vst v9;
	v5 =	vmul.f32 $3.200000000e+01, v5  }
0xd6: {  	v9 =	vld [tilespmem:s3+$0x1020];
	[tilespmem:s3+$0xC70] =	vst v8;
	v6 =	vmul.f32 $3.200000000e+01, v6  }
0xd7: {  	v8 =	vld [tilespmem:s3+$0x1060];
	[tilespmem:s3+$0x1010] =	vst v5  }
0xd8: {  	s30 =	sor.u32 $0x1C40, s4;
	v5 =	vld [tilespmem:s3+$0x1400];
	v7 =	vmul.f32 $3.200000000e+01, v7;
	[tilespmem:s29+$0x400] =	vst v6  }
0xd9: {  	v6 =	vld [tilespmem:s30+$0x400]  }
0xda: {  	[tilespmem:s3+$0x1070] =	vst v7;
	v7 =	vld [tilespmem:s3+$0x1460]  }
0xdb: {  	v9 =	vmul.f32 $3.200000000e+01, v9;
	v3 =	vld [tilespmem:s3+$0x1430]  }
0xdc: {  	v8 =	vmul.f32 $3.200000000e+01, v8;
	v4 =	vld [tilespmem:s3+$0x1420]  }
0xdd: {  	[tilespmem:s3+$0x1020] =	vst v9;
	v9 =	vld [tilespmem:s3+$0x1410];
	v5 =	vmul.f32 $3.200000000e+01, v5  }
0xde: {  	[tilespmem:s3+$0x1060] =	vst v8;
	v8 =	vld [tilespmem:s3+$0x1450];
	v6 =	vmul.f32 $3.200000000e+01, v6  }
0xdf: {  	[tilespmem:s3+$0x1400] =	vst v5;
	v5 =	vld [tilespmem:s3+$0x1800];
	v7 =	vmul.f32 $3.200000000e+01, v7  }
0xe0: {  	s31 =	sor.u32 $0x1C50, s4;
	v10 =	vld [tilespmem:s3+$0x1470];
	v3 =	vmul.f32 $3.200000000e+01, v3;
	[tilespmem:s30+$0x400] =	vst v6  }
0xe1: {  	v4 =	vmul.f32 $3.200000000e+01, v4;
	[tilespmem:s3+$0x1460] =	vst v7;
	v7 =	vld [tilespmem:s31+$0x400]  }
0xe2: {  	v9 =	vmul.f32 $3.200000000e+01, v9;
	[tilespmem:s3+$0x1430] =	vst v3;
	v3 =	vld [tilespmem:s3+$0x1820]  }
0xe3: {  	v8 =	vmul.f32 $3.200000000e+01, v8;
	[tilespmem:s3+$0x1420] =	vst v4;
	v4 =	vld [tilespmem:s3+$0x1810]  }
0xe4: {  	[tilespmem:s3+$0x1410] =	vst v9;
	v5 =	vmul.f32 $3.200000000e+01, v5  }
0xe5: {  	v9 =	vmul.f32 $3.200000000e+01, v10;
	[tilespmem:s3+$0x1450] =	vst v8;
	v8 =	vld [tilespmem:s3+$0x1830]  }
0xe6: {  	[tilespmem:s3+$0x1800] =	vst v5;
	v6 =	vld [tilespmem:s3+$0x1850];
	v5 =	vmul.f32 $3.200000000e+01, v7  }
0xe7: {  	[tilespmem:s3+$0x1470] =	vst v9;
	v9 =	vld [tilespmem:s3+$0x1860];
	v3 =	vmul.f32 $3.200000000e+01, v3  }
0xe8: {  	s23 =	sor.u32 $0x1C60, s4;
	v10 =	vld [tilespmem:s3+$0x1870];
	v4 =	vmul.f32 $3.200000000e+01, v4;
	[tilespmem:s31+$0x400] =	vst v5  }
0xe9: {  	[tilespmem:s3+$0x1820] =	vst v3;
	v3 =	vld [tilespmem:s23+$0x400]  }
0xea: {  	[tilespmem:s3+$0x1810] =	vst v4;
	v4 =	vld [tilespmem:s3+$0x1C00];
	v7 =	vmul.f32 $3.200000000e+01, v8  }
0xeb: {  	v8 =	vld [tilespmem:s3+$0x1C10];
	v5 =	vmul.f32 $3.200000000e+01, v6  }
0xec: {  	[tilespmem:s3+$0x1830] =	vst v7;
	v7 =	vld [tilespmem:s3+$0x1C20];
	v6 =	vmul.f32 $3.200000000e+01, v9  }
0xed: {  	v9 =	vmul.f32 $3.200000000e+01, v10;
	[tilespmem:s3+$0x1850] =	vst v5;
	v5 =	vld [tilespmem:s3+$0x1C30]  }
0xee: {  	s16 =	simm.s32 $0xFFFFC400;
	s25 =	simm.s32 $0x0;
	s15 =	simm.s32 $0x100;
	[tilespmem:s3+$0x1860] =	vst v6;
	v6 =	vld [tilespmem:s3+$0x1C50];
	v3 =	vmul.f32 $3.200000000e+01, v3  }
.LBB2_3:
0xef: {  	p0 =	sne.s32 s15, $0x780;
	[tilespmem:s3+$0x1870] =	vst v9;
	v4 =	vmul.f32 $3.200000000e+01, v4;
	v9 =	vld [tilespmem:s3+$0x1C60]  }
0xf0: {  	s0 =	sor.u32 $0x1C70, s4;
	v8 =	vmul.f32 $3.200000000e+01, v8;
	v10 =	vld [tilespmem:s3+$0x1C70];
	[tilespmem:s23+$0x400] =	vst v3  }
0xf1: {  	[tilespmem:s3+$0x1C00] =	vst v4;
	v3 =	vmul.f32 $3.200000000e+01, v7;
	v4 =	vld [tilespmem:s0+$0x400]  }
0xf2: {  	v7 =	vld [tilespmem:s3+$0x440];
	[tilespmem:s3+$0x1C10] =	vst v8;
	v5 =	vmul.f32 $3.200000000e+01, v5  }
0xf3: {  	v8 =	vld [tilespmem:s3+$0x840];
	[tilespmem:s3+$0x1C20] =	vst v3;
	v3 =	vmul.f32 $3.200000000e+01, v6  }
0xf4: {  	s2 =	sadd.s32 $0x1, s2;
	v6 =	vld [tilespmem:s3+$0xC40];
	[tilespmem:s3+$0x1C30] =	vst v5;
	v5 =	vmul.f32 $3.200000000e+01, v9  }
0xf5: {  	s4 =	sand.u32 $0x7, s2;
	v9 =	vld [tilespmem:s3+$0x1040];
	[tilespmem:s3+$0x1C50] =	vst v3;
	v3 =	vmul.f32 $3.200000000e+01, v10  }
0xf6: {  	s16 =	sadd.s32 $0x400, s16;
	s25 =	sadd.s32 $0x400, s25;
	s4 =	sshll.u32 s4, $0x7;
	v10 =	vld [tilespmem:s3+$0x1440];
	[tilespmem:s3+$0x1C60] =	vst v5;
	v4 =	vmul.f32 $3.200000000e+01, v4  }
0xf7: {  	s23 =	sadd.s32 $0x4000, s16;
	s4 =	sadd.s32 s4, s25;
	v5 =	vmul.f32 $3.200000000e+01, v7;
	v7 =	vld [tilespmem:s3+$0x1840];
	[tilespmem:s3+$0x1C70] =	vst v3  }
0xf8: {  	s26 =	sand.u32 $0x380, s15;
	s23 =	sand.u32 $0x2000, s23;
	s28 =	sor.u32 $0x1C00, s4;
	v3 =	vmul.f32 $3.200000000e+01, v8;
	v8 =	vld [tilespmem:s3+$0x1C40];
	[tilespmem:s0+$0x400] =	vst v4  }
0xf9: {  	s0 =	sor.u32 s26, s23;
	[tilespmem:s3+$0x440] =	vst v5;
	v4 =	vmul.f32 $3.200000000e+01, v6;
	v5 =	vld [tilespmem:s28+$0x400]  }
0xfa: {  	v6 =	vld [tilespmem:s0+$0x400];
	[tilespmem:s3+$0x840] =	vst v3;
	v3 =	vmul.f32 $3.200000000e+01, v9  }
0xfb: {  	v9 =	vld [tilespmem:s0+$0x410];
	[tilespmem:s3+$0xC40] =	vst v4;
	v4 =	vmul.f32 $3.200000000e+01, v10  }
0xfc: {  	v10 =	vld [tilespmem:s0+$0x420];
	[tilespmem:s3+$0x1040] =	vst v3;
	v3 =	vmul.f32 $3.200000000e+01, v7  }
0xfd: {  	v7 =	vld [tilespmem:s0+$0x430];
	[tilespmem:s3+$0x1440] =	vst v4;
	v4 =	vmul.f32 $3.200000000e+01, v8  }
0xfe: {  	v8 =	vld [tilespmem:s0+$0x450];
	[tilespmem:s3+$0x1840] =	vst v3;
	v3 =	vmul.f32 $3.200000000e+01, v5  }
0xff: {  	v5 =	vmul.f32 $3.200000000e+01, v6;
	v6 =	vld [tilespmem:s0+$0x460];
	[tilespmem:s3+$0x1C40] =	vst v4;
	s3 =	smov.u32 s0  }
0x100: {  	s0 =	sor.u32 $0x1C10, s4;
	v4 =	vmul.f32 $3.200000000e+01, v9;
	v9 =	vld [tilespmem:s3+$0x470];
	[tilespmem:s28+$0x400] =	vst v3  }
0x101: {  	[tilespmem:s3+$0x400] =	vst v5;
	v3 =	vmul.f32 $3.200000000e+01, v10;
	v5 =	vld [tilespmem:s0+$0x400]  }
0x102: {  	[tilespmem:s3+$0x410] =	vst v4;
	v4 =	vmul.f32 $3.200000000e+01, v7;
	v7 =	vld [tilespmem:s3+$0x800]  }
0x103: {  	[tilespmem:s3+$0x420] =	vst v3;
	v3 =	vmul.f32 $3.200000000e+01, v8;
	v8 =	vld [tilespmem:s3+$0x810]  }
0x104: {  	[tilespmem:s3+$0x430] =	vst v4;
	v4 =	vmul.f32 $3.200000000e+01, v6;
	v6 =	vld [tilespmem:s3+$0x820]  }
0x105: {  	[tilespmem:s3+$0x450] =	vst v3;
	v3 =	vmul.f32 $3.200000000e+01, v9;
	v9 =	vld [tilespmem:s3+$0x830]  }
0x106: {  	[tilespmem:s3+$0x460] =	vst v4;
	v4 =	vld [tilespmem:s3+$0x850];
	v5 =	vmul.f32 $3.200000000e+01, v5  }
0x107: {  	[tilespmem:s3+$0x470] =	vst v3;
	v3 =	vmul.f32 $3.200000000e+01, v7;
	v7 =	vld [tilespmem:s3+$0x860]  }
0x108: {  	v8 =	vmul.f32 $3.200000000e+01, v8;
	v10 =	vld [tilespmem:s3+$0x870];
	[tilespmem:s0+$0x400] =	vst v5;
	s0 =	sor.u32 $0x1C20, s4  }
0x109: {  	[tilespmem:s3+$0x800] =	vst v3;
	v3 =	vmul.f32 $3.200000000e+01, v6;
	v5 =	vld [tilespmem:s0+$0x400]  }
0x10a: {  	[tilespmem:s3+$0x810] =	vst v8;
	v6 =	vmul.f32 $3.200000000e+01, v9;
	v8 =	vld [tilespmem:s3+$0xC00]  }
0x10b: {  	[tilespmem:s3+$0x820] =	vst v3;
	v3 =	vmul.f32 $3.200000000e+01, v4;
	v4 =	vld [tilespmem:s3+$0xC10]  }
0x10c: {  	[tilespmem:s3+$0x830] =	vst v6;
	v6 =	vmul.f32 $3.200000000e+01, v7;
	v7 =	vld [tilespmem:s3+$0xC20]  }
0x10d: {  	[tilespmem:s3+$0x850] =	vst v3;
	v3 =	vmul.f32 $3.200000000e+01, v10;
	v9 =	vld [tilespmem:s3+$0xC30]  }
0x10e: {  	[tilespmem:s3+$0x860] =	vst v6;
	v6 =	vld [tilespmem:s3+$0xC50];
	v5 =	vmul.f32 $3.200000000e+01, v5  }
0x10f: {  	[tilespmem:s3+$0x870] =	vst v3;
	v3 =	vmul.f32 $3.200000000e+01, v8;
	v8 =	vld [tilespmem:s3+$0xC60]  }
0x110: {  	v4 =	vmul.f32 $3.200000000e+01, v4;
	v10 =	vld [tilespmem:s3+$0xC70];
	[tilespmem:s0+$0x400] =	vst v5;
	s0 =	sor.u32 $0x1C30, s4  }
0x111: {  	[tilespmem:s3+$0xC00] =	vst v3;
	v3 =	vmul.f32 $3.200000000e+01, v7;
	v5 =	vld [tilespmem:s0+$0x400]  }
0x112: {  	[tilespmem:s3+$0xC10] =	vst v4;
	v4 =	vmul.f32 $3.200000000e+01, v9;
	v7 =	vld [tilespmem:s3+$0x1000]  }
0x113: {  	[tilespmem:s3+$0xC20] =	vst v3;
	v3 =	vmul.f32 $3.200000000e+01, v6;
	v6 =	vld [tilespmem:s3+$0x1010]  }
0x114: {  	[tilespmem:s3+$0xC30] =	vst v4;
	v4 =	vmul.f32 $3.200000000e+01, v8;
	v8 =	vld [tilespmem:s3+$0x1020]  }
0x115: {  	[tilespmem:s3+$0xC50] =	vst v3;
	v3 =	vmul.f32 $3.200000000e+01, v10;
	v9 =	vld [tilespmem:s3+$0x1030]  }
0x116: {  	[tilespmem:s3+$0xC60] =	vst v4;
	v4 =	vld [tilespmem:s3+$0x1050];
	v5 =	vmul.f32 $3.200000000e+01, v5  }
0x117: {  	[tilespmem:s3+$0xC70] =	vst v3;
	v3 =	vmul.f32 $3.200000000e+01, v7;
	v7 =	vld [tilespmem:s3+$0x1060]  }
0x118: {  	v6 =	vmul.f32 $3.200000000e+01, v6;
	v10 =	vld [tilespmem:s3+$0x1070];
	[tilespmem:s0+$0x400] =	vst v5;
	s0 =	sor.u32 $0x1C40, s4  }
0x119: {  	[tilespmem:s3+$0x1000] =	vst v3;
	v3 =	vmul.f32 $3.200000000e+01, v8;
	v5 =	vld [tilespmem:s0+$0x400]  }
0x11a: {  	[tilespmem:s3+$0x1010] =	vst v6;
	v6 =	vmul.f32 $3.200000000e+01, v9;
	v8 =	vld [tilespmem:s3+$0x1400]  }
0x11b: {  	[tilespmem:s3+$0x1020] =	vst v3;
	v3 =	vmul.f32 $3.200000000e+01, v4;
	v4 =	vld [tilespmem:s3+$0x1410]  }
0x11c: {  	[tilespmem:s3+$0x1030] =	vst v6;
	v6 =	vmul.f32 $3.200000000e+01, v7;
	v7 =	vld [tilespmem:s3+$0x1420]  }
0x11d: {  	[tilespmem:s3+$0x1050] =	vst v3;
	v3 =	vmul.f32 $3.200000000e+01, v10;
	v9 =	vld [tilespmem:s3+$0x1430]  }
0x11e: {  	[tilespmem:s3+$0x1060] =	vst v6;
	v6 =	vld [tilespmem:s3+$0x1450];
	v5 =	vmul.f32 $3.200000000e+01, v5  }
0x11f: {  	[tilespmem:s3+$0x1070] =	vst v3;
	v3 =	vmul.f32 $3.200000000e+01, v8;
	v8 =	vld [tilespmem:s3+$0x1460]  }
0x120: {  	v4 =	vmul.f32 $3.200000000e+01, v4;
	v10 =	vld [tilespmem:s3+$0x1470];
	[tilespmem:s0+$0x400] =	vst v5;
	s0 =	sor.u32 $0x1C50, s4  }
0x121: {  	[tilespmem:s3+$0x1400] =	vst v3;
	v3 =	vmul.f32 $3.200000000e+01, v7;
	v5 =	vld [tilespmem:s0+$0x400]  }
0x122: {  	[tilespmem:s3+$0x1410] =	vst v4;
	v4 =	vmul.f32 $3.200000000e+01, v9;
	v7 =	vld [tilespmem:s3+$0x1800]  }
0x123: {  	[tilespmem:s3+$0x1420] =	vst v3;
	v3 =	vmul.f32 $3.200000000e+01, v6;
	v6 =	vld [tilespmem:s3+$0x1810]  }
0x124: {  	[tilespmem:s3+$0x1430] =	vst v4;
	v4 =	vmul.f32 $3.200000000e+01, v8;
	v8 =	vld [tilespmem:s3+$0x1820]  }
0x125: {  	[tilespmem:s3+$0x1450] =	vst v3;
	v3 =	vmul.f32 $3.200000000e+01, v10;
	v9 =	vld [tilespmem:s3+$0x1830]  }
0x126: {  	[tilespmem:s3+$0x1460] =	vst v4;
	v10 =	vld [tilespmem:s3+$0x1850];
	v4 =	vmul.f32 $3.200000000e+01, v5  }
0x127: {  	[tilespmem:s3+$0x1470] =	vst v3;
	v3 =	vmul.f32 $3.200000000e+01, v7;
	v5 =	vld [tilespmem:s3+$0x1860]  }
0x128: {  	s23 =	sor.u32 $0x1C60, s4;
	v6 =	vmul.f32 $3.200000000e+01, v6;
	v11 =	vld [tilespmem:s3+$0x1870];
	[tilespmem:s0+$0x400] =	vst v4  }
0x129: {  	[tilespmem:s3+$0x1800] =	vst v3;
	v3 =	vmul.f32 $3.200000000e+01, v8;
	v12 =	vld [tilespmem:s23+$0x400]  }
.Ltmp0:
0x12a: {  	[tilespmem:s3+$0x1810] =	vst v6;
	v6 =	vmul.f32 $3.200000000e+01, v9;
	v4 =	vld [tilespmem:s3+$0x1C00];
	(pc) =	sbr.rel @p0 .LBB2_3-.Ltmp0, $4  }
0x12b: {  	[tilespmem:s3+$0x1820] =	vst v3;
	v3 =	vmul.f32 $3.200000000e+01, v10;
	v8 =	vld [tilespmem:s3+$0x1C10]  }
0x12c: {  	[tilespmem:s3+$0x1830] =	vst v6;
	v6 =	vmul.f32 $3.200000000e+01, v5;
	v7 =	vld [tilespmem:s3+$0x1C20]  }
0x12d: {  	[tilespmem:s3+$0x1850] =	vst v3;
	v9 =	vmul.f32 $3.200000000e+01, v11;
	v5 =	vld [tilespmem:s3+$0x1C30]  }
0x12e: {  	s15 =	sadd.s32 $0x80, s15;
	[tilespmem:s3+$0x1860] =	vst v6;
	v6 =	vld [tilespmem:s3+$0x1C50];
	v3 =	vmul.f32 $3.200000000e+01, v12  }
0x12f: {  	[tilespmem:s3+$0x1870] =	vst v9;
	v4 =	vmul.f32 $3.200000000e+01, v4;
	v9 =	vld [tilespmem:s3+$0x1C60]  }
0x130: {  	v10 =	vld [tilespmem:s3+$0x1C70];
	v8 =	vmul.f32 $3.200000000e+01, v8  }
0x131: {  	[tilespmem:s3+$0x1C00] =	vst v4;
	v4 =	vld [tilespmem:s3+$0x440];
	v7 =	vmul.f32 $3.200000000e+01, v7  }
0x132: {  	[tilespmem:s3+$0x1C10] =	vst v8;
	v5 =	vmul.f32 $3.200000000e+01, v5  }
0x133: {  	v8 =	vld [tilespmem:s3+$0x840];
	[tilespmem:s3+$0x1C20] =	vst v7;
	v6 =	vmul.f32 $3.200000000e+01, v6  }
0x134: {  	s0 =	sadd.s32 $0x1, s2;
	v7 =	vld [tilespmem:s3+$0xC40];
	[tilespmem:s3+$0x1C30] =	vst v5;
	v9 =	vmul.f32 $3.200000000e+01, v9  }
0x135: {  	s0 =	sand.u32 $0x7, s0;
	v5 =	vld [tilespmem:s3+$0x1040];
	v10 =	vmul.f32 $3.200000000e+01, v10;
	[tilespmem:s3+$0x1C50] =	vst v6  }
0x136: {  	s16 =	sadd.s32 $0x400, s25;
	s0 =	sshll.u32 s0, $0x7;
	v6 =	vld [tilespmem:s3+$0x1440];
	[tilespmem:s3+$0x1C60] =	vst v9;
	v4 =	vmul.f32 $3.200000000e+01, v4  }
0x137: {  	s0 =	sadd.s32 s0, s16;
	v9 =	vld [tilespmem:s3+$0x1840];
	[tilespmem:s3+$0x1C70] =	vst v10  }
0x138: {  	s2 =	sor.u32 $0x1C00, s0;
	v10 =	vld [tilespmem:s3+$0x1C40];
	v8 =	vmul.f32 $3.200000000e+01, v8;
	[tilespmem:s3+$0x440] =	vst v4  }
0x139: {  	v4 =	vmul.f32 $3.200000000e+01, v7;
	v7 =	vld [tilespmem:s2+$0x400]  }
0x13a: {  	[tilespmem:s3+$0x840] =	vst v8;
	v5 =	vmul.f32 $3.200000000e+01, v5  }
0x13b: {  	[tilespmem:s3+$0xC40] =	vst v4;
	v4 =	vmul.f32 $3.200000000e+01, v6  }
0x13c: {  	[tilespmem:s3+$0x1040] =	vst v5;
	v5 =	vmul.f32 $3.200000000e+01, v9  }
0x13d: {  	[tilespmem:s3+$0x1440] =	vst v4;
	v4 =	vmul.f32 $3.200000000e+01, v10  }
0x13e: {  	[tilespmem:s3+$0x1840] =	vst v5;
	v5 =	vmul.f32 $3.200000000e+01, v7  }
0x13f: {  	[tilespmem:s3+$0x1C40] =	vst v4  }
0x140: {  	s17 =	sor.u32 $0x1C10, s0;
	[tilespmem:s2+$0x400] =	vst v5  }
0x141: {  	v4 =	vld [tilespmem:s17+$0x400];
	_ =	sdelay $0x4  }
0x142: {  	v4 =	vmul.f32 $3.200000000e+01, v4;
	_ =	sdelay $0x1  }
0x143: {  	s24 =	sor.u32 $0x1C20, s0;
	[tilespmem:s17+$0x400] =	vst v4  }
0x144: {  	v4 =	vld [tilespmem:s24+$0x400];
	_ =	sdelay $0x4  }
0x145: {  	v4 =	vmul.f32 $3.200000000e+01, v4;
	_ =	sdelay $0x1  }
0x146: {  	s25 =	sor.u32 $0x1C30, s0;
	[tilespmem:s24+$0x400] =	vst v4  }
0x147: {  	v4 =	vld [tilespmem:s25+$0x400];
	_ =	sdelay $0x4  }
0x148: {  	v4 =	vmul.f32 $3.200000000e+01, v4;
	_ =	sdelay $0x1  }
0x149: {  	s26 =	sor.u32 $0x1C40, s0;
	[tilespmem:s25+$0x400] =	vst v4  }
0x14a: {  	v4 =	vld [tilespmem:s26+$0x400];
	_ =	sdelay $0x4  }
0x14b: {  	v4 =	vmul.f32 $3.200000000e+01, v4;
	_ =	sdelay $0x1  }
0x14c: {  	s31 =	sor.u32 $0x1C50, s0;
	[tilespmem:s26+$0x400] =	vst v4  }
0x14d: {  	v4 =	vld [tilespmem:s31+$0x400];
	_ =	sdelay $0x4  }
0x14e: {  	v4 =	vmul.f32 $3.200000000e+01, v4;
	_ =	sdelay $0x1  }
0x14f: {  	s3 =	sor.u32 $0x1C60, s0;
	[tilespmem:s31+$0x400] =	vst v4  }
0x150: {  	v4 =	vld [tilespmem:s3+$0x400];
	_ =	sdelay $0x4  }
0x151: {  	v4 =	vmul.f32 $3.200000000e+01, v4  }
0x152: {  	s5 =	sor.u32 $0x1C70, s4;
	[tilespmem:s23+$0x400] =	vst v3  }
0x153: {  	v3 =	vld [tilespmem:s5+$0x400];
	s0 =	sor.u32 $0x1C70, s0;
	[tilespmem:s3+$0x400] =	vst v4  }
0x154: {  	v4 =	vld [tilespmem:s0+$0x400];
	_ =	sdelay $0x3  }
0x155: {  	v3 =	vmul.f32 $3.200000000e+01, v3  }
0x156: {  	v4 =	vmul.f32 $3.200000000e+01, v4  }
0x157: {  	p1 =	seq.s32 s13, $0x0;
	[tilespmem:s5+$0x400] =	vst v3  }
0x158: {  	[tilespmem:s0+$0x400] =	vst v4;
	s0 =	simm.s32 @!p1 $0x5  }
0x159: {  	_ =	swait.ge @!p1 [sflag:s0], $0x800  }
0x15a: {  	[sflag:s0] =	ssyncset.done @!p1 $0x0  }
0x15b: {  	s15 =	simm.s32 $0x400;
	s17 =	stileid.u32;
	[sflag:s0] =	ssyncadd.s32 @!p1 $0xFFFFF800  }
0x15c: {  	[spmem:s10] =	stream.linear.scatter [tilespmem:s15], [sflag:$0x7], $0x4000, $0x38;
	[tilespmem:$0x18400] =	vst v63  }
0x15d: {  	p0 =	seq.s32 s13, $0xF;
	s25 =	sshll.u32 s17, $0x6;
	_ =	swait.ge [sflag:s14], $0x4000  }
0x15e: {  	s16 =	sshll.u32 s13, $0xD;
	s4 =	sor.u32 $0x1C05, s25;
	[sflag:s14] =	ssyncset.done $0x0  }
0x15f: {  	s3 =	sshrl.u32 s10, $0x3;
	s0 =	sadd.s32 s16, s11;
	[sflag:s14] =	ssyncadd.s32 $0xFFFFC000  }
0x160: {  	[hbm:s0], [sflag:s4] =	dma.local [spmem:s3], $0x800  }
0x161: {  	s0 =	sshll.u32 @!p0 s13, $0x6  }
0x162: {  	s2 =	sand.u32 @!p0 $0x3FFFFFC0, s0  }
0x163: {  	v3 =	vld @!p0 [tilespmem:s2+$0x40];
	_ =	sdelay $0x4  }
0x164: {  	v4 =	vshll.u32 @!p0 v3, $0x3  }
0x165: {  	v5 =	vlaneseq.u32 @!p0;
	v3 =	vand.u32 @!p0 $0x7, v3;
	v4 =	vand.u32 @!p0 $0xFFFFFFC0, v4  }
0x166: {  	v6 =	vshrl.u32 @!p0 v5, $0x3;
	v3 =	vor.u32 @!p0 v3, v4;
	v4 =	vand.u32 @!p0 $0x7, v5  }
0x167: {  	v6 =	vmul.u32 @!p0 $0x8, v6;
	v4 =	vperm.xlane @!p0 v3, v4;
	_ =	sdelay $0x1  }
0x168: {  	v4 =	vadd.s32 @!p0 v6, v4;
	_ =	sdelay $0x3  }
0x169: {  	vm1 =	vmmov @!p0 $0xffff;
	s15 =	simm.s32 @!p0 $0x400;
	s0 =	simm.s32 @!p0 $0x0  }
0x16a: {  	v5 =	vor.u32 @!p0 $0x8, v5;
	[tilespmem:s15], [sflag:$0x1] =	stream.indirect_vreg.gather @!p0 [hbm4b:s1+s0], $0x80, v4, vm1, $0xb8;
	[tilespmem:$0x18400] =	vst v63  }
0x16b: {  	v3 =	vperm.xlane @!p0 v3, v5;
	s15 =	simm.s32 @!p0 $0xC00  }
0x16c: {  	[tilespmem:s15], [sflag:$0x1] =	stream.indirect_vreg.gather @!p0 [hbm4b:s7+s0], $0x80, v4, vm1, $0xb8;
	[tilespmem:$0x18400] =	vst v63  }
0x16d: {  	v3 =	vadd.s32 @!p0 v6, v3;
	s15 =	simm.s32 @!p0 $0x1400  }
0x16e: {  	[tilespmem:s15], [sflag:$0x1] =	stream.indirect_vreg.gather @!p0 [hbm4b:s8+s0], $0x80, v4, vm1, $0xb8;
	[tilespmem:$0x18400] =	vst v63  }
0x16f: {  	s15 =	simm.s32 @!p0 $0x1C00  }
0x170: {  	[tilespmem:s15], [sflag:$0x1] =	stream.indirect_vreg.gather @!p0 [hbm4b:s9+s0], $0x80, v4, vm1, $0xb8;
	[tilespmem:$0x18400] =	vst v63  }
0x171: {  	s15 =	simm.s32 @!p0 $0x2400  }
0x172: {  	[tilespmem:s15], [sflag:$0x1] =	stream.indirect_vreg.gather @!p0 [hbm4b:s1+s0], $0x80, v3, vm1, $0xb8;
	[tilespmem:$0x18400] =	vst v63  }
0x173: {  	s15 =	simm.s32 @!p0 $0x2C00  }
0x174: {  	[tilespmem:s15], [sflag:$0x1] =	stream.indirect_vreg.gather @!p0 [hbm4b:s7+s0], $0x80, v3, vm1, $0xb8;
	[tilespmem:$0x18400] =	vst v63  }
0x175: {  	s15 =	simm.s32 @!p0 $0x3400  }
0x176: {  	[tilespmem:s15], [sflag:$0x1] =	stream.indirect_vreg.gather @!p0 [hbm4b:s8+s0], $0x80, v3, vm1, $0xb8;
	[tilespmem:$0x18400] =	vst v63  }
0x177: {  	s15 =	simm.s32 @!p0 $0x3C00  }
0x178: {  	[tilespmem:s15], [sflag:$0x1] =	stream.indirect_vreg.gather @!p0 [hbm4b:s9+s0], $0x80, v3, vm1, $0xb8;
	[tilespmem:$0x18400] =	vst v63  }
0x179: {  	s23 =	simm.s32 $0x0;
	s26 =	simm.s32 $0x0;
	_ =	swait.ge [sflag:s18], $0x4000  }
0x17a: {  	s24 =	sand.u32 $0x380, s26;
	s0 =	sand.u32 $0x2000, s23;
	[sflag:s18] =	ssyncset.done $0x0  }
0x17b: {  	s15 =	sor.u32 s24, s0;
	[sflag:s18] =	ssyncadd.s32 $0xFFFFC000  }
0x17c: {  	v3 =	vld [tilespmem:s15+$0x4400]  }
0x17d: {  	v4 =	vld [tilespmem:s15+$0x4410]  }
0x17e: {  	v5 =	vld [tilespmem:s15+$0x4420]  }
0x17f: {  	v6 =	vld [tilespmem:s15+$0x4430]  }
0x180: {  	v7 =	vld [tilespmem:s15+$0x4450]  }
0x181: {  	v8 =	vld [tilespmem:s15+$0x4460]  }
0x182: {  	v9 =	vld [tilespmem:s15+$0x4470];
	v3 =	vmul.f32 $3.200000000e+01, v3  }
0x183: {  	v10 =	vld [tilespmem:s15+$0x4800];
	v4 =	vmul.f32 $3.200000000e+01, v4  }
0x184: {  	s31 =	simm.s32 $0x80;
	s16 =	simm.s32 $0x400;
	v11 =	vld [tilespmem:s15+$0x4810];
	[tilespmem:s15+$0x4400] =	vst v3;
	v3 =	vmul.f32 $3.200000000e+01, v5  }
0x185: {  	s16 =	sand.u32 $0x2000, s16;
	s0 =	sand.u32 $0x380, s31;
	v12 =	vld [tilespmem:s15+$0x4820];
	[tilespmem:s15+$0x4410] =	vst v4;
	v4 =	vmul.f32 $3.200000000e+01, v6  }
0x186: {  	s28 =	sor.u32 s0, s16;
	v13 =	vld [tilespmem:s15+$0x4830];
	[tilespmem:s15+$0x4420] =	vst v3;
	v3 =	vmul.f32 $3.200000000e+01, v7  }
0x187: {  	v59 =	vld [tilespmem:s28+$0x4460];
	[tilespmem:s15+$0x4430] =	vst v4;
	v4 =	vmul.f32 $3.200000000e+01, v8  }
0x188: {  	v51 =	vld [tilespmem:s15+$0x4C50];
	[tilespmem:s15+$0x4450] =	vst v3;
	v3 =	vmul.f32 $3.200000000e+01, v9  }
0x189: {  	v5 =	vld [tilespmem:s15+$0x4850];
	[tilespmem:s15+$0x4460] =	vst v4;
	v4 =	vmul.f32 $3.200000000e+01, v10  }
0x18a: {  	v60 =	vld [tilespmem:s28+$0x4470];
	[tilespmem:s15+$0x4470] =	vst v3;
	v3 =	vmul.f32 $3.200000000e+01, v11  }
0x18b: {  	v6 =	vld [tilespmem:s15+$0x4860];
	[tilespmem:s15+$0x4800] =	vst v4;
	v4 =	vmul.f32 $3.200000000e+01, v12  }
0x18c: {  	v7 =	vld [tilespmem:s15+$0x4870];
	v12 =	vmul.f32 $3.200000000e+01, v59;
	[tilespmem:s15+$0x4810] =	vst v3  }
0x18d: {  	v8 =	vld [tilespmem:s15+$0x4C00];
	v3 =	vmul.f32 $3.200000000e+01, v13;
	[tilespmem:s15+$0x4820] =	vst v4  }
0x18e: {  	v9 =	vld [tilespmem:s15+$0x4C10];
	v4 =	vmul.f32 $3.200000000e+01, v5;
	[tilespmem:s28+$0x4460] =	vst v12  }
0x18f: {  	v10 =	vld [tilespmem:s15+$0x4C20];
	v13 =	vmul.f32 $3.200000000e+01, v60;
	[tilespmem:s15+$0x4830] =	vst v3  }
0x190: {  	v11 =	vld [tilespmem:s15+$0x4C30];
	v3 =	vmul.f32 $3.200000000e+01, v6;
	[tilespmem:s15+$0x4850] =	vst v4  }
0x191: {  	v52 =	vld [tilespmem:s15+$0x4C60];
	v4 =	vmul.f32 $3.200000000e+01, v7;
	[tilespmem:s28+$0x4470] =	vst v13  }
0x192: {  	v53 =	vld [tilespmem:s15+$0x5070];
	[tilespmem:s15+$0x4860] =	vst v3;
	v3 =	vmul.f32 $3.200000000e+01, v8  }
0x193: {  	v5 =	vld [tilespmem:s15+$0x4C70];
	[tilespmem:s15+$0x4870] =	vst v4;
	v4 =	vmul.f32 $3.200000000e+01, v9  }
0x194: {  	v6 =	vld [tilespmem:s15+$0x5000];
	[tilespmem:s15+$0x4C00] =	vst v3;
	v3 =	vmul.f32 $3.200000000e+01, v10  }
0x195: {  	v7 =	vld [tilespmem:s15+$0x5010];
	[tilespmem:s15+$0x4C10] =	vst v4;
	v4 =	vmul.f32 $3.200000000e+01, v11  }
0x196: {  	v8 =	vld [tilespmem:s15+$0x5020];
	[tilespmem:s15+$0x4C20] =	vst v3;
	v3 =	vmul.f32 $3.200000000e+01, v51  }
0x197: {  	v9 =	vld [tilespmem:s15+$0x5030];
	[tilespmem:s15+$0x4C30] =	vst v4;
	v4 =	vmul.f32 $3.200000000e+01, v52  }
0x198: {  	v10 =	vld [tilespmem:s15+$0x5050];
	[tilespmem:s15+$0x4C50] =	vst v3;
	v3 =	vmul.f32 $3.200000000e+01, v5  }
0x199: {  	v11 =	vld [tilespmem:s15+$0x5060];
	[tilespmem:s15+$0x4C60] =	vst v4;
	v4 =	vmul.f32 $3.200000000e+01, v6  }
0x19a: {  	v54 =	vld [tilespmem:s15+$0x5400];
	[tilespmem:s15+$0x4C70] =	vst v3;
	v3 =	vmul.f32 $3.200000000e+01, v7  }
0x19b: {  	v55 =	vld [tilespmem:s15+$0x5810];
	[tilespmem:s15+$0x5000] =	vst v4;
	v4 =	vmul.f32 $3.200000000e+01, v8  }
0x19c: {  	v5 =	vld [tilespmem:s15+$0x5410];
	[tilespmem:s15+$0x5010] =	vst v3;
	v3 =	vmul.f32 $3.200000000e+01, v9  }
0x19d: {  	v6 =	vld [tilespmem:s15+$0x5420];
	[tilespmem:s15+$0x5020] =	vst v4;
	v4 =	vmul.f32 $3.200000000e+01, v10  }
0x19e: {  	v7 =	vld [tilespmem:s15+$0x5430];
	[tilespmem:s15+$0x5030] =	vst v3;
	v3 =	vmul.f32 $3.200000000e+01, v11  }
0x19f: {  	v8 =	vld [tilespmem:s15+$0x5450];
	[tilespmem:s15+$0x5050] =	vst v4;
	v4 =	vmul.f32 $3.200000000e+01, v53  }
0x1a0: {  	v9 =	vld [tilespmem:s15+$0x5460];
	[tilespmem:s15+$0x5060] =	vst v3;
	v3 =	vmul.f32 $3.200000000e+01, v54  }
0x1a1: {  	v10 =	vld [tilespmem:s15+$0x5470];
	[tilespmem:s15+$0x5070] =	vst v4;
	v4 =	vmul.f32 $3.200000000e+01, v5  }
0x1a2: {  	v11 =	vld [tilespmem:s15+$0x5800];
	[tilespmem:s15+$0x5400] =	vst v3;
	v3 =	vmul.f32 $3.200000000e+01, v6  }
0x1a3: {  	v56 =	vld [tilespmem:s15+$0x5820];
	[tilespmem:s15+$0x5410] =	vst v4;
	v4 =	vmul.f32 $3.200000000e+01, v7  }
0x1a4: {  	v57 =	vld [tilespmem:s28+$0x4400];
	[tilespmem:s15+$0x5420] =	vst v3;
	v3 =	vmul.f32 $3.200000000e+01, v8  }
0x1a5: {  	v8 =	vld [tilespmem:s15+$0x5870];
	[tilespmem:s15+$0x5430] =	vst v4;
	v4 =	vmul.f32 $3.200000000e+01, v9  }
0x1a6: {  	v5 =	vld [tilespmem:s15+$0x5830];
	[tilespmem:s15+$0x5450] =	vst v3;
	v3 =	vmul.f32 $3.200000000e+01, v10  }
0x1a7: {  	v6 =	vld [tilespmem:s15+$0x5850];
	[tilespmem:s15+$0x5460] =	vst v4;
	v4 =	vmul.f32 $3.200000000e+01, v11  }
0x1a8: {  	v9 =	vld [tilespmem:s15+$0x5C00];
	[tilespmem:s15+$0x5470] =	vst v3;
	v3 =	vmul.f32 $3.200000000e+01, v55  }
0x1a9: {  	v10 =	vld [tilespmem:s15+$0x5C10];
	[tilespmem:s15+$0x5800] =	vst v4;
	v4 =	vmul.f32 $3.200000000e+01, v56  }
0x1aa: {  	v11 =	vld [tilespmem:s15+$0x5C20];
	v8 =	vmul.f32 $3.200000000e+01, v8;
	[tilespmem:s15+$0x5810] =	vst v3  }
0x1ab: {  	v7 =	vld [tilespmem:s15+$0x5860];
	v3 =	vmul.f32 $3.200000000e+01, v5;
	[tilespmem:s15+$0x5820] =	vst v4  }
0x1ac: {  	v58 =	vld [tilespmem:s28+$0x4410];
	v4 =	vmul.f32 $3.200000000e+01, v6;
	[tilespmem:s15+$0x5870] =	vst v8  }
0x1ad: {  	v61 =	vld [tilespmem:s15+$0x4840];
	v8 =	vmul.f32 $3.200000000e+01, v9;
	[tilespmem:s15+$0x5830] =	vst v3  }
0x1ae: {  	v5 =	vld [tilespmem:s28+$0x4420];
	v10 =	vmul.f32 $3.200000000e+01, v10;
	[tilespmem:s15+$0x5850] =	vst v4  }
0x1af: {  	v6 =	vld [tilespmem:s28+$0x4430];
	v11 =	vmul.f32 $3.200000000e+01, v11;
	[tilespmem:s15+$0x5C00] =	vst v8  }
0x1b0: {  	v3 =	vmul.f32 $3.200000000e+01, v7;
	v7 =	vld [tilespmem:s28+$0x4450];
	[tilespmem:s15+$0x5C10] =	vst v10  }
0x1b1: {  	v4 =	vmul.f32 $3.200000000e+01, v57;
	v10 =	vld [tilespmem:s28+$0x4820];
	[tilespmem:s15+$0x5C20] =	vst v11  }
0x1b2: {  	v11 =	vld [tilespmem:s28+$0x4830];
	[tilespmem:s15+$0x5860] =	vst v3;
	v3 =	vmul.f32 $3.200000000e+01, v58  }
0x1b3: {  	[tilespmem:s28+$0x4400] =	vst v4;
	v4 =	vld [tilespmem:s15+$0x5C30];
	v5 =	vmul.f32 $3.200000000e+01, v5  }
0x1b4: {  	v6 =	vmul.f32 $3.200000000e+01, v6;
	[tilespmem:s28+$0x4410] =	vst v3;
	v3 =	vld [tilespmem:s15+$0x5C50]  }
0x1b5: {  	[tilespmem:s28+$0x4420] =	vst v5;
	v5 =	vld [tilespmem:s15+$0x5C60];
	v7 =	vmul.f32 $3.200000000e+01, v7  }
0x1b6: {  	[tilespmem:s28+$0x4430] =	vst v6;
	v6 =	vld [tilespmem:s15+$0x5C70];
	v10 =	vmul.f32 $3.200000000e+01, v10  }
0x1b7: {  	v9 =	vld [tilespmem:s28+$0x4800];
	v11 =	vmul.f32 $3.200000000e+01, v11;
	[tilespmem:s28+$0x4450] =	vst v7  }
0x1b8: {  	v8 =	vld [tilespmem:s28+$0x4810];
	v4 =	vmul.f32 $3.200000000e+01, v4;
	[tilespmem:s28+$0x4820] =	vst v10  }
0x1b9: {  	v7 =	vld [tilespmem:s15+$0x4440];
	[tilespmem:s28+$0x4830] =	vst v11;
	v3 =	vmul.f32 $3.200000000e+01, v3  }
0x1ba: {  	[tilespmem:s15+$0x5C30] =	vst v4;
	v4 =	vld [tilespmem:s28+$0x4850];
	v5 =	vmul.f32 $3.200000000e+01, v5  }
0x1bb: {  	v62 =	vld [tilespmem:s15+$0x4C40];
	v6 =	vmul.f32 $3.200000000e+01, v6;
	[tilespmem:s15+$0x5C50] =	vst v3  }
0x1bc: {  	v3 =	vmul.f32 $3.200000000e+01, v9;
	v9 =	vld [tilespmem:s28+$0x4860];
	[tilespmem:s15+$0x5C60] =	vst v5  }
0x1bd: {  	v10 =	vld [tilespmem:s15+$0x5840];
	v5 =	vmul.f32 $3.200000000e+01, v8;
	[tilespmem:s15+$0x5C70] =	vst v6  }
0x1be: {  	s5 =	sand.u32 $0x7, s26;
	v8 =	vld [tilespmem:s28+$0x4870];
	v7 =	vmul.f32 $3.200000000e+01, v7;
	[tilespmem:s28+$0x4800] =	vst v3  }
0x1bf: {  	s0 =	sshll.u32 s5, $0x7;
	v3 =	vld [tilespmem:s15+$0x5040];
	[tilespmem:s28+$0x4810] =	vst v5;
	v4 =	vmul.f32 $3.200000000e+01, v4  }
0x1c0: {  	s29 =	sadd.s32 $0x0, s0;
	v12 =	vmul.f32 $3.200000000e+01, v61;
	v5 =	vld [tilespmem:s15+$0x5440];
	[tilespmem:s15+$0x4440] =	vst v7  }
0x1c1: {  	s0 =	sor.u32 $0x1C00, s29;
	v7 =	vld [tilespmem:s28+$0x4C10];
	[tilespmem:s28+$0x4850] =	vst v4;
	v4 =	vmul.f32 $3.200000000e+01, v9  }
0x1c2: {  	v13 =	vmul.f32 $3.200000000e+01, v62;
	v11 =	vld [tilespmem:s0+$0x4400];
	[tilespmem:s15+$0x4840] =	vst v12  }
0x1c3: {  	v8 =	vmul.f32 $3.200000000e+01, v8;
	[tilespmem:s28+$0x4860] =	vst v4;
	v4 =	vld [tilespmem:s15+$0x5C40]  }
0x1c4: {  	[tilespmem:s15+$0x4C40] =	vst v13;
	v3 =	vmul.f32 $3.200000000e+01, v3  }
0x1c5: {  	v5 =	vmul.f32 $3.200000000e+01, v5;
	[tilespmem:s28+$0x4870] =	vst v8  }
0x1c6: {  	v8 =	vmul.f32 $3.200000000e+01, v10;
	[tilespmem:s15+$0x5040] =	vst v3  }
0x1c7: {  	v7 =	vmul.f32 $3.200000000e+01, v7;
	[tilespmem:s15+$0x5440] =	vst v5  }
0x1c8: {  	[tilespmem:s15+$0x5840] =	vst v8;
	v4 =	vmul.f32 $3.200000000e+01, v4  }
0x1c9: {  	v6 =	vld [tilespmem:s28+$0x4C00];
	[tilespmem:s28+$0x4C10] =	vst v7;
	v7 =	vmul.f32 $3.200000000e+01, v11  }
0x1ca: {  	[tilespmem:s15+$0x5C40] =	vst v4  }
0x1cb: {  	s16 =	sor.u32 $0x1C10, s29;
	v3 =	vld [tilespmem:s28+$0x4C50];
	[tilespmem:s0+$0x4400] =	vst v7  }
0x1cc: {  	v7 =	vld [tilespmem:s16+$0x4400]  }
0x1cd: {  	v4 =	vld [tilespmem:s28+$0x5000]  }
0x1ce: {  	v5 =	vmul.f32 $3.200000000e+01, v6;
	v6 =	vld [tilespmem:s28+$0x4C60];
	_ =	sdelay $0x1  }
0x1cf: {  	v3 =	vmul.f32 $3.200000000e+01, v3  }
0x1d0: {  	v7 =	vmul.f32 $3.200000000e+01, v7  }
0x1d1: {  	[tilespmem:s28+$0x4C50] =	vst v3;
	v3 =	vld [tilespmem:s28+$0x5030];
	v4 =	vmul.f32 $3.200000000e+01, v4  }
0x1d2: {  	v63 =	vld [tilespmem:s28+$0x4C20];
	s17 =	sor.u32 $0x1C20, s29;
	v6 =	vmul.f32 $3.200000000e+01, v6;
	[tilespmem:s16+$0x4400] =	vst v7  }
0x1d3: {  	[tilespmem:s28+$0x5000] =	vst v4;
	v4 =	vld [tilespmem:s17+$0x4400]  }
0x1d4: {  	[tilespmem:s28+$0x4C60] =	vst v6;
	v6 =	vld [tilespmem:s28+$0x5050];
	_ =	sdelay $0x1  }
0x1d5: {  	v3 =	vmul.f32 $3.200000000e+01, v3  }
0x1d6: {  	[tilespmem:s28+$0x4C00] =	vst v5;
	v5 =	vmul.f32 $3.200000000e+01, v63  }
0x1d7: {  	v9 =	vld [tilespmem:s28+$0x4C30];
	[tilespmem:s28+$0x5030] =	vst v3;
	v3 =	vmul.f32 $3.200000000e+01, v4  }
0x1d8: {  	v8 =	vld [tilespmem:s28+$0x4C70];
	[tilespmem:s28+$0x4C20] =	vst v5;
	v6 =	vmul.f32 $3.200000000e+01, v6  }
0x1d9: {  	s23 =	sor.u32 $0x1C30, s29;
	v5 =	vld [tilespmem:s28+$0x5010];
	[tilespmem:s17+$0x4400] =	vst v3  }
0x1da: {  	[tilespmem:s28+$0x5050] =	vst v6;
	v6 =	vld [tilespmem:s23+$0x4400];
	_ =	sdelay $0x1  }
0x1db: {  	v9 =	vmul.f32 $3.200000000e+01, v9;
	v7 =	vld [tilespmem:s28+$0x5070]  }
0x1dc: {  	v8 =	vmul.f32 $3.200000000e+01, v8  }
0x1dd: {  	[tilespmem:s28+$0x4C30] =	vst v9;
	v5 =	vmul.f32 $3.200000000e+01, v5  }
0x1de: {  	v9 =	vld [tilespmem:s28+$0x5020];
	[tilespmem:s28+$0x4C70] =	vst v8;
	v6 =	vmul.f32 $3.200000000e+01, v6  }
0x1df: {  	v8 =	vld [tilespmem:s28+$0x5060];
	[tilespmem:s28+$0x5010] =	vst v5  }
0x1e0: {  	s24 =	sor.u32 $0x1C40, s29;
	v5 =	vld [tilespmem:s28+$0x5400];
	v7 =	vmul.f32 $3.200000000e+01, v7;
	[tilespmem:s23+$0x4400] =	vst v6  }
0x1e1: {  	v6 =	vld [tilespmem:s24+$0x4400]  }
0x1e2: {  	[tilespmem:s28+$0x5070] =	vst v7;
	v7 =	vld [tilespmem:s28+$0x5460]  }
0x1e3: {  	v9 =	vmul.f32 $3.200000000e+01, v9;
	v3 =	vld [tilespmem:s28+$0x5430]  }
0x1e4: {  	v8 =	vmul.f32 $3.200000000e+01, v8;
	v4 =	vld [tilespmem:s28+$0x5420]  }
0x1e5: {  	[tilespmem:s28+$0x5020] =	vst v9;
	v9 =	vld [tilespmem:s28+$0x5410];
	v5 =	vmul.f32 $3.200000000e+01, v5  }
0x1e6: {  	[tilespmem:s28+$0x5060] =	vst v8;
	v8 =	vld [tilespmem:s28+$0x5450];
	v6 =	vmul.f32 $3.200000000e+01, v6  }
0x1e7: {  	[tilespmem:s28+$0x5400] =	vst v5;
	v5 =	vld [tilespmem:s28+$0x5800];
	v7 =	vmul.f32 $3.200000000e+01, v7  }
0x1e8: {  	s31 =	sor.u32 $0x1C50, s29;
	v10 =	vld [tilespmem:s28+$0x5470];
	v3 =	vmul.f32 $3.200000000e+01, v3;
	[tilespmem:s24+$0x4400] =	vst v6  }
0x1e9: {  	v4 =	vmul.f32 $3.200000000e+01, v4;
	[tilespmem:s28+$0x5460] =	vst v7;
	v7 =	vld [tilespmem:s31+$0x4400]  }
0x1ea: {  	v9 =	vmul.f32 $3.200000000e+01, v9;
	[tilespmem:s28+$0x5430] =	vst v3;
	v3 =	vld [tilespmem:s28+$0x5820]  }
0x1eb: {  	v8 =	vmul.f32 $3.200000000e+01, v8;
	[tilespmem:s28+$0x5420] =	vst v4;
	v4 =	vld [tilespmem:s28+$0x5810]  }
0x1ec: {  	[tilespmem:s28+$0x5410] =	vst v9;
	v5 =	vmul.f32 $3.200000000e+01, v5  }
0x1ed: {  	v9 =	vmul.f32 $3.200000000e+01, v10;
	[tilespmem:s28+$0x5450] =	vst v8;
	v8 =	vld [tilespmem:s28+$0x5830]  }
0x1ee: {  	[tilespmem:s28+$0x5800] =	vst v5;
	v6 =	vld [tilespmem:s28+$0x5850];
	v5 =	vmul.f32 $3.200000000e+01, v7  }
0x1ef: {  	[tilespmem:s28+$0x5470] =	vst v9;
	v9 =	vld [tilespmem:s28+$0x5860];
	v3 =	vmul.f32 $3.200000000e+01, v3  }
0x1f0: {  	v10 =	vld [tilespmem:s28+$0x5870];
	s23 =	sor.u32 $0x1C60, s29;
	v4 =	vmul.f32 $3.200000000e+01, v4;
	[tilespmem:s31+$0x4400] =	vst v5  }
0x1f1: {  	[tilespmem:s28+$0x5820] =	vst v3;
	v3 =	vld [tilespmem:s23+$0x4400]  }
0x1f2: {  	[tilespmem:s28+$0x5810] =	vst v4;
	v4 =	vld [tilespmem:s28+$0x5C00];
	v7 =	vmul.f32 $3.200000000e+01, v8  }
0x1f3: {  	v8 =	vld [tilespmem:s28+$0x5C10];
	v5 =	vmul.f32 $3.200000000e+01, v6  }
0x1f4: {  	[tilespmem:s28+$0x5830] =	vst v7;
	v7 =	vld [tilespmem:s28+$0x5C20];
	v6 =	vmul.f32 $3.200000000e+01, v9  }
0x1f5: {  	v9 =	vmul.f32 $3.200000000e+01, v10;
	[tilespmem:s28+$0x5850] =	vst v5;
	v5 =	vld [tilespmem:s28+$0x5C30]  }
0x1f6: {  	s30 =	simm.s32 $0x0;
	s15 =	simm.s32 $0x100;
	s16 =	simm.s32 $0xFFFFC400;
	[tilespmem:s28+$0x5860] =	vst v6;
	v6 =	vld [tilespmem:s28+$0x5C50];
	v3 =	vmul.f32 $3.200000000e+01, v3  }
.LBB2_5:
0x1f7: {  	p2 =	sne.s32 s15, $0x780;
	[tilespmem:s28+$0x5870] =	vst v9;
	v4 =	vmul.f32 $3.200000000e+01, v4;
	v9 =	vld [tilespmem:s28+$0x5C60]  }
0x1f8: {  	s0 =	sor.u32 $0x1C70, s29;
	v8 =	vmul.f32 $3.200000000e+01, v8;
	v10 =	vld [tilespmem:s28+$0x5C70];
	[tilespmem:s23+$0x4400] =	vst v3  }
0x1f9: {  	[tilespmem:s28+$0x5C00] =	vst v4;
	v3 =	vmul.f32 $3.200000000e+01, v7;
	v4 =	vld [tilespmem:s0+$0x4400]  }
0x1fa: {  	v7 =	vld [tilespmem:s28+$0x4440];
	[tilespmem:s28+$0x5C10] =	vst v8;
	v5 =	vmul.f32 $3.200000000e+01, v5  }
0x1fb: {  	v8 =	vld [tilespmem:s28+$0x4840];
	[tilespmem:s28+$0x5C20] =	vst v3;
	v3 =	vmul.f32 $3.200000000e+01, v6  }
0x1fc: {  	s26 =	sadd.s32 $0x1, s26;
	v6 =	vld [tilespmem:s28+$0x4C40];
	[tilespmem:s28+$0x5C30] =	vst v5;
	v5 =	vmul.f32 $3.200000000e+01, v9  }
0x1fd: {  	s23 =	sand.u32 $0x7, s26;
	v9 =	vld [tilespmem:s28+$0x5040];
	[tilespmem:s28+$0x5C50] =	vst v3;
	v3 =	vmul.f32 $3.200000000e+01, v10  }
0x1fe: {  	s16 =	sadd.s32 $0x400, s16;
	s30 =	sadd.s32 $0x400, s30;
	s23 =	sshll.u32 s23, $0x7;
	v10 =	vld [tilespmem:s28+$0x5440];
	[tilespmem:s28+$0x5C60] =	vst v5;
	v4 =	vmul.f32 $3.200000000e+01, v4  }
0x1ff: {  	s31 =	sadd.s32 $0x4000, s16;
	s29 =	sadd.s32 s23, s30;
	v5 =	vmul.f32 $3.200000000e+01, v7;
	v7 =	vld [tilespmem:s28+$0x5840];
	[tilespmem:s28+$0x5C70] =	vst v3  }
0x200: {  	s23 =	sand.u32 $0x2000, s31;
	s31 =	sand.u32 $0x380, s15;
	s5 =	sor.u32 $0x1C00, s29;
	v3 =	vmul.f32 $3.200000000e+01, v8;
	v8 =	vld [tilespmem:s28+$0x5C40];
	[tilespmem:s0+$0x4400] =	vst v4  }
0x201: {  	s0 =	sor.u32 s31, s23;
	[tilespmem:s28+$0x4440] =	vst v5;
	v4 =	vmul.f32 $3.200000000e+01, v6;
	v5 =	vld [tilespmem:s5+$0x4400]  }
0x202: {  	v6 =	vld [tilespmem:s0+$0x4400];
	[tilespmem:s28+$0x4840] =	vst v3;
	v3 =	vmul.f32 $3.200000000e+01, v9  }
0x203: {  	v9 =	vld [tilespmem:s0+$0x4410];
	[tilespmem:s28+$0x4C40] =	vst v4;
	v4 =	vmul.f32 $3.200000000e+01, v10  }
0x204: {  	v10 =	vld [tilespmem:s0+$0x4420];
	[tilespmem:s28+$0x5040] =	vst v3;
	v3 =	vmul.f32 $3.200000000e+01, v7  }
0x205: {  	v7 =	vld [tilespmem:s0+$0x4430];
	[tilespmem:s28+$0x5440] =	vst v4;
	v4 =	vmul.f32 $3.200000000e+01, v8  }
0x206: {  	v8 =	vld [tilespmem:s0+$0x4450];
	[tilespmem:s28+$0x5840] =	vst v3;
	v3 =	vmul.f32 $3.200000000e+01, v5  }
0x207: {  	v5 =	vmul.f32 $3.200000000e+01, v6;
	v6 =	vld [tilespmem:s0+$0x4460];
	[tilespmem:s28+$0x5C40] =	vst v4;
	s28 =	smov.u32 s0  }
0x208: {  	s0 =	sor.u32 $0x1C10, s29;
	v4 =	vmul.f32 $3.200000000e+01, v9;
	v9 =	vld [tilespmem:s28+$0x4470];
	[tilespmem:s5+$0x4400] =	vst v3  }
0x209: {  	[tilespmem:s28+$0x4400] =	vst v5;
	v3 =	vmul.f32 $3.200000000e+01, v10;
	v5 =	vld [tilespmem:s0+$0x4400]  }
0x20a: {  	[tilespmem:s28+$0x4410] =	vst v4;
	v4 =	vmul.f32 $3.200000000e+01, v7;
	v7 =	vld [tilespmem:s28+$0x4800]  }
0x20b: {  	[tilespmem:s28+$0x4420] =	vst v3;
	v3 =	vmul.f32 $3.200000000e+01, v8;
	v8 =	vld [tilespmem:s28+$0x4810]  }
0x20c: {  	[tilespmem:s28+$0x4430] =	vst v4;
	v4 =	vmul.f32 $3.200000000e+01, v6;
	v6 =	vld [tilespmem:s28+$0x4820]  }
0x20d: {  	[tilespmem:s28+$0x4450] =	vst v3;
	v3 =	vmul.f32 $3.200000000e+01, v9;
	v9 =	vld [tilespmem:s28+$0x4830]  }
0x20e: {  	[tilespmem:s28+$0x4460] =	vst v4;
	v4 =	vld [tilespmem:s28+$0x4850];
	v5 =	vmul.f32 $3.200000000e+01, v5  }
0x20f: {  	[tilespmem:s28+$0x4470] =	vst v3;
	v3 =	vmul.f32 $3.200000000e+01, v7;
	v7 =	vld [tilespmem:s28+$0x4860]  }
0x210: {  	v8 =	vmul.f32 $3.200000000e+01, v8;
	v10 =	vld [tilespmem:s28+$0x4870];
	[tilespmem:s0+$0x4400] =	vst v5;
	s0 =	sor.u32 $0x1C20, s29  }
0x211: {  	[tilespmem:s28+$0x4800] =	vst v3;
	v3 =	vmul.f32 $3.200000000e+01, v6;
	v5 =	vld [tilespmem:s0+$0x4400]  }
0x212: {  	[tilespmem:s28+$0x4810] =	vst v8;
	v6 =	vmul.f32 $3.200000000e+01, v9;
	v8 =	vld [tilespmem:s28+$0x4C00]  }
0x213: {  	[tilespmem:s28+$0x4820] =	vst v3;
	v3 =	vmul.f32 $3.200000000e+01, v4;
	v4 =	vld [tilespmem:s28+$0x4C10]  }
0x214: {  	[tilespmem:s28+$0x4830] =	vst v6;
	v6 =	vmul.f32 $3.200000000e+01, v7;
	v7 =	vld [tilespmem:s28+$0x4C20]  }
0x215: {  	[tilespmem:s28+$0x4850] =	vst v3;
	v3 =	vmul.f32 $3.200000000e+01, v10;
	v9 =	vld [tilespmem:s28+$0x4C30]  }
0x216: {  	[tilespmem:s28+$0x4860] =	vst v6;
	v6 =	vld [tilespmem:s28+$0x4C50];
	v5 =	vmul.f32 $3.200000000e+01, v5  }
0x217: {  	[tilespmem:s28+$0x4870] =	vst v3;
	v3 =	vmul.f32 $3.200000000e+01, v8;
	v8 =	vld [tilespmem:s28+$0x4C60]  }
0x218: {  	v4 =	vmul.f32 $3.200000000e+01, v4;
	v10 =	vld [tilespmem:s28+$0x4C70];
	[tilespmem:s0+$0x4400] =	vst v5;
	s0 =	sor.u32 $0x1C30, s29  }
0x219: {  	[tilespmem:s28+$0x4C00] =	vst v3;
	v3 =	vmul.f32 $3.200000000e+01, v7;
	v5 =	vld [tilespmem:s0+$0x4400]  }
0x21a: {  	[tilespmem:s28+$0x4C10] =	vst v4;
	v4 =	vmul.f32 $3.200000000e+01, v9;
	v7 =	vld [tilespmem:s28+$0x5000]  }
0x21b: {  	[tilespmem:s28+$0x4C20] =	vst v3;
	v3 =	vmul.f32 $3.200000000e+01, v6;
	v6 =	vld [tilespmem:s28+$0x5010]  }
0x21c: {  	[tilespmem:s28+$0x4C30] =	vst v4;
	v4 =	vmul.f32 $3.200000000e+01, v8;
	v8 =	vld [tilespmem:s28+$0x5020]  }
0x21d: {  	[tilespmem:s28+$0x4C50] =	vst v3;
	v3 =	vmul.f32 $3.200000000e+01, v10;
	v9 =	vld [tilespmem:s28+$0x5030]  }
0x21e: {  	[tilespmem:s28+$0x4C60] =	vst v4;
	v4 =	vld [tilespmem:s28+$0x5050];
	v5 =	vmul.f32 $3.200000000e+01, v5  }
0x21f: {  	[tilespmem:s28+$0x4C70] =	vst v3;
	v3 =	vmul.f32 $3.200000000e+01, v7;
	v7 =	vld [tilespmem:s28+$0x5060]  }
0x220: {  	v6 =	vmul.f32 $3.200000000e+01, v6;
	v10 =	vld [tilespmem:s28+$0x5070];
	[tilespmem:s0+$0x4400] =	vst v5;
	s0 =	sor.u32 $0x1C40, s29  }
0x221: {  	[tilespmem:s28+$0x5000] =	vst v3;
	v3 =	vmul.f32 $3.200000000e+01, v8;
	v5 =	vld [tilespmem:s0+$0x4400]  }
0x222: {  	[tilespmem:s28+$0x5010] =	vst v6;
	v6 =	vmul.f32 $3.200000000e+01, v9;
	v8 =	vld [tilespmem:s28+$0x5400]  }
0x223: {  	[tilespmem:s28+$0x5020] =	vst v3;
	v3 =	vmul.f32 $3.200000000e+01, v4;
	v4 =	vld [tilespmem:s28+$0x5410]  }
0x224: {  	[tilespmem:s28+$0x5030] =	vst v6;
	v6 =	vmul.f32 $3.200000000e+01, v7;
	v7 =	vld [tilespmem:s28+$0x5420]  }
0x225: {  	[tilespmem:s28+$0x5050] =	vst v3;
	v3 =	vmul.f32 $3.200000000e+01, v10;
	v9 =	vld [tilespmem:s28+$0x5430]  }
0x226: {  	[tilespmem:s28+$0x5060] =	vst v6;
	v6 =	vld [tilespmem:s28+$0x5450];
	v5 =	vmul.f32 $3.200000000e+01, v5  }
0x227: {  	[tilespmem:s28+$0x5070] =	vst v3;
	v3 =	vmul.f32 $3.200000000e+01, v8;
	v8 =	vld [tilespmem:s28+$0x5460]  }
0x228: {  	v4 =	vmul.f32 $3.200000000e+01, v4;
	v10 =	vld [tilespmem:s28+$0x5470];
	[tilespmem:s0+$0x4400] =	vst v5;
	s0 =	sor.u32 $0x1C50, s29  }
0x229: {  	[tilespmem:s28+$0x5400] =	vst v3;
	v3 =	vmul.f32 $3.200000000e+01, v7;
	v5 =	vld [tilespmem:s0+$0x4400]  }
0x22a: {  	[tilespmem:s28+$0x5410] =	vst v4;
	v4 =	vmul.f32 $3.200000000e+01, v9;
	v7 =	vld [tilespmem:s28+$0x5800]  }
0x22b: {  	[tilespmem:s28+$0x5420] =	vst v3;
	v3 =	vmul.f32 $3.200000000e+01, v6;
	v6 =	vld [tilespmem:s28+$0x5810]  }
0x22c: {  	[tilespmem:s28+$0x5430] =	vst v4;
	v4 =	vmul.f32 $3.200000000e+01, v8;
	v8 =	vld [tilespmem:s28+$0x5820]  }
0x22d: {  	[tilespmem:s28+$0x5450] =	vst v3;
	v3 =	vmul.f32 $3.200000000e+01, v10;
	v9 =	vld [tilespmem:s28+$0x5830]  }
0x22e: {  	[tilespmem:s28+$0x5460] =	vst v4;
	v10 =	vld [tilespmem:s28+$0x5850];
	v4 =	vmul.f32 $3.200000000e+01, v5  }
0x22f: {  	[tilespmem:s28+$0x5470] =	vst v3;
	v3 =	vmul.f32 $3.200000000e+01, v7;
	v5 =	vld [tilespmem:s28+$0x5860]  }
0x230: {  	s23 =	sor.u32 $0x1C60, s29;
	v6 =	vmul.f32 $3.200000000e+01, v6;
	v11 =	vld [tilespmem:s28+$0x5870];
	[tilespmem:s0+$0x4400] =	vst v4  }
0x231: {  	[tilespmem:s28+$0x5800] =	vst v3;
	v3 =	vmul.f32 $3.200000000e+01, v8;
	v12 =	vld [tilespmem:s23+$0x4400]  }
.Ltmp1:
0x232: {  	[tilespmem:s28+$0x5810] =	vst v6;
	v6 =	vmul.f32 $3.200000000e+01, v9;
	v4 =	vld [tilespmem:s28+$0x5C00];
	(pc) =	sbr.rel @p2 .LBB2_5-.Ltmp1, $4  }
0x233: {  	[tilespmem:s28+$0x5820] =	vst v3;
	v3 =	vmul.f32 $3.200000000e+01, v10;
	v8 =	vld [tilespmem:s28+$0x5C10]  }
0x234: {  	[tilespmem:s28+$0x5830] =	vst v6;
	v6 =	vmul.f32 $3.200000000e+01, v5;
	v7 =	vld [tilespmem:s28+$0x5C20]  }
0x235: {  	[tilespmem:s28+$0x5850] =	vst v3;
	v9 =	vmul.f32 $3.200000000e+01, v11;
	v5 =	vld [tilespmem:s28+$0x5C30]  }
0x236: {  	s15 =	sadd.s32 $0x80, s15;
	[tilespmem:s28+$0x5860] =	vst v6;
	v6 =	vld [tilespmem:s28+$0x5C50];
	v3 =	vmul.f32 $3.200000000e+01, v12  }
0x237: {  	[tilespmem:s28+$0x5870] =	vst v9;
	v4 =	vmul.f32 $3.200000000e+01, v4;
	v9 =	vld [tilespmem:s28+$0x5C60]  }
0x238: {  	v10 =	vld [tilespmem:s28+$0x5C70];
	v8 =	vmul.f32 $3.200000000e+01, v8  }
0x239: {  	[tilespmem:s28+$0x5C00] =	vst v4;
	v4 =	vld [tilespmem:s28+$0x4440];
	v7 =	vmul.f32 $3.200000000e+01, v7  }
0x23a: {  	[tilespmem:s28+$0x5C10] =	vst v8;
	v5 =	vmul.f32 $3.200000000e+01, v5  }
0x23b: {  	v8 =	vld [tilespmem:s28+$0x4840];
	[tilespmem:s28+$0x5C20] =	vst v7;
	v6 =	vmul.f32 $3.200000000e+01, v6  }
0x23c: {  	s0 =	sadd.s32 $0x1, s26;
	v7 =	vld [tilespmem:s28+$0x4C40];
	[tilespmem:s28+$0x5C30] =	vst v5;
	v9 =	vmul.f32 $3.200000000e+01, v9  }
0x23d: {  	s0 =	sand.u32 $0x7, s0;
	v5 =	vld [tilespmem:s28+$0x5040];
	v10 =	vmul.f32 $3.200000000e+01, v10;
	[tilespmem:s28+$0x5C50] =	vst v6  }
0x23e: {  	s5 =	sadd.s32 $0x400, s30;
	s0 =	sshll.u32 s0, $0x7;
	v6 =	vld [tilespmem:s28+$0x5440];
	[tilespmem:s28+$0x5C60] =	vst v9;
	v4 =	vmul.f32 $3.200000000e+01, v4  }
0x23f: {  	s0 =	sadd.s32 s0, s5;
	v9 =	vld [tilespmem:s28+$0x5840];
	[tilespmem:s28+$0x5C70] =	vst v10  }
0x240: {  	s5 =	sor.u32 $0x1C00, s0;
	v10 =	vld [tilespmem:s28+$0x5C40];
	v8 =	vmul.f32 $3.200000000e+01, v8;
	[tilespmem:s28+$0x4440] =	vst v4  }
0x241: {  	v4 =	vmul.f32 $3.200000000e+01, v7;
	v7 =	vld [tilespmem:s5+$0x4400]  }
0x242: {  	[tilespmem:s28+$0x4840] =	vst v8;
	v5 =	vmul.f32 $3.200000000e+01, v5  }
0x243: {  	[tilespmem:s28+$0x4C40] =	vst v4;
	v4 =	vmul.f32 $3.200000000e+01, v6  }
0x244: {  	[tilespmem:s28+$0x5040] =	vst v5;
	v5 =	vmul.f32 $3.200000000e+01, v9  }
0x245: {  	[tilespmem:s28+$0x5440] =	vst v4;
	v4 =	vmul.f32 $3.200000000e+01, v10  }
0x246: {  	[tilespmem:s28+$0x5840] =	vst v5;
	v5 =	vmul.f32 $3.200000000e+01, v7  }
0x247: {  	[tilespmem:s28+$0x5C40] =	vst v4  }
0x248: {  	s16 =	sor.u32 $0x1C10, s0;
	[tilespmem:s5+$0x4400] =	vst v5  }
0x249: {  	v4 =	vld [tilespmem:s16+$0x4400];
	_ =	sdelay $0x4  }
0x24a: {  	v4 =	vmul.f32 $3.200000000e+01, v4;
	_ =	sdelay $0x1  }
0x24b: {  	s17 =	sor.u32 $0x1C20, s0;
	[tilespmem:s16+$0x4400] =	vst v4  }
0x24c: {  	v4 =	vld [tilespmem:s17+$0x4400];
	_ =	sdelay $0x4  }
0x24d: {  	v4 =	vmul.f32 $3.200000000e+01, v4;
	_ =	sdelay $0x1  }
0x24e: {  	s24 =	sor.u32 $0x1C30, s0;
	[tilespmem:s17+$0x4400] =	vst v4  }
0x24f: {  	v4 =	vld [tilespmem:s24+$0x4400];
	_ =	sdelay $0x4  }
0x250: {  	v4 =	vmul.f32 $3.200000000e+01, v4;
	_ =	sdelay $0x1  }
0x251: {  	s26 =	sor.u32 $0x1C40, s0;
	[tilespmem:s24+$0x4400] =	vst v4  }
0x252: {  	v4 =	vld [tilespmem:s26+$0x4400];
	_ =	sdelay $0x4  }
0x253: {  	v4 =	vmul.f32 $3.200000000e+01, v4;
	_ =	sdelay $0x1  }
0x254: {  	s15 =	sor.u32 $0x1C50, s0;
	[tilespmem:s26+$0x4400] =	vst v4  }
0x255: {  	v4 =	vld [tilespmem:s15+$0x4400];
	_ =	sdelay $0x4  }
0x256: {  	v4 =	vmul.f32 $3.200000000e+01, v4;
	_ =	sdelay $0x1  }
0x257: {  	s16 =	sor.u32 $0x1C60, s0;
	[tilespmem:s15+$0x4400] =	vst v4  }
0x258: {  	v4 =	vld [tilespmem:s16+$0x4400];
	_ =	sdelay $0x4  }
0x259: {  	v4 =	vmul.f32 $3.200000000e+01, v4  }
0x25a: {  	[tilespmem:s23+$0x4400] =	vst v3;
	s15 =	sor.u32 $0x1C70, s29  }
0x25b: {  	s0 =	sor.u32 $0x1C70, s0;
	v3 =	vld [tilespmem:s15+$0x4400];
	[tilespmem:s16+$0x4400] =	vst v4  }
0x25c: {  	v4 =	vld [tilespmem:s0+$0x4400];
	_ =	sdelay $0x3  }
0x25d: {  	v3 =	vmul.f32 $3.200000000e+01, v3  }
0x25e: {  	v4 =	vmul.f32 $3.200000000e+01, v4  }
0x25f: {  	[tilespmem:s15+$0x4400] =	vst v3  }
0x260: {  	[tilespmem:s0+$0x4400] =	vst v4;
	s0 =	simm.s32 @!p1 $0x6  }
0x261: {  	_ =	swait.ge @!p1 [sflag:s0], $0x800  }
0x262: {  	[sflag:s0] =	ssyncset.done @!p1 $0x0  }
0x263: {  	s17 =	simm.s32 $0x4400;
	[sflag:s0] =	ssyncadd.s32 @!p1 $0xFFFFF800  }
0x264: {  	[spmem:s12] =	stream.linear.scatter [tilespmem:s17], [sflag:$0x7], $0x4000, $0x38;
	[tilespmem:$0x18400] =	vst v63  }
0x265: {  	_ =	swait.ge [sflag:s14], $0x4000  }
0x266: {  	s23 =	sshll.u32 s13, $0x6;
	s24 =	rddreg [dreg:$0x5];
	[sflag:s14] =	ssyncset.done $0x0  }
0x267: {  	s0 =	sadd.s32 s23, s24;
	[sflag:s14] =	ssyncadd.s32 $0xFFFFC000  }
0x268: {  	s0 =	sshll.u32 s0, $0x7;
	s26 =	rddreg [dreg:$0x2]  }
0x269: {  	s28 =	sadd.s32 s26, s0  }
0x26a: {  	s25 =	sor.u32 $0x1C06, s25;
	s26 =	sshrl.u32 s12, $0x3;
	s0 =	sadd.s32 $0x800, s28  }
0x26b: {  	[hbm:s0], [sflag:s25] =	dma.local [spmem:s26], $0x800  }
0x26c: {  	v3 =	vld @!p0 [tilespmem:s2+$0x50];
	_ =	sdelay $0x4  }
0x26d: {  	v4 =	vshll.u32 @!p0 v3, $0x3  }
0x26e: {  	v5 =	vlaneseq.u32 @!p0;
	v3 =	vand.u32 @!p0 $0x7, v3;
	v4 =	vand.u32 @!p0 $0xFFFFFFC0, v4  }
0x26f: {  	v6 =	vshrl.u32 @!p0 v5, $0x3;
	v3 =	vor.u32 @!p0 v3, v4;
	v4 =	vand.u32 @!p0 $0x7, v5  }
0x270: {  	v6 =	vmul.u32 @!p0 $0x8, v6;
	v4 =	vperm.xlane @!p0 v3, v4;
	_ =	sdelay $0x1  }
0x271: {  	v4 =	vadd.s32 @!p0 v6, v4;
	_ =	sdelay $0x3  }
0x272: {  	s5 =	simm.s32 @!p0 $0x4400;
	s0 =	simm.s32 @!p0 $0x0  }
0x273: {  	v5 =	vor.u32 @!p0 $0x8, v5;
	[tilespmem:s5], [sflag:$0x2] =	stream.indirect_vreg.gather @!p0 [hbm4b:s1+s0], $0x80, v4, vm1, $0xb8;
	[tilespmem:$0x18400] =	vst v63  }
0x274: {  	v3 =	vperm.xlane @!p0 v3, v5;
	s5 =	simm.s32 @!p0 $0x4C00  }
0x275: {  	[tilespmem:s5], [sflag:$0x2] =	stream.indirect_vreg.gather @!p0 [hbm4b:s7+s0], $0x80, v4, vm1, $0xb8;
	[tilespmem:$0x18400] =	vst v63  }
0x276: {  	v3 =	vadd.s32 @!p0 v6, v3;
	s5 =	simm.s32 @!p0 $0x5400  }
0x277: {  	[tilespmem:s5], [sflag:$0x2] =	stream.indirect_vreg.gather @!p0 [hbm4b:s8+s0], $0x80, v4, vm1, $0xb8;
	[tilespmem:$0x18400] =	vst v63  }
0x278: {  	s5 =	simm.s32 @!p0 $0x5C00  }
0x279: {  	[tilespmem:s5], [sflag:$0x2] =	stream.indirect_vreg.gather @!p0 [hbm4b:s9+s0], $0x80, v4, vm1, $0xb8;
	[tilespmem:$0x18400] =	vst v63  }
0x27a: {  	s5 =	simm.s32 @!p0 $0x6400  }
0x27b: {  	[tilespmem:s5], [sflag:$0x2] =	stream.indirect_vreg.gather @!p0 [hbm4b:s1+s0], $0x80, v3, vm1, $0xb8;
	[tilespmem:$0x18400] =	vst v63  }
0x27c: {  	s5 =	simm.s32 @!p0 $0x6C00  }
0x27d: {  	[tilespmem:s5], [sflag:$0x2] =	stream.indirect_vreg.gather @!p0 [hbm4b:s7+s0], $0x80, v3, vm1, $0xb8;
	[tilespmem:$0x18400] =	vst v63  }
0x27e: {  	s5 =	simm.s32 @!p0 $0x7400  }
0x27f: {  	[tilespmem:s5], [sflag:$0x2] =	stream.indirect_vreg.gather @!p0 [hbm4b:s8+s0], $0x80, v3, vm1, $0xb8;
	[tilespmem:$0x18400] =	vst v63  }
0x280: {  	s5 =	simm.s32 @!p0 $0x7C00  }
0x281: {  	[tilespmem:s5], [sflag:$0x2] =	stream.indirect_vreg.gather @!p0 [hbm4b:s9+s0], $0x80, v3, vm1, $0xb8;
	[tilespmem:$0x18400] =	vst v63  }
0x282: {  	s29 =	simm.s32 $0x0;
	s15 =	simm.s32 $0x0;
	_ =	swait.ge [sflag:s19], $0x4000  }
0x283: {  	s16 =	sand.u32 $0x380, s29;
	s0 =	sand.u32 $0x2000, s15;
	[sflag:s19] =	ssyncset.done $0x0  }
0x284: {  	s17 =	sor.u32 s16, s0;
	[sflag:s19] =	ssyncadd.s32 $0xFFFFC000  }
0x285: {  	v3 =	vld [tilespmem:s17+$0x8400]  }
0x286: {  	v4 =	vld [tilespmem:s17+$0x8410]  }
0x287: {  	v5 =	vld [tilespmem:s17+$0x8420]  }
0x288: {  	v6 =	vld [tilespmem:s17+$0x8430]  }
0x289: {  	v7 =	vld [tilespmem:s17+$0x8450]  }
0x28a: {  	v8 =	vld [tilespmem:s17+$0x8460]  }
0x28b: {  	v9 =	vld [tilespmem:s17+$0x8470];
	v3 =	vmul.f32 $3.200000000e+01, v3  }
0x28c: {  	v10 =	vld [tilespmem:s17+$0x8800];
	v4 =	vmul.f32 $3.200000000e+01, v4  }
0x28d: {  	s23 =	simm.s32 $0x80;
	s24 =	simm.s32 $0x400;
	v11 =	vld [tilespmem:s17+$0x8810];
	[tilespmem:s17+$0x8400] =	vst v3;
	v3 =	vmul.f32 $3.200000000e+01, v5  }
0x28e: {  	s5 =	sand.u32 $0x2000, s24;
	s0 =	sand.u32 $0x380, s23;
	v12 =	vld [tilespmem:s17+$0x8820];
	[tilespmem:s17+$0x8410] =	vst v4;
	v4 =	vmul.f32 $3.200000000e+01, v6  }
0x28f: {  	s30 =	sor.u32 s0, s5;
	v13 =	vld [tilespmem:s17+$0x8830];
	[tilespmem:s17+$0x8420] =	vst v3;
	v3 =	vmul.f32 $3.200000000e+01, v7  }
0x290: {  	v59 =	vld [tilespmem:s30+$0x8460];
	[tilespmem:s17+$0x8430] =	vst v4;
	v4 =	vmul.f32 $3.200000000e+01, v8  }
0x291: {  	v51 =	vld [tilespmem:s17+$0x8C50];
	[tilespmem:s17+$0x8450] =	vst v3;
	v3 =	vmul.f32 $3.200000000e+01, v9  }
0x292: {  	v5 =	vld [tilespmem:s17+$0x8850];
	[tilespmem:s17+$0x8460] =	vst v4;
	v4 =	vmul.f32 $3.200000000e+01, v10  }
0x293: {  	v60 =	vld [tilespmem:s30+$0x8470];
	[tilespmem:s17+$0x8470] =	vst v3;
	v3 =	vmul.f32 $3.200000000e+01, v11  }
0x294: {  	v6 =	vld [tilespmem:s17+$0x8860];
	[tilespmem:s17+$0x8800] =	vst v4;
	v4 =	vmul.f32 $3.200000000e+01, v12  }
0x295: {  	v7 =	vld [tilespmem:s17+$0x8870];
	v12 =	vmul.f32 $3.200000000e+01, v59;
	[tilespmem:s17+$0x8810] =	vst v3  }
0x296: {  	v8 =	vld [tilespmem:s17+$0x8C00];
	v3 =	vmul.f32 $3.200000000e+01, v13;
	[tilespmem:s17+$0x8820] =	vst v4  }
0x297: {  	v9 =	vld [tilespmem:s17+$0x8C10];
	v4 =	vmul.f32 $3.200000000e+01, v5;
	[tilespmem:s30+$0x8460] =	vst v12  }
0x298: {  	v10 =	vld [tilespmem:s17+$0x8C20];
	v13 =	vmul.f32 $3.200000000e+01, v60;
	[tilespmem:s17+$0x8830] =	vst v3  }
0x299: {  	v11 =	vld [tilespmem:s17+$0x8C30];
	v3 =	vmul.f32 $3.200000000e+01, v6;
	[tilespmem:s17+$0x8850] =	vst v4  }
0x29a: {  	v52 =	vld [tilespmem:s17+$0x8C60];
	v4 =	vmul.f32 $3.200000000e+01, v7;
	[tilespmem:s30+$0x8470] =	vst v13  }
0x29b: {  	v53 =	vld [tilespmem:s17+$0x9070];
	[tilespmem:s17+$0x8860] =	vst v3;
	v3 =	vmul.f32 $3.200000000e+01, v8  }
0x29c: {  	v5 =	vld [tilespmem:s17+$0x8C70];
	[tilespmem:s17+$0x8870] =	vst v4;
	v4 =	vmul.f32 $3.200000000e+01, v9  }
0x29d: {  	v6 =	vld [tilespmem:s17+$0x9000];
	[tilespmem:s17+$0x8C00] =	vst v3;
	v3 =	vmul.f32 $3.200000000e+01, v10  }
0x29e: {  	v7 =	vld [tilespmem:s17+$0x9010];
	[tilespmem:s17+$0x8C10] =	vst v4;
	v4 =	vmul.f32 $3.200000000e+01, v11  }
0x29f: {  	v8 =	vld [tilespmem:s17+$0x9020];
	[tilespmem:s17+$0x8C20] =	vst v3;
	v3 =	vmul.f32 $3.200000000e+01, v51  }
0x2a0: {  	v9 =	vld [tilespmem:s17+$0x9030];
	[tilespmem:s17+$0x8C30] =	vst v4;
	v4 =	vmul.f32 $3.200000000e+01, v52  }
0x2a1: {  	v10 =	vld [tilespmem:s17+$0x9050];
	[tilespmem:s17+$0x8C50] =	vst v3;
	v3 =	vmul.f32 $3.200000000e+01, v5  }
0x2a2: {  	v11 =	vld [tilespmem:s17+$0x9060];
	[tilespmem:s17+$0x8C60] =	vst v4;
	v4 =	vmul.f32 $3.200000000e+01, v6  }
0x2a3: {  	v54 =	vld [tilespmem:s17+$0x9400];
	[tilespmem:s17+$0x8C70] =	vst v3;
	v3 =	vmul.f32 $3.200000000e+01, v7  }
0x2a4: {  	v55 =	vld [tilespmem:s17+$0x9810];
	[tilespmem:s17+$0x9000] =	vst v4;
	v4 =	vmul.f32 $3.200000000e+01, v8  }
0x2a5: {  	v5 =	vld [tilespmem:s17+$0x9410];
	[tilespmem:s17+$0x9010] =	vst v3;
	v3 =	vmul.f32 $3.200000000e+01, v9  }
0x2a6: {  	v6 =	vld [tilespmem:s17+$0x9420];
	[tilespmem:s17+$0x9020] =	vst v4;
	v4 =	vmul.f32 $3.200000000e+01, v10  }
0x2a7: {  	v7 =	vld [tilespmem:s17+$0x9430];
	[tilespmem:s17+$0x9030] =	vst v3;
	v3 =	vmul.f32 $3.200000000e+01, v11  }
0x2a8: {  	v8 =	vld [tilespmem:s17+$0x9450];
	[tilespmem:s17+$0x9050] =	vst v4;
	v4 =	vmul.f32 $3.200000000e+01, v53  }
0x2a9: {  	v9 =	vld [tilespmem:s17+$0x9460];
	[tilespmem:s17+$0x9060] =	vst v3;
	v3 =	vmul.f32 $3.200000000e+01, v54  }
0x2aa: {  	v10 =	vld [tilespmem:s17+$0x9470];
	[tilespmem:s17+$0x9070] =	vst v4;
	v4 =	vmul.f32 $3.200000000e+01, v5  }
0x2ab: {  	v11 =	vld [tilespmem:s17+$0x9800];
	[tilespmem:s17+$0x9400] =	vst v3;
	v3 =	vmul.f32 $3.200000000e+01, v6  }
0x2ac: {  	v56 =	vld [tilespmem:s17+$0x9820];
	[tilespmem:s17+$0x9410] =	vst v4;
	v4 =	vmul.f32 $3.200000000e+01, v7  }
0x2ad: {  	v57 =	vld [tilespmem:s30+$0x8400];
	[tilespmem:s17+$0x9420] =	vst v3;
	v3 =	vmul.f32 $3.200000000e+01, v8  }
0x2ae: {  	v8 =	vld [tilespmem:s17+$0x9870];
	[tilespmem:s17+$0x9430] =	vst v4;
	v4 =	vmul.f32 $3.200000000e+01, v9  }
0x2af: {  	v5 =	vld [tilespmem:s17+$0x9830];
	[tilespmem:s17+$0x9450] =	vst v3;
	v3 =	vmul.f32 $3.200000000e+01, v10  }
0x2b0: {  	v6 =	vld [tilespmem:s17+$0x9850];
	[tilespmem:s17+$0x9460] =	vst v4;
	v4 =	vmul.f32 $3.200000000e+01, v11  }
0x2b1: {  	v9 =	vld [tilespmem:s17+$0x9C00];
	[tilespmem:s17+$0x9470] =	vst v3;
	v3 =	vmul.f32 $3.200000000e+01, v55  }
0x2b2: {  	v10 =	vld [tilespmem:s17+$0x9C10];
	[tilespmem:s17+$0x9800] =	vst v4;
	v4 =	vmul.f32 $3.200000000e+01, v56  }
0x2b3: {  	v11 =	vld [tilespmem:s17+$0x9C20];
	v8 =	vmul.f32 $3.200000000e+01, v8;
	[tilespmem:s17+$0x9810] =	vst v3  }
0x2b4: {  	v7 =	vld [tilespmem:s17+$0x9860];
	v3 =	vmul.f32 $3.200000000e+01, v5;
	[tilespmem:s17+$0x9820] =	vst v4  }
0x2b5: {  	v58 =	vld [tilespmem:s30+$0x8410];
	v4 =	vmul.f32 $3.200000000e+01, v6;
	[tilespmem:s17+$0x9870] =	vst v8  }
0x2b6: {  	v61 =	vld [tilespmem:s17+$0x8840];
	v8 =	vmul.f32 $3.200000000e+01, v9;
	[tilespmem:s17+$0x9830] =	vst v3  }
0x2b7: {  	v5 =	vld [tilespmem:s30+$0x8420];
	v10 =	vmul.f32 $3.200000000e+01, v10;
	[tilespmem:s17+$0x9850] =	vst v4  }
0x2b8: {  	v6 =	vld [tilespmem:s30+$0x8430];
	v11 =	vmul.f32 $3.200000000e+01, v11;
	[tilespmem:s17+$0x9C00] =	vst v8  }
0x2b9: {  	v3 =	vmul.f32 $3.200000000e+01, v7;
	v7 =	vld [tilespmem:s30+$0x8450];
	[tilespmem:s17+$0x9C10] =	vst v10  }
0x2ba: {  	v4 =	vmul.f32 $3.200000000e+01, v57;
	v10 =	vld [tilespmem:s30+$0x8820];
	[tilespmem:s17+$0x9C20] =	vst v11  }
0x2bb: {  	v11 =	vld [tilespmem:s30+$0x8830];
	[tilespmem:s17+$0x9860] =	vst v3;
	v3 =	vmul.f32 $3.200000000e+01, v58  }
0x2bc: {  	[tilespmem:s30+$0x8400] =	vst v4;
	v4 =	vld [tilespmem:s17+$0x9C30];
	v5 =	vmul.f32 $3.200000000e+01, v5  }
0x2bd: {  	v6 =	vmul.f32 $3.200000000e+01, v6;
	[tilespmem:s30+$0x8410] =	vst v3;
	v3 =	vld [tilespmem:s17+$0x9C50]  }
0x2be: {  	[tilespmem:s30+$0x8420] =	vst v5;
	v5 =	vld [tilespmem:s17+$0x9C60];
	v7 =	vmul.f32 $3.200000000e+01, v7  }
0x2bf: {  	[tilespmem:s30+$0x8430] =	vst v6;
	v6 =	vld [tilespmem:s17+$0x9C70];
	v10 =	vmul.f32 $3.200000000e+01, v10  }
0x2c0: {  	v9 =	vld [tilespmem:s30+$0x8800];
	v11 =	vmul.f32 $3.200000000e+01, v11;
	[tilespmem:s30+$0x8450] =	vst v7  }
0x2c1: {  	v8 =	vld [tilespmem:s30+$0x8810];
	v4 =	vmul.f32 $3.200000000e+01, v4;
	[tilespmem:s30+$0x8820] =	vst v10  }
0x2c2: {  	v7 =	vld [tilespmem:s17+$0x8440];
	[tilespmem:s30+$0x8830] =	vst v11;
	v3 =	vmul.f32 $3.200000000e+01, v3  }
0x2c3: {  	[tilespmem:s17+$0x9C30] =	vst v4;
	v4 =	vld [tilespmem:s30+$0x8850];
	v5 =	vmul.f32 $3.200000000e+01, v5  }
0x2c4: {  	v62 =	vld [tilespmem:s17+$0x8C40];
	v6 =	vmul.f32 $3.200000000e+01, v6;
	[tilespmem:s17+$0x9C50] =	vst v3  }
0x2c5: {  	v3 =	vmul.f32 $3.200000000e+01, v9;
	v9 =	vld [tilespmem:s30+$0x8860];
	[tilespmem:s17+$0x9C60] =	vst v5  }
0x2c6: {  	v10 =	vld [tilespmem:s17+$0x9840];
	v5 =	vmul.f32 $3.200000000e+01, v8;
	[tilespmem:s17+$0x9C70] =	vst v6  }
0x2c7: {  	s5 =	sand.u32 $0x7, s29;
	v8 =	vld [tilespmem:s30+$0x8870];
	v7 =	vmul.f32 $3.200000000e+01, v7;
	[tilespmem:s30+$0x8800] =	vst v3  }
0x2c8: {  	s0 =	sshll.u32 s5, $0x7;
	v3 =	vld [tilespmem:s17+$0x9040];
	[tilespmem:s30+$0x8810] =	vst v5;
	v4 =	vmul.f32 $3.200000000e+01, v4  }
0x2c9: {  	s31 =	sadd.s32 $0x0, s0;
	v12 =	vmul.f32 $3.200000000e+01, v61;
	v5 =	vld [tilespmem:s17+$0x9440];
	[tilespmem:s17+$0x8440] =	vst v7  }
0x2ca: {  	s0 =	sor.u32 $0x1C00, s31;
	v7 =	vld [tilespmem:s30+$0x8C10];
	[tilespmem:s30+$0x8850] =	vst v4;
	v4 =	vmul.f32 $3.200000000e+01, v9  }
0x2cb: {  	v13 =	vmul.f32 $3.200000000e+01, v62;
	v11 =	vld [tilespmem:s0+$0x8400];
	[tilespmem:s17+$0x8840] =	vst v12  }
0x2cc: {  	v8 =	vmul.f32 $3.200000000e+01, v8;
	[tilespmem:s30+$0x8860] =	vst v4;
	v4 =	vld [tilespmem:s17+$0x9C40]  }
0x2cd: {  	[tilespmem:s17+$0x8C40] =	vst v13;
	v3 =	vmul.f32 $3.200000000e+01, v3  }
0x2ce: {  	v5 =	vmul.f32 $3.200000000e+01, v5;
	[tilespmem:s30+$0x8870] =	vst v8  }
0x2cf: {  	v8 =	vmul.f32 $3.200000000e+01, v10;
	[tilespmem:s17+$0x9040] =	vst v3  }
0x2d0: {  	v7 =	vmul.f32 $3.200000000e+01, v7;
	[tilespmem:s17+$0x9440] =	vst v5  }
0x2d1: {  	[tilespmem:s17+$0x9840] =	vst v8;
	v4 =	vmul.f32 $3.200000000e+01, v4  }
0x2d2: {  	v6 =	vld [tilespmem:s30+$0x8C00];
	[tilespmem:s30+$0x8C10] =	vst v7;
	v7 =	vmul.f32 $3.200000000e+01, v11  }
0x2d3: {  	[tilespmem:s17+$0x9C40] =	vst v4  }
0x2d4: {  	s15 =	sor.u32 $0x1C10, s31;
	v3 =	vld [tilespmem:s30+$0x8C50];
	[tilespmem:s0+$0x8400] =	vst v7  }
0x2d5: {  	v7 =	vld [tilespmem:s15+$0x8400]  }
0x2d6: {  	v4 =	vld [tilespmem:s30+$0x9000]  }
0x2d7: {  	v5 =	vmul.f32 $3.200000000e+01, v6;
	v6 =	vld [tilespmem:s30+$0x8C60];
	_ =	sdelay $0x1  }
0x2d8: {  	v3 =	vmul.f32 $3.200000000e+01, v3  }
0x2d9: {  	v7 =	vmul.f32 $3.200000000e+01, v7  }
0x2da: {  	[tilespmem:s30+$0x8C50] =	vst v3;
	v3 =	vld [tilespmem:s30+$0x9030];
	v4 =	vmul.f32 $3.200000000e+01, v4  }
0x2db: {  	v63 =	vld [tilespmem:s30+$0x8C20];
	s16 =	sor.u32 $0x1C20, s31;
	v6 =	vmul.f32 $3.200000000e+01, v6;
	[tilespmem:s15+$0x8400] =	vst v7  }
0x2dc: {  	[tilespmem:s30+$0x9000] =	vst v4;
	v4 =	vld [tilespmem:s16+$0x8400]  }
0x2dd: {  	[tilespmem:s30+$0x8C60] =	vst v6;
	v6 =	vld [tilespmem:s30+$0x9050];
	_ =	sdelay $0x1  }
0x2de: {  	v3 =	vmul.f32 $3.200000000e+01, v3  }
0x2df: {  	[tilespmem:s30+$0x8C00] =	vst v5;
	v5 =	vmul.f32 $3.200000000e+01, v63  }
0x2e0: {  	v9 =	vld [tilespmem:s30+$0x8C30];
	[tilespmem:s30+$0x9030] =	vst v3;
	v3 =	vmul.f32 $3.200000000e+01, v4  }
0x2e1: {  	v8 =	vld [tilespmem:s30+$0x8C70];
	[tilespmem:s30+$0x8C20] =	vst v5;
	v6 =	vmul.f32 $3.200000000e+01, v6  }
0x2e2: {  	v5 =	vld [tilespmem:s30+$0x9010];
	s17 =	sor.u32 $0x1C30, s31;
	[tilespmem:s16+$0x8400] =	vst v3  }
0x2e3: {  	[tilespmem:s30+$0x9050] =	vst v6;
	v6 =	vld [tilespmem:s17+$0x8400];
	_ =	sdelay $0x1  }
0x2e4: {  	v9 =	vmul.f32 $3.200000000e+01, v9;
	v7 =	vld [tilespmem:s30+$0x9070]  }
0x2e5: {  	v8 =	vmul.f32 $3.200000000e+01, v8  }
0x2e6: {  	[tilespmem:s30+$0x8C30] =	vst v9;
	v5 =	vmul.f32 $3.200000000e+01, v5  }
0x2e7: {  	v9 =	vld [tilespmem:s30+$0x9020];
	[tilespmem:s30+$0x8C70] =	vst v8;
	v6 =	vmul.f32 $3.200000000e+01, v6  }
0x2e8: {  	v8 =	vld [tilespmem:s30+$0x9060];
	[tilespmem:s30+$0x9010] =	vst v5  }
0x2e9: {  	s23 =	sor.u32 $0x1C40, s31;
	v5 =	vld [tilespmem:s30+$0x9400];
	v7 =	vmul.f32 $3.200000000e+01, v7;
	[tilespmem:s17+$0x8400] =	vst v6  }
0x2ea: {  	v6 =	vld [tilespmem:s23+$0x8400]  }
0x2eb: {  	[tilespmem:s30+$0x9070] =	vst v7;
	v7 =	vld [tilespmem:s30+$0x9460]  }
0x2ec: {  	v9 =	vmul.f32 $3.200000000e+01, v9;
	v3 =	vld [tilespmem:s30+$0x9430]  }
0x2ed: {  	v8 =	vmul.f32 $3.200000000e+01, v8;
	v4 =	vld [tilespmem:s30+$0x9420]  }
0x2ee: {  	[tilespmem:s30+$0x9020] =	vst v9;
	v9 =	vld [tilespmem:s30+$0x9410];
	v5 =	vmul.f32 $3.200000000e+01, v5  }
0x2ef: {  	[tilespmem:s30+$0x9060] =	vst v8;
	v8 =	vld [tilespmem:s30+$0x9450];
	v6 =	vmul.f32 $3.200000000e+01, v6  }
0x2f0: {  	[tilespmem:s30+$0x9400] =	vst v5;
	v5 =	vld [tilespmem:s30+$0x9800];
	v7 =	vmul.f32 $3.200000000e+01, v7  }
0x2f1: {  	s24 =	sor.u32 $0x1C50, s31;
	v10 =	vld [tilespmem:s30+$0x9470];
	v3 =	vmul.f32 $3.200000000e+01, v3;
	[tilespmem:s23+$0x8400] =	vst v6  }
0x2f2: {  	v4 =	vmul.f32 $3.200000000e+01, v4;
	[tilespmem:s30+$0x9460] =	vst v7;
	v7 =	vld [tilespmem:s24+$0x8400]  }
0x2f3: {  	v9 =	vmul.f32 $3.200000000e+01, v9;
	[tilespmem:s30+$0x9430] =	vst v3;
	v3 =	vld [tilespmem:s30+$0x9820]  }
0x2f4: {  	v8 =	vmul.f32 $3.200000000e+01, v8;
	[tilespmem:s30+$0x9420] =	vst v4;
	v4 =	vld [tilespmem:s30+$0x9810]  }
0x2f5: {  	[tilespmem:s30+$0x9410] =	vst v9;
	v5 =	vmul.f32 $3.200000000e+01, v5  }
0x2f6: {  	v9 =	vmul.f32 $3.200000000e+01, v10;
	[tilespmem:s30+$0x9450] =	vst v8;
	v8 =	vld [tilespmem:s30+$0x9830]  }
0x2f7: {  	[tilespmem:s30+$0x9800] =	vst v5;
	v6 =	vld [tilespmem:s30+$0x9850];
	v5 =	vmul.f32 $3.200000000e+01, v7  }
0x2f8: {  	[tilespmem:s30+$0x9470] =	vst v9;
	v9 =	vld [tilespmem:s30+$0x9860];
	v3 =	vmul.f32 $3.200000000e+01, v3  }
0x2f9: {  	s0 =	sor.u32 $0x1C60, s31;
	v10 =	vld [tilespmem:s30+$0x9870];
	v4 =	vmul.f32 $3.200000000e+01, v4;
	[tilespmem:s24+$0x8400] =	vst v5  }
0x2fa: {  	[tilespmem:s30+$0x9820] =	vst v3;
	v3 =	vld [tilespmem:s0+$0x8400]  }
0x2fb: {  	[tilespmem:s30+$0x9810] =	vst v4;
	v4 =	vld [tilespmem:s30+$0x9C00];
	v7 =	vmul.f32 $3.200000000e+01, v8  }
0x2fc: {  	v8 =	vld [tilespmem:s30+$0x9C10];
	v5 =	vmul.f32 $3.200000000e+01, v6  }
0x2fd: {  	[tilespmem:s30+$0x9830] =	vst v7;
	v7 =	vld [tilespmem:s30+$0x9C20];
	v6 =	vmul.f32 $3.200000000e+01, v9  }
0x2fe: {  	v9 =	vmul.f32 $3.200000000e+01, v10;
	[tilespmem:s30+$0x9850] =	vst v5;
	v5 =	vld [tilespmem:s30+$0x9C30]  }
0x2ff: {  	s15 =	simm.s32 $0xFFFFC400;
	s16 =	simm.s32 $0x0;
	s23 =	simm.s32 $0x100;
	[tilespmem:s30+$0x9860] =	vst v6;
	v6 =	vld [tilespmem:s30+$0x9C50];
	v3 =	vmul.f32 $3.200000000e+01, v3  }
.LBB2_7:
0x300: {  	p1 =	sne.s32 s23, $0x780;
	[tilespmem:s30+$0x9870] =	vst v9;
	v4 =	vmul.f32 $3.200000000e+01, v4;
	v9 =	vld [tilespmem:s30+$0x9C60]  }
0x301: {  	v8 =	vmul.f32 $3.200000000e+01, v8;
	v10 =	vld [tilespmem:s30+$0x9C70];
	[tilespmem:s0+$0x8400] =	vst v3;
	s0 =	sor.u32 $0x1C70, s31  }
0x302: {  	[tilespmem:s30+$0x9C00] =	vst v4;
	v3 =	vmul.f32 $3.200000000e+01, v7;
	v4 =	vld [tilespmem:s0+$0x8400]  }
0x303: {  	v7 =	vld [tilespmem:s30+$0x8440];
	[tilespmem:s30+$0x9C10] =	vst v8;
	v5 =	vmul.f32 $3.200000000e+01, v5  }
0x304: {  	v8 =	vld [tilespmem:s30+$0x8840];
	[tilespmem:s30+$0x9C20] =	vst v3;
	v3 =	vmul.f32 $3.200000000e+01, v6  }
0x305: {  	s29 =	sadd.s32 $0x1, s29;
	v6 =	vld [tilespmem:s30+$0x8C40];
	[tilespmem:s30+$0x9C30] =	vst v5;
	v5 =	vmul.f32 $3.200000000e+01, v9  }
0x306: {  	s5 =	sand.u32 $0x7, s29;
	v9 =	vld [tilespmem:s30+$0x9040];
	[tilespmem:s30+$0x9C50] =	vst v3;
	v3 =	vmul.f32 $3.200000000e+01, v10  }
0x307: {  	s15 =	sadd.s32 $0x400, s15;
	s16 =	sadd.s32 $0x400, s16;
	s5 =	sshll.u32 s5, $0x7;
	v10 =	vld [tilespmem:s30+$0x9440];
	[tilespmem:s30+$0x9C60] =	vst v5;
	v4 =	vmul.f32 $3.200000000e+01, v4  }
0x308: {  	s24 =	sadd.s32 $0x4000, s15;
	s31 =	sadd.s32 s5, s16;
	v5 =	vmul.f32 $3.200000000e+01, v7;
	v7 =	vld [tilespmem:s30+$0x9840];
	[tilespmem:s30+$0x9C70] =	vst v3  }
0x309: {  	s5 =	sand.u32 $0x2000, s24;
	s24 =	sand.u32 $0x380, s23;
	s17 =	sor.u32 $0x1C00, s31;
	v3 =	vmul.f32 $3.200000000e+01, v8;
	v8 =	vld [tilespmem:s30+$0x9C40];
	[tilespmem:s0+$0x8400] =	vst v4  }
0x30a: {  	s0 =	sor.u32 s24, s5;
	[tilespmem:s30+$0x8440] =	vst v5;
	v4 =	vmul.f32 $3.200000000e+01, v6;
	v5 =	vld [tilespmem:s17+$0x8400]  }
0x30b: {  	v6 =	vld [tilespmem:s0+$0x8400];
	[tilespmem:s30+$0x8840] =	vst v3;
	v3 =	vmul.f32 $3.200000000e+01, v9  }
0x30c: {  	v9 =	vld [tilespmem:s0+$0x8410];
	[tilespmem:s30+$0x8C40] =	vst v4;
	v4 =	vmul.f32 $3.200000000e+01, v10  }
0x30d: {  	v10 =	vld [tilespmem:s0+$0x8420];
	[tilespmem:s30+$0x9040] =	vst v3;
	v3 =	vmul.f32 $3.200000000e+01, v7  }
0x30e: {  	v7 =	vld [tilespmem:s0+$0x8430];
	[tilespmem:s30+$0x9440] =	vst v4;
	v4 =	vmul.f32 $3.200000000e+01, v8  }
0x30f: {  	v8 =	vld [tilespmem:s0+$0x8450];
	[tilespmem:s30+$0x9840] =	vst v3;
	v3 =	vmul.f32 $3.200000000e+01, v5  }
0x310: {  	v5 =	vmul.f32 $3.200000000e+01, v6;
	v6 =	vld [tilespmem:s0+$0x8460];
	[tilespmem:s30+$0x9C40] =	vst v4;
	s30 =	smov.u32 s0  }
0x311: {  	s0 =	sor.u32 $0x1C10, s31;
	v4 =	vmul.f32 $3.200000000e+01, v9;
	v9 =	vld [tilespmem:s30+$0x8470];
	[tilespmem:s17+$0x8400] =	vst v3  }
0x312: {  	[tilespmem:s30+$0x8400] =	vst v5;
	v3 =	vmul.f32 $3.200000000e+01, v10;
	v5 =	vld [tilespmem:s0+$0x8400]  }
0x313: {  	[tilespmem:s30+$0x8410] =	vst v4;
	v4 =	vmul.f32 $3.200000000e+01, v7;
	v7 =	vld [tilespmem:s30+$0x8800]  }
0x314: {  	[tilespmem:s30+$0x8420] =	vst v3;
	v3 =	vmul.f32 $3.200000000e+01, v8;
	v8 =	vld [tilespmem:s30+$0x8810]  }
0x315: {  	[tilespmem:s30+$0x8430] =	vst v4;
	v4 =	vmul.f32 $3.200000000e+01, v6;
	v6 =	vld [tilespmem:s30+$0x8820]  }
0x316: {  	[tilespmem:s30+$0x8450] =	vst v3;
	v3 =	vmul.f32 $3.200000000e+01, v9;
	v9 =	vld [tilespmem:s30+$0x8830]  }
0x317: {  	[tilespmem:s30+$0x8460] =	vst v4;
	v4 =	vld [tilespmem:s30+$0x8850];
	v5 =	vmul.f32 $3.200000000e+01, v5  }
0x318: {  	[tilespmem:s30+$0x8470] =	vst v3;
	v3 =	vmul.f32 $3.200000000e+01, v7;
	v7 =	vld [tilespmem:s30+$0x8860]  }
0x319: {  	v8 =	vmul.f32 $3.200000000e+01, v8;
	v10 =	vld [tilespmem:s30+$0x8870];
	[tilespmem:s0+$0x8400] =	vst v5;
	s0 =	sor.u32 $0x1C20, s31  }
0x31a: {  	[tilespmem:s30+$0x8800] =	vst v3;
	v3 =	vmul.f32 $3.200000000e+01, v6;
	v5 =	vld [tilespmem:s0+$0x8400]  }
0x31b: {  	[tilespmem:s30+$0x8810] =	vst v8;
	v6 =	vmul.f32 $3.200000000e+01, v9;
	v8 =	vld [tilespmem:s30+$0x8C00]  }
0x31c: {  	[tilespmem:s30+$0x8820] =	vst v3;
	v3 =	vmul.f32 $3.200000000e+01, v4;
	v4 =	vld [tilespmem:s30+$0x8C10]  }
0x31d: {  	[tilespmem:s30+$0x8830] =	vst v6;
	v6 =	vmul.f32 $3.200000000e+01, v7;
	v7 =	vld [tilespmem:s30+$0x8C20]  }
0x31e: {  	[tilespmem:s30+$0x8850] =	vst v3;
	v3 =	vmul.f32 $3.200000000e+01, v10;
	v9 =	vld [tilespmem:s30+$0x8C30]  }
0x31f: {  	[tilespmem:s30+$0x8860] =	vst v6;
	v6 =	vld [tilespmem:s30+$0x8C50];
	v5 =	vmul.f32 $3.200000000e+01, v5  }
0x320: {  	[tilespmem:s30+$0x8870] =	vst v3;
	v3 =	vmul.f32 $3.200000000e+01, v8;
	v8 =	vld [tilespmem:s30+$0x8C60]  }
0x321: {  	v4 =	vmul.f32 $3.200000000e+01, v4;
	v10 =	vld [tilespmem:s30+$0x8C70];
	[tilespmem:s0+$0x8400] =	vst v5;
	s0 =	sor.u32 $0x1C30, s31  }
0x322: {  	[tilespmem:s30+$0x8C00] =	vst v3;
	v3 =	vmul.f32 $3.200000000e+01, v7;
	v5 =	vld [tilespmem:s0+$0x8400]  }
0x323: {  	[tilespmem:s30+$0x8C10] =	vst v4;
	v4 =	vmul.f32 $3.200000000e+01, v9;
	v7 =	vld [tilespmem:s30+$0x9000]  }
0x324: {  	[tilespmem:s30+$0x8C20] =	vst v3;
	v3 =	vmul.f32 $3.200000000e+01, v6;
	v6 =	vld [tilespmem:s30+$0x9010]  }
0x325: {  	[tilespmem:s30+$0x8C30] =	vst v4;
	v4 =	vmul.f32 $3.200000000e+01, v8;
	v8 =	vld [tilespmem:s30+$0x9020]  }
0x326: {  	[tilespmem:s30+$0x8C50] =	vst v3;
	v3 =	vmul.f32 $3.200000000e+01, v10;
	v9 =	vld [tilespmem:s30+$0x9030]  }
0x327: {  	[tilespmem:s30+$0x8C60] =	vst v4;
	v4 =	vld [tilespmem:s30+$0x9050];
	v5 =	vmul.f32 $3.200000000e+01, v5  }
0x328: {  	[tilespmem:s30+$0x8C70] =	vst v3;
	v3 =	vmul.f32 $3.200000000e+01, v7;
	v7 =	vld [tilespmem:s30+$0x9060]  }
0x329: {  	v6 =	vmul.f32 $3.200000000e+01, v6;
	v10 =	vld [tilespmem:s30+$0x9070];
	[tilespmem:s0+$0x8400] =	vst v5;
	s0 =	sor.u32 $0x1C40, s31  }
0x32a: {  	[tilespmem:s30+$0x9000] =	vst v3;
	v3 =	vmul.f32 $3.200000000e+01, v8;
	v5 =	vld [tilespmem:s0+$0x8400]  }
0x32b: {  	[tilespmem:s30+$0x9010] =	vst v6;
	v6 =	vmul.f32 $3.200000000e+01, v9;
	v8 =	vld [tilespmem:s30+$0x9400]  }
0x32c: {  	[tilespmem:s30+$0x9020] =	vst v3;
	v3 =	vmul.f32 $3.200000000e+01, v4;
	v4 =	vld [tilespmem:s30+$0x9410]  }
0x32d: {  	[tilespmem:s30+$0x9030] =	vst v6;
	v6 =	vmul.f32 $3.200000000e+01, v7;
	v7 =	vld [tilespmem:s30+$0x9420]  }
0x32e: {  	[tilespmem:s30+$0x9050] =	vst v3;
	v3 =	vmul.f32 $3.200000000e+01, v10;
	v9 =	vld [tilespmem:s30+$0x9430]  }
0x32f: {  	[tilespmem:s30+$0x9060] =	vst v6;
	v6 =	vld [tilespmem:s30+$0x9450];
	v5 =	vmul.f32 $3.200000000e+01, v5  }
0x330: {  	[tilespmem:s30+$0x9070] =	vst v3;
	v3 =	vmul.f32 $3.200000000e+01, v8;
	v8 =	vld [tilespmem:s30+$0x9460]  }
0x331: {  	v4 =	vmul.f32 $3.200000000e+01, v4;
	v10 =	vld [tilespmem:s30+$0x9470];
	[tilespmem:s0+$0x8400] =	vst v5;
	s0 =	sor.u32 $0x1C50, s31  }
0x332: {  	[tilespmem:s30+$0x9400] =	vst v3;
	v3 =	vmul.f32 $3.200000000e+01, v7;
	v5 =	vld [tilespmem:s0+$0x8400]  }
0x333: {  	[tilespmem:s30+$0x9410] =	vst v4;
	v4 =	vmul.f32 $3.200000000e+01, v9;
	v7 =	vld [tilespmem:s30+$0x9800]  }
0x334: {  	[tilespmem:s30+$0x9420] =	vst v3;
	v3 =	vmul.f32 $3.200000000e+01, v6;
	v6 =	vld [tilespmem:s30+$0x9810]  }
0x335: {  	[tilespmem:s30+$0x9430] =	vst v4;
	v4 =	vmul.f32 $3.200000000e+01, v8;
	v8 =	vld [tilespmem:s30+$0x9820]  }
0x336: {  	[tilespmem:s30+$0x9450] =	vst v3;
	v3 =	vmul.f32 $3.200000000e+01, v10;
	v9 =	vld [tilespmem:s30+$0x9830]  }
0x337: {  	[tilespmem:s30+$0x9460] =	vst v4;
	v10 =	vld [tilespmem:s30+$0x9850];
	v4 =	vmul.f32 $3.200000000e+01, v5  }
0x338: {  	[tilespmem:s30+$0x9470] =	vst v3;
	v3 =	vmul.f32 $3.200000000e+01, v7;
	v5 =	vld [tilespmem:s30+$0x9860]  }
0x339: {  	v6 =	vmul.f32 $3.200000000e+01, v6;
	v11 =	vld [tilespmem:s30+$0x9870];
	[tilespmem:s0+$0x8400] =	vst v4;
	s0 =	sor.u32 $0x1C60, s31  }
0x33a: {  	[tilespmem:s30+$0x9800] =	vst v3;
	v3 =	vmul.f32 $3.200000000e+01, v8;
	v12 =	vld [tilespmem:s0+$0x8400]  }
.Ltmp2:
0x33b: {  	[tilespmem:s30+$0x9810] =	vst v6;
	v6 =	vmul.f32 $3.200000000e+01, v9;
	v4 =	vld [tilespmem:s30+$0x9C00];
	(pc) =	sbr.rel @p1 .LBB2_7-.Ltmp2, $4  }
0x33c: {  	[tilespmem:s30+$0x9820] =	vst v3;
	v3 =	vmul.f32 $3.200000000e+01, v10;
	v8 =	vld [tilespmem:s30+$0x9C10]  }
0x33d: {  	[tilespmem:s30+$0x9830] =	vst v6;
	v6 =	vmul.f32 $3.200000000e+01, v5;
	v7 =	vld [tilespmem:s30+$0x9C20]  }
0x33e: {  	[tilespmem:s30+$0x9850] =	vst v3;
	v9 =	vmul.f32 $3.200000000e+01, v11;
	v5 =	vld [tilespmem:s30+$0x9C30]  }
0x33f: {  	s23 =	sadd.s32 $0x80, s23;
	[tilespmem:s30+$0x9860] =	vst v6;
	v6 =	vld [tilespmem:s30+$0x9C50];
	v3 =	vmul.f32 $3.200000000e+01, v12  }
0x340: {  	[tilespmem:s30+$0x9870] =	vst v9;
	v4 =	vmul.f32 $3.200000000e+01, v4;
	v9 =	vld [tilespmem:s30+$0x9C60]  }
0x341: {  	v10 =	vld [tilespmem:s30+$0x9C70];
	v8 =	vmul.f32 $3.200000000e+01, v8  }
0x342: {  	[tilespmem:s30+$0x9C00] =	vst v4;
	v4 =	vld [tilespmem:s30+$0x8440];
	v7 =	vmul.f32 $3.200000000e+01, v7  }
0x343: {  	[tilespmem:s30+$0x9C10] =	vst v8;
	v5 =	vmul.f32 $3.200000000e+01, v5  }
0x344: {  	v8 =	vld [tilespmem:s30+$0x8840];
	[tilespmem:s30+$0x9C20] =	vst v7;
	v6 =	vmul.f32 $3.200000000e+01, v6  }
0x345: {  	s5 =	sadd.s32 $0x1, s29;
	v7 =	vld [tilespmem:s30+$0x8C40];
	[tilespmem:s30+$0x9C30] =	vst v5;
	v9 =	vmul.f32 $3.200000000e+01, v9  }
0x346: {  	s5 =	sand.u32 $0x7, s5;
	v5 =	vld [tilespmem:s30+$0x9040];
	v10 =	vmul.f32 $3.200000000e+01, v10;
	[tilespmem:s30+$0x9C50] =	vst v6  }
0x347: {  	s15 =	sadd.s32 $0x400, s16;
	s5 =	sshll.u32 s5, $0x7;
	v6 =	vld [tilespmem:s30+$0x9440];
	[tilespmem:s30+$0x9C60] =	vst v9;
	v4 =	vmul.f32 $3.200000000e+01, v4  }
0x348: {  	s5 =	sadd.s32 s5, s15;
	v9 =	vld [tilespmem:s30+$0x9840];
	[tilespmem:s30+$0x9C70] =	vst v10  }
0x349: {  	s15 =	sor.u32 $0x1C00, s5;
	v10 =	vld [tilespmem:s30+$0x9C40];
	v8 =	vmul.f32 $3.200000000e+01, v8;
	[tilespmem:s30+$0x8440] =	vst v4  }
0x34a: {  	v4 =	vmul.f32 $3.200000000e+01, v7;
	v7 =	vld [tilespmem:s15+$0x8400]  }
0x34b: {  	[tilespmem:s30+$0x8840] =	vst v8;
	v5 =	vmul.f32 $3.200000000e+01, v5  }
0x34c: {  	[tilespmem:s30+$0x8C40] =	vst v4;
	v4 =	vmul.f32 $3.200000000e+01, v6  }
0x34d: {  	[tilespmem:s30+$0x9040] =	vst v5;
	v5 =	vmul.f32 $3.200000000e+01, v9  }
0x34e: {  	[tilespmem:s30+$0x9440] =	vst v4;
	v4 =	vmul.f32 $3.200000000e+01, v10  }
0x34f: {  	[tilespmem:s30+$0x9840] =	vst v5;
	v5 =	vmul.f32 $3.200000000e+01, v7  }
0x350: {  	[tilespmem:s30+$0x9C40] =	vst v4  }
0x351: {  	s29 =	sor.u32 $0x1C10, s5;
	[tilespmem:s15+$0x8400] =	vst v5  }
0x352: {  	v4 =	vld [tilespmem:s29+$0x8400];
	_ =	sdelay $0x4  }
0x353: {  	v4 =	vmul.f32 $3.200000000e+01, v4;
	_ =	sdelay $0x1  }
0x354: {  	s30 =	sor.u32 $0x1C20, s5;
	[tilespmem:s29+$0x8400] =	vst v4  }
0x355: {  	v4 =	vld [tilespmem:s30+$0x8400];
	_ =	sdelay $0x4  }
0x356: {  	v4 =	vmul.f32 $3.200000000e+01, v4;
	_ =	sdelay $0x1  }
0x357: {  	s16 =	sor.u32 $0x1C30, s5;
	[tilespmem:s30+$0x8400] =	vst v4  }
0x358: {  	v4 =	vld [tilespmem:s16+$0x8400];
	_ =	sdelay $0x4  }
0x359: {  	v4 =	vmul.f32 $3.200000000e+01, v4;
	_ =	sdelay $0x1  }
0x35a: {  	s17 =	sor.u32 $0x1C40, s5;
	[tilespmem:s16+$0x8400] =	vst v4  }
0x35b: {  	v4 =	vld [tilespmem:s17+$0x8400];
	_ =	sdelay $0x4  }
0x35c: {  	v4 =	vmul.f32 $3.200000000e+01, v4;
	_ =	sdelay $0x1  }
0x35d: {  	s23 =	sor.u32 $0x1C50, s5;
	[tilespmem:s17+$0x8400] =	vst v4  }
0x35e: {  	v4 =	vld [tilespmem:s23+$0x8400];
	_ =	sdelay $0x4  }
0x35f: {  	v4 =	vmul.f32 $3.200000000e+01, v4;
	_ =	sdelay $0x1  }
0x360: {  	s24 =	sor.u32 $0x1C60, s5;
	[tilespmem:s23+$0x8400] =	vst v4  }
0x361: {  	v4 =	vld [tilespmem:s24+$0x8400];
	_ =	sdelay $0x4  }
0x362: {  	v4 =	vmul.f32 $3.200000000e+01, v4  }
0x363: {  	[tilespmem:s0+$0x8400] =	vst v3;
	s29 =	sor.u32 $0x1C70, s31  }
0x364: {  	s5 =	sor.u32 $0x1C70, s5;
	v3 =	vld [tilespmem:s29+$0x8400];
	[tilespmem:s24+$0x8400] =	vst v4  }
0x365: {  	v4 =	vld [tilespmem:s5+$0x8400];
	_ =	sdelay $0x3  }
0x366: {  	v3 =	vmul.f32 $3.200000000e+01, v3  }
0x367: {  	v4 =	vmul.f32 $3.200000000e+01, v4  }
0x368: {  	[tilespmem:s29+$0x8400] =	vst v3  }
0x369: {  	[tilespmem:s5+$0x8400] =	vst v4  }
0x36a: {  	_ =	swait.ge [sflag:s20], $0x800  }
0x36b: {  	[sflag:s20] =	ssyncset.done $0x0  }
0x36c: {  	s30 =	simm.s32 $0x8400;
	[sflag:s20] =	ssyncadd.s32 $0xFFFFF800  }
0x36d: {  	[spmem:s10] =	stream.linear.scatter [tilespmem:s30], [sflag:$0x7], $0x4000, $0x38;
	[tilespmem:$0x18400] =	vst v63  }
0x36e: {  	_ =	swait.ge [sflag:s14], $0x4000  }
0x36f: {  	[sflag:s14] =	ssyncset.done $0x0  }
0x370: {  	s31 =	sadd.s32 $0x1000, s28;
	[sflag:s14] =	ssyncadd.s32 $0xFFFFC000  }
0x371: {  	[hbm:s31], [sflag:s4] =	dma.local [spmem:s3], $0x800  }
0x372: {  	v3 =	vld @!p0 [tilespmem:s2+$0x60];
	_ =	sdelay $0x4  }
0x373: {  	v4 =	vshll.u32 @!p0 v3, $0x3  }
0x374: {  	v5 =	vlaneseq.u32 @!p0;
	v3 =	vand.u32 @!p0 $0x7, v3;
	v4 =	vand.u32 @!p0 $0xFFFFFFC0, v4  }
0x375: {  	v6 =	vshrl.u32 @!p0 v5, $0x3;
	v3 =	vor.u32 @!p0 v3, v4;
	v4 =	vand.u32 @!p0 $0x7, v5  }
0x376: {  	v6 =	vmul.u32 @!p0 $0x8, v6;
	v4 =	vperm.xlane @!p0 v3, v4;
	_ =	sdelay $0x1  }
0x377: {  	v4 =	vadd.s32 @!p0 v6, v4;
	_ =	sdelay $0x3  }
0x378: {  	s0 =	simm.s32 @!p0 $0x0;
	s2 =	simm.s32 @!p0 $0x8400  }
0x379: {  	v5 =	vor.u32 @!p0 $0x8, v5;
	[tilespmem:s2], [sflag:$0x3] =	stream.indirect_vreg.gather @!p0 [hbm4b:s1+s0], $0x80, v4, vm1, $0xb8;
	[tilespmem:$0x18400] =	vst v63  }
0x37a: {  	v3 =	vperm.xlane @!p0 v3, v5;
	s2 =	simm.s32 @!p0 $0x8C00  }
0x37b: {  	[tilespmem:s2], [sflag:$0x3] =	stream.indirect_vreg.gather @!p0 [hbm4b:s7+s0], $0x80, v4, vm1, $0xb8;
	[tilespmem:$0x18400] =	vst v63  }
0x37c: {  	v3 =	vadd.s32 @!p0 v6, v3;
	s2 =	simm.s32 @!p0 $0x9400  }
0x37d: {  	[tilespmem:s2], [sflag:$0x3] =	stream.indirect_vreg.gather @!p0 [hbm4b:s8+s0], $0x80, v4, vm1, $0xb8;
	[tilespmem:$0x18400] =	vst v63  }
0x37e: {  	s2 =	simm.s32 @!p0 $0x9C00  }
0x37f: {  	[tilespmem:s2], [sflag:$0x3] =	stream.indirect_vreg.gather @!p0 [hbm4b:s9+s0], $0x80, v4, vm1, $0xb8;
	[tilespmem:$0x18400] =	vst v63  }
0x380: {  	s2 =	simm.s32 @!p0 $0xA400  }
0x381: {  	[tilespmem:s2], [sflag:$0x3] =	stream.indirect_vreg.gather @!p0 [hbm4b:s1+s0], $0x80, v3, vm1, $0xb8;
	[tilespmem:$0x18400] =	vst v63  }
0x382: {  	s2 =	simm.s32 @!p0 $0xAC00  }
0x383: {  	[tilespmem:s2], [sflag:$0x3] =	stream.indirect_vreg.gather @!p0 [hbm4b:s7+s0], $0x80, v3, vm1, $0xb8;
	[tilespmem:$0x18400] =	vst v63  }
0x384: {  	s2 =	simm.s32 @!p0 $0xB400  }
0x385: {  	[tilespmem:s2], [sflag:$0x3] =	stream.indirect_vreg.gather @!p0 [hbm4b:s8+s0], $0x80, v3, vm1, $0xb8;
	[tilespmem:$0x18400] =	vst v63  }
0x386: {  	s2 =	simm.s32 @!p0 $0xBC00  }
0x387: {  	[tilespmem:s2], [sflag:$0x3] =	stream.indirect_vreg.gather @!p0 [hbm4b:s9+s0], $0x80, v3, vm1, $0xb8;
	[tilespmem:$0x18400] =	vst v63  }
0x388: {  	s3 =	simm.s32 $0x0;
	s2 =	simm.s32 $0x0;
	_ =	swait.ge [sflag:s21], $0x4000  }
0x389: {  	s0 =	sand.u32 $0x2000, s3;
	s4 =	sand.u32 $0x380, s2;
	[sflag:s21] =	ssyncset.done $0x0  }
0x38a: {  	s5 =	sor.u32 s4, s0;
	[sflag:s21] =	ssyncadd.s32 $0xFFFFC000  }
0x38b: {  	v3 =	vld [tilespmem:s5+$0xC400]  }
0x38c: {  	v4 =	vld [tilespmem:s5+$0xC410]  }
0x38d: {  	v5 =	vld [tilespmem:s5+$0xC420]  }
0x38e: {  	v6 =	vld [tilespmem:s5+$0xC430]  }
0x38f: {  	v7 =	vld [tilespmem:s5+$0xC450]  }
0x390: {  	v8 =	vld [tilespmem:s5+$0xC460]  }
0x391: {  	v9 =	vld [tilespmem:s5+$0xC470];
	v3 =	vmul.f32 $3.200000000e+01, v3  }
0x392: {  	v10 =	vld [tilespmem:s5+$0xC800];
	v4 =	vmul.f32 $3.200000000e+01, v4  }
0x393: {  	s16 =	simm.s32 $0x80;
	s17 =	simm.s32 $0x400;
	v11 =	vld [tilespmem:s5+$0xC810];
	[tilespmem:s5+$0xC400] =	vst v3;
	v3 =	vmul.f32 $3.200000000e+01, v5  }
0x394: {  	s3 =	sand.u32 $0x2000, s17;
	s0 =	sand.u32 $0x380, s16;
	v12 =	vld [tilespmem:s5+$0xC820];
	[tilespmem:s5+$0xC410] =	vst v4;
	v4 =	vmul.f32 $3.200000000e+01, v6  }
0x395: {  	s3 =	sor.u32 s0, s3;
	v13 =	vld [tilespmem:s5+$0xC830];
	[tilespmem:s5+$0xC420] =	vst v3;
	v3 =	vmul.f32 $3.200000000e+01, v7  }
0x396: {  	v59 =	vld [tilespmem:s3+$0xC460];
	[tilespmem:s5+$0xC430] =	vst v4;
	v4 =	vmul.f32 $3.200000000e+01, v8  }
0x397: {  	v51 =	vld [tilespmem:s5+$0xCC50];
	[tilespmem:s5+$0xC450] =	vst v3;
	v3 =	vmul.f32 $3.200000000e+01, v9  }
0x398: {  	v5 =	vld [tilespmem:s5+$0xC850];
	[tilespmem:s5+$0xC460] =	vst v4;
	v4 =	vmul.f32 $3.200000000e+01, v10  }
0x399: {  	v60 =	vld [tilespmem:s3+$0xC470];
	[tilespmem:s5+$0xC470] =	vst v3;
	v3 =	vmul.f32 $3.200000000e+01, v11  }
0x39a: {  	v6 =	vld [tilespmem:s5+$0xC860];
	[tilespmem:s5+$0xC800] =	vst v4;
	v4 =	vmul.f32 $3.200000000e+01, v12  }
0x39b: {  	v7 =	vld [tilespmem:s5+$0xC870];
	v12 =	vmul.f32 $3.200000000e+01, v59;
	[tilespmem:s5+$0xC810] =	vst v3  }
0x39c: {  	v8 =	vld [tilespmem:s5+$0xCC00];
	v3 =	vmul.f32 $3.200000000e+01, v13;
	[tilespmem:s5+$0xC820] =	vst v4  }
0x39d: {  	v9 =	vld [tilespmem:s5+$0xCC10];
	v4 =	vmul.f32 $3.200000000e+01, v5;
	[tilespmem:s3+$0xC460] =	vst v12  }
0x39e: {  	v10 =	vld [tilespmem:s5+$0xCC20];
	v13 =	vmul.f32 $3.200000000e+01, v60;
	[tilespmem:s5+$0xC830] =	vst v3  }
0x39f: {  	v11 =	vld [tilespmem:s5+$0xCC30];
	v3 =	vmul.f32 $3.200000000e+01, v6;
	[tilespmem:s5+$0xC850] =	vst v4  }
0x3a0: {  	v52 =	vld [tilespmem:s5+$0xCC60];
	v4 =	vmul.f32 $3.200000000e+01, v7;
	[tilespmem:s3+$0xC470] =	vst v13  }
0x3a1: {  	v53 =	vld [tilespmem:s5+$0xD070];
	[tilespmem:s5+$0xC860] =	vst v3;
	v3 =	vmul.f32 $3.200000000e+01, v8  }
0x3a2: {  	v5 =	vld [tilespmem:s5+$0xCC70];
	[tilespmem:s5+$0xC870] =	vst v4;
	v4 =	vmul.f32 $3.200000000e+01, v9  }
0x3a3: {  	v6 =	vld [tilespmem:s5+$0xD000];
	[tilespmem:s5+$0xCC00] =	vst v3;
	v3 =	vmul.f32 $3.200000000e+01, v10  }
0x3a4: {  	v7 =	vld [tilespmem:s5+$0xD010];
	[tilespmem:s5+$0xCC10] =	vst v4;
	v4 =	vmul.f32 $3.200000000e+01, v11  }
0x3a5: {  	v8 =	vld [tilespmem:s5+$0xD020];
	[tilespmem:s5+$0xCC20] =	vst v3;
	v3 =	vmul.f32 $3.200000000e+01, v51  }
0x3a6: {  	v9 =	vld [tilespmem:s5+$0xD030];
	[tilespmem:s5+$0xCC30] =	vst v4;
	v4 =	vmul.f32 $3.200000000e+01, v52  }
0x3a7: {  	v10 =	vld [tilespmem:s5+$0xD050];
	[tilespmem:s5+$0xCC50] =	vst v3;
	v3 =	vmul.f32 $3.200000000e+01, v5  }
0x3a8: {  	v11 =	vld [tilespmem:s5+$0xD060];
	[tilespmem:s5+$0xCC60] =	vst v4;
	v4 =	vmul.f32 $3.200000000e+01, v6  }
0x3a9: {  	v54 =	vld [tilespmem:s5+$0xD400];
	[tilespmem:s5+$0xCC70] =	vst v3;
	v3 =	vmul.f32 $3.200000000e+01, v7  }
0x3aa: {  	v55 =	vld [tilespmem:s5+$0xD810];
	[tilespmem:s5+$0xD000] =	vst v4;
	v4 =	vmul.f32 $3.200000000e+01, v8  }
0x3ab: {  	v5 =	vld [tilespmem:s5+$0xD410];
	[tilespmem:s5+$0xD010] =	vst v3;
	v3 =	vmul.f32 $3.200000000e+01, v9  }
0x3ac: {  	v6 =	vld [tilespmem:s5+$0xD420];
	[tilespmem:s5+$0xD020] =	vst v4;
	v4 =	vmul.f32 $3.200000000e+01, v10  }
0x3ad: {  	v7 =	vld [tilespmem:s5+$0xD430];
	[tilespmem:s5+$0xD030] =	vst v3;
	v3 =	vmul.f32 $3.200000000e+01, v11  }
0x3ae: {  	v8 =	vld [tilespmem:s5+$0xD450];
	[tilespmem:s5+$0xD050] =	vst v4;
	v4 =	vmul.f32 $3.200000000e+01, v53  }
0x3af: {  	v9 =	vld [tilespmem:s5+$0xD460];
	[tilespmem:s5+$0xD060] =	vst v3;
	v3 =	vmul.f32 $3.200000000e+01, v54  }
0x3b0: {  	v10 =	vld [tilespmem:s5+$0xD470];
	[tilespmem:s5+$0xD070] =	vst v4;
	v4 =	vmul.f32 $3.200000000e+01, v5  }
0x3b1: {  	v11 =	vld [tilespmem:s5+$0xD800];
	[tilespmem:s5+$0xD400] =	vst v3;
	v3 =	vmul.f32 $3.200000000e+01, v6  }
0x3b2: {  	v56 =	vld [tilespmem:s5+$0xD820];
	[tilespmem:s5+$0xD410] =	vst v4;
	v4 =	vmul.f32 $3.200000000e+01, v7  }
0x3b3: {  	v57 =	vld [tilespmem:s3+$0xC400];
	[tilespmem:s5+$0xD420] =	vst v3;
	v3 =	vmul.f32 $3.200000000e+01, v8  }
0x3b4: {  	v8 =	vld [tilespmem:s5+$0xD870];
	[tilespmem:s5+$0xD430] =	vst v4;
	v4 =	vmul.f32 $3.200000000e+01, v9  }
0x3b5: {  	v5 =	vld [tilespmem:s5+$0xD830];
	[tilespmem:s5+$0xD450] =	vst v3;
	v3 =	vmul.f32 $3.200000000e+01, v10  }
0x3b6: {  	v6 =	vld [tilespmem:s5+$0xD850];
	[tilespmem:s5+$0xD460] =	vst v4;
	v4 =	vmul.f32 $3.200000000e+01, v11  }
0x3b7: {  	v9 =	vld [tilespmem:s5+$0xDC00];
	[tilespmem:s5+$0xD470] =	vst v3;
	v3 =	vmul.f32 $3.200000000e+01, v55  }
0x3b8: {  	v10 =	vld [tilespmem:s5+$0xDC10];
	[tilespmem:s5+$0xD800] =	vst v4;
	v4 =	vmul.f32 $3.200000000e+01, v56  }
0x3b9: {  	v11 =	vld [tilespmem:s5+$0xDC20];
	v8 =	vmul.f32 $3.200000000e+01, v8;
	[tilespmem:s5+$0xD810] =	vst v3  }
0x3ba: {  	v7 =	vld [tilespmem:s5+$0xD860];
	v3 =	vmul.f32 $3.200000000e+01, v5;
	[tilespmem:s5+$0xD820] =	vst v4  }
0x3bb: {  	v58 =	vld [tilespmem:s3+$0xC410];
	v4 =	vmul.f32 $3.200000000e+01, v6;
	[tilespmem:s5+$0xD870] =	vst v8  }
0x3bc: {  	v61 =	vld [tilespmem:s5+$0xC840];
	v8 =	vmul.f32 $3.200000000e+01, v9;
	[tilespmem:s5+$0xD830] =	vst v3  }
0x3bd: {  	v5 =	vld [tilespmem:s3+$0xC420];
	v10 =	vmul.f32 $3.200000000e+01, v10;
	[tilespmem:s5+$0xD850] =	vst v4  }
0x3be: {  	v6 =	vld [tilespmem:s3+$0xC430];
	v11 =	vmul.f32 $3.200000000e+01, v11;
	[tilespmem:s5+$0xDC00] =	vst v8  }
0x3bf: {  	v3 =	vmul.f32 $3.200000000e+01, v7;
	v7 =	vld [tilespmem:s3+$0xC450];
	[tilespmem:s5+$0xDC10] =	vst v10  }
0x3c0: {  	v4 =	vmul.f32 $3.200000000e+01, v57;
	v10 =	vld [tilespmem:s3+$0xC820];
	[tilespmem:s5+$0xDC20] =	vst v11  }
0x3c1: {  	v11 =	vld [tilespmem:s3+$0xC830];
	[tilespmem:s5+$0xD860] =	vst v3;
	v3 =	vmul.f32 $3.200000000e+01, v58  }
0x3c2: {  	[tilespmem:s3+$0xC400] =	vst v4;
	v4 =	vld [tilespmem:s5+$0xDC30];
	v5 =	vmul.f32 $3.200000000e+01, v5  }
0x3c3: {  	v6 =	vmul.f32 $3.200000000e+01, v6;
	[tilespmem:s3+$0xC410] =	vst v3;
	v3 =	vld [tilespmem:s5+$0xDC50]  }
0x3c4: {  	[tilespmem:s3+$0xC420] =	vst v5;
	v5 =	vld [tilespmem:s5+$0xDC60];
	v7 =	vmul.f32 $3.200000000e+01, v7  }
0x3c5: {  	[tilespmem:s3+$0xC430] =	vst v6;
	v6 =	vld [tilespmem:s5+$0xDC70];
	v10 =	vmul.f32 $3.200000000e+01, v10  }
0x3c6: {  	v9 =	vld [tilespmem:s3+$0xC800];
	v11 =	vmul.f32 $3.200000000e+01, v11;
	[tilespmem:s3+$0xC450] =	vst v7  }
0x3c7: {  	v8 =	vld [tilespmem:s3+$0xC810];
	v4 =	vmul.f32 $3.200000000e+01, v4;
	[tilespmem:s3+$0xC820] =	vst v10  }
0x3c8: {  	v7 =	vld [tilespmem:s5+$0xC440];
	[tilespmem:s3+$0xC830] =	vst v11;
	v3 =	vmul.f32 $3.200000000e+01, v3  }
0x3c9: {  	[tilespmem:s5+$0xDC30] =	vst v4;
	v4 =	vld [tilespmem:s3+$0xC850];
	v5 =	vmul.f32 $3.200000000e+01, v5  }
0x3ca: {  	v62 =	vld [tilespmem:s5+$0xCC40];
	v6 =	vmul.f32 $3.200000000e+01, v6;
	[tilespmem:s5+$0xDC50] =	vst v3  }
0x3cb: {  	v3 =	vmul.f32 $3.200000000e+01, v9;
	v9 =	vld [tilespmem:s3+$0xC860];
	[tilespmem:s5+$0xDC60] =	vst v5  }
0x3cc: {  	v10 =	vld [tilespmem:s5+$0xD840];
	v5 =	vmul.f32 $3.200000000e+01, v8;
	[tilespmem:s5+$0xDC70] =	vst v6  }
0x3cd: {  	s23 =	sand.u32 $0x7, s2;
	v8 =	vld [tilespmem:s3+$0xC870];
	v7 =	vmul.f32 $3.200000000e+01, v7;
	[tilespmem:s3+$0xC800] =	vst v3  }
0x3ce: {  	s0 =	sshll.u32 s23, $0x7;
	v3 =	vld [tilespmem:s5+$0xD040];
	[tilespmem:s3+$0xC810] =	vst v5;
	v4 =	vmul.f32 $3.200000000e+01, v4  }
0x3cf: {  	s4 =	sadd.s32 $0x0, s0;
	v12 =	vmul.f32 $3.200000000e+01, v61;
	v5 =	vld [tilespmem:s5+$0xD440];
	[tilespmem:s5+$0xC440] =	vst v7  }
0x3d0: {  	s0 =	sor.u32 $0x1C00, s4;
	v7 =	vld [tilespmem:s3+$0xCC10];
	[tilespmem:s3+$0xC850] =	vst v4;
	v4 =	vmul.f32 $3.200000000e+01, v9  }
0x3d1: {  	v13 =	vmul.f32 $3.200000000e+01, v62;
	v11 =	vld [tilespmem:s0+$0xC400];
	[tilespmem:s5+$0xC840] =	vst v12  }
0x3d2: {  	v8 =	vmul.f32 $3.200000000e+01, v8;
	[tilespmem:s3+$0xC860] =	vst v4;
	v4 =	vld [tilespmem:s5+$0xDC40]  }
0x3d3: {  	[tilespmem:s5+$0xCC40] =	vst v13;
	v3 =	vmul.f32 $3.200000000e+01, v3  }
0x3d4: {  	v5 =	vmul.f32 $3.200000000e+01, v5;
	[tilespmem:s3+$0xC870] =	vst v8  }
0x3d5: {  	v8 =	vmul.f32 $3.200000000e+01, v10;
	[tilespmem:s5+$0xD040] =	vst v3  }
0x3d6: {  	v7 =	vmul.f32 $3.200000000e+01, v7;
	[tilespmem:s5+$0xD440] =	vst v5  }
0x3d7: {  	[tilespmem:s5+$0xD840] =	vst v8;
	v4 =	vmul.f32 $3.200000000e+01, v4  }
0x3d8: {  	v6 =	vld [tilespmem:s3+$0xCC00];
	[tilespmem:s3+$0xCC10] =	vst v7;
	v7 =	vmul.f32 $3.200000000e+01, v11  }
0x3d9: {  	[tilespmem:s5+$0xDC40] =	vst v4  }
0x3da: {  	s24 =	sor.u32 $0x1C10, s4;
	v3 =	vld [tilespmem:s3+$0xCC50];
	[tilespmem:s0+$0xC400] =	vst v7  }
0x3db: {  	v7 =	vld [tilespmem:s24+$0xC400]  }
0x3dc: {  	v4 =	vld [tilespmem:s3+$0xD000]  }
0x3dd: {  	v5 =	vmul.f32 $3.200000000e+01, v6;
	v6 =	vld [tilespmem:s3+$0xCC60];
	_ =	sdelay $0x1  }
0x3de: {  	v3 =	vmul.f32 $3.200000000e+01, v3  }
0x3df: {  	v7 =	vmul.f32 $3.200000000e+01, v7  }
0x3e0: {  	[tilespmem:s3+$0xCC50] =	vst v3;
	v3 =	vld [tilespmem:s3+$0xD030];
	v4 =	vmul.f32 $3.200000000e+01, v4  }
0x3e1: {  	v63 =	vld [tilespmem:s3+$0xCC20];
	s28 =	sor.u32 $0x1C20, s4;
	v6 =	vmul.f32 $3.200000000e+01, v6;
	[tilespmem:s24+$0xC400] =	vst v7  }
0x3e2: {  	[tilespmem:s3+$0xD000] =	vst v4;
	v4 =	vld [tilespmem:s28+$0xC400]  }
0x3e3: {  	[tilespmem:s3+$0xCC60] =	vst v6;
	v6 =	vld [tilespmem:s3+$0xD050];
	_ =	sdelay $0x1  }
0x3e4: {  	v3 =	vmul.f32 $3.200000000e+01, v3  }
0x3e5: {  	[tilespmem:s3+$0xCC00] =	vst v5;
	v5 =	vmul.f32 $3.200000000e+01, v63  }
0x3e6: {  	v9 =	vld [tilespmem:s3+$0xCC30];
	[tilespmem:s3+$0xD030] =	vst v3;
	v3 =	vmul.f32 $3.200000000e+01, v4  }
0x3e7: {  	v8 =	vld [tilespmem:s3+$0xCC70];
	[tilespmem:s3+$0xCC20] =	vst v5;
	v6 =	vmul.f32 $3.200000000e+01, v6  }
0x3e8: {  	s29 =	sor.u32 $0x1C30, s4;
	v5 =	vld [tilespmem:s3+$0xD010];
	[tilespmem:s28+$0xC400] =	vst v3  }
0x3e9: {  	[tilespmem:s3+$0xD050] =	vst v6;
	v6 =	vld [tilespmem:s29+$0xC400];
	_ =	sdelay $0x1  }
0x3ea: {  	v9 =	vmul.f32 $3.200000000e+01, v9;
	v7 =	vld [tilespmem:s3+$0xD070]  }
0x3eb: {  	v8 =	vmul.f32 $3.200000000e+01, v8  }
0x3ec: {  	[tilespmem:s3+$0xCC30] =	vst v9;
	v5 =	vmul.f32 $3.200000000e+01, v5  }
0x3ed: {  	v9 =	vld [tilespmem:s3+$0xD020];
	[tilespmem:s3+$0xCC70] =	vst v8;
	v6 =	vmul.f32 $3.200000000e+01, v6  }
0x3ee: {  	v8 =	vld [tilespmem:s3+$0xD060];
	[tilespmem:s3+$0xD010] =	vst v5  }
0x3ef: {  	s30 =	sor.u32 $0x1C40, s4;
	v5 =	vld [tilespmem:s3+$0xD400];
	v7 =	vmul.f32 $3.200000000e+01, v7;
	[tilespmem:s29+$0xC400] =	vst v6  }
0x3f0: {  	v6 =	vld [tilespmem:s30+$0xC400]  }
0x3f1: {  	[tilespmem:s3+$0xD070] =	vst v7;
	v7 =	vld [tilespmem:s3+$0xD460]  }
0x3f2: {  	v9 =	vmul.f32 $3.200000000e+01, v9;
	v3 =	vld [tilespmem:s3+$0xD430]  }
0x3f3: {  	v8 =	vmul.f32 $3.200000000e+01, v8;
	v4 =	vld [tilespmem:s3+$0xD420]  }
0x3f4: {  	[tilespmem:s3+$0xD020] =	vst v9;
	v9 =	vld [tilespmem:s3+$0xD410];
	v5 =	vmul.f32 $3.200000000e+01, v5  }
0x3f5: {  	[tilespmem:s3+$0xD060] =	vst v8;
	v8 =	vld [tilespmem:s3+$0xD450];
	v6 =	vmul.f32 $3.200000000e+01, v6  }
0x3f6: {  	[tilespmem:s3+$0xD400] =	vst v5;
	v5 =	vld [tilespmem:s3+$0xD800];
	v7 =	vmul.f32 $3.200000000e+01, v7  }
0x3f7: {  	s31 =	sor.u32 $0x1C50, s4;
	v10 =	vld [tilespmem:s3+$0xD470];
	v3 =	vmul.f32 $3.200000000e+01, v3;
	[tilespmem:s30+$0xC400] =	vst v6  }
0x3f8: {  	v4 =	vmul.f32 $3.200000000e+01, v4;
	[tilespmem:s3+$0xD460] =	vst v7;
	v7 =	vld [tilespmem:s31+$0xC400]  }
0x3f9: {  	v9 =	vmul.f32 $3.200000000e+01, v9;
	[tilespmem:s3+$0xD430] =	vst v3;
	v3 =	vld [tilespmem:s3+$0xD820]  }
0x3fa: {  	v8 =	vmul.f32 $3.200000000e+01, v8;
	[tilespmem:s3+$0xD420] =	vst v4;
	v4 =	vld [tilespmem:s3+$0xD810]  }
0x3fb: {  	[tilespmem:s3+$0xD410] =	vst v9;
	v5 =	vmul.f32 $3.200000000e+01, v5  }
0x3fc: {  	v9 =	vmul.f32 $3.200000000e+01, v10;
	[tilespmem:s3+$0xD450] =	vst v8;
	v8 =	vld [tilespmem:s3+$0xD830]  }
0x3fd: {  	[tilespmem:s3+$0xD800] =	vst v5;
	v6 =	vld [tilespmem:s3+$0xD850];
	v5 =	vmul.f32 $3.200000000e+01, v7  }
0x3fe: {  	[tilespmem:s3+$0xD470] =	vst v9;
	v9 =	vld [tilespmem:s3+$0xD860];
	v3 =	vmul.f32 $3.200000000e+01, v3  }
0x3ff: {  	s0 =	sor.u32 $0x1C60, s4;
	v10 =	vld [tilespmem:s3+$0xD870];
	v4 =	vmul.f32 $3.200000000e+01, v4;
	[tilespmem:s31+$0xC400] =	vst v5  }
0x400: {  	[tilespmem:s3+$0xD820] =	vst v3;
	v3 =	vld [tilespmem:s0+$0xC400]  }
0x401: {  	[tilespmem:s3+$0xD810] =	vst v4;
	v4 =	vld [tilespmem:s3+$0xDC00];
	v7 =	vmul.f32 $3.200000000e+01, v8  }
0x402: {  	v8 =	vld [tilespmem:s3+$0xDC10];
	v5 =	vmul.f32 $3.200000000e+01, v6  }
0x403: {  	[tilespmem:s3+$0xD830] =	vst v7;
	v7 =	vld [tilespmem:s3+$0xDC20];
	v6 =	vmul.f32 $3.200000000e+01, v9  }
0x404: {  	v9 =	vmul.f32 $3.200000000e+01, v10;
	[tilespmem:s3+$0xD850] =	vst v5;
	v5 =	vld [tilespmem:s3+$0xDC30]  }
0x405: {  	s15 =	simm.s32 $0xFFFFC400;
	s16 =	simm.s32 $0x0;
	s23 =	simm.s32 $0x100;
	[tilespmem:s3+$0xD860] =	vst v6;
	v6 =	vld [tilespmem:s3+$0xDC50];
	v3 =	vmul.f32 $3.200000000e+01, v3  }
.LBB2_9:
0x406: {  	p0 =	sne.s32 s23, $0x780;
	[tilespmem:s3+$0xD870] =	vst v9;
	v4 =	vmul.f32 $3.200000000e+01, v4;
	v9 =	vld [tilespmem:s3+$0xDC60]  }
0x407: {  	v8 =	vmul.f32 $3.200000000e+01, v8;
	v10 =	vld [tilespmem:s3+$0xDC70];
	[tilespmem:s0+$0xC400] =	vst v3;
	s0 =	sor.u32 $0x1C70, s4  }
0x408: {  	[tilespmem:s3+$0xDC00] =	vst v4;
	v3 =	vmul.f32 $3.200000000e+01, v7;
	v4 =	vld [tilespmem:s0+$0xC400]  }
0x409: {  	v7 =	vld [tilespmem:s3+$0xC440];
	[tilespmem:s3+$0xDC10] =	vst v8;
	v5 =	vmul.f32 $3.200000000e+01, v5  }
0x40a: {  	v8 =	vld [tilespmem:s3+$0xC840];
	[tilespmem:s3+$0xDC20] =	vst v3;
	v3 =	vmul.f32 $3.200000000e+01, v6  }
0x40b: {  	s2 =	sadd.s32 $0x1, s2;
	v6 =	vld [tilespmem:s3+$0xCC40];
	[tilespmem:s3+$0xDC30] =	vst v5;
	v5 =	vmul.f32 $3.200000000e+01, v9  }
0x40c: {  	s4 =	sand.u32 $0x7, s2;
	v9 =	vld [tilespmem:s3+$0xD040];
	[tilespmem:s3+$0xDC50] =	vst v3;
	v3 =	vmul.f32 $3.200000000e+01, v10  }
0x40d: {  	s15 =	sadd.s32 $0x400, s15;
	s16 =	sadd.s32 $0x400, s16;
	s4 =	sshll.u32 s4, $0x7;
	v10 =	vld [tilespmem:s3+$0xD440];
	[tilespmem:s3+$0xDC60] =	vst v5;
	v4 =	vmul.f32 $3.200000000e+01, v4  }
0x40e: {  	s5 =	sadd.s32 $0x4000, s15;
	s4 =	sadd.s32 s4, s16;
	v5 =	vmul.f32 $3.200000000e+01, v7;
	v7 =	vld [tilespmem:s3+$0xD840];
	[tilespmem:s3+$0xDC70] =	vst v3  }
0x40f: {  	s17 =	sand.u32 $0x380, s23;
	s5 =	sand.u32 $0x2000, s5;
	s24 =	sor.u32 $0x1C00, s4;
	v3 =	vmul.f32 $3.200000000e+01, v8;
	v8 =	vld [tilespmem:s3+$0xDC40];
	[tilespmem:s0+$0xC400] =	vst v4  }
0x410: {  	s0 =	sor.u32 s17, s5;
	[tilespmem:s3+$0xC440] =	vst v5;
	v4 =	vmul.f32 $3.200000000e+01, v6;
	v5 =	vld [tilespmem:s24+$0xC400]  }
0x411: {  	v6 =	vld [tilespmem:s0+$0xC400];
	[tilespmem:s3+$0xC840] =	vst v3;
	v3 =	vmul.f32 $3.200000000e+01, v9  }
0x412: {  	v9 =	vld [tilespmem:s0+$0xC410];
	[tilespmem:s3+$0xCC40] =	vst v4;
	v4 =	vmul.f32 $3.200000000e+01, v10  }
0x413: {  	v10 =	vld [tilespmem:s0+$0xC420];
	[tilespmem:s3+$0xD040] =	vst v3;
	v3 =	vmul.f32 $3.200000000e+01, v7  }
0x414: {  	v7 =	vld [tilespmem:s0+$0xC430];
	[tilespmem:s3+$0xD440] =	vst v4;
	v4 =	vmul.f32 $3.200000000e+01, v8  }
0x415: {  	v8 =	vld [tilespmem:s0+$0xC450];
	[tilespmem:s3+$0xD840] =	vst v3;
	v3 =	vmul.f32 $3.200000000e+01, v5  }
0x416: {  	v5 =	vmul.f32 $3.200000000e+01, v6;
	v6 =	vld [tilespmem:s0+$0xC460];
	[tilespmem:s3+$0xDC40] =	vst v4;
	s3 =	smov.u32 s0  }
0x417: {  	s0 =	sor.u32 $0x1C10, s4;
	v4 =	vmul.f32 $3.200000000e+01, v9;
	v9 =	vld [tilespmem:s3+$0xC470];
	[tilespmem:s24+$0xC400] =	vst v3  }
0x418: {  	[tilespmem:s3+$0xC400] =	vst v5;
	v3 =	vmul.f32 $3.200000000e+01, v10;
	v5 =	vld [tilespmem:s0+$0xC400]  }
0x419: {  	[tilespmem:s3+$0xC410] =	vst v4;
	v4 =	vmul.f32 $3.200000000e+01, v7;
	v7 =	vld [tilespmem:s3+$0xC800]  }
0x41a: {  	[tilespmem:s3+$0xC420] =	vst v3;
	v3 =	vmul.f32 $3.200000000e+01, v8;
	v8 =	vld [tilespmem:s3+$0xC810]  }
0x41b: {  	[tilespmem:s3+$0xC430] =	vst v4;
	v4 =	vmul.f32 $3.200000000e+01, v6;
	v6 =	vld [tilespmem:s3+$0xC820]  }
0x41c: {  	[tilespmem:s3+$0xC450] =	vst v3;
	v3 =	vmul.f32 $3.200000000e+01, v9;
	v9 =	vld [tilespmem:s3+$0xC830]  }
0x41d: {  	[tilespmem:s3+$0xC460] =	vst v4;
	v4 =	vld [tilespmem:s3+$0xC850];
	v5 =	vmul.f32 $3.200000000e+01, v5  }
0x41e: {  	[tilespmem:s3+$0xC470] =	vst v3;
	v3 =	vmul.f32 $3.200000000e+01, v7;
	v7 =	vld [tilespmem:s3+$0xC860]  }
0x41f: {  	v8 =	vmul.f32 $3.200000000e+01, v8;
	v10 =	vld [tilespmem:s3+$0xC870];
	[tilespmem:s0+$0xC400] =	vst v5;
	s0 =	sor.u32 $0x1C20, s4  }
0x420: {  	[tilespmem:s3+$0xC800] =	vst v3;
	v3 =	vmul.f32 $3.200000000e+01, v6;
	v5 =	vld [tilespmem:s0+$0xC400]  }
0x421: {  	[tilespmem:s3+$0xC810] =	vst v8;
	v6 =	vmul.f32 $3.200000000e+01, v9;
	v8 =	vld [tilespmem:s3+$0xCC00]  }
0x422: {  	[tilespmem:s3+$0xC820] =	vst v3;
	v3 =	vmul.f32 $3.200000000e+01, v4;
	v4 =	vld [tilespmem:s3+$0xCC10]  }
0x423: {  	[tilespmem:s3+$0xC830] =	vst v6;
	v6 =	vmul.f32 $3.200000000e+01, v7;
	v7 =	vld [tilespmem:s3+$0xCC20]  }
0x424: {  	[tilespmem:s3+$0xC850] =	vst v3;
	v3 =	vmul.f32 $3.200000000e+01, v10;
	v9 =	vld [tilespmem:s3+$0xCC30]  }
0x425: {  	[tilespmem:s3+$0xC860] =	vst v6;
	v6 =	vld [tilespmem:s3+$0xCC50];
	v5 =	vmul.f32 $3.200000000e+01, v5  }
0x426: {  	[tilespmem:s3+$0xC870] =	vst v3;
	v3 =	vmul.f32 $3.200000000e+01, v8;
	v8 =	vld [tilespmem:s3+$0xCC60]  }
0x427: {  	v4 =	vmul.f32 $3.200000000e+01, v4;
	v10 =	vld [tilespmem:s3+$0xCC70];
	[tilespmem:s0+$0xC400] =	vst v5;
	s0 =	sor.u32 $0x1C30, s4  }
0x428: {  	[tilespmem:s3+$0xCC00] =	vst v3;
	v3 =	vmul.f32 $3.200000000e+01, v7;
	v5 =	vld [tilespmem:s0+$0xC400]  }
0x429: {  	[tilespmem:s3+$0xCC10] =	vst v4;
	v4 =	vmul.f32 $3.200000000e+01, v9;
	v7 =	vld [tilespmem:s3+$0xD000]  }
0x42a: {  	[tilespmem:s3+$0xCC20] =	vst v3;
	v3 =	vmul.f32 $3.200000000e+01, v6;
	v6 =	vld [tilespmem:s3+$0xD010]  }
0x42b: {  	[tilespmem:s3+$0xCC30] =	vst v4;
	v4 =	vmul.f32 $3.200000000e+01, v8;
	v8 =	vld [tilespmem:s3+$0xD020]  }
0x42c: {  	[tilespmem:s3+$0xCC50] =	vst v3;
	v3 =	vmul.f32 $3.200000000e+01, v10;
	v9 =	vld [tilespmem:s3+$0xD030]  }
0x42d: {  	[tilespmem:s3+$0xCC60] =	vst v4;
	v4 =	vld [tilespmem:s3+$0xD050];
	v5 =	vmul.f32 $3.200000000e+01, v5  }
0x42e: {  	[tilespmem:s3+$0xCC70] =	vst v3;
	v3 =	vmul.f32 $3.200000000e+01, v7;
	v7 =	vld [tilespmem:s3+$0xD060]  }
0x42f: {  	v6 =	vmul.f32 $3.200000000e+01, v6;
	v10 =	vld [tilespmem:s3+$0xD070];
	[tilespmem:s0+$0xC400] =	vst v5;
	s0 =	sor.u32 $0x1C40, s4  }
0x430: {  	[tilespmem:s3+$0xD000] =	vst v3;
	v3 =	vmul.f32 $3.200000000e+01, v8;
	v5 =	vld [tilespmem:s0+$0xC400]  }
0x431: {  	[tilespmem:s3+$0xD010] =	vst v6;
	v6 =	vmul.f32 $3.200000000e+01, v9;
	v8 =	vld [tilespmem:s3+$0xD400]  }
0x432: {  	[tilespmem:s3+$0xD020] =	vst v3;
	v3 =	vmul.f32 $3.200000000e+01, v4;
	v4 =	vld [tilespmem:s3+$0xD410]  }
0x433: {  	[tilespmem:s3+$0xD030] =	vst v6;
	v6 =	vmul.f32 $3.200000000e+01, v7;
	v7 =	vld [tilespmem:s3+$0xD420]  }
0x434: {  	[tilespmem:s3+$0xD050] =	vst v3;
	v3 =	vmul.f32 $3.200000000e+01, v10;
	v9 =	vld [tilespmem:s3+$0xD430]  }
0x435: {  	[tilespmem:s3+$0xD060] =	vst v6;
	v6 =	vld [tilespmem:s3+$0xD450];
	v5 =	vmul.f32 $3.200000000e+01, v5  }
0x436: {  	[tilespmem:s3+$0xD070] =	vst v3;
	v3 =	vmul.f32 $3.200000000e+01, v8;
	v8 =	vld [tilespmem:s3+$0xD460]  }
0x437: {  	v4 =	vmul.f32 $3.200000000e+01, v4;
	v10 =	vld [tilespmem:s3+$0xD470];
	[tilespmem:s0+$0xC400] =	vst v5;
	s0 =	sor.u32 $0x1C50, s4  }
0x438: {  	[tilespmem:s3+$0xD400] =	vst v3;
	v3 =	vmul.f32 $3.200000000e+01, v7;
	v5 =	vld [tilespmem:s0+$0xC400]  }
0x439: {  	[tilespmem:s3+$0xD410] =	vst v4;
	v4 =	vmul.f32 $3.200000000e+01, v9;
	v7 =	vld [tilespmem:s3+$0xD800]  }
0x43a: {  	[tilespmem:s3+$0xD420] =	vst v3;
	v3 =	vmul.f32 $3.200000000e+01, v6;
	v6 =	vld [tilespmem:s3+$0xD810]  }
0x43b: {  	[tilespmem:s3+$0xD430] =	vst v4;
	v4 =	vmul.f32 $3.200000000e+01, v8;
	v8 =	vld [tilespmem:s3+$0xD820]  }
0x43c: {  	[tilespmem:s3+$0xD450] =	vst v3;
	v3 =	vmul.f32 $3.200000000e+01, v10;
	v9 =	vld [tilespmem:s3+$0xD830]  }
0x43d: {  	[tilespmem:s3+$0xD460] =	vst v4;
	v10 =	vld [tilespmem:s3+$0xD850];
	v4 =	vmul.f32 $3.200000000e+01, v5  }
0x43e: {  	[tilespmem:s3+$0xD470] =	vst v3;
	v3 =	vmul.f32 $3.200000000e+01, v7;
	v5 =	vld [tilespmem:s3+$0xD860]  }
0x43f: {  	v6 =	vmul.f32 $3.200000000e+01, v6;
	v11 =	vld [tilespmem:s3+$0xD870];
	[tilespmem:s0+$0xC400] =	vst v4;
	s0 =	sor.u32 $0x1C60, s4  }
0x440: {  	[tilespmem:s3+$0xD800] =	vst v3;
	v3 =	vmul.f32 $3.200000000e+01, v8;
	v12 =	vld [tilespmem:s0+$0xC400]  }
.Ltmp3:
0x441: {  	[tilespmem:s3+$0xD810] =	vst v6;
	v6 =	vmul.f32 $3.200000000e+01, v9;
	v4 =	vld [tilespmem:s3+$0xDC00];
	(pc) =	sbr.rel @p0 .LBB2_9-.Ltmp3, $4  }
0x442: {  	[tilespmem:s3+$0xD820] =	vst v3;
	v3 =	vmul.f32 $3.200000000e+01, v10;
	v8 =	vld [tilespmem:s3+$0xDC10]  }
0x443: {  	[tilespmem:s3+$0xD830] =	vst v6;
	v6 =	vmul.f32 $3.200000000e+01, v5;
	v7 =	vld [tilespmem:s3+$0xDC20]  }
0x444: {  	[tilespmem:s3+$0xD850] =	vst v3;
	v9 =	vmul.f32 $3.200000000e+01, v11;
	v5 =	vld [tilespmem:s3+$0xDC30]  }
0x445: {  	s23 =	sadd.s32 $0x80, s23;
	[tilespmem:s3+$0xD860] =	vst v6;
	v6 =	vld [tilespmem:s3+$0xDC50];
	v3 =	vmul.f32 $3.200000000e+01, v12  }
0x446: {  	v4 =	vmul.f32 $3.200000000e+01, v4;
	v50 =	vld [tilespmem:s3+$0xDC60]  }
0x447: {  	[tilespmem:s3+$0xD870] =	vst v9;
	v10 =	vld [tilespmem:s3+$0xDC70];
	v8 =	vmul.f32 $3.200000000e+01, v8  }
0x448: {  	v51 =	vld [tilespmem:s3+$0xC440];
	[tilespmem:s3+$0xDC00] =	vst v4;
	v7 =	vmul.f32 $3.200000000e+01, v7  }
0x449: {  	[tilespmem:s3+$0xDC10] =	vst v8;
	v5 =	vmul.f32 $3.200000000e+01, v5  }
0x44a: {  	v52 =	vld [tilespmem:s3+$0xC840];
	[tilespmem:s3+$0xDC20] =	vst v7;
	v6 =	vmul.f32 $3.200000000e+01, v6  }
0x44b: {  	v53 =	vld [tilespmem:s3+$0xCC40];
	s2 =	sadd.s32 $0x1, s2;
	[tilespmem:s3+$0xDC30] =	vst v5;
	v9 =	vmul.f32 $3.200000000e+01, v50  }
0x44c: {  	v54 =	vld [tilespmem:s3+$0xD040];
	s2 =	sand.u32 $0x7, s2;
	v10 =	vmul.f32 $3.200000000e+01, v10;
	[tilespmem:s3+$0xDC50] =	vst v6  }
0x44d: {  	v55 =	vld [tilespmem:s3+$0xD440];
	s5 =	sadd.s32 $0x400, s16;
	s2 =	sshll.u32 s2, $0x7;
	v4 =	vmul.f32 $3.200000000e+01, v51;
	[tilespmem:s3+$0xDC60] =	vst v9  }
0x44e: {  	v56 =	vld [tilespmem:s3+$0xD840];
	s2 =	sadd.s32 s2, s5;
	[tilespmem:s3+$0xDC70] =	vst v10  }
0x44f: {  	v57 =	vld [tilespmem:s3+$0xDC40];
	s5 =	sor.u32 $0x1C00, s2;
	v8 =	vmul.f32 $3.200000000e+01, v52;
	[tilespmem:s3+$0xC440] =	vst v4  }
0x450: {  	v58 =	vmul.f32 $3.200000000e+01, v53;
	v59 =	vld [tilespmem:s5+$0xC400]  }
0x451: {  	v5 =	vmul.f32 $3.200000000e+01, v54;
	[tilespmem:s3+$0xC840] =	vst v8  }
0x452: {  	v60 =	vmul.f32 $3.200000000e+01, v55;
	[tilespmem:s3+$0xCC40] =	vst v58  }
0x453: {  	v61 =	vmul.f32 $3.200000000e+01, v56;
	[tilespmem:s3+$0xD040] =	vst v5  }
0x454: {  	v62 =	vmul.f32 $3.200000000e+01, v57;
	[tilespmem:s3+$0xD440] =	vst v60  }
0x455: {  	[tilespmem:s3+$0xD840] =	vst v61;
	v63 =	vmul.f32 $3.200000000e+01, v59  }
0x456: {  	[tilespmem:s3+$0xDC40] =	vst v62  }
0x457: {  	s16 =	sor.u32 $0x1C10, s2;
	[tilespmem:s5+$0xC400] =	vst v63  }
0x458: {  	v4 =	vld [tilespmem:s16+$0xC400];
	_ =	sdelay $0x4  }
0x459: {  	v4 =	vmul.f32 $3.200000000e+01, v4;
	_ =	sdelay $0x1  }
0x45a: {  	s17 =	sor.u32 $0x1C20, s2;
	[tilespmem:s16+$0xC400] =	vst v4  }
0x45b: {  	v4 =	vld [tilespmem:s17+$0xC400];
	_ =	sdelay $0x4  }
0x45c: {  	v4 =	vmul.f32 $3.200000000e+01, v4;
	_ =	sdelay $0x1  }
0x45d: {  	s23 =	sor.u32 $0x1C30, s2;
	[tilespmem:s17+$0xC400] =	vst v4  }
0x45e: {  	v4 =	vld [tilespmem:s23+$0xC400];
	_ =	sdelay $0x4  }
0x45f: {  	v4 =	vmul.f32 $3.200000000e+01, v4;
	_ =	sdelay $0x1  }
0x460: {  	s24 =	sor.u32 $0x1C40, s2;
	[tilespmem:s23+$0xC400] =	vst v4  }
0x461: {  	v4 =	vld [tilespmem:s24+$0xC400];
	_ =	sdelay $0x4  }
0x462: {  	v4 =	vmul.f32 $3.200000000e+01, v4;
	_ =	sdelay $0x1  }
0x463: {  	s28 =	sor.u32 $0x1C50, s2;
	[tilespmem:s24+$0xC400] =	vst v4  }
0x464: {  	v4 =	vld [tilespmem:s28+$0xC400];
	_ =	sdelay $0x4  }
0x465: {  	v4 =	vmul.f32 $3.200000000e+01, v4;
	_ =	sdelay $0x1  }
0x466: {  	s29 =	sor.u32 $0x1C60, s2;
	[tilespmem:s28+$0xC400] =	vst v4  }
0x467: {  	v4 =	vld [tilespmem:s29+$0xC400];
	_ =	sdelay $0x4  }
0x468: {  	v4 =	vmul.f32 $3.200000000e+01, v4  }
0x469: {  	s30 =	sor.u32 $0x1C70, s4;
	[tilespmem:s0+$0xC400] =	vst v3  }
0x46a: {  	v3 =	vld [tilespmem:s30+$0xC400];
	s2 =	sor.u32 $0x1C70, s2;
	[tilespmem:s29+$0xC400] =	vst v4  }
0x46b: {  	v4 =	vld [tilespmem:s2+$0xC400];
	_ =	sdelay $0x3  }
0x46c: {  	v3 =	vmul.f32 $3.200000000e+01, v3  }
0x46d: {  	v4 =	vmul.f32 $3.200000000e+01, v4  }
0x46e: {  	[tilespmem:s30+$0xC400] =	vst v3  }
0x46f: {  	[tilespmem:s2+$0xC400] =	vst v4  }
0x470: {  	_ =	swait.ge [sflag:s22], $0x800  }
0x471: {  	s13 =	sadd.s32 $0x1, s13;
	[sflag:s22] =	ssyncset.done $0x0  }
0x472: {  	p0 =	sne.s32 s13, $0x10;
	s3 =	simm.s32 $0xC400;
	[sflag:s22] =	ssyncadd.s32 $0xFFFFF800  }
0x473: {  	[spmem:s12] =	stream.linear.scatter [tilespmem:s3], [sflag:$0x7], $0x4000, $0x38;
	[tilespmem:$0x18400] =	vst v63  }
.Ltmp4:
0x474: {  	_ = 	snop;
	(pc) =	sbr.rel @p0 .LBB2_2-.Ltmp4, $4  }
0x475: {  	_ =	swait.ge [sflag:s14], $0x4000  }
0x476: {  	s31 =	sshll.u32 s6, $0xB;
	[sflag:s14] =	ssyncset.done $0x0  }
0x477: {  	s0 =	sadd.s32 s31, s11;
	[sflag:s14] =	ssyncadd.s32 $0xFFFFC000  }
0x478: {  	[hbm:s0], [sflag:s25] =	dma.local [spmem:s26], $0x800  }
0x479: {  	_ =	swait.ge [sflag:s20], $0x800  }
0x47a: {  	[sflag:s20] =	ssyncset.done $0x0  }
0x47b: {  	[sflag:s20] =	ssyncadd.s32 $0xFFFFF800  }
0x47c: {  	_ =	swait.ge [sflag:s22], $0x800  }
0x47d: {  	s2 =	rddreg [dreg:$0x8]  }
0x47e: {  	s0 =	rddreg [dreg:$0x7];
	s2 =	sadd.s32 $0x1, s2  }
0x47f: {  	p0 =	sne.s32 s2, s0  }
.Ltmp5:
0x480: {  	_ = 	snop;
	(pc) =	sbr.rel @p0 .LBB2_1-.Ltmp5, $3  }
0x481: {  	_ =	sdelay $0x1  }
0x482: {  	[sflag:s22] =	ssyncset.done $0x0  }
0x483: {  	[sflag:s22] =	ssyncadd.s32 $0xFFFFF800  }
0x484: {  	_ =	sfence.sel $0x180000  }
0x485: {  	[bflag:$0x0] =	sbarrier.arrive $0xFFFF  }
0x486: {  	_ =	strace $0x90000047  }
0x487: {  	s0 =	stileid.u32;
	[bflag:$0x2] =	sbarrier.arrive $0xFFFF  }
0x488: {  	p0 =	sne.s32 s0, $0x0;
	s0 =	rddreg [dreg:$0x4]  }
0x489: {  	s0 =	sadd.s32 @!p0 $0x100000, s0  }
0x48a: {  	[sflag:s0] =	ssyncadd.tile.s32 @!p0 $0x1;
	_ =	shalt  }
.Lfunc_end2:
_tile_overlayer_lowered:
.L_overlay_start_2:
0x48b: {  	(tag) =	ssettag $0x2  }
0x48c: {  	s0 =	rddreg [dreg:$0x0];
	s2 =	stileid.u32  }
0x48d: {  	s1 =	rddreg [dreg:$0x1];
	p0 =	sne.s32 s2, $0x0  }
0x48e: {  	s3 =	rddreg [dreg:$0x2];
	[bflag:$0x3] =	sbarrier.arrive $0xFFFF;
	s2 =	simm.s32 @!p0 $0x1C07  }
0x48f: {  	[timem:s3], [sflag:s2] =	dma.local @!p0 [hbm:s0], s1  }
0x490: {  	s0 =	simm.s32 @!p0 $0x7  }
0x491: {  	_ =	swait.ge @!p0 [sflag:s0], s1  }
0x492: {  	s1 =	ssub.s32 @!p0 $0x0, s1;
	[sflag:s0] =	ssyncset.done @!p0 $0x0  }
0x493: {  	[sflag:s0] =	ssyncadd.s32 @!p0 s1  }
0x494: {  	[bflag:$0x3] =	sbarrier.arrive $0xFFFF  }
0x495: {  	_ =	shalt  }

</sc_bundles>
